<compile_context>
chip_gen: v7x
topology: tpu7x:2x2x1
jax: 0.10.2.dev20260603
libtpu: 0.0.44.dev20260713+nightly
codegen_flags: <defaults>
</compile_context>

<pallas_src>
import functools

import jax
import jax.numpy as jnp
from jax import lax
from jax.experimental import pallas as pl
from jax.experimental.pallas import tpu as pltpu
from jax.experimental.pallas import tpu_sc as plsc

N = 10000
E = 320000
D = 128
G = 64

NC = 2
NS = 16
NW = NC * NS
NP = 10240
TILE_E = 10240
EP = NW * TILE_E
CH = 128
NCHUNK = TILE_E // CH
CHA = 128
NCHA = TILE_E // CHA
DEPTH = 2
ROWS_PER_TILE = NP // NS
WCH = ROWS_PER_TILE // CHA

R = 1024
NBLK = NP // R

def _zero_rows(ref, nrows):
    def body(i, _):
        for j in range(D // 16):
            ref[i, pl.ds(j * 16, 16)] = jnp.zeros((16,), jnp.float32)
        return 0
    lax.fori_loop(0, nrows, body, 0)


def _sc_deg_body(dst_hbm, d0_hbm, d1_hbm, dst_all, ones_v, stage_v, acc_sh):
    c = lax.axis_index("c")
    s = lax.axis_index("s")
    w = s * NC + c

    def init16(i, _):
        ones_v[pl.ds(i * 16, 16)] = jnp.ones((16,), jnp.float32)
        return 0
    lax.fori_loop(0, CH // 16, init16, 0)

    def zero16(i, _):
        stage_v[pl.ds(i * 16, 16)] = jnp.zeros((16,), jnp.float32)
        return 0
    lax.fori_loop(0, ROWS_PER_TILE // 16, zero16, 0)
    pltpu.sync_copy(stage_v, acc_sh.at[pl.ds(s * ROWS_PER_TILE, ROWS_PER_TILE)])
    pltpu.sync_copy(dst_hbm.at[w], dst_all)
    plsc.subcore_barrier()

    def chunk(i, _):
        pltpu.sync_copy(ones_v, acc_sh.at[dst_all.at[i]], add=True)
        return 0
    lax.fori_loop(0, NCHUNK, chunk, 0)
    plsc.subcore_barrier()

    r0 = s * ROWS_PER_TILE
    pltpu.sync_copy(acc_sh.at[pl.ds(r0, ROWS_PER_TILE)], stage_v)

    @pl.when(c == 0)
    def _():
        pltpu.sync_copy(stage_v, d0_hbm.at[pl.ds(r0, ROWS_PER_TILE)])

    @pl.when(c == 1)
    def _():
        pltpu.sync_copy(stage_v, d1_hbm.at[pl.ds(r0, ROWS_PER_TILE)])


def _sc_agg_body(y_hbm, src_hbm, dst_hbm, p0_hbm, p1_hbm,
                 s0, s1, dst_all, b0, b1, acc_sh, g0, g1, t0, t1):
    c = lax.axis_index("c")
    s = lax.axis_index("s")
    w = s * NC + c
    sbufs = (s0, s1)
    bufs = (b0, b1)
    gsems = (g0, g1)
    ssems = (t0, t1)

    _zero_rows(b0, CHA)
    for k in range(WCH):
        pltpu.sync_copy(b0, acc_sh.at[pl.ds(s * ROWS_PER_TILE + k * CHA, CHA)])
    pltpu.sync_copy(dst_hbm.at[w], dst_all)
    plsc.subcore_barrier()

    base = w * TILE_E

    def gather(i, b):
        pltpu.sync_copy(src_hbm.at[pl.ds(base + i * CHA, CHA)], sbufs[b])
        pltpu.async_copy(y_hbm.at[sbufs[b]], bufs[b], gsems[b])

    def gwait(b):
        pltpu.make_async_copy(y_hbm.at[pl.ds(0, CHA)], bufs[b], gsems[b]).wait()

    def scat(i, b):
        pltpu.async_copy(bufs[b], acc_sh.at[dst_all.at[i]], ssems[b],
                         add=True)

    def swait(b):
        pltpu.make_async_copy(bufs[b], acc_sh.at[pl.ds(0, CHA)],
                              ssems[b]).wait()

    gather(0, 0)
    gather(1, 1)

    def pair(j, _):
        i0 = 2 * j
        gwait(0)
        scat(i0, 0)
        gwait(1)
        scat(i0 + 1, 1)
        swait(0)
        gather(i0 + 2, 0)
        swait(1)
        gather(i0 + 3, 1)
        return 0
    lax.fori_loop(0, NCHA // 2 - 1, pair, 0)

    i0 = NCHA - 2
    gwait(0)
    scat(i0, 0)
    gwait(1)
    scat(i0 + 1, 1)
    swait(0)
    swait(1)
    plsc.subcore_barrier()

    for k in range(WCH):
        r0 = s * ROWS_PER_TILE + k * CHA
        pltpu.sync_copy(acc_sh.at[pl.ds(r0, CHA)], b0)

        @pl.when(c == 0)
        def _():
            pltpu.sync_copy(b0, p0_hbm.at[pl.ds(r0, CHA)])

        @pl.when(c == 1)
        def _():
            pltpu.sync_copy(b0, p1_hbm.at[pl.ds(r0, CHA)])


@functools.cache
def _sc_kernels():
    mesh = plsc.VectorSubcoreMesh(core_axis_name="c", subcore_axis_name="s",
                                  num_cores=NC, num_subcores=NS)
    sc_deg = pl.kernel(
        _sc_deg_body,
        out_type=(jax.ShapeDtypeStruct((NP,), jnp.float32),
                  jax.ShapeDtypeStruct((NP,), jnp.float32)),
        mesh=mesh,
        scratch_types=[
            pltpu.VMEM((NCHUNK, CH), jnp.int32),
            pltpu.VMEM((CH,), jnp.float32),
            pltpu.VMEM((ROWS_PER_TILE,), jnp.float32),
            pltpu.VMEM_SHARED((NP,), jnp.float32),
        ],
    )
    sc_agg = pl.kernel(
        _sc_agg_body,
        out_type=(jax.ShapeDtypeStruct((NP, D), jnp.float32),
                  jax.ShapeDtypeStruct((NP, D), jnp.float32)),
        mesh=mesh,
        scratch_types=(
            [pltpu.VMEM((CHA,), jnp.int32) for _ in range(DEPTH)]
            + [pltpu.VMEM((NCHA, CHA), jnp.int32)]
            + [pltpu.VMEM((CHA, D), jnp.float32) for _ in range(DEPTH)]
            + [pltpu.VMEM_SHARED((NP, D), jnp.float32)]
            + [pltpu.SemaphoreType.DMA for _ in range(2 * DEPTH)]
        ),
    )
    return sc_deg, sc_agg


def _mm_body(x_ref, w_ref, xw_ref):
    xw_ref[...] = jnp.dot(x_ref[...], w_ref[...],
                          preferred_element_type=jnp.float32)


def _tc_mm(x, W1):
    return pl.pallas_call(
        _mm_body,
        grid=(NBLK,),
        in_specs=[
            pl.BlockSpec((R, D), lambda i: (i, 0)),
            pl.BlockSpec((D, D), lambda i: (0, 0)),
        ],
        out_specs=pl.BlockSpec((R, D), lambda i: (i, 0)),
        out_shape=jax.ShapeDtypeStruct((NP, D), jnp.float32),
    )(x, W1)


def _t0_body(d0_ref, d1_ref, xw_ref, dinv_ref, y1_ref):
    deg = d0_ref[...] + d1_ref[...] + 1.0
    dv = lax.rsqrt(deg)
    dinv_ref[...] = dv
    y1_ref[...] = dv * xw_ref[...]


def _tc_t0(d0, d1, xw):
    return pl.pallas_call(
        _t0_body,
        grid=(NBLK,),
        in_specs=[
            pl.BlockSpec((R, 1), lambda i: (i, 0)),
            pl.BlockSpec((R, 1), lambda i: (i, 0)),
            pl.BlockSpec((R, D), lambda i: (i, 0)),
        ],
        out_specs=[
            pl.BlockSpec((R, 1), lambda i: (i, 0)),
            pl.BlockSpec((R, D), lambda i: (i, 0)),
        ],
        out_shape=[
            jax.ShapeDtypeStruct((NP, 1), jnp.float32),
            jax.ShapeDtypeStruct((NP, D), jnp.float32),
        ],
    )(d0, d1, xw)


def _tl_body(p0_ref, p1_ref, yk_ref, dinv_ref, res_ref, b_ref, w_ref,
             h_ref, ynext_ref):
    dv = dinv_ref[...]
    h = dv * (p0_ref[...] + p1_ref[...] + yk_ref[...]) + b_ref[...]
    h_ref[...] = h
    r = jnp.maximum(h + res_ref[...], 0.0)
    ynext_ref[...] = dv * jnp.dot(r, w_ref[...],
                                  preferred_element_type=jnp.float32)


def _tc_layer(p0, p1, yk, dinv, res, b, Wn):
    return pl.pallas_call(
        _tl_body,
        grid=(NBLK,),
        in_specs=[
            pl.BlockSpec((R, D), lambda i: (i, 0)),
            pl.BlockSpec((R, D), lambda i: (i, 0)),
            pl.BlockSpec((R, D), lambda i: (i, 0)),
            pl.BlockSpec((R, 1), lambda i: (i, 0)),
            pl.BlockSpec((R, D), lambda i: (i, 0)),
            pl.BlockSpec((1, D), lambda i: (0, 0)),
            pl.BlockSpec((D, D), lambda i: (0, 0)),
        ],
        out_specs=[
            pl.BlockSpec((R, D), lambda i: (i, 0)),
            pl.BlockSpec((R, D), lambda i: (i, 0)),
        ],
        out_shape=[
            jax.ShapeDtypeStruct((NP, D), jnp.float32),
            jax.ShapeDtypeStruct((NP, D), jnp.float32),
        ],
    )(p0, p1, yk, dinv, res, b, Wn)


def _t3_body(p0_ref, p1_ref, y3_ref, dinv_ref, res_ref, b_ref, batch_ref,
             out_ref, seg_acc, cnt_acc):
    i = pl.program_id(0)

    @pl.when(i == 0)
    def _():
        seg_acc[...] = jnp.zeros_like(seg_acc)
        cnt_acc[...] = jnp.zeros_like(cnt_acc)

    hf = (dinv_ref[...] * (p0_ref[...] + p1_ref[...] + y3_ref[...])
          + b_ref[...] + res_ref[...])
    bb = batch_ref[...].reshape(1, R)
    onehot = (lax.broadcasted_iota(jnp.int32, (G, R), 0) == bb
              ).astype(jnp.float32)
    seg_acc[...] += jnp.dot(onehot, hf, preferred_element_type=jnp.float32)
    cnt_acc[...] += jnp.sum(onehot, axis=1, keepdims=True)

    @pl.when(i == pl.num_programs(0) - 1)
    def _():
        out_ref[...] = seg_acc[...] / jnp.maximum(cnt_acc[...], 1.0)


def _tc_final(p0, p1, y3, dinv, res, b, batch2d):
    return pl.pallas_call(
        _t3_body,
        grid=(NBLK,),
        in_specs=[
            pl.BlockSpec((R, D), lambda i: (i, 0)),
            pl.BlockSpec((R, D), lambda i: (i, 0)),
            pl.BlockSpec((R, D), lambda i: (i, 0)),
            pl.BlockSpec((R, 1), lambda i: (i, 0)),
            pl.BlockSpec((R, D), lambda i: (i, 0)),
            pl.BlockSpec((1, D), lambda i: (0, 0)),
            pl.BlockSpec((R, 1), lambda i: (i, 0)),
        ],
        out_specs=pl.BlockSpec((G, D), lambda i: (0, 0)),
        out_shape=jax.ShapeDtypeStruct((G, D), jnp.float32),
        scratch_shapes=[
            pltpu.VMEM((G, D), jnp.float32),
            pltpu.VMEM((G, 1), jnp.float32),
        ],
    )(p0, p1, y3, dinv, res, b, batch2d)


def kernel(x, edge_index, batch, W1, b1, W2, b2, W3, b3):
    src = edge_index[0]
    dst = edge_index[1]
    pad_e = EP - E
    pad_ids = jnp.arange(pad_e, dtype=jnp.int32)
    src_p = jnp.concatenate([src, pad_ids % N])
    dst_p = jnp.concatenate([dst, N + pad_ids % (NP - N)])
    dst_deg = dst_p.reshape(NW, NCHUNK, CH)
    x_p = jnp.pad(x, ((0, NP - N), (0, 0)))
    batch2d = jnp.pad(batch, (0, NP - N), constant_values=G).reshape(NP, 1)
    b1r = b1.reshape(1, D)
    b2r = b2.reshape(1, D)
    b3r = b3.reshape(1, D)

    sc_deg, sc_agg = _sc_kernels()
    xw1 = _tc_mm(x_p, W1)
    d0, d1 = sc_deg(dst_deg)
    dinv, y1 = _tc_t0(d0.reshape(NP, 1), d1.reshape(NP, 1), xw1)

    dst_agg = dst_p.reshape(NW, NCHA, CHA)
    p0, p1 = sc_agg(y1, src_p, dst_agg)
    h1, y2 = _tc_layer(p0, p1, y1, dinv, x_p, b1r, W2)

    p0, p1 = sc_agg(y2, src_p, dst_agg)
    h2, y3 = _tc_layer(p0, p1, y2, dinv, h1, b2r, W3)

    p0, p1 = sc_agg(y3, src_p, dst_agg)
    out = _tc_final(p0, p1, y3, dinv, h2, b3r, batch2d)
    return out

# --- scband reference (transcript-rebuilt; emitter-appended) ---
"""Pipeline reference for scband-gcn-72679436583771 (READ-ONLY COPY).

The authoritative reference and input builder live on the scoring server;
editing this copy changes nothing except your own understanding.
"""

import jax, jax.numpy as jnp
import numpy as np

N = 10000
E = 320000
D = 128
G = 64


def setup_inputs(seed: int = 0) -> dict:
    key = jax.random.key(seed)
    ks = jax.random.split(key, 10)
    x = jax.random.normal(ks[0], (N, D), dtype=jnp.float32)
    edge_index = jax.random.randint(ks[1], (2, E), 0, N, dtype=jnp.int32)
    batch = jnp.sort(jax.random.randint(ks[2], (N,), 0, G, dtype=jnp.int32))
    scale = 1.0 / np.sqrt(D)
    W1 = jax.random.normal(ks[3], (D, D), dtype=jnp.float32) * scale
    b1 = jnp.zeros((D,), dtype=jnp.float32)
    W2 = jax.random.normal(ks[4], (D, D), dtype=jnp.float32) * scale
    b2 = jnp.zeros((D,), dtype=jnp.float32)
    W3 = jax.random.normal(ks[5], (D, D), dtype=jnp.float32) * scale
    b3 = jnp.zeros((D,), dtype=jnp.float32)
    return {"x": x, "edge_index": edge_index, "batch": batch,
            "W1": W1, "b1": b1, "W2": W2, "b2": b2, "W3": W3, "b3": b3}


def _gcn_conv(x, src, dst, norm, W, b, n_nodes):
    # GCNConv: linear transform, then symmetric-normalized scatter-add aggregation
    xw = x @ W
    msg = xw[src] * norm[:, None]
    out = jnp.zeros((n_nodes, xw.shape[1]), dtype=xw.dtype).at[dst].add(msg)
    return out + b


def reference(x, edge_index, batch, W1, b1, W2, b2, W3, b3):
    n = x.shape[0]
    loop = jnp.arange(n, dtype=edge_index.dtype)
    src = jnp.concatenate([edge_index[0], loop])
    dst = jnp.concatenate([edge_index[1], loop])
    deg = jnp.zeros((n,), dtype=jnp.float32).at[dst].add(1.0)
    dinv = jax.lax.rsqrt(jnp.maximum(deg, 1.0))
    norm = dinv[src] * dinv[dst]

    x0 = x
    h = _gcn_conv(x, src, dst, norm, W1, b1, n)
    x1 = h
    h = jax.nn.relu(h + x0)
    h = _gcn_conv(h, src, dst, norm, W2, b2, n)
    x0 = h
    h = jax.nn.relu(h + x1)
    h = _gcn_conv(h, src, dst, norm, W3, b3, n)
    h = h + x0

    seg = jax.ops.segment_sum(h, batch, num_segments=G)
    cnt = jax.ops.segment_sum(jnp.ones((n,), dtype=jnp.float32), batch, num_segments=G)
    out = seg / jnp.maximum(cnt, 1.0)[:, None]
    return out

if __name__ == "__main__":
    import jax
    _d = setup_inputs()
    print(jax.jit(kernel)(*tuple(_d.values())))

</pallas_src>

<mosaic_0001>
#map = affine_map<(d0, d1) -> (0, 0)>
#map1 = affine_map<(d0, d1) -> (0)>
#map2 = affine_map<(d0, d1) -> (0, 0, 0)>
module attributes {stable_mosaic.version = 14 : i64} {
  func.func @_sc_agg_body(%arg0: i32, %arg1: i32, %arg2: memref<10240x128xf32, #tpu.memory_space<hbm>>, %arg3: memref<327680xi32, #tpu.memory_space<hbm>>, %arg4: memref<32x80x128xi32, #tpu.memory_space<hbm>>, %arg5: memref<10240x128xf32, #tpu.memory_space<hbm>>, %arg6: memref<10240x128xf32, #tpu.memory_space<hbm>>, %arg7: memref<128xi32, #tpu.memory_space<vmem>>, %arg8: memref<128xi32, #tpu.memory_space<vmem>>, %arg9: memref<80x128xi32, #tpu.memory_space<vmem>>, %arg10: memref<128x128xf32, #tpu.memory_space<vmem>>, %arg11: memref<128x128xf32, #tpu.memory_space<vmem>>, %arg12: memref<10240x128xf32, #tpu.memory_space<vmem_shared>>, %arg13: memref<!tpu.dma_semaphore, #tpu.memory_space<semaphore_mem>>, %arg14: memref<!tpu.dma_semaphore, #tpu.memory_space<semaphore_mem>>, %arg15: memref<!tpu.dma_semaphore, #tpu.memory_space<semaphore_mem>>, %arg16: memref<!tpu.dma_semaphore, #tpu.memory_space<semaphore_mem>>) attributes {dimension_semantics = [#tpu.dimension_semantics<core_parallel>, #tpu.dimension_semantics<subcore_parallel>], iteration_bounds = array<i64: 2, 16>, scalar_prefetch = 0 : i64, scratch_operands = 10 : i64, tpu.core_type = #tpu.core_type<sc_vector_subcore>, window_params = [{transform_indices = #map}, {transform_indices = #map1}, {transform_indices = #map2}, {transform_indices = #map}, {transform_indices = #map}]} {
    %mul3A = arith.constant 2 : i32
    %mul3A_0 = arith.muli %arg1, %mul3A : i32
    %add3A = arith.addi %mul3A_0, %arg0 : i32
    %scan3A = arith.constant 0 : i32
    %scan3A_1 = arith.constant 0 : i32
    %scan3A_2 = arith.constant 128 : i32
    %scan3A_3 = arith.addi %scan3A_1, %scan3A_2 : i32
    %scan3A_4 = arith.constant 1 : i32
    %scan3A_5 = scf.for %scan3A_150 = %scan3A_1 to %scan3A_3 step %scan3A_4 iter_args(%scan3A_151 = %scan3A) -> (i32)  : i32 {
      %broadcast_in_dim3A = arith.constant 0.000000e+00 : f32
      %broadcast_in_dim3A_152 = vector.broadcast %broadcast_in_dim3A : f32 to vector<16xf32>
      %swap3A = arith.index_cast %scan3A_150 : i32 to index
      %swap3A_153 = arith.constant 0 : index
      %swap3A_154 = tpu.vector_load %arg10[%swap3A, %swap3A_153] {strides = array<i32>} : memref<128x128xf32, #tpu.memory_space<vmem>>, vector<1x16xf32>,
      %swap3A_155 = vector.shape_cast %swap3A_154 : vector<1x16xf32> to vector<16xf32>
      %swap3A_156 = vector.shape_cast %broadcast_in_dim3A_152 : vector<16xf32> to vector<1x16xf32>
      tpu.vector_store %arg10[%swap3A, %swap3A_153], %swap3A_156 {strides = array<i32>} : memref<128x128xf32, #tpu.memory_space<vmem>>, vector<1x16xf32>,
      %broadcast_in_dim3A_157 = arith.constant 0.000000e+00 : f32
      %broadcast_in_dim3A_158 = vector.broadcast %broadcast_in_dim3A_157 : f32 to vector<16xf32>
      %swap3A_159 = arith.index_cast %scan3A_150 : i32 to index
      %swap3A_160 = arith.constant 16 : index
      %swap3A_161 = tpu.vector_load %arg10[%swap3A_159, %swap3A_160] {strides = array<i32>} : memref<128x128xf32, #tpu.memory_space<vmem>>, vector<1x16xf32>,
      %swap3A_162 = vector.shape_cast %swap3A_161 : vector<1x16xf32> to vector<16xf32>
      %swap3A_163 = vector.shape_cast %broadcast_in_dim3A_158 : vector<16xf32> to vector<1x16xf32>
      tpu.vector_store %arg10[%swap3A_159, %swap3A_160], %swap3A_163 {strides = array<i32>} : memref<128x128xf32, #tpu.memory_space<vmem>>, vector<1x16xf32>,
      %broadcast_in_dim3A_164 = arith.constant 0.000000e+00 : f32
      %broadcast_in_dim3A_165 = vector.broadcast %broadcast_in_dim3A_164 : f32 to vector<16xf32>
      %swap3A_166 = arith.index_cast %scan3A_150 : i32 to index
      %swap3A_167 = arith.constant 32 : index
      %swap3A_168 = tpu.vector_load %arg10[%swap3A_166, %swap3A_167] {strides = array<i32>} : memref<128x128xf32, #tpu.memory_space<vmem>>, vector<1x16xf32>,
      %swap3A_169 = vector.shape_cast %swap3A_168 : vector<1x16xf32> to vector<16xf32>
      %swap3A_170 = vector.shape_cast %broadcast_in_dim3A_165 : vector<16xf32> to vector<1x16xf32>
      tpu.vector_store %arg10[%swap3A_166, %swap3A_167], %swap3A_170 {strides = array<i32>} : memref<128x128xf32, #tpu.memory_space<vmem>>, vector<1x16xf32>,
      %broadcast_in_dim3A_171 = arith.constant 0.000000e+00 : f32
      %broadcast_in_dim3A_172 = vector.broadcast %broadcast_in_dim3A_171 : f32 to vector<16xf32>
      %swap3A_173 = arith.index_cast %scan3A_150 : i32 to index
      %swap3A_174 = arith.constant 48 : index
      %swap3A_175 = tpu.vector_load %arg10[%swap3A_173, %swap3A_174] {strides = array<i32>} : memref<128x128xf32, #tpu.memory_space<vmem>>, vector<1x16xf32>,
      %swap3A_176 = vector.shape_cast %swap3A_175 : vector<1x16xf32> to vector<16xf32>
      %swap3A_177 = vector.shape_cast %broadcast_in_dim3A_172 : vector<16xf32> to vector<1x16xf32>
      tpu.vector_store %arg10[%swap3A_173, %swap3A_174], %swap3A_177 {strides = array<i32>} : memref<128x128xf32, #tpu.memory_space<vmem>>, vector<1x16xf32>,
      %broadcast_in_dim3A_178 = arith.constant 0.000000e+00 : f32
      %broadcast_in_dim3A_179 = vector.broadcast %broadcast_in_dim3A_178 : f32 to vector<16xf32>
      %swap3A_180 = arith.index_cast %scan3A_150 : i32 to index
      %swap3A_181 = arith.constant 64 : index
      %swap3A_182 = tpu.vector_load %arg10[%swap3A_180, %swap3A_181] {strides = array<i32>} : memref<128x128xf32, #tpu.memory_space<vmem>>, vector<1x16xf32>,
      %swap3A_183 = vector.shape_cast %swap3A_182 : vector<1x16xf32> to vector<16xf32>
      %swap3A_184 = vector.shape_cast %broadcast_in_dim3A_179 : vector<16xf32> to vector<1x16xf32>
      tpu.vector_store %arg10[%swap3A_180, %swap3A_181], %swap3A_184 {strides = array<i32>} : memref<128x128xf32, #tpu.memory_space<vmem>>, vector<1x16xf32>,
      %broadcast_in_dim3A_185 = arith.constant 0.000000e+00 : f32
      %broadcast_in_dim3A_186 = vector.broadcast %broadcast_in_dim3A_185 : f32 to vector<16xf32>
      %swap3A_187 = arith.index_cast %scan3A_150 : i32 to index
      %swap3A_188 = arith.constant 80 : index
      %swap3A_189 = tpu.vector_load %arg10[%swap3A_187, %swap3A_188] {strides = array<i32>} : memref<128x128xf32, #tpu.memory_space<vmem>>, vector<1x16xf32>,
      %swap3A_190 = vector.shape_cast %swap3A_189 : vector<1x16xf32> to vector<16xf32>
      %swap3A_191 = vector.shape_cast %broadcast_in_dim3A_186 : vector<16xf32> to vector<1x16xf32>
      tpu.vector_store %arg10[%swap3A_187, %swap3A_188], %swap3A_191 {strides = array<i32>} : memref<128x128xf32, #tpu.memory_space<vmem>>, vector<1x16xf32>,
      %broadcast_in_dim3A_192 = arith.constant 0.000000e+00 : f32
      %broadcast_in_dim3A_193 = vector.broadcast %broadcast_in_dim3A_192 : f32 to vector<16xf32>
      %swap3A_194 = arith.index_cast %scan3A_150 : i32 to index
      %swap3A_195 = arith.constant 96 : index
      %swap3A_196 = tpu.vector_load %arg10[%swap3A_194, %swap3A_195] {strides = array<i32>} : memref<128x128xf32, #tpu.memory_space<vmem>>, vector<1x16xf32>,
      %swap3A_197 = vector.shape_cast %swap3A_196 : vector<1x16xf32> to vector<16xf32>
      %swap3A_198 = vector.shape_cast %broadcast_in_dim3A_193 : vector<16xf32> to vector<1x16xf32>
      tpu.vector_store %arg10[%swap3A_194, %swap3A_195], %swap3A_198 {strides = array<i32>} : memref<128x128xf32, #tpu.memory_space<vmem>>, vector<1x16xf32>,
      %broadcast_in_dim3A_199 = arith.constant 0.000000e+00 : f32
      %broadcast_in_dim3A_200 = vector.broadcast %broadcast_in_dim3A_199 : f32 to vector<16xf32>
      %swap3A_201 = arith.index_cast %scan3A_150 : i32 to index
      %swap3A_202 = arith.constant 112 : index
      %swap3A_203 = tpu.vector_load %arg10[%swap3A_201, %swap3A_202] {strides = array<i32>} : memref<128x128xf32, #tpu.memory_space<vmem>>, vector<1x16xf32>,
      %swap3A_204 = vector.shape_cast %swap3A_203 : vector<1x16xf32> to vector<16xf32>
      %swap3A_205 = vector.shape_cast %broadcast_in_dim3A_200 : vector<16xf32> to vector<1x16xf32>
      tpu.vector_store %arg10[%swap3A_201, %swap3A_202], %swap3A_205 {strides = array<i32>} : memref<128x128xf32, #tpu.memory_space<vmem>>, vector<1x16xf32>,
      %scan3A_206 = arith.constant 0 : i32
      scf.yield %scan3A_206 : i32
    }
    %scan3A_6 = arith.constant 128 : i32
    %mul3A_7 = arith.constant 640 : i32
    %mul3A_8 = arith.muli %arg1, %mul3A_7 : i32
    %add3A_9 = arith.constant 0 : i32
    %add3A_10 = arith.addi %mul3A_8, %add3A_9 : i32
    "tpu.region"() ({
      %run_scoped3A = tpu.sem_alloc : memref<!tpu.dma_semaphore, #tpu.memory_space<semaphore_mem>>
      %dma_start3A_150 = arith.constant 0 : i32
      %dma_start3A_151 = tpu.memref_slice %arg12[%add3A_10, %dma_start3A_150] : memref<10240x128xf32, #tpu.memory_space<vmem_shared>> -> memref<128x128xf32, #tpu.memory_space<vmem_shared>>
      %dma_start3A_152 = arith.constant 0 : i32
      %dma_start3A_153 = tpu.memref_slice %arg12[%add3A_10, %dma_start3A_152] : memref<10240x128xf32, #tpu.memory_space<vmem_shared>> -> memref<128x128xf32, #tpu.memory_space<vmem_shared>>
      tpu.enqueue_dma source(%arg10 : memref<128x128xf32, #tpu.memory_space<vmem>>) target(%dma_start3A_153 : memref<128x128xf32, #tpu.memory_space<vmem_shared>>) target_semaphore(%run_scoped3A : memref<!tpu.dma_semaphore, #tpu.memory_space<semaphore_mem>>)
      %dma_wait3A_154 = arith.constant 0 : i32
      %dma_wait3A_155 = tpu.memref_slice %arg12[%add3A_10, %dma_wait3A_154] : memref<10240x128xf32, #tpu.memory_space<vmem_shared>> -> memref<128x128xf32, #tpu.memory_space<vmem_shared>>
      %dma_wait3A_156 = arith.constant 0 : i32
      %dma_wait3A_157 = tpu.memref_slice %arg12[%add3A_10, %dma_wait3A_156] : memref<10240x128xf32, #tpu.memory_space<vmem_shared>> -> memref<128x128xf32, #tpu.memory_space<vmem_shared>>
      tpu.wait_dma2 semaphore(%run_scoped3A : memref<!tpu.dma_semaphore, #tpu.memory_space<semaphore_mem>>) src(%arg10 : memref<128x128xf32, #tpu.memory_space<vmem>>) dst(%dma_wait3A_157 : memref<128x128xf32, #tpu.memory_space<vmem_shared>>)
      tpu.yield
    }) : () -> ()
    %mul3A_11 = arith.constant 640 : i32
    %mul3A_12 = arith.muli %arg1, %mul3A_11 : i32
    %add3A_13 = arith.constant 128 : i32
    %add3A_14 = arith.addi %mul3A_12, %add3A_13 : i32
    "tpu.region"() ({
      %run_scoped3A = tpu.sem_alloc : memref<!tpu.dma_semaphore, #tpu.memory_space<semaphore_mem>>
      %dma_start3A_150 = arith.constant 0 : i32
      %dma_start3A_151 = tpu.memref_slice %arg12[%add3A_14, %dma_start3A_150] : memref<10240x128xf32, #tpu.memory_space<vmem_shared>> -> memref<128x128xf32, #tpu.memory_space<vmem_shared>>
      %dma_start3A_152 = arith.constant 0 : i32
      %dma_start3A_153 = tpu.memref_slice %arg12[%add3A_14, %dma_start3A_152] : memref<10240x128xf32, #tpu.memory_space<vmem_shared>> -> memref<128x128xf32, #tpu.memory_space<vmem_shared>>
      tpu.enqueue_dma source(%arg10 : memref<128x128xf32, #tpu.memory_space<vmem>>) target(%dma_start3A_153 : memref<128x128xf32, #tpu.memory_space<vmem_shared>>) target_semaphore(%run_scoped3A : memref<!tpu.dma_semaphore, #tpu.memory_space<semaphore_mem>>)
      %dma_wait3A_154 = arith.constant 0 : i32
      %dma_wait3A_155 = tpu.memref_slice %arg12[%add3A_14, %dma_wait3A_154] : memref<10240x128xf32, #tpu.memory_space<vmem_shared>> -> memref<128x128xf32, #tpu.memory_space<vmem_shared>>
      %dma_wait3A_156 = arith.constant 0 : i32
      %dma_wait3A_157 = tpu.memref_slice %arg12[%add3A_14, %dma_wait3A_156] : memref<10240x128xf32, #tpu.memory_space<vmem_shared>> -> memref<128x128xf32, #tpu.memory_space<vmem_shared>>
      tpu.wait_dma2 semaphore(%run_scoped3A : memref<!tpu.dma_semaphore, #tpu.memory_space<semaphore_mem>>) src(%arg10 : memref<128x128xf32, #tpu.memory_space<vmem>>) dst(%dma_wait3A_157 : memref<128x128xf32, #tpu.memory_space<vmem_shared>>)
      tpu.yield
    }) : () -> ()
    %mul3A_15 = arith.constant 640 : i32
    %mul3A_16 = arith.muli %arg1, %mul3A_15 : i32
    %add3A_17 = arith.constant 256 : i32
    %add3A_18 = arith.addi %mul3A_16, %add3A_17 : i32
    "tpu.region"() ({
      %run_scoped3A = tpu.sem_alloc : memref<!tpu.dma_semaphore, #tpu.memory_space<semaphore_mem>>
      %dma_start3A_150 = arith.constant 0 : i32
      %dma_start3A_151 = tpu.memref_slice %arg12[%add3A_18, %dma_start3A_150] : memref<10240x128xf32, #tpu.memory_space<vmem_shared>> -> memref<128x128xf32, #tpu.memory_space<vmem_shared>>
      %dma_start3A_152 = arith.constant 0 : i32
      %dma_start3A_153 = tpu.memref_slice %arg12[%add3A_18, %dma_start3A_152] : memref<10240x128xf32, #tpu.memory_space<vmem_shared>> -> memref<128x128xf32, #tpu.memory_space<vmem_shared>>
      tpu.enqueue_dma source(%arg10 : memref<128x128xf32, #tpu.memory_space<vmem>>) target(%dma_start3A_153 : memref<128x128xf32, #tpu.memory_space<vmem_shared>>) target_semaphore(%run_scoped3A : memref<!tpu.dma_semaphore, #tpu.memory_space<semaphore_mem>>)
      %dma_wait3A_154 = arith.constant 0 : i32
      %dma_wait3A_155 = tpu.memref_slice %arg12[%add3A_18, %dma_wait3A_154] : memref<10240x128xf32, #tpu.memory_space<vmem_shared>> -> memref<128x128xf32, #tpu.memory_space<vmem_shared>>
      %dma_wait3A_156 = arith.constant 0 : i32
      %dma_wait3A_157 = tpu.memref_slice %arg12[%add3A_18, %dma_wait3A_156] : memref<10240x128xf32, #tpu.memory_space<vmem_shared>> -> memref<128x128xf32, #tpu.memory_space<vmem_shared>>
      tpu.wait_dma2 semaphore(%run_scoped3A : memref<!tpu.dma_semaphore, #tpu.memory_space<semaphore_mem>>) src(%arg10 : memref<128x128xf32, #tpu.memory_space<vmem>>) dst(%dma_wait3A_157 : memref<128x128xf32, #tpu.memory_space<vmem_shared>>)
      tpu.yield
    }) : () -> ()
    %mul3A_19 = arith.constant 640 : i32
    %mul3A_20 = arith.muli %arg1, %mul3A_19 : i32
    %add3A_21 = arith.constant 384 : i32
    %add3A_22 = arith.addi %mul3A_20, %add3A_21 : i32
    "tpu.region"() ({
      %run_scoped3A = tpu.sem_alloc : memref<!tpu.dma_semaphore, #tpu.memory_space<semaphore_mem>>
      %dma_start3A_150 = arith.constant 0 : i32
      %dma_start3A_151 = tpu.memref_slice %arg12[%add3A_22, %dma_start3A_150] : memref<10240x128xf32, #tpu.memory_space<vmem_shared>> -> memref<128x128xf32, #tpu.memory_space<vmem_shared>>
      %dma_start3A_152 = arith.constant 0 : i32
      %dma_start3A_153 = tpu.memref_slice %arg12[%add3A_22, %dma_start3A_152] : memref<10240x128xf32, #tpu.memory_space<vmem_shared>> -> memref<128x128xf32, #tpu.memory_space<vmem_shared>>
      tpu.enqueue_dma source(%arg10 : memref<128x128xf32, #tpu.memory_space<vmem>>) target(%dma_start3A_153 : memref<128x128xf32, #tpu.memory_space<vmem_shared>>) target_semaphore(%run_scoped3A : memref<!tpu.dma_semaphore, #tpu.memory_space<semaphore_mem>>)
      %dma_wait3A_154 = arith.constant 0 : i32
      %dma_wait3A_155 = tpu.memref_slice %arg12[%add3A_22, %dma_wait3A_154] : memref<10240x128xf32, #tpu.memory_space<vmem_shared>> -> memref<128x128xf32, #tpu.memory_space<vmem_shared>>
      %dma_wait3A_156 = arith.constant 0 : i32
      %dma_wait3A_157 = tpu.memref_slice %arg12[%add3A_22, %dma_wait3A_156] : memref<10240x128xf32, #tpu.memory_space<vmem_shared>> -> memref<128x128xf32, #tpu.memory_space<vmem_shared>>
      tpu.wait_dma2 semaphore(%run_scoped3A : memref<!tpu.dma_semaphore, #tpu.memory_space<semaphore_mem>>) src(%arg10 : memref<128x128xf32, #tpu.memory_space<vmem>>) dst(%dma_wait3A_157 : memref<128x128xf32, #tpu.memory_space<vmem_shared>>)
      tpu.yield
    }) : () -> ()
    %mul3A_23 = arith.constant 640 : i32
    %mul3A_24 = arith.muli %arg1, %mul3A_23 : i32
    %add3A_25 = arith.constant 512 : i32
    %add3A_26 = arith.addi %mul3A_24, %add3A_25 : i32
    "tpu.region"() ({
      %run_scoped3A = tpu.sem_alloc : memref<!tpu.dma_semaphore, #tpu.memory_space<semaphore_mem>>
      %dma_start3A_150 = arith.constant 0 : i32
      %dma_start3A_151 = tpu.memref_slice %arg12[%add3A_26, %dma_start3A_150] : memref<10240x128xf32, #tpu.memory_space<vmem_shared>> -> memref<128x128xf32, #tpu.memory_space<vmem_shared>>
      %dma_start3A_152 = arith.constant 0 : i32
      %dma_start3A_153 = tpu.memref_slice %arg12[%add3A_26, %dma_start3A_152] : memref<10240x128xf32, #tpu.memory_space<vmem_shared>> -> memref<128x128xf32, #tpu.memory_space<vmem_shared>>
      tpu.enqueue_dma source(%arg10 : memref<128x128xf32, #tpu.memory_space<vmem>>) target(%dma_start3A_153 : memref<128x128xf32, #tpu.memory_space<vmem_shared>>) target_semaphore(%run_scoped3A : memref<!tpu.dma_semaphore, #tpu.memory_space<semaphore_mem>>)
      %dma_wait3A_154 = arith.constant 0 : i32
      %dma_wait3A_155 = tpu.memref_slice %arg12[%add3A_26, %dma_wait3A_154] : memref<10240x128xf32, #tpu.memory_space<vmem_shared>> -> memref<128x128xf32, #tpu.memory_space<vmem_shared>>
      %dma_wait3A_156 = arith.constant 0 : i32
      %dma_wait3A_157 = tpu.memref_slice %arg12[%add3A_26, %dma_wait3A_156] : memref<10240x128xf32, #tpu.memory_space<vmem_shared>> -> memref<128x128xf32, #tpu.memory_space<vmem_shared>>
      tpu.wait_dma2 semaphore(%run_scoped3A : memref<!tpu.dma_semaphore, #tpu.memory_space<semaphore_mem>>) src(%arg10 : memref<128x128xf32, #tpu.memory_space<vmem>>) dst(%dma_wait3A_157 : memref<128x128xf32, #tpu.memory_space<vmem_shared>>)
      tpu.yield
    }) : () -> ()
    "tpu.region"() ({
      %run_scoped3A = tpu.sem_alloc : memref<!tpu.dma_semaphore, #tpu.memory_space<semaphore_mem>>
      %dma_start3A_150 = arith.constant 0 : i32
      %dma_start3A_151 = arith.constant 0 : i32
      %dma_start3A_152 = tpu.memref_slice %arg4[%add3A, %dma_start3A_150, %dma_start3A_151] : memref<32x80x128xi32, #tpu.memory_space<hbm>> -> memref<1x80x128xi32, #tpu.memory_space<hbm>>
      %dma_start3A_153 = tpu.memref_squeeze %dma_start3A_152 : memref<1x80x128xi32, #tpu.memory_space<hbm>> -> memref<80x128xi32, #tpu.memory_space<hbm>>
      %dma_start3A_154 = arith.constant 0 : i32
      %dma_start3A_155 = arith.constant 0 : i32
      %dma_start3A_156 = tpu.memref_slice %arg4[%add3A, %dma_start3A_154, %dma_start3A_155] : memref<32x80x128xi32, #tpu.memory_space<hbm>> -> memref<1x80x128xi32, #tpu.memory_space<hbm>>
      %dma_start3A_157 = tpu.memref_squeeze %dma_start3A_156 : memref<1x80x128xi32, #tpu.memory_space<hbm>> -> memref<80x128xi32, #tpu.memory_space<hbm>>
      tpu.enqueue_dma source(%dma_start3A_157 : memref<80x128xi32, #tpu.memory_space<hbm>>) target(%arg9 : memref<80x128xi32, #tpu.memory_space<vmem>>) target_semaphore(%run_scoped3A : memref<!tpu.dma_semaphore, #tpu.memory_space<semaphore_mem>>)
      %dma_wait3A_158 = arith.constant 0 : i32
      %dma_wait3A_159 = arith.constant 0 : i32
      %dma_wait3A_160 = tpu.memref_slice %arg4[%add3A, %dma_wait3A_158, %dma_wait3A_159] : memref<32x80x128xi32, #tpu.memory_space<hbm>> -> memref<1x80x128xi32, #tpu.memory_space<hbm>>
      %dma_wait3A_161 = tpu.memref_squeeze %dma_wait3A_160 : memref<1x80x128xi32, #tpu.memory_space<hbm>> -> memref<80x128xi32, #tpu.memory_space<hbm>>
      %dma_wait3A_162 = arith.constant 0 : i32
      %dma_wait3A_163 = arith.constant 0 : i32
      %dma_wait3A_164 = tpu.memref_slice %arg4[%add3A, %dma_wait3A_162, %dma_wait3A_163] : memref<32x80x128xi32, #tpu.memory_space<hbm>> -> memref<1x80x128xi32, #tpu.memory_space<hbm>>
      %dma_wait3A_165 = tpu.memref_squeeze %dma_wait3A_164 : memref<1x80x128xi32, #tpu.memory_space<hbm>> -> memref<80x128xi32, #tpu.memory_space<hbm>>
      tpu.wait_dma2 semaphore(%run_scoped3A : memref<!tpu.dma_semaphore, #tpu.memory_space<semaphore_mem>>) src(%dma_wait3A_165 : memref<80x128xi32, #tpu.memory_space<hbm>>) dst(%arg9 : memref<80x128xi32, #tpu.memory_space<vmem>>)
      tpu.yield
    }) : () -> ()
    %barrier3A = arith.constant 0 : index
    tpu.barrier barrier_id(%barrier3A)
    %mul3A_27 = arith.constant 10240 : i32
    %mul3A_28 = arith.muli %add3A, %mul3A_27 : i32
    %add3A_29 = arith.constant 0 : i32
    %add3A_30 = arith.addi %mul3A_28, %add3A_29 : i32
    "tpu.region"() ({
      %run_scoped3A = tpu.sem_alloc : memref<!tpu.dma_semaphore, #tpu.memory_space<semaphore_mem>>
      %dma_start3A_150 = tpu.memref_slice %arg3[%add3A_30] : memref<327680xi32, #tpu.memory_space<hbm>> -> memref<128xi32, #tpu.memory_space<hbm>>
      %dma_start3A_151 = tpu.memref_slice %arg3[%add3A_30] : memref<327680xi32, #tpu.memory_space<hbm>> -> memref<128xi32, #tpu.memory_space<hbm>>
      tpu.enqueue_dma source(%dma_start3A_151 : memref<128xi32, #tpu.memory_space<hbm>>) target(%arg7 : memref<128xi32, #tpu.memory_space<vmem>>) target_semaphore(%run_scoped3A : memref<!tpu.dma_semaphore, #tpu.memory_space<semaphore_mem>>)
      %dma_wait3A_152 = tpu.memref_slice %arg3[%add3A_30] : memref<327680xi32, #tpu.memory_space<hbm>> -> memref<128xi32, #tpu.memory_space<hbm>>
      %dma_wait3A_153 = tpu.memref_slice %arg3[%add3A_30] : memref<327680xi32, #tpu.memory_space<hbm>> -> memref<128xi32, #tpu.memory_space<hbm>>
      tpu.wait_dma2 semaphore(%run_scoped3A : memref<!tpu.dma_semaphore, #tpu.memory_space<semaphore_mem>>) src(%dma_wait3A_153 : memref<128xi32, #tpu.memory_space<hbm>>) dst(%arg7 : memref<128xi32, #tpu.memory_space<vmem>>)
      tpu.yield
    }) : () -> ()
    %dma_start3A = arith.constant 0 : i32
    %dma_start3A_31 = arith.constant 0 : i32
    %dma_start3A_32 = tpu.memref_slice %arg2[%dma_start3A, %dma_start3A_31] : memref<10240x128xf32, #tpu.memory_space<hbm>> -> memref<10240x128xf32, #tpu.memory_space<hbm>>
    tpu.enqueue_indirect_dma source(%dma_start3A_32 : memref<10240x128xf32, #tpu.memory_space<hbm>>) target(%arg10 : memref<128x128xf32, #tpu.memory_space<vmem>>) offsets(%arg7 : memref<128xi32, #tpu.memory_space<vmem>>) semaphore(%arg13 : memref<!tpu.dma_semaphore, #tpu.memory_space<semaphore_mem>>)
    %add3A_33 = arith.constant 128 : i32
    %add3A_34 = arith.addi %mul3A_28, %add3A_33 : i32
    "tpu.region"() ({
      %run_scoped3A = tpu.sem_alloc : memref<!tpu.dma_semaphore, #tpu.memory_space<semaphore_mem>>
      %dma_start3A_150 = tpu.memref_slice %arg3[%add3A_34] : memref<327680xi32, #tpu.memory_space<hbm>> -> memref<128xi32, #tpu.memory_space<hbm>>
      %dma_start3A_151 = tpu.memref_slice %arg3[%add3A_34] : memref<327680xi32, #tpu.memory_space<hbm>> -> memref<128xi32, #tpu.memory_space<hbm>>
      tpu.enqueue_dma source(%dma_start3A_151 : memref<128xi32, #tpu.memory_space<hbm>>) target(%arg8 : memref<128xi32, #tpu.memory_space<vmem>>) target_semaphore(%run_scoped3A : memref<!tpu.dma_semaphore, #tpu.memory_space<semaphore_mem>>)
      %dma_wait3A_152 = tpu.memref_slice %arg3[%add3A_34] : memref<327680xi32, #tpu.memory_space<hbm>> -> memref<128xi32, #tpu.memory_space<hbm>>
      %dma_wait3A_153 = tpu.memref_slice %arg3[%add3A_34] : memref<327680xi32, #tpu.memory_space<hbm>> -> memref<128xi32, #tpu.memory_space<hbm>>
      tpu.wait_dma2 semaphore(%run_scoped3A : memref<!tpu.dma_semaphore, #tpu.memory_space<semaphore_mem>>) src(%dma_wait3A_153 : memref<128xi32, #tpu.memory_space<hbm>>) dst(%arg8 : memref<128xi32, #tpu.memory_space<vmem>>)
      tpu.yield
    }) : () -> ()
    %dma_start3A_35 = arith.constant 0 : i32
    %dma_start3A_36 = arith.constant 0 : i32
    %dma_start3A_37 = tpu.memref_slice %arg2[%dma_start3A_35, %dma_start3A_36] : memref<10240x128xf32, #tpu.memory_space<hbm>> -> memref<10240x128xf32, #tpu.memory_space<hbm>>
    tpu.enqueue_indirect_dma source(%dma_start3A_37 : memref<10240x128xf32, #tpu.memory_space<hbm>>) target(%arg11 : memref<128x128xf32, #tpu.memory_space<vmem>>) offsets(%arg8 : memref<128xi32, #tpu.memory_space<vmem>>) semaphore(%arg14 : memref<!tpu.dma_semaphore, #tpu.memory_space<semaphore_mem>>)
    %scan3A_38 = arith.constant 0 : i32
    %scan3A_39 = arith.constant 0 : i32
    %scan3A_40 = arith.constant 39 : i32
    %scan3A_41 = arith.addi %scan3A_39, %scan3A_40 : i32
    %scan3A_42 = arith.constant 1 : i32
    %scan3A_43 = scf.for %scan3A_150 = %scan3A_39 to %scan3A_41 step %scan3A_42 iter_args(%scan3A_151 = %scan3A_38) -> (i32)  : i32 {
      %mul3A_152 = arith.constant 2 : i32
      %mul3A_153 = arith.muli %mul3A_152, %scan3A_150 : i32
      %dma_wait3A_154 = arith.constant 0 : i32
      %dma_wait3A_155 = arith.constant 0 : i32
      %dma_wait3A_156 = tpu.memref_slice %arg2[%dma_wait3A_154, %dma_wait3A_155] : memref<10240x128xf32, #tpu.memory_space<hbm>> -> memref<128x128xf32, #tpu.memory_space<hbm>>
      %dma_wait3A_157 = arith.constant 0 : i32
      %dma_wait3A_158 = arith.constant 0 : i32
      %dma_wait3A_159 = tpu.memref_slice %arg2[%dma_wait3A_157, %dma_wait3A_158] : memref<10240x128xf32, #tpu.memory_space<hbm>> -> memref<128x128xf32, #tpu.memory_space<hbm>>
      tpu.wait_dma2 semaphore(%arg13 : memref<!tpu.dma_semaphore, #tpu.memory_space<semaphore_mem>>) src(%dma_wait3A_159 : memref<128x128xf32, #tpu.memory_space<hbm>>) dst(%arg10 : memref<128x128xf32, #tpu.memory_space<vmem>>)
      %dma_start3A_160 = arith.constant 0 : i32
      %dma_start3A_161 = tpu.memref_slice %arg9[%mul3A_153, %dma_start3A_160] : memref<80x128xi32, #tpu.memory_space<vmem>> -> memref<1x128xi32, #tpu.memory_space<vmem>>
      %dma_start3A_162 = tpu.memref_squeeze %dma_start3A_161 : memref<1x128xi32, #tpu.memory_space<vmem>> -> memref<128xi32, #tpu.memory_space<vmem>>
      %dma_start3A_163 = arith.constant 0 : i32
      %dma_start3A_164 = arith.constant 0 : i32
      %dma_start3A_165 = tpu.memref_slice %arg12[%dma_start3A_163, %dma_start3A_164] : memref<10240x128xf32, #tpu.memory_space<vmem_shared>> -> memref<10240x128xf32, #tpu.memory_space<vmem_shared>>
      tpu.enqueue_indirect_dma source(%arg10 : memref<128x128xf32, #tpu.memory_space<vmem>>) target(%dma_start3A_165 : memref<10240x128xf32, #tpu.memory_space<vmem_shared>>) offsets(%dma_start3A_162 : memref<128xi32, #tpu.memory_space<vmem>>) semaphore(%arg15 : memref<!tpu.dma_semaphore, #tpu.memory_space<semaphore_mem>>) {add = true}
      %dma_wait3A_166 = arith.constant 0 : i32
      %dma_wait3A_167 = arith.constant 0 : i32
      %dma_wait3A_168 = tpu.memref_slice %arg2[%dma_wait3A_166, %dma_wait3A_167] : memref<10240x128xf32, #tpu.memory_space<hbm>> -> memref<128x128xf32, #tpu.memory_space<hbm>>
      %dma_wait3A_169 = arith.constant 0 : i32
      %dma_wait3A_170 = arith.constant 0 : i32
      %dma_wait3A_171 = tpu.memref_slice %arg2[%dma_wait3A_169, %dma_wait3A_170] : memref<10240x128xf32, #tpu.memory_space<hbm>> -> memref<128x128xf32, #tpu.memory_space<hbm>>
      tpu.wait_dma2 semaphore(%arg14 : memref<!tpu.dma_semaphore, #tpu.memory_space<semaphore_mem>>) src(%dma_wait3A_171 : memref<128x128xf32, #tpu.memory_space<hbm>>) dst(%arg11 : memref<128x128xf32, #tpu.memory_space<vmem>>)
      %add3A_172 = arith.constant 1 : i32
      %add3A_173 = arith.addi %mul3A_153, %add3A_172 : i32
      %dma_start3A_174 = arith.constant 0 : i32
      %dma_start3A_175 = tpu.memref_slice %arg9[%add3A_173, %dma_start3A_174] : memref<80x128xi32, #tpu.memory_space<vmem>> -> memref<1x128xi32, #tpu.memory_space<vmem>>
      %dma_start3A_176 = tpu.memref_squeeze %dma_start3A_175 : memref<1x128xi32, #tpu.memory_space<vmem>> -> memref<128xi32, #tpu.memory_space<vmem>>
      %dma_start3A_177 = arith.constant 0 : i32
      %dma_start3A_178 = arith.constant 0 : i32
      %dma_start3A_179 = tpu.memref_slice %arg12[%dma_start3A_177, %dma_start3A_178] : memref<10240x128xf32, #tpu.memory_space<vmem_shared>> -> memref<10240x128xf32, #tpu.memory_space<vmem_shared>>
      tpu.enqueue_indirect_dma source(%arg11 : memref<128x128xf32, #tpu.memory_space<vmem>>) target(%dma_start3A_179 : memref<10240x128xf32, #tpu.memory_space<vmem_shared>>) offsets(%dma_start3A_176 : memref<128xi32, #tpu.memory_space<vmem>>) semaphore(%arg16 : memref<!tpu.dma_semaphore, #tpu.memory_space<semaphore_mem>>) {add = true}
      %dma_wait3A_180 = arith.constant 0 : i32
      %dma_wait3A_181 = arith.constant 0 : i32
      %dma_wait3A_182 = tpu.memref_slice %arg12[%dma_wait3A_180, %dma_wait3A_181] : memref<10240x128xf32, #tpu.memory_space<vmem_shared>> -> memref<128x128xf32, #tpu.memory_space<vmem_shared>>
      %dma_wait3A_183 = arith.constant 0 : i32
      %dma_wait3A_184 = arith.constant 0 : i32
      %dma_wait3A_185 = tpu.memref_slice %arg12[%dma_wait3A_183, %dma_wait3A_184] : memref<10240x128xf32, #tpu.memory_space<vmem_shared>> -> memref<128x128xf32, #tpu.memory_space<vmem_shared>>
      tpu.wait_dma2 semaphore(%arg15 : memref<!tpu.dma_semaphore, #tpu.memory_space<semaphore_mem>>) src(%arg10 : memref<128x128xf32, #tpu.memory_space<vmem>>) dst(%dma_wait3A_185 : memref<128x128xf32, #tpu.memory_space<vmem_shared>>)
      %add3A_186 = arith.constant 2 : i32
      %add3A_187 = arith.addi %mul3A_153, %add3A_186 : i32
      %mul3A_188 = arith.constant 128 : i32
      %mul3A_189 = arith.muli %add3A_187, %mul3A_188 : i32
      %add3A_190 = arith.addi %mul3A_28, %mul3A_189 : i32
      "tpu.region"() ({
        %run_scoped3A = tpu.sem_alloc : memref<!tpu.dma_semaphore, #tpu.memory_space<semaphore_mem>>
        %dma_start3A_209 = tpu.memref_slice %arg3[%add3A_190] : memref<327680xi32, #tpu.memory_space<hbm>> -> memref<128xi32, #tpu.memory_space<hbm>>
        %dma_start3A_210 = tpu.memref_slice %arg3[%add3A_190] : memref<327680xi32, #tpu.memory_space<hbm>> -> memref<128xi32, #tpu.memory_space<hbm>>
        tpu.enqueue_dma source(%dma_start3A_210 : memref<128xi32, #tpu.memory_space<hbm>>) target(%arg7 : memref<128xi32, #tpu.memory_space<vmem>>) target_semaphore(%run_scoped3A : memref<!tpu.dma_semaphore, #tpu.memory_space<semaphore_mem>>)
        %dma_wait3A_211 = tpu.memref_slice %arg3[%add3A_190] : memref<327680xi32, #tpu.memory_space<hbm>> -> memref<128xi32, #tpu.memory_space<hbm>>
        %dma_wait3A_212 = tpu.memref_slice %arg3[%add3A_190] : memref<327680xi32, #tpu.memory_space<hbm>> -> memref<128xi32, #tpu.memory_space<hbm>>
        tpu.wait_dma2 semaphore(%run_scoped3A : memref<!tpu.dma_semaphore, #tpu.memory_space<semaphore_mem>>) src(%dma_wait3A_212 : memref<128xi32, #tpu.memory_space<hbm>>) dst(%arg7 : memref<128xi32, #tpu.memory_space<vmem>>)
        tpu.yield
      }) : () -> ()
      %dma_start3A_191 = arith.constant 0 : i32
      %dma_start3A_192 = arith.constant 0 : i32
      %dma_start3A_193 = tpu.memref_slice %arg2[%dma_start3A_191, %dma_start3A_192] : memref<10240x128xf32, #tpu.memory_space<hbm>> -> memref<10240x128xf32, #tpu.memory_space<hbm>>
      tpu.enqueue_indirect_dma source(%dma_start3A_193 : memref<10240x128xf32, #tpu.memory_space<hbm>>) target(%arg10 : memref<128x128xf32, #tpu.memory_space<vmem>>) offsets(%arg7 : memref<128xi32, #tpu.memory_space<vmem>>) semaphore(%arg13 : memref<!tpu.dma_semaphore, #tpu.memory_space<semaphore_mem>>)
      %dma_wait3A_194 = arith.constant 0 : i32
      %dma_wait3A_195 = arith.constant 0 : i32
      %dma_wait3A_196 = tpu.memref_slice %arg12[%dma_wait3A_194, %dma_wait3A_195] : memref<10240x128xf32, #tpu.memory_space<vmem_shared>> -> memref<128x128xf32, #tpu.memory_space<vmem_shared>>
      %dma_wait3A_197 = arith.constant 0 : i32
      %dma_wait3A_198 = arith.constant 0 : i32
      %dma_wait3A_199 = tpu.memref_slice %arg12[%dma_wait3A_197, %dma_wait3A_198] : memref<10240x128xf32, #tpu.memory_space<vmem_shared>> -> memref<128x128xf32, #tpu.memory_space<vmem_shared>>
      tpu.wait_dma2 semaphore(%arg16 : memref<!tpu.dma_semaphore, #tpu.memory_space<semaphore_mem>>) src(%arg11 : memref<128x128xf32, #tpu.memory_space<vmem>>) dst(%dma_wait3A_199 : memref<128x128xf32, #tpu.memory_space<vmem_shared>>)
      %add3A_200 = arith.constant 3 : i32
      %add3A_201 = arith.addi %mul3A_153, %add3A_200 : i32
      %mul3A_202 = arith.constant 128 : i32
      %mul3A_203 = arith.muli %add3A_201, %mul3A_202 : i32
      %add3A_204 = arith.addi %mul3A_28, %mul3A_203 : i32
      "tpu.region"() ({
        %run_scoped3A = tpu.sem_alloc : memref<!tpu.dma_semaphore, #tpu.memory_space<semaphore_mem>>
        %dma_start3A_209 = tpu.memref_slice %arg3[%add3A_204] : memref<327680xi32, #tpu.memory_space<hbm>> -> memref<128xi32, #tpu.memory_space<hbm>>
        %dma_start3A_210 = tpu.memref_slice %arg3[%add3A_204] : memref<327680xi32, #tpu.memory_space<hbm>> -> memref<128xi32, #tpu.memory_space<hbm>>
        tpu.enqueue_dma source(%dma_start3A_210 : memref<128xi32, #tpu.memory_space<hbm>>) target(%arg8 : memref<128xi32, #tpu.memory_space<vmem>>) target_semaphore(%run_scoped3A : memref<!tpu.dma_semaphore, #tpu.memory_space<semaphore_mem>>)
        %dma_wait3A_211 = tpu.memref_slice %arg3[%add3A_204] : memref<327680xi32, #tpu.memory_space<hbm>> -> memref<128xi32, #tpu.memory_space<hbm>>
        %dma_wait3A_212 = tpu.memref_slice %arg3[%add3A_204] : memref<327680xi32, #tpu.memory_space<hbm>> -> memref<128xi32, #tpu.memory_space<hbm>>
        tpu.wait_dma2 semaphore(%run_scoped3A : memref<!tpu.dma_semaphore, #tpu.memory_space<semaphore_mem>>) src(%dma_wait3A_212 : memref<128xi32, #tpu.memory_space<hbm>>) dst(%arg8 : memref<128xi32, #tpu.memory_space<vmem>>)
        tpu.yield
      }) : () -> ()
      %dma_start3A_205 = arith.constant 0 : i32
      %dma_start3A_206 = arith.constant 0 : i32
      %dma_start3A_207 = tpu.memref_slice %arg2[%dma_start3A_205, %dma_start3A_206] : memref<10240x128xf32, #tpu.memory_space<hbm>> -> memref<10240x128xf32, #tpu.memory_space<hbm>>
      tpu.enqueue_indirect_dma source(%dma_start3A_207 : memref<10240x128xf32, #tpu.memory_space<hbm>>) target(%arg11 : memref<128x128xf32, #tpu.memory_space<vmem>>) offsets(%arg8 : memref<128xi32, #tpu.memory_space<vmem>>) semaphore(%arg14 : memref<!tpu.dma_semaphore, #tpu.memory_space<semaphore_mem>>)
      %scan3A_208 = arith.constant 0 : i32
      scf.yield %scan3A_208 : i32
    }
    %scan3A_44 = arith.constant 39 : i32
    %dma_wait3A = arith.constant 0 : i32
    %dma_wait3A_45 = arith.constant 0 : i32
    %dma_wait3A_46 = tpu.memref_slice %arg2[%dma_wait3A, %dma_wait3A_45] : memref<10240x128xf32, #tpu.memory_space<hbm>> -> memref<128x128xf32, #tpu.memory_space<hbm>>
    %dma_wait3A_47 = arith.constant 0 : i32
    %dma_wait3A_48 = arith.constant 0 : i32
    %dma_wait3A_49 = tpu.memref_slice %arg2[%dma_wait3A_47, %dma_wait3A_48] : memref<10240x128xf32, #tpu.memory_space<hbm>> -> memref<128x128xf32, #tpu.memory_space<hbm>>
    tpu.wait_dma2 semaphore(%arg13 : memref<!tpu.dma_semaphore, #tpu.memory_space<semaphore_mem>>) src(%dma_wait3A_49 : memref<128x128xf32, #tpu.memory_space<hbm>>) dst(%arg10 : memref<128x128xf32, #tpu.memory_space<vmem>>)
    %dma_start3A_50 = arith.constant 78 : i32
    %dma_start3A_51 = arith.constant 0 : i32
    %dma_start3A_52 = tpu.memref_slice %arg9[%dma_start3A_50, %dma_start3A_51] : memref<80x128xi32, #tpu.memory_space<vmem>> -> memref<1x128xi32, #tpu.memory_space<vmem>>
    %dma_start3A_53 = tpu.memref_squeeze %dma_start3A_52 : memref<1x128xi32, #tpu.memory_space<vmem>> -> memref<128xi32, #tpu.memory_space<vmem>>
    %dma_start3A_54 = arith.constant 0 : i32
    %dma_start3A_55 = arith.constant 0 : i32
    %dma_start3A_56 = tpu.memref_slice %arg12[%dma_start3A_54, %dma_start3A_55] : memref<10240x128xf32, #tpu.memory_space<vmem_shared>> -> memref<10240x128xf32, #tpu.memory_space<vmem_shared>>
    tpu.enqueue_indirect_dma source(%arg10 : memref<128x128xf32, #tpu.memory_space<vmem>>) target(%dma_start3A_56 : memref<10240x128xf32, #tpu.memory_space<vmem_shared>>) offsets(%dma_start3A_53 : memref<128xi32, #tpu.memory_space<vmem>>) semaphore(%arg15 : memref<!tpu.dma_semaphore, #tpu.memory_space<semaphore_mem>>) {add = true}
    %dma_wait3A_57 = arith.constant 0 : i32
    %dma_wait3A_58 = arith.constant 0 : i32
    %dma_wait3A_59 = tpu.memref_slice %arg2[%dma_wait3A_57, %dma_wait3A_58] : memref<10240x128xf32, #tpu.memory_space<hbm>> -> memref<128x128xf32, #tpu.memory_space<hbm>>
    %dma_wait3A_60 = arith.constant 0 : i32
    %dma_wait3A_61 = arith.constant 0 : i32
    %dma_wait3A_62 = tpu.memref_slice %arg2[%dma_wait3A_60, %dma_wait3A_61] : memref<10240x128xf32, #tpu.memory_space<hbm>> -> memref<128x128xf32, #tpu.memory_space<hbm>>
    tpu.wait_dma2 semaphore(%arg14 : memref<!tpu.dma_semaphore, #tpu.memory_space<semaphore_mem>>) src(%dma_wait3A_62 : memref<128x128xf32, #tpu.memory_space<hbm>>) dst(%arg11 : memref<128x128xf32, #tpu.memory_space<vmem>>)
    %dma_start3A_63 = arith.constant 79 : i32
    %dma_start3A_64 = arith.constant 0 : i32
    %dma_start3A_65 = tpu.memref_slice %arg9[%dma_start3A_63, %dma_start3A_64] : memref<80x128xi32, #tpu.memory_space<vmem>> -> memref<1x128xi32, #tpu.memory_space<vmem>>
    %dma_start3A_66 = tpu.memref_squeeze %dma_start3A_65 : memref<1x128xi32, #tpu.memory_space<vmem>> -> memref<128xi32, #tpu.memory_space<vmem>>
    %dma_start3A_67 = arith.constant 0 : i32
    %dma_start3A_68 = arith.constant 0 : i32
    %dma_start3A_69 = tpu.memref_slice %arg12[%dma_start3A_67, %dma_start3A_68] : memref<10240x128xf32, #tpu.memory_space<vmem_shared>> -> memref<10240x128xf32, #tpu.memory_space<vmem_shared>>
    tpu.enqueue_indirect_dma source(%arg11 : memref<128x128xf32, #tpu.memory_space<vmem>>) target(%dma_start3A_69 : memref<10240x128xf32, #tpu.memory_space<vmem_shared>>) offsets(%dma_start3A_66 : memref<128xi32, #tpu.memory_space<vmem>>) semaphore(%arg16 : memref<!tpu.dma_semaphore, #tpu.memory_space<semaphore_mem>>) {add = true}
    %dma_wait3A_70 = arith.constant 0 : i32
    %dma_wait3A_71 = arith.constant 0 : i32
    %dma_wait3A_72 = tpu.memref_slice %arg12[%dma_wait3A_70, %dma_wait3A_71] : memref<10240x128xf32, #tpu.memory_space<vmem_shared>> -> memref<128x128xf32, #tpu.memory_space<vmem_shared>>
    %dma_wait3A_73 = arith.constant 0 : i32
    %dma_wait3A_74 = arith.constant 0 : i32
    %dma_wait3A_75 = tpu.memref_slice %arg12[%dma_wait3A_73, %dma_wait3A_74] : memref<10240x128xf32, #tpu.memory_space<vmem_shared>> -> memref<128x128xf32, #tpu.memory_space<vmem_shared>>
    tpu.wait_dma2 semaphore(%arg15 : memref<!tpu.dma_semaphore, #tpu.memory_space<semaphore_mem>>) src(%arg10 : memref<128x128xf32, #tpu.memory_space<vmem>>) dst(%dma_wait3A_75 : memref<128x128xf32, #tpu.memory_space<vmem_shared>>)
    %dma_wait3A_76 = arith.constant 0 : i32
    %dma_wait3A_77 = arith.constant 0 : i32
    %dma_wait3A_78 = tpu.memref_slice %arg12[%dma_wait3A_76, %dma_wait3A_77] : memref<10240x128xf32, #tpu.memory_space<vmem_shared>> -> memref<128x128xf32, #tpu.memory_space<vmem_shared>>
    %dma_wait3A_79 = arith.constant 0 : i32
    %dma_wait3A_80 = arith.constant 0 : i32
    %dma_wait3A_81 = tpu.memref_slice %arg12[%dma_wait3A_79, %dma_wait3A_80] : memref<10240x128xf32, #tpu.memory_space<vmem_shared>> -> memref<128x128xf32, #tpu.memory_space<vmem_shared>>
    tpu.wait_dma2 semaphore(%arg16 : memref<!tpu.dma_semaphore, #tpu.memory_space<semaphore_mem>>) src(%arg11 : memref<128x128xf32, #tpu.memory_space<vmem>>) dst(%dma_wait3A_81 : memref<128x128xf32, #tpu.memory_space<vmem_shared>>)
    %barrier3A_82 = arith.constant 0 : index
    tpu.barrier barrier_id(%barrier3A_82)
    %mul3A_83 = arith.constant 640 : i32
    %mul3A_84 = arith.muli %arg1, %mul3A_83 : i32
    %add3A_85 = arith.constant 0 : i32
    %add3A_86 = arith.addi %mul3A_84, %add3A_85 : i32
    "tpu.region"() ({
      %run_scoped3A = tpu.sem_alloc : memref<!tpu.dma_semaphore, #tpu.memory_space<semaphore_mem>>
      %dma_start3A_150 = arith.constant 0 : i32
      %dma_start3A_151 = tpu.memref_slice %arg12[%add3A_86, %dma_start3A_150] : memref<10240x128xf32, #tpu.memory_space<vmem_shared>> -> memref<128x128xf32, #tpu.memory_space<vmem_shared>>
      %dma_start3A_152 = arith.constant 0 : i32
      %dma_start3A_153 = tpu.memref_slice %arg12[%add3A_86, %dma_start3A_152] : memref<10240x128xf32, #tpu.memory_space<vmem_shared>> -> memref<128x128xf32, #tpu.memory_space<vmem_shared>>
      tpu.enqueue_dma source(%dma_start3A_153 : memref<128x128xf32, #tpu.memory_space<vmem_shared>>) target(%arg10 : memref<128x128xf32, #tpu.memory_space<vmem>>) target_semaphore(%run_scoped3A : memref<!tpu.dma_semaphore, #tpu.memory_space<semaphore_mem>>)
      %dma_wait3A_154 = arith.constant 0 : i32
      %dma_wait3A_155 = tpu.memref_slice %arg12[%add3A_86, %dma_wait3A_154] : memref<10240x128xf32, #tpu.memory_space<vmem_shared>> -> memref<128x128xf32, #tpu.memory_space<vmem_shared>>
      %dma_wait3A_156 = arith.constant 0 : i32
      %dma_wait3A_157 = tpu.memref_slice %arg12[%add3A_86, %dma_wait3A_156] : memref<10240x128xf32, #tpu.memory_space<vmem_shared>> -> memref<128x128xf32, #tpu.memory_space<vmem_shared>>
      tpu.wait_dma2 semaphore(%run_scoped3A : memref<!tpu.dma_semaphore, #tpu.memory_space<semaphore_mem>>) src(%dma_wait3A_157 : memref<128x128xf32, #tpu.memory_space<vmem_shared>>) dst(%arg10 : memref<128x128xf32, #tpu.memory_space<vmem>>)
      tpu.yield
    }) : () -> ()
    %eq3A = arith.constant 0 : i32
    %eq3A_87 = arith.cmpi eq, %arg0, %eq3A : i32
    %convert_element_type3A = arith.extui %eq3A_87 : i1 to i32
    %cond3A = arith.constant 0 : i32
    %cond3A_88 = arith.cmpi ne, %convert_element_type3A, %cond3A : i32
    scf.if %cond3A_88 {
      "tpu.region"() ({
        %run_scoped3A = tpu.sem_alloc : memref<!tpu.dma_semaphore, #tpu.memory_space<semaphore_mem>>
        %dma_start3A_150 = arith.constant 0 : i32
        %dma_start3A_151 = tpu.memref_slice %arg5[%add3A_86, %dma_start3A_150] : memref<10240x128xf32, #tpu.memory_space<hbm>> -> memref<128x128xf32, #tpu.memory_space<hbm>>
        %dma_start3A_152 = arith.constant 0 : i32
        %dma_start3A_153 = tpu.memref_slice %arg5[%add3A_86, %dma_start3A_152] : memref<10240x128xf32, #tpu.memory_space<hbm>> -> memref<128x128xf32, #tpu.memory_space<hbm>>
        tpu.enqueue_dma source(%arg10 : memref<128x128xf32, #tpu.memory_space<vmem>>) target(%dma_start3A_153 : memref<128x128xf32, #tpu.memory_space<hbm>>) target_semaphore(%run_scoped3A : memref<!tpu.dma_semaphore, #tpu.memory_space<semaphore_mem>>)
        %dma_wait3A_154 = arith.constant 0 : i32
        %dma_wait3A_155 = tpu.memref_slice %arg5[%add3A_86, %dma_wait3A_154] : memref<10240x128xf32, #tpu.memory_space<hbm>> -> memref<128x128xf32, #tpu.memory_space<hbm>>
        %dma_wait3A_156 = arith.constant 0 : i32
        %dma_wait3A_157 = tpu.memref_slice %arg5[%add3A_86, %dma_wait3A_156] : memref<10240x128xf32, #tpu.memory_space<hbm>> -> memref<128x128xf32, #tpu.memory_space<hbm>>
        tpu.wait_dma2 semaphore(%run_scoped3A : memref<!tpu.dma_semaphore, #tpu.memory_space<semaphore_mem>>) src(%arg10 : memref<128x128xf32, #tpu.memory_space<vmem>>) dst(%dma_wait3A_157 : memref<128x128xf32, #tpu.memory_space<hbm>>)
        tpu.yield
      }) : () -> ()
    } else {
    }
    %eq3A_89 = arith.constant 1 : i32
    %eq3A_90 = arith.cmpi eq, %arg0, %eq3A_89 : i32
    %convert_element_type3A_91 = arith.extui %eq3A_90 : i1 to i32
    %cond3A_92 = arith.constant 0 : i32
    %cond3A_93 = arith.cmpi ne, %convert_element_type3A_91, %cond3A_92 : i32
    scf.if %cond3A_93 {
      "tpu.region"() ({
        %run_scoped3A = tpu.sem_alloc : memref<!tpu.dma_semaphore, #tpu.memory_space<semaphore_mem>>
        %dma_start3A_150 = arith.constant 0 : i32
        %dma_start3A_151 = tpu.memref_slice %arg6[%add3A_86, %dma_start3A_150] : memref<10240x128xf32, #tpu.memory_space<hbm>> -> memref<128x128xf32, #tpu.memory_space<hbm>>
        %dma_start3A_152 = arith.constant 0 : i32
        %dma_start3A_153 = tpu.memref_slice %arg6[%add3A_86, %dma_start3A_152] : memref<10240x128xf32, #tpu.memory_space<hbm>> -> memref<128x128xf32, #tpu.memory_space<hbm>>
        tpu.enqueue_dma source(%arg10 : memref<128x128xf32, #tpu.memory_space<vmem>>) target(%dma_start3A_153 : memref<128x128xf32, #tpu.memory_space<hbm>>) target_semaphore(%run_scoped3A : memref<!tpu.dma_semaphore, #tpu.memory_space<semaphore_mem>>)
        %dma_wait3A_154 = arith.constant 0 : i32
        %dma_wait3A_155 = tpu.memref_slice %arg6[%add3A_86, %dma_wait3A_154] : memref<10240x128xf32, #tpu.memory_space<hbm>> -> memref<128x128xf32, #tpu.memory_space<hbm>>
        %dma_wait3A_156 = arith.constant 0 : i32
        %dma_wait3A_157 = tpu.memref_slice %arg6[%add3A_86, %dma_wait3A_156] : memref<10240x128xf32, #tpu.memory_space<hbm>> -> memref<128x128xf32, #tpu.memory_space<hbm>>
        tpu.wait_dma2 semaphore(%run_scoped3A : memref<!tpu.dma_semaphore, #tpu.memory_space<semaphore_mem>>) src(%arg10 : memref<128x128xf32, #tpu.memory_space<vmem>>) dst(%dma_wait3A_157 : memref<128x128xf32, #tpu.memory_space<hbm>>)
        tpu.yield
      }) : () -> ()
    } else {
    }
    %mul3A_94 = arith.constant 640 : i32
    %mul3A_95 = arith.muli %arg1, %mul3A_94 : i32
    %add3A_96 = arith.constant 128 : i32
    %add3A_97 = arith.addi %mul3A_95, %add3A_96 : i32
    "tpu.region"() ({
      %run_scoped3A = tpu.sem_alloc : memref<!tpu.dma_semaphore, #tpu.memory_space<semaphore_mem>>
      %dma_start3A_150 = arith.constant 0 : i32
      %dma_start3A_151 = tpu.memref_slice %arg12[%add3A_97, %dma_start3A_150] : memref<10240x128xf32, #tpu.memory_space<vmem_shared>> -> memref<128x128xf32, #tpu.memory_space<vmem_shared>>
      %dma_start3A_152 = arith.constant 0 : i32
      %dma_start3A_153 = tpu.memref_slice %arg12[%add3A_97, %dma_start3A_152] : memref<10240x128xf32, #tpu.memory_space<vmem_shared>> -> memref<128x128xf32, #tpu.memory_space<vmem_shared>>
      tpu.enqueue_dma source(%dma_start3A_153 : memref<128x128xf32, #tpu.memory_space<vmem_shared>>) target(%arg10 : memref<128x128xf32, #tpu.memory_space<vmem>>) target_semaphore(%run_scoped3A : memref<!tpu.dma_semaphore, #tpu.memory_space<semaphore_mem>>)
      %dma_wait3A_154 = arith.constant 0 : i32
      %dma_wait3A_155 = tpu.memref_slice %arg12[%add3A_97, %dma_wait3A_154] : memref<10240x128xf32, #tpu.memory_space<vmem_shared>> -> memref<128x128xf32, #tpu.memory_space<vmem_shared>>
      %dma_wait3A_156 = arith.constant 0 : i32
      %dma_wait3A_157 = tpu.memref_slice %arg12[%add3A_97, %dma_wait3A_156] : memref<10240x128xf32, #tpu.memory_space<vmem_shared>> -> memref<128x128xf32, #tpu.memory_space<vmem_shared>>
      tpu.wait_dma2 semaphore(%run_scoped3A : memref<!tpu.dma_semaphore, #tpu.memory_space<semaphore_mem>>) src(%dma_wait3A_157 : memref<128x128xf32, #tpu.memory_space<vmem_shared>>) dst(%arg10 : memref<128x128xf32, #tpu.memory_space<vmem>>)
      tpu.yield
    }) : () -> ()
    %eq3A_98 = arith.constant 0 : i32
    %eq3A_99 = arith.cmpi eq, %arg0, %eq3A_98 : i32
    %convert_element_type3A_100 = arith.extui %eq3A_99 : i1 to i32
    %cond3A_101 = arith.constant 0 : i32
    %cond3A_102 = arith.cmpi ne, %convert_element_type3A_100, %cond3A_101 : i32
    scf.if %cond3A_102 {
      "tpu.region"() ({
        %run_scoped3A = tpu.sem_alloc : memref<!tpu.dma_semaphore, #tpu.memory_space<semaphore_mem>>
        %dma_start3A_150 = arith.constant 0 : i32
        %dma_start3A_151 = tpu.memref_slice %arg5[%add3A_97, %dma_start3A_150] : memref<10240x128xf32, #tpu.memory_space<hbm>> -> memref<128x128xf32, #tpu.memory_space<hbm>>
        %dma_start3A_152 = arith.constant 0 : i32
        %dma_start3A_153 = tpu.memref_slice %arg5[%add3A_97, %dma_start3A_152] : memref<10240x128xf32, #tpu.memory_space<hbm>> -> memref<128x128xf32, #tpu.memory_space<hbm>>
        tpu.enqueue_dma source(%arg10 : memref<128x128xf32, #tpu.memory_space<vmem>>) target(%dma_start3A_153 : memref<128x128xf32, #tpu.memory_space<hbm>>) target_semaphore(%run_scoped3A : memref<!tpu.dma_semaphore, #tpu.memory_space<semaphore_mem>>)
        %dma_wait3A_154 = arith.constant 0 : i32
        %dma_wait3A_155 = tpu.memref_slice %arg5[%add3A_97, %dma_wait3A_154] : memref<10240x128xf32, #tpu.memory_space<hbm>> -> memref<128x128xf32, #tpu.memory_space<hbm>>
        %dma_wait3A_156 = arith.constant 0 : i32
        %dma_wait3A_157 = tpu.memref_slice %arg5[%add3A_97, %dma_wait3A_156] : memref<10240x128xf32, #tpu.memory_space<hbm>> -> memref<128x128xf32, #tpu.memory_space<hbm>>
        tpu.wait_dma2 semaphore(%run_scoped3A : memref<!tpu.dma_semaphore, #tpu.memory_space<semaphore_mem>>) src(%arg10 : memref<128x128xf32, #tpu.memory_space<vmem>>) dst(%dma_wait3A_157 : memref<128x128xf32, #tpu.memory_space<hbm>>)
        tpu.yield
      }) : () -> ()
    } else {
    }
    %eq3A_103 = arith.constant 1 : i32
    %eq3A_104 = arith.cmpi eq, %arg0, %eq3A_103 : i32
    %convert_element_type3A_105 = arith.extui %eq3A_104 : i1 to i32
    %cond3A_106 = arith.constant 0 : i32
    %cond3A_107 = arith.cmpi ne, %convert_element_type3A_105, %cond3A_106 : i32
    scf.if %cond3A_107 {
      "tpu.region"() ({
        %run_scoped3A = tpu.sem_alloc : memref<!tpu.dma_semaphore, #tpu.memory_space<semaphore_mem>>
        %dma_start3A_150 = arith.constant 0 : i32
        %dma_start3A_151 = tpu.memref_slice %arg6[%add3A_97, %dma_start3A_150] : memref<10240x128xf32, #tpu.memory_space<hbm>> -> memref<128x128xf32, #tpu.memory_space<hbm>>
        %dma_start3A_152 = arith.constant 0 : i32
        %dma_start3A_153 = tpu.memref_slice %arg6[%add3A_97, %dma_start3A_152] : memref<10240x128xf32, #tpu.memory_space<hbm>> -> memref<128x128xf32, #tpu.memory_space<hbm>>
        tpu.enqueue_dma source(%arg10 : memref<128x128xf32, #tpu.memory_space<vmem>>) target(%dma_start3A_153 : memref<128x128xf32, #tpu.memory_space<hbm>>) target_semaphore(%run_scoped3A : memref<!tpu.dma_semaphore, #tpu.memory_space<semaphore_mem>>)
        %dma_wait3A_154 = arith.constant 0 : i32
        %dma_wait3A_155 = tpu.memref_slice %arg6[%add3A_97, %dma_wait3A_154] : memref<10240x128xf32, #tpu.memory_space<hbm>> -> memref<128x128xf32, #tpu.memory_space<hbm>>
        %dma_wait3A_156 = arith.constant 0 : i32
        %dma_wait3A_157 = tpu.memref_slice %arg6[%add3A_97, %dma_wait3A_156] : memref<10240x128xf32, #tpu.memory_space<hbm>> -> memref<128x128xf32, #tpu.memory_space<hbm>>
        tpu.wait_dma2 semaphore(%run_scoped3A : memref<!tpu.dma_semaphore, #tpu.memory_space<semaphore_mem>>) src(%arg10 : memref<128x128xf32, #tpu.memory_space<vmem>>) dst(%dma_wait3A_157 : memref<128x128xf32, #tpu.memory_space<hbm>>)
        tpu.yield
      }) : () -> ()
    } else {
    }
    %mul3A_108 = arith.constant 640 : i32
    %mul3A_109 = arith.muli %arg1, %mul3A_108 : i32
    %add3A_110 = arith.constant 256 : i32
    %add3A_111 = arith.addi %mul3A_109, %add3A_110 : i32
    "tpu.region"() ({
      %run_scoped3A = tpu.sem_alloc : memref<!tpu.dma_semaphore, #tpu.memory_space<semaphore_mem>>
      %dma_start3A_150 = arith.constant 0 : i32
      %dma_start3A_151 = tpu.memref_slice %arg12[%add3A_111, %dma_start3A_150] : memref<10240x128xf32, #tpu.memory_space<vmem_shared>> -> memref<128x128xf32, #tpu.memory_space<vmem_shared>>
      %dma_start3A_152 = arith.constant 0 : i32
      %dma_start3A_153 = tpu.memref_slice %arg12[%add3A_111, %dma_start3A_152] : memref<10240x128xf32, #tpu.memory_space<vmem_shared>> -> memref<128x128xf32, #tpu.memory_space<vmem_shared>>
      tpu.enqueue_dma source(%dma_start3A_153 : memref<128x128xf32, #tpu.memory_space<vmem_shared>>) target(%arg10 : memref<128x128xf32, #tpu.memory_space<vmem>>) target_semaphore(%run_scoped3A : memref<!tpu.dma_semaphore, #tpu.memory_space<semaphore_mem>>)
      %dma_wait3A_154 = arith.constant 0 : i32
      %dma_wait3A_155 = tpu.memref_slice %arg12[%add3A_111, %dma_wait3A_154] : memref<10240x128xf32, #tpu.memory_space<vmem_shared>> -> memref<128x128xf32, #tpu.memory_space<vmem_shared>>
      %dma_wait3A_156 = arith.constant 0 : i32
      %dma_wait3A_157 = tpu.memref_slice %arg12[%add3A_111, %dma_wait3A_156] : memref<10240x128xf32, #tpu.memory_space<vmem_shared>> -> memref<128x128xf32, #tpu.memory_space<vmem_shared>>
      tpu.wait_dma2 semaphore(%run_scoped3A : memref<!tpu.dma_semaphore, #tpu.memory_space<semaphore_mem>>) src(%dma_wait3A_157 : memref<128x128xf32, #tpu.memory_space<vmem_shared>>) dst(%arg10 : memref<128x128xf32, #tpu.memory_space<vmem>>)
      tpu.yield
    }) : () -> ()
    %eq3A_112 = arith.constant 0 : i32
    %eq3A_113 = arith.cmpi eq, %arg0, %eq3A_112 : i32
    %convert_element_type3A_114 = arith.extui %eq3A_113 : i1 to i32
    %cond3A_115 = arith.constant 0 : i32
    %cond3A_116 = arith.cmpi ne, %convert_element_type3A_114, %cond3A_115 : i32
    scf.if %cond3A_116 {
      "tpu.region"() ({
        %run_scoped3A = tpu.sem_alloc : memref<!tpu.dma_semaphore, #tpu.memory_space<semaphore_mem>>
        %dma_start3A_150 = arith.constant 0 : i32
        %dma_start3A_151 = tpu.memref_slice %arg5[%add3A_111, %dma_start3A_150] : memref<10240x128xf32, #tpu.memory_space<hbm>> -> memref<128x128xf32, #tpu.memory_space<hbm>>
        %dma_start3A_152 = arith.constant 0 : i32
        %dma_start3A_153 = tpu.memref_slice %arg5[%add3A_111, %dma_start3A_152] : memref<10240x128xf32, #tpu.memory_space<hbm>> -> memref<128x128xf32, #tpu.memory_space<hbm>>
        tpu.enqueue_dma source(%arg10 : memref<128x128xf32, #tpu.memory_space<vmem>>) target(%dma_start3A_153 : memref<128x128xf32, #tpu.memory_space<hbm>>) target_semaphore(%run_scoped3A : memref<!tpu.dma_semaphore, #tpu.memory_space<semaphore_mem>>)
        %dma_wait3A_154 = arith.constant 0 : i32
        %dma_wait3A_155 = tpu.memref_slice %arg5[%add3A_111, %dma_wait3A_154] : memref<10240x128xf32, #tpu.memory_space<hbm>> -> memref<128x128xf32, #tpu.memory_space<hbm>>
        %dma_wait3A_156 = arith.constant 0 : i32
        %dma_wait3A_157 = tpu.memref_slice %arg5[%add3A_111, %dma_wait3A_156] : memref<10240x128xf32, #tpu.memory_space<hbm>> -> memref<128x128xf32, #tpu.memory_space<hbm>>
        tpu.wait_dma2 semaphore(%run_scoped3A : memref<!tpu.dma_semaphore, #tpu.memory_space<semaphore_mem>>) src(%arg10 : memref<128x128xf32, #tpu.memory_space<vmem>>) dst(%dma_wait3A_157 : memref<128x128xf32, #tpu.memory_space<hbm>>)
        tpu.yield
      }) : () -> ()
    } else {
    }
    %eq3A_117 = arith.constant 1 : i32
    %eq3A_118 = arith.cmpi eq, %arg0, %eq3A_117 : i32
    %convert_element_type3A_119 = arith.extui %eq3A_118 : i1 to i32
    %cond3A_120 = arith.constant 0 : i32
    %cond3A_121 = arith.cmpi ne, %convert_element_type3A_119, %cond3A_120 : i32
    scf.if %cond3A_121 {
      "tpu.region"() ({
        %run_scoped3A = tpu.sem_alloc : memref<!tpu.dma_semaphore, #tpu.memory_space<semaphore_mem>>
        %dma_start3A_150 = arith.constant 0 : i32
        %dma_start3A_151 = tpu.memref_slice %arg6[%add3A_111, %dma_start3A_150] : memref<10240x128xf32, #tpu.memory_space<hbm>> -> memref<128x128xf32, #tpu.memory_space<hbm>>
        %dma_start3A_152 = arith.constant 0 : i32
        %dma_start3A_153 = tpu.memref_slice %arg6[%add3A_111, %dma_start3A_152] : memref<10240x128xf32, #tpu.memory_space<hbm>> -> memref<128x128xf32, #tpu.memory_space<hbm>>
        tpu.enqueue_dma source(%arg10 : memref<128x128xf32, #tpu.memory_space<vmem>>) target(%dma_start3A_153 : memref<128x128xf32, #tpu.memory_space<hbm>>) target_semaphore(%run_scoped3A : memref<!tpu.dma_semaphore, #tpu.memory_space<semaphore_mem>>)
        %dma_wait3A_154 = arith.constant 0 : i32
        %dma_wait3A_155 = tpu.memref_slice %arg6[%add3A_111, %dma_wait3A_154] : memref<10240x128xf32, #tpu.memory_space<hbm>> -> memref<128x128xf32, #tpu.memory_space<hbm>>
        %dma_wait3A_156 = arith.constant 0 : i32
        %dma_wait3A_157 = tpu.memref_slice %arg6[%add3A_111, %dma_wait3A_156] : memref<10240x128xf32, #tpu.memory_space<hbm>> -> memref<128x128xf32, #tpu.memory_space<hbm>>
        tpu.wait_dma2 semaphore(%run_scoped3A : memref<!tpu.dma_semaphore, #tpu.memory_space<semaphore_mem>>) src(%arg10 : memref<128x128xf32, #tpu.memory_space<vmem>>) dst(%dma_wait3A_157 : memref<128x128xf32, #tpu.memory_space<hbm>>)
        tpu.yield
      }) : () -> ()
    } else {
    }
    %mul3A_122 = arith.constant 640 : i32
    %mul3A_123 = arith.muli %arg1, %mul3A_122 : i32
    %add3A_124 = arith.constant 384 : i32
    %add3A_125 = arith.addi %mul3A_123, %add3A_124 : i32
    "tpu.region"() ({
      %run_scoped3A = tpu.sem_alloc : memref<!tpu.dma_semaphore, #tpu.memory_space<semaphore_mem>>
      %dma_start3A_150 = arith.constant 0 : i32
      %dma_start3A_151 = tpu.memref_slice %arg12[%add3A_125, %dma_start3A_150] : memref<10240x128xf32, #tpu.memory_space<vmem_shared>> -> memref<128x128xf32, #tpu.memory_space<vmem_shared>>
      %dma_start3A_152 = arith.constant 0 : i32
      %dma_start3A_153 = tpu.memref_slice %arg12[%add3A_125, %dma_start3A_152] : memref<10240x128xf32, #tpu.memory_space<vmem_shared>> -> memref<128x128xf32, #tpu.memory_space<vmem_shared>>
      tpu.enqueue_dma source(%dma_start3A_153 : memref<128x128xf32, #tpu.memory_space<vmem_shared>>) target(%arg10 : memref<128x128xf32, #tpu.memory_space<vmem>>) target_semaphore(%run_scoped3A : memref<!tpu.dma_semaphore, #tpu.memory_space<semaphore_mem>>)
      %dma_wait3A_154 = arith.constant 0 : i32
      %dma_wait3A_155 = tpu.memref_slice %arg12[%add3A_125, %dma_wait3A_154] : memref<10240x128xf32, #tpu.memory_space<vmem_shared>> -> memref<128x128xf32, #tpu.memory_space<vmem_shared>>
      %dma_wait3A_156 = arith.constant 0 : i32
      %dma_wait3A_157 = tpu.memref_slice %arg12[%add3A_125, %dma_wait3A_156] : memref<10240x128xf32, #tpu.memory_space<vmem_shared>> -> memref<128x128xf32, #tpu.memory_space<vmem_shared>>
      tpu.wait_dma2 semaphore(%run_scoped3A : memref<!tpu.dma_semaphore, #tpu.memory_space<semaphore_mem>>) src(%dma_wait3A_157 : memref<128x128xf32, #tpu.memory_space<vmem_shared>>) dst(%arg10 : memref<128x128xf32, #tpu.memory_space<vmem>>)
      tpu.yield
    }) : () -> ()
    %eq3A_126 = arith.constant 0 : i32
    %eq3A_127 = arith.cmpi eq, %arg0, %eq3A_126 : i32
    %convert_element_type3A_128 = arith.extui %eq3A_127 : i1 to i32
    %cond3A_129 = arith.constant 0 : i32
    %cond3A_130 = arith.cmpi ne, %convert_element_type3A_128, %cond3A_129 : i32
    scf.if %cond3A_130 {
      "tpu.region"() ({
        %run_scoped3A = tpu.sem_alloc : memref<!tpu.dma_semaphore, #tpu.memory_space<semaphore_mem>>
        %dma_start3A_150 = arith.constant 0 : i32
        %dma_start3A_151 = tpu.memref_slice %arg5[%add3A_125, %dma_start3A_150] : memref<10240x128xf32, #tpu.memory_space<hbm>> -> memref<128x128xf32, #tpu.memory_space<hbm>>
        %dma_start3A_152 = arith.constant 0 : i32
        %dma_start3A_153 = tpu.memref_slice %arg5[%add3A_125, %dma_start3A_152] : memref<10240x128xf32, #tpu.memory_space<hbm>> -> memref<128x128xf32, #tpu.memory_space<hbm>>
        tpu.enqueue_dma source(%arg10 : memref<128x128xf32, #tpu.memory_space<vmem>>) target(%dma_start3A_153 : memref<128x128xf32, #tpu.memory_space<hbm>>) target_semaphore(%run_scoped3A : memref<!tpu.dma_semaphore, #tpu.memory_space<semaphore_mem>>)
        %dma_wait3A_154 = arith.constant 0 : i32
        %dma_wait3A_155 = tpu.memref_slice %arg5[%add3A_125, %dma_wait3A_154] : memref<10240x128xf32, #tpu.memory_space<hbm>> -> memref<128x128xf32, #tpu.memory_space<hbm>>
        %dma_wait3A_156 = arith.constant 0 : i32
        %dma_wait3A_157 = tpu.memref_slice %arg5[%add3A_125, %dma_wait3A_156] : memref<10240x128xf32, #tpu.memory_space<hbm>> -> memref<128x128xf32, #tpu.memory_space<hbm>>
        tpu.wait_dma2 semaphore(%run_scoped3A : memref<!tpu.dma_semaphore, #tpu.memory_space<semaphore_mem>>) src(%arg10 : memref<128x128xf32, #tpu.memory_space<vmem>>) dst(%dma_wait3A_157 : memref<128x128xf32, #tpu.memory_space<hbm>>)
        tpu.yield
      }) : () -> ()
    } else {
    }
    %eq3A_131 = arith.constant 1 : i32
    %eq3A_132 = arith.cmpi eq, %arg0, %eq3A_131 : i32
    %convert_element_type3A_133 = arith.extui %eq3A_132 : i1 to i32
    %cond3A_134 = arith.constant 0 : i32
    %cond3A_135 = arith.cmpi ne, %convert_element_type3A_133, %cond3A_134 : i32
    scf.if %cond3A_135 {
      "tpu.region"() ({
        %run_scoped3A = tpu.sem_alloc : memref<!tpu.dma_semaphore, #tpu.memory_space<semaphore_mem>>
        %dma_start3A_150 = arith.constant 0 : i32
        %dma_start3A_151 = tpu.memref_slice %arg6[%add3A_125, %dma_start3A_150] : memref<10240x128xf32, #tpu.memory_space<hbm>> -> memref<128x128xf32, #tpu.memory_space<hbm>>
        %dma_start3A_152 = arith.constant 0 : i32
        %dma_start3A_153 = tpu.memref_slice %arg6[%add3A_125, %dma_start3A_152] : memref<10240x128xf32, #tpu.memory_space<hbm>> -> memref<128x128xf32, #tpu.memory_space<hbm>>
        tpu.enqueue_dma source(%arg10 : memref<128x128xf32, #tpu.memory_space<vmem>>) target(%dma_start3A_153 : memref<128x128xf32, #tpu.memory_space<hbm>>) target_semaphore(%run_scoped3A : memref<!tpu.dma_semaphore, #tpu.memory_space<semaphore_mem>>)
        %dma_wait3A_154 = arith.constant 0 : i32
        %dma_wait3A_155 = tpu.memref_slice %arg6[%add3A_125, %dma_wait3A_154] : memref<10240x128xf32, #tpu.memory_space<hbm>> -> memref<128x128xf32, #tpu.memory_space<hbm>>
        %dma_wait3A_156 = arith.constant 0 : i32
        %dma_wait3A_157 = tpu.memref_slice %arg6[%add3A_125, %dma_wait3A_156] : memref<10240x128xf32, #tpu.memory_space<hbm>> -> memref<128x128xf32, #tpu.memory_space<hbm>>
        tpu.wait_dma2 semaphore(%run_scoped3A : memref<!tpu.dma_semaphore, #tpu.memory_space<semaphore_mem>>) src(%arg10 : memref<128x128xf32, #tpu.memory_space<vmem>>) dst(%dma_wait3A_157 : memref<128x128xf32, #tpu.memory_space<hbm>>)
        tpu.yield
      }) : () -> ()
    } else {
    }
    %mul3A_136 = arith.constant 640 : i32
    %mul3A_137 = arith.muli %arg1, %mul3A_136 : i32
    %add3A_138 = arith.constant 512 : i32
    %add3A_139 = arith.addi %mul3A_137, %add3A_138 : i32
    "tpu.region"() ({
      %run_scoped3A = tpu.sem_alloc : memref<!tpu.dma_semaphore, #tpu.memory_space<semaphore_mem>>
      %dma_start3A_150 = arith.constant 0 : i32
      %dma_start3A_151 = tpu.memref_slice %arg12[%add3A_139, %dma_start3A_150] : memref<10240x128xf32, #tpu.memory_space<vmem_shared>> -> memref<128x128xf32, #tpu.memory_space<vmem_shared>>
      %dma_start3A_152 = arith.constant 0 : i32
      %dma_start3A_153 = tpu.memref_slice %arg12[%add3A_139, %dma_start3A_152] : memref<10240x128xf32, #tpu.memory_space<vmem_shared>> -> memref<128x128xf32, #tpu.memory_space<vmem_shared>>
      tpu.enqueue_dma source(%dma_start3A_153 : memref<128x128xf32, #tpu.memory_space<vmem_shared>>) target(%arg10 : memref<128x128xf32, #tpu.memory_space<vmem>>) target_semaphore(%run_scoped3A : memref<!tpu.dma_semaphore, #tpu.memory_space<semaphore_mem>>)
      %dma_wait3A_154 = arith.constant 0 : i32
      %dma_wait3A_155 = tpu.memref_slice %arg12[%add3A_139, %dma_wait3A_154] : memref<10240x128xf32, #tpu.memory_space<vmem_shared>> -> memref<128x128xf32, #tpu.memory_space<vmem_shared>>
      %dma_wait3A_156 = arith.constant 0 : i32
      %dma_wait3A_157 = tpu.memref_slice %arg12[%add3A_139, %dma_wait3A_156] : memref<10240x128xf32, #tpu.memory_space<vmem_shared>> -> memref<128x128xf32, #tpu.memory_space<vmem_shared>>
      tpu.wait_dma2 semaphore(%run_scoped3A : memref<!tpu.dma_semaphore, #tpu.memory_space<semaphore_mem>>) src(%dma_wait3A_157 : memref<128x128xf32, #tpu.memory_space<vmem_shared>>) dst(%arg10 : memref<128x128xf32, #tpu.memory_space<vmem>>)
      tpu.yield
    }) : () -> ()
    %eq3A_140 = arith.constant 0 : i32
    %eq3A_141 = arith.cmpi eq, %arg0, %eq3A_140 : i32
    %convert_element_type3A_142 = arith.extui %eq3A_141 : i1 to i32
    %cond3A_143 = arith.constant 0 : i32
    %cond3A_144 = arith.cmpi ne, %convert_element_type3A_142, %cond3A_143 : i32
    scf.if %cond3A_144 {
      "tpu.region"() ({
        %run_scoped3A = tpu.sem_alloc : memref<!tpu.dma_semaphore, #tpu.memory_space<semaphore_mem>>
        %dma_start3A_150 = arith.constant 0 : i32
        %dma_start3A_151 = tpu.memref_slice %arg5[%add3A_139, %dma_start3A_150] : memref<10240x128xf32, #tpu.memory_space<hbm>> -> memref<128x128xf32, #tpu.memory_space<hbm>>
        %dma_start3A_152 = arith.constant 0 : i32
        %dma_start3A_153 = tpu.memref_slice %arg5[%add3A_139, %dma_start3A_152] : memref<10240x128xf32, #tpu.memory_space<hbm>> -> memref<128x128xf32, #tpu.memory_space<hbm>>
        tpu.enqueue_dma source(%arg10 : memref<128x128xf32, #tpu.memory_space<vmem>>) target(%dma_start3A_153 : memref<128x128xf32, #tpu.memory_space<hbm>>) target_semaphore(%run_scoped3A : memref<!tpu.dma_semaphore, #tpu.memory_space<semaphore_mem>>)
        %dma_wait3A_154 = arith.constant 0 : i32
        %dma_wait3A_155 = tpu.memref_slice %arg5[%add3A_139, %dma_wait3A_154] : memref<10240x128xf32, #tpu.memory_space<hbm>> -> memref<128x128xf32, #tpu.memory_space<hbm>>
        %dma_wait3A_156 = arith.constant 0 : i32
        %dma_wait3A_157 = tpu.memref_slice %arg5[%add3A_139, %dma_wait3A_156] : memref<10240x128xf32, #tpu.memory_space<hbm>> -> memref<128x128xf32, #tpu.memory_space<hbm>>
        tpu.wait_dma2 semaphore(%run_scoped3A : memref<!tpu.dma_semaphore, #tpu.memory_space<semaphore_mem>>) src(%arg10 : memref<128x128xf32, #tpu.memory_space<vmem>>) dst(%dma_wait3A_157 : memref<128x128xf32, #tpu.memory_space<hbm>>)
        tpu.yield
      }) : () -> ()
    } else {
    }
    %eq3A_145 = arith.constant 1 : i32
    %eq3A_146 = arith.cmpi eq, %arg0, %eq3A_145 : i32
    %convert_element_type3A_147 = arith.extui %eq3A_146 : i1 to i32
    %cond3A_148 = arith.constant 0 : i32
    %cond3A_149 = arith.cmpi ne, %convert_element_type3A_147, %cond3A_148 : i32
    scf.if %cond3A_149 {
      "tpu.region"() ({
        %run_scoped3A = tpu.sem_alloc : memref<!tpu.dma_semaphore, #tpu.memory_space<semaphore_mem>>
        %dma_start3A_150 = arith.constant 0 : i32
        %dma_start3A_151 = tpu.memref_slice %arg6[%add3A_139, %dma_start3A_150] : memref<10240x128xf32, #tpu.memory_space<hbm>> -> memref<128x128xf32, #tpu.memory_space<hbm>>
        %dma_start3A_152 = arith.constant 0 : i32
        %dma_start3A_153 = tpu.memref_slice %arg6[%add3A_139, %dma_start3A_152] : memref<10240x128xf32, #tpu.memory_space<hbm>> -> memref<128x128xf32, #tpu.memory_space<hbm>>
        tpu.enqueue_dma source(%arg10 : memref<128x128xf32, #tpu.memory_space<vmem>>) target(%dma_start3A_153 : memref<128x128xf32, #tpu.memory_space<hbm>>) target_semaphore(%run_scoped3A : memref<!tpu.dma_semaphore, #tpu.memory_space<semaphore_mem>>)
        %dma_wait3A_154 = arith.constant 0 : i32
        %dma_wait3A_155 = tpu.memref_slice %arg6[%add3A_139, %dma_wait3A_154] : memref<10240x128xf32, #tpu.memory_space<hbm>> -> memref<128x128xf32, #tpu.memory_space<hbm>>
        %dma_wait3A_156 = arith.constant 0 : i32
        %dma_wait3A_157 = tpu.memref_slice %arg6[%add3A_139, %dma_wait3A_156] : memref<10240x128xf32, #tpu.memory_space<hbm>> -> memref<128x128xf32, #tpu.memory_space<hbm>>
        tpu.wait_dma2 semaphore(%run_scoped3A : memref<!tpu.dma_semaphore, #tpu.memory_space<semaphore_mem>>) src(%arg10 : memref<128x128xf32, #tpu.memory_space<vmem>>) dst(%dma_wait3A_157 : memref<128x128xf32, #tpu.memory_space<hbm>>)
        tpu.yield
      }) : () -> ()
    } else {
    }
    return
  }
}

#map = affine_map<(d0, d1) -> (0, 0)>
#map1 = affine_map<(d0, d1) -> (0)>
#map2 = affine_map<(d0, d1) -> (0, 0, 0)>
module attributes {stable_mosaic.version = 14 : i64} {
  func.func @_sc_agg_body(%arg0: i32, %arg1: i32, %arg2: memref<10240x128xf32, #tpu.memory_space<hbm>>, %arg3: memref<327680xi32, #tpu.memory_space<hbm>>, %arg4: memref<32x80x128xi32, #tpu.memory_space<hbm>>, %arg5: memref<10240x128xf32, #tpu.memory_space<hbm>>, %arg6: memref<10240x128xf32, #tpu.memory_space<hbm>>, %arg7: memref<128xi32, #tpu.memory_space<vmem>>, %arg8: memref<128xi32, #tpu.memory_space<vmem>>, %arg9: memref<80x128xi32, #tpu.memory_space<vmem>>, %arg10: memref<128x128xf32, #tpu.memory_space<vmem>>, %arg11: memref<128x128xf32, #tpu.memory_space<vmem>>, %arg12: memref<10240x128xf32, #tpu.memory_space<vmem_shared>>, %arg13: memref<!tpu.dma_semaphore, #tpu.memory_space<semaphore_mem>>, %arg14: memref<!tpu.dma_semaphore, #tpu.memory_space<semaphore_mem>>, %arg15: memref<!tpu.dma_semaphore, #tpu.memory_space<semaphore_mem>>, %arg16: memref<!tpu.dma_semaphore, #tpu.memory_space<semaphore_mem>>) attributes {dimension_semantics = [#tpu.dimension_semantics<core_parallel>, #tpu.dimension_semantics<subcore_parallel>], iteration_bounds = array<i64: 2, 16>, scalar_prefetch = 0 : i64, scratch_operands = 10 : i64, tpu.core_type = #tpu.core_type<sc_vector_subcore>, window_params = [{transform_indices = #map}, {transform_indices = #map1}, {transform_indices = #map2}, {transform_indices = #map}, {transform_indices = #map}]} {
    %mul3A = arith.constant 2 : i32
    %mul3A_0 = arith.muli %arg1, %mul3A : i32
    %add3A = arith.addi %mul3A_0, %arg0 : i32
    %scan3A = arith.constant 0 : i32
    %scan3A_1 = arith.constant 0 : i32
    %scan3A_2 = arith.constant 128 : i32
    %scan3A_3 = arith.addi %scan3A_1, %scan3A_2 : i32
    %scan3A_4 = arith.constant 1 : i32
    %scan3A_5 = scf.for %scan3A_150 = %scan3A_1 to %scan3A_3 step %scan3A_4 iter_args(%scan3A_151 = %scan3A) -> (i32)  : i32 {
      %broadcast_in_dim3A = arith.constant 0.000000e+00 : f32
      %broadcast_in_dim3A_152 = vector.broadcast %broadcast_in_dim3A : f32 to vector<16xf32>
      %swap3A = arith.index_cast %scan3A_150 : i32 to index
      %swap3A_153 = arith.constant 0 : index
      %swap3A_154 = tpu.vector_load %arg10[%swap3A, %swap3A_153] {strides = array<i32>} : memref<128x128xf32, #tpu.memory_space<vmem>>, vector<1x16xf32>,
      %swap3A_155 = vector.shape_cast %swap3A_154 : vector<1x16xf32> to vector<16xf32>
      %swap3A_156 = vector.shape_cast %broadcast_in_dim3A_152 : vector<16xf32> to vector<1x16xf32>
      tpu.vector_store %arg10[%swap3A, %swap3A_153], %swap3A_156 {strides = array<i32>} : memref<128x128xf32, #tpu.memory_space<vmem>>, vector<1x16xf32>,
      %broadcast_in_dim3A_157 = arith.constant 0.000000e+00 : f32
      %broadcast_in_dim3A_158 = vector.broadcast %broadcast_in_dim3A_157 : f32 to vector<16xf32>
      %swap3A_159 = arith.index_cast %scan3A_150 : i32 to index
      %swap3A_160 = arith.constant 16 : index
      %swap3A_161 = tpu.vector_load %arg10[%swap3A_159, %swap3A_160] {strides = array<i32>} : memref<128x128xf32, #tpu.memory_space<vmem>>, vector<1x16xf32>,
      %swap3A_162 = vector.shape_cast %swap3A_161 : vector<1x16xf32> to vector<16xf32>
      %swap3A_163 = vector.shape_cast %broadcast_in_dim3A_158 : vector<16xf32> to vector<1x16xf32>
      tpu.vector_store %arg10[%swap3A_159, %swap3A_160], %swap3A_163 {strides = array<i32>} : memref<128x128xf32, #tpu.memory_space<vmem>>, vector<1x16xf32>,
      %broadcast_in_dim3A_164 = arith.constant 0.000000e+00 : f32
      %broadcast_in_dim3A_165 = vector.broadcast %broadcast_in_dim3A_164 : f32 to vector<16xf32>
      %swap3A_166 = arith.index_cast %scan3A_150 : i32 to index
      %swap3A_167 = arith.constant 32 : index
      %swap3A_168 = tpu.vector_load %arg10[%swap3A_166, %swap3A_167] {strides = array<i32>} : memref<128x128xf32, #tpu.memory_space<vmem>>, vector<1x16xf32>,
      %swap3A_169 = vector.shape_cast %swap3A_168 : vector<1x16xf32> to vector<16xf32>
      %swap3A_170 = vector.shape_cast %broadcast_in_dim3A_165 : vector<16xf32> to vector<1x16xf32>
      tpu.vector_store %arg10[%swap3A_166, %swap3A_167], %swap3A_170 {strides = array<i32>} : memref<128x128xf32, #tpu.memory_space<vmem>>, vector<1x16xf32>,
      %broadcast_in_dim3A_171 = arith.constant 0.000000e+00 : f32
      %broadcast_in_dim3A_172 = vector.broadcast %broadcast_in_dim3A_171 : f32 to vector<16xf32>
      %swap3A_173 = arith.index_cast %scan3A_150 : i32 to index
      %swap3A_174 = arith.constant 48 : index
      %swap3A_175 = tpu.vector_load %arg10[%swap3A_173, %swap3A_174] {strides = array<i32>} : memref<128x128xf32, #tpu.memory_space<vmem>>, vector<1x16xf32>,
      %swap3A_176 = vector.shape_cast %swap3A_175 : vector<1x16xf32> to vector<16xf32>
      %swap3A_177 = vector.shape_cast %broadcast_in_dim3A_172 : vector<16xf32> to vector<1x16xf32>
      tpu.vector_store %arg10[%swap3A_173, %swap3A_174], %swap3A_177 {strides = array<i32>} : memref<128x128xf32, #tpu.memory_space<vmem>>, vector<1x16xf32>,
      %broadcast_in_dim3A_178 = arith.constant 0.000000e+00 : f32
      %broadcast_in_dim3A_179 = vector.broadcast %broadcast_in_dim3A_178 : f32 to vector<16xf32>
      %swap3A_180 = arith.index_cast %scan3A_150 : i32 to index
      %swap3A_181 = arith.constant 64 : index
      %swap3A_182 = tpu.vector_load %arg10[%swap3A_180, %swap3A_181] {strides = array<i32>} : memref<128x128xf32, #tpu.memory_space<vmem>>, vector<1x16xf32>,
      %swap3A_183 = vector.shape_cast %swap3A_182 : vector<1x16xf32> to vector<16xf32>
      %swap3A_184 = vector.shape_cast %broadcast_in_dim3A_179 : vector<16xf32> to vector<1x16xf32>
      tpu.vector_store %arg10[%swap3A_180, %swap3A_181], %swap3A_184 {strides = array<i32>} : memref<128x128xf32, #tpu.memory_space<vmem>>, vector<1x16xf32>,
      %broadcast_in_dim3A_185 = arith.constant 0.000000e+00 : f32
      %broadcast_in_dim3A_186 = vector.broadcast %broadcast_in_dim3A_185 : f32 to vector<16xf32>
      %swap3A_187 = arith.index_cast %scan3A_150 : i32 to index
      %swap3A_188 = arith.constant 80 : index
      %swap3A_189 = tpu.vector_load %arg10[%swap3A_187, %swap3A_188] {strides = array<i32>} : memref<128x128xf32, #tpu.memory_space<vmem>>, vector<1x16xf32>,
      %swap3A_190 = vector.shape_cast %swap3A_189 : vector<1x16xf32> to vector<16xf32>
      %swap3A_191 = vector.shape_cast %broadcast_in_dim3A_186 : vector<16xf32> to vector<1x16xf32>
      tpu.vector_store %arg10[%swap3A_187, %swap3A_188], %swap3A_191 {strides = array<i32>} : memref<128x128xf32, #tpu.memory_space<vmem>>, vector<1x16xf32>,
      %broadcast_in_dim3A_192 = arith.constant 0.000000e+00 : f32
      %broadcast_in_dim3A_193 = vector.broadcast %broadcast_in_dim3A_192 : f32 to vector<16xf32>
      %swap3A_194 = arith.index_cast %scan3A_150 : i32 to index
      %swap3A_195 = arith.constant 96 : index
      %swap3A_196 = tpu.vector_load %arg10[%swap3A_194, %swap3A_195] {strides = array<i32>} : memref<128x128xf32, #tpu.memory_space<vmem>>, vector<1x16xf32>,
      %swap3A_197 = vector.shape_cast %swap3A_196 : vector<1x16xf32> to vector<16xf32>
      %swap3A_198 = vector.shape_cast %broadcast_in_dim3A_193 : vector<16xf32> to vector<1x16xf32>
      tpu.vector_store %arg10[%swap3A_194, %swap3A_195], %swap3A_198 {strides = array<i32>} : memref<128x128xf32, #tpu.memory_space<vmem>>, vector<1x16xf32>,
      %broadcast_in_dim3A_199 = arith.constant 0.000000e+00 : f32
      %broadcast_in_dim3A_200 = vector.broadcast %broadcast_in_dim3A_199 : f32 to vector<16xf32>
      %swap3A_201 = arith.index_cast %scan3A_150 : i32 to index
      %swap3A_202 = arith.constant 112 : index
      %swap3A_203 = tpu.vector_load %arg10[%swap3A_201, %swap3A_202] {strides = array<i32>} : memref<128x128xf32, #tpu.memory_space<vmem>>, vector<1x16xf32>,
      %swap3A_204 = vector.shape_cast %swap3A_203 : vector<1x16xf32> to vector<16xf32>
      %swap3A_205 = vector.shape_cast %broadcast_in_dim3A_200 : vector<16xf32> to vector<1x16xf32>
      tpu.vector_store %arg10[%swap3A_201, %swap3A_202], %swap3A_205 {strides = array<i32>} : memref<128x128xf32, #tpu.memory_space<vmem>>, vector<1x16xf32>,
      %scan3A_206 = arith.constant 0 : i32
      scf.yield %scan3A_206 : i32
    }
    %scan3A_6 = arith.constant 128 : i32
    %mul3A_7 = arith.constant 640 : i32
    %mul3A_8 = arith.muli %arg1, %mul3A_7 : i32
    %add3A_9 = arith.constant 0 : i32
    %add3A_10 = arith.addi %mul3A_8, %add3A_9 : i32
    "tpu.region"() ({
      %run_scoped3A = tpu.sem_alloc : memref<!tpu.dma_semaphore, #tpu.memory_space<semaphore_mem>>
      %dma_start3A_150 = arith.constant 0 : i32
      %dma_start3A_151 = tpu.memref_slice %arg12[%add3A_10, %dma_start3A_150] : memref<10240x128xf32, #tpu.memory_space<vmem_shared>> -> memref<128x128xf32, #tpu.memory_space<vmem_shared>>
      %dma_start3A_152 = arith.constant 0 : i32
      %dma_start3A_153 = tpu.memref_slice %arg12[%add3A_10, %dma_start3A_152] : memref<10240x128xf32, #tpu.memory_space<vmem_shared>> -> memref<128x128xf32, #tpu.memory_space<vmem_shared>>
      tpu.enqueue_dma source(%arg10 : memref<128x128xf32, #tpu.memory_space<vmem>>) target(%dma_start3A_153 : memref<128x128xf32, #tpu.memory_space<vmem_shared>>) target_semaphore(%run_scoped3A : memref<!tpu.dma_semaphore, #tpu.memory_space<semaphore_mem>>)
      %dma_wait3A_154 = arith.constant 0 : i32
      %dma_wait3A_155 = tpu.memref_slice %arg12[%add3A_10, %dma_wait3A_154] : memref<10240x128xf32, #tpu.memory_space<vmem_shared>> -> memref<128x128xf32, #tpu.memory_space<vmem_shared>>
      %dma_wait3A_156 = arith.constant 0 : i32
      %dma_wait3A_157 = tpu.memref_slice %arg12[%add3A_10, %dma_wait3A_156] : memref<10240x128xf32, #tpu.memory_space<vmem_shared>> -> memref<128x128xf32, #tpu.memory_space<vmem_shared>>
      tpu.wait_dma2 semaphore(%run_scoped3A : memref<!tpu.dma_semaphore, #tpu.memory_space<semaphore_mem>>) src(%arg10 : memref<128x128xf32, #tpu.memory_space<vmem>>) dst(%dma_wait3A_157 : memref<128x128xf32, #tpu.memory_space<vmem_shared>>)
      tpu.yield
    }) : () -> ()
    %mul3A_11 = arith.constant 640 : i32
    %mul3A_12 = arith.muli %arg1, %mul3A_11 : i32
    %add3A_13 = arith.constant 128 : i32
    %add3A_14 = arith.addi %mul3A_12, %add3A_13 : i32
    "tpu.region"() ({
      %run_scoped3A = tpu.sem_alloc : memref<!tpu.dma_semaphore, #tpu.memory_space<semaphore_mem>>
      %dma_start3A_150 = arith.constant 0 : i32
      %dma_start3A_151 = tpu.memref_slice %arg12[%add3A_14, %dma_start3A_150] : memref<10240x128xf32, #tpu.memory_space<vmem_shared>> -> memref<128x128xf32, #tpu.memory_space<vmem_shared>>
      %dma_start3A_152 = arith.constant 0 : i32
      %dma_start3A_153 = tpu.memref_slice %arg12[%add3A_14, %dma_start3A_152] : memref<10240x128xf32, #tpu.memory_space<vmem_shared>> -> memref<128x128xf32, #tpu.memory_space<vmem_shared>>
      tpu.enqueue_dma source(%arg10 : memref<128x128xf32, #tpu.memory_space<vmem>>) target(%dma_start3A_153 : memref<128x128xf32, #tpu.memory_space<vmem_shared>>) target_semaphore(%run_scoped3A : memref<!tpu.dma_semaphore, #tpu.memory_space<semaphore_mem>>)
      %dma_wait3A_154 = arith.constant 0 : i32
      %dma_wait3A_155 = tpu.memref_slice %arg12[%add3A_14, %dma_wait3A_154] : memref<10240x128xf32, #tpu.memory_space<vmem_shared>> -> memref<128x128xf32, #tpu.memory_space<vmem_shared>>
      %dma_wait3A_156 = arith.constant 0 : i32
      %dma_wait3A_157 = tpu.memref_slice %arg12[%add3A_14, %dma_wait3A_156] : memref<10240x128xf32, #tpu.memory_space<vmem_shared>> -> memref<128x128xf32, #tpu.memory_space<vmem_shared>>
      tpu.wait_dma2 semaphore(%run_scoped3A : memref<!tpu.dma_semaphore, #tpu.memory_space<semaphore_mem>>) src(%arg10 : memref<128x128xf32, #tpu.memory_space<vmem>>) dst(%dma_wait3A_157 : memref<128x128xf32, #tpu.memory_space<vmem_shared>>)
      tpu.yield
    }) : () -> ()
    %mul3A_15 = arith.constant 640 : i32
    %mul3A_16 = arith.muli %arg1, %mul3A_15 : i32
    %add3A_17 = arith.constant 256 : i32
    %add3A_18 = arith.addi %mul3A_16, %add3A_17 : i32
    "tpu.region"() ({
      %run_scoped3A = tpu.sem_alloc : memref<!tpu.dma_semaphore, #tpu.memory_space<semaphore_mem>>
      %dma_start3A_150 = arith.constant 0 : i32
      %dma_start3A_151 = tpu.memref_slice %arg12[%add3A_18, %dma_start3A_150] : memref<10240x128xf32, #tpu.memory_space<vmem_shared>> -> memref<128x128xf32, #tpu.memory_space<vmem_shared>>
      %dma_start3A_152 = arith.constant 0 : i32
      %dma_start3A_153 = tpu.memref_slice %arg12[%add3A_18, %dma_start3A_152] : memref<10240x128xf32, #tpu.memory_space<vmem_shared>> -> memref<128x128xf32, #tpu.memory_space<vmem_shared>>
      tpu.enqueue_dma source(%arg10 : memref<128x128xf32, #tpu.memory_space<vmem>>) target(%dma_start3A_153 : memref<128x128xf32, #tpu.memory_space<vmem_shared>>) target_semaphore(%run_scoped3A : memref<!tpu.dma_semaphore, #tpu.memory_space<semaphore_mem>>)
      %dma_wait3A_154 = arith.constant 0 : i32
      %dma_wait3A_155 = tpu.memref_slice %arg12[%add3A_18, %dma_wait3A_154] : memref<10240x128xf32, #tpu.memory_space<vmem_shared>> -> memref<128x128xf32, #tpu.memory_space<vmem_shared>>
      %dma_wait3A_156 = arith.constant 0 : i32
      %dma_wait3A_157 = tpu.memref_slice %arg12[%add3A_18, %dma_wait3A_156] : memref<10240x128xf32, #tpu.memory_space<vmem_shared>> -> memref<128x128xf32, #tpu.memory_space<vmem_shared>>
      tpu.wait_dma2 semaphore(%run_scoped3A : memref<!tpu.dma_semaphore, #tpu.memory_space<semaphore_mem>>) src(%arg10 : memref<128x128xf32, #tpu.memory_space<vmem>>) dst(%dma_wait3A_157 : memref<128x128xf32, #tpu.memory_space<vmem_shared>>)
      tpu.yield
    }) : () -> ()
    %mul3A_19 = arith.constant 640 : i32
    %mul3A_20 = arith.muli %arg1, %mul3A_19 : i32
    %add3A_21 = arith.constant 384 : i32
    %add3A_22 = arith.addi %mul3A_20, %add3A_21 : i32
    "tpu.region"() ({
      %run_scoped3A = tpu.sem_alloc : memref<!tpu.dma_semaphore, #tpu.memory_space<semaphore_mem>>
      %dma_start3A_150 = arith.constant 0 : i32
      %dma_start3A_151 = tpu.memref_slice %arg12[%add3A_22, %dma_start3A_150] : memref<10240x128xf32, #tpu.memory_space<vmem_shared>> -> memref<128x128xf32, #tpu.memory_space<vmem_shared>>
      %dma_start3A_152 = arith.constant 0 : i32
      %dma_start3A_153 = tpu.memref_slice %arg12[%add3A_22, %dma_start3A_152] : memref<10240x128xf32, #tpu.memory_space<vmem_shared>> -> memref<128x128xf32, #tpu.memory_space<vmem_shared>>
      tpu.enqueue_dma source(%arg10 : memref<128x128xf32, #tpu.memory_space<vmem>>) target(%dma_start3A_153 : memref<128x128xf32, #tpu.memory_space<vmem_shared>>) target_semaphore(%run_scoped3A : memref<!tpu.dma_semaphore, #tpu.memory_space<semaphore_mem>>)
      %dma_wait3A_154 = arith.constant 0 : i32
      %dma_wait3A_155 = tpu.memref_slice %arg12[%add3A_22, %dma_wait3A_154] : memref<10240x128xf32, #tpu.memory_space<vmem_shared>> -> memref<128x128xf32, #tpu.memory_space<vmem_shared>>
      %dma_wait3A_156 = arith.constant 0 : i32
      %dma_wait3A_157 = tpu.memref_slice %arg12[%add3A_22, %dma_wait3A_156] : memref<10240x128xf32, #tpu.memory_space<vmem_shared>> -> memref<128x128xf32, #tpu.memory_space<vmem_shared>>
      tpu.wait_dma2 semaphore(%run_scoped3A : memref<!tpu.dma_semaphore, #tpu.memory_space<semaphore_mem>>) src(%arg10 : memref<128x128xf32, #tpu.memory_space<vmem>>) dst(%dma_wait3A_157 : memref<128x128xf32, #tpu.memory_space<vmem_shared>>)
      tpu.yield
    }) : () -> ()
    %mul3A_23 = arith.constant 640 : i32
    %mul3A_24 = arith.muli %arg1, %mul3A_23 : i32
    %add3A_25 = arith.constant 512 : i32
    %add3A_26 = arith.addi %mul3A_24, %add3A_25 : i32
    "tpu.region"() ({
      %run_scoped3A = tpu.sem_alloc : memref<!tpu.dma_semaphore, #tpu.memory_space<semaphore_mem>>
      %dma_start3A_150 = arith.constant 0 : i32
      %dma_start3A_151 = tpu.memref_slice %arg12[%add3A_26, %dma_start3A_150] : memref<10240x128xf32, #tpu.memory_space<vmem_shared>> -> memref<128x128xf32, #tpu.memory_space<vmem_shared>>
      %dma_start3A_152 = arith.constant 0 : i32
      %dma_start3A_153 = tpu.memref_slice %arg12[%add3A_26, %dma_start3A_152] : memref<10240x128xf32, #tpu.memory_space<vmem_shared>> -> memref<128x128xf32, #tpu.memory_space<vmem_shared>>
      tpu.enqueue_dma source(%arg10 : memref<128x128xf32, #tpu.memory_space<vmem>>) target(%dma_start3A_153 : memref<128x128xf32, #tpu.memory_space<vmem_shared>>) target_semaphore(%run_scoped3A : memref<!tpu.dma_semaphore, #tpu.memory_space<semaphore_mem>>)
      %dma_wait3A_154 = arith.constant 0 : i32
      %dma_wait3A_155 = tpu.memref_slice %arg12[%add3A_26, %dma_wait3A_154] : memref<10240x128xf32, #tpu.memory_space<vmem_shared>> -> memref<128x128xf32, #tpu.memory_space<vmem_shared>>
      %dma_wait3A_156 = arith.constant 0 : i32
      %dma_wait3A_157 = tpu.memref_slice %arg12[%add3A_26, %dma_wait3A_156] : memref<10240x128xf32, #tpu.memory_space<vmem_shared>> -> memref<128x128xf32, #tpu.memory_space<vmem_shared>>
      tpu.wait_dma2 semaphore(%run_scoped3A : memref<!tpu.dma_semaphore, #tpu.memory_space<semaphore_mem>>) src(%arg10 : memref<128x128xf32, #tpu.memory_space<vmem>>) dst(%dma_wait3A_157 : memref<128x128xf32, #tpu.memory_space<vmem_shared>>)
      tpu.yield
    }) : () -> ()
    "tpu.region"() ({
      %run_scoped3A = tpu.sem_alloc : memref<!tpu.dma_semaphore, #tpu.memory_space<semaphore_mem>>
      %dma_start3A_150 = arith.constant 0 : i32
      %dma_start3A_151 = arith.constant 0 : i32
      %dma_start3A_152 = tpu.memref_slice %arg4[%add3A, %dma_start3A_150, %dma_start3A_151] : memref<32x80x128xi32, #tpu.memory_space<hbm>> -> memref<1x80x128xi32, #tpu.memory_space<hbm>>
      %dma_start3A_153 = tpu.memref_squeeze %dma_start3A_152 : memref<1x80x128xi32, #tpu.memory_space<hbm>> -> memref<80x128xi32, #tpu.memory_space<hbm>>
      %dma_start3A_154 = arith.constant 0 : i32
      %dma_start3A_155 = arith.constant 0 : i32
      %dma_start3A_156 = tpu.memref_slice %arg4[%add3A, %dma_start3A_154, %dma_start3A_155] : memref<32x80x128xi32, #tpu.memory_space<hbm>> -> memref<1x80x128xi32, #tpu.memory_space<hbm>>
      %dma_start3A_157 = tpu.memref_squeeze %dma_start3A_156 : memref<1x80x128xi32, #tpu.memory_space<hbm>> -> memref<80x128xi32, #tpu.memory_space<hbm>>
      tpu.enqueue_dma source(%dma_start3A_157 : memref<80x128xi32, #tpu.memory_space<hbm>>) target(%arg9 : memref<80x128xi32, #tpu.memory_space<vmem>>) target_semaphore(%run_scoped3A : memref<!tpu.dma_semaphore, #tpu.memory_space<semaphore_mem>>)
      %dma_wait3A_158 = arith.constant 0 : i32
      %dma_wait3A_159 = arith.constant 0 : i32
      %dma_wait3A_160 = tpu.memref_slice %arg4[%add3A, %dma_wait3A_158, %dma_wait3A_159] : memref<32x80x128xi32, #tpu.memory_space<hbm>> -> memref<1x80x128xi32, #tpu.memory_space<hbm>>
      %dma_wait3A_161 = tpu.memref_squeeze %dma_wait3A_160 : memref<1x80x128xi32, #tpu.memory_space<hbm>> -> memref<80x128xi32, #tpu.memory_space<hbm>>
      %dma_wait3A_162 = arith.constant 0 : i32
      %dma_wait3A_163 = arith.constant 0 : i32
      %dma_wait3A_164 = tpu.memref_slice %arg4[%add3A, %dma_wait3A_162, %dma_wait3A_163] : memref<32x80x128xi32, #tpu.memory_space<hbm>> -> memref<1x80x128xi32, #tpu.memory_space<hbm>>
      %dma_wait3A_165 = tpu.memref_squeeze %dma_wait3A_164 : memref<1x80x128xi32, #tpu.memory_space<hbm>> -> memref<80x128xi32, #tpu.memory_space<hbm>>
      tpu.wait_dma2 semaphore(%run_scoped3A : memref<!tpu.dma_semaphore, #tpu.memory_space<semaphore_mem>>) src(%dma_wait3A_165 : memref<80x128xi32, #tpu.memory_space<hbm>>) dst(%arg9 : memref<80x128xi32, #tpu.memory_space<vmem>>)
      tpu.yield
    }) : () -> ()
    %barrier3A = arith.constant 0 : index
    tpu.barrier barrier_id(%barrier3A)
    %mul3A_27 = arith.constant 10240 : i32
    %mul3A_28 = arith.muli %add3A, %mul3A_27 : i32
    %add3A_29 = arith.constant 0 : i32
    %add3A_30 = arith.addi %mul3A_28, %add3A_29 : i32
    "tpu.region"() ({
      %run_scoped3A = tpu.sem_alloc : memref<!tpu.dma_semaphore, #tpu.memory_space<semaphore_mem>>
      %dma_start3A_150 = tpu.memref_slice %arg3[%add3A_30] : memref<327680xi32, #tpu.memory_space<hbm>> -> memref<128xi32, #tpu.memory_space<hbm>>
      %dma_start3A_151 = tpu.memref_slice %arg3[%add3A_30] : memref<327680xi32, #tpu.memory_space<hbm>> -> memref<128xi32, #tpu.memory_space<hbm>>
      tpu.enqueue_dma source(%dma_start3A_151 : memref<128xi32, #tpu.memory_space<hbm>>) target(%arg7 : memref<128xi32, #tpu.memory_space<vmem>>) target_semaphore(%run_scoped3A : memref<!tpu.dma_semaphore, #tpu.memory_space<semaphore_mem>>)
      %dma_wait3A_152 = tpu.memref_slice %arg3[%add3A_30] : memref<327680xi32, #tpu.memory_space<hbm>> -> memref<128xi32, #tpu.memory_space<hbm>>
      %dma_wait3A_153 = tpu.memref_slice %arg3[%add3A_30] : memref<327680xi32, #tpu.memory_space<hbm>> -> memref<128xi32, #tpu.memory_space<hbm>>
      tpu.wait_dma2 semaphore(%run_scoped3A : memref<!tpu.dma_semaphore, #tpu.memory_space<semaphore_mem>>) src(%dma_wait3A_153 : memref<128xi32, #tpu.memory_space<hbm>>) dst(%arg7 : memref<128xi32, #tpu.memory_space<vmem>>)
      tpu.yield
    }) : () -> ()
    %dma_start3A = arith.constant 0 : i32
    %dma_start3A_31 = arith.constant 0 : i32
    %dma_start3A_32 = tpu.memref_slice %arg2[%dma_start3A, %dma_start3A_31] : memref<10240x128xf32, #tpu.memory_space<hbm>> -> memref<10240x128xf32, #tpu.memory_space<hbm>>
    tpu.enqueue_indirect_dma source(%dma_start3A_32 : memref<10240x128xf32, #tpu.memory_space<hbm>>) target(%arg10 : memref<128x128xf32, #tpu.memory_space<vmem>>) offsets(%arg7 : memref<128xi32, #tpu.memory_space<vmem>>) semaphore(%arg13 : memref<!tpu.dma_semaphore, #tpu.memory_space<semaphore_mem>>)
    %add3A_33 = arith.constant 128 : i32
    %add3A_34 = arith.addi %mul3A_28, %add3A_33 : i32
    "tpu.region"() ({
      %run_scoped3A = tpu.sem_alloc : memref<!tpu.dma_semaphore, #tpu.memory_space<semaphore_mem>>
      %dma_start3A_150 = tpu.memref_slice %arg3[%add3A_34] : memref<327680xi32, #tpu.memory_space<hbm>> -> memref<128xi32, #tpu.memory_space<hbm>>
      %dma_start3A_151 = tpu.memref_slice %arg3[%add3A_34] : memref<327680xi32, #tpu.memory_space<hbm>> -> memref<128xi32, #tpu.memory_space<hbm>>
      tpu.enqueue_dma source(%dma_start3A_151 : memref<128xi32, #tpu.memory_space<hbm>>) target(%arg8 : memref<128xi32, #tpu.memory_space<vmem>>) target_semaphore(%run_scoped3A : memref<!tpu.dma_semaphore, #tpu.memory_space<semaphore_mem>>)
      %dma_wait3A_152 = tpu.memref_slice %arg3[%add3A_34] : memref<327680xi32, #tpu.memory_space<hbm>> -> memref<128xi32, #tpu.memory_space<hbm>>
      %dma_wait3A_153 = tpu.memref_slice %arg3[%add3A_34] : memref<327680xi32, #tpu.memory_space<hbm>> -> memref<128xi32, #tpu.memory_space<hbm>>
      tpu.wait_dma2 semaphore(%run_scoped3A : memref<!tpu.dma_semaphore, #tpu.memory_space<semaphore_mem>>) src(%dma_wait3A_153 : memref<128xi32, #tpu.memory_space<hbm>>) dst(%arg8 : memref<128xi32, #tpu.memory_space<vmem>>)
      tpu.yield
    }) : () -> ()
    %dma_start3A_35 = arith.constant 0 : i32
    %dma_start3A_36 = arith.constant 0 : i32
    %dma_start3A_37 = tpu.memref_slice %arg2[%dma_start3A_35, %dma_start3A_36] : memref<10240x128xf32, #tpu.memory_space<hbm>> -> memref<10240x128xf32, #tpu.memory_space<hbm>>
    tpu.enqueue_indirect_dma source(%dma_start3A_37 : memref<10240x128xf32, #tpu.memory_space<hbm>>) target(%arg11 : memref<128x128xf32, #tpu.memory_space<vmem>>) offsets(%arg8 : memref<128xi32, #tpu.memory_space<vmem>>) semaphore(%arg14 : memref<!tpu.dma_semaphore, #tpu.memory_space<semaphore_mem>>)
    %scan3A_38 = arith.constant 0 : i32
    %scan3A_39 = arith.constant 0 : i32
    %scan3A_40 = arith.constant 39 : i32
    %scan3A_41 = arith.addi %scan3A_39, %scan3A_40 : i32
    %scan3A_42 = arith.constant 1 : i32
    %scan3A_43 = scf.for %scan3A_150 = %scan3A_39 to %scan3A_41 step %scan3A_42 iter_args(%scan3A_151 = %scan3A_38) -> (i32)  : i32 {
      %mul3A_152 = arith.constant 2 : i32
      %mul3A_153 = arith.muli %mul3A_152, %scan3A_150 : i32
      %dma_wait3A_154 = arith.constant 0 : i32
      %dma_wait3A_155 = arith.constant 0 : i32
      %dma_wait3A_156 = tpu.memref_slice %arg2[%dma_wait3A_154, %dma_wait3A_155] : memref<10240x128xf32, #tpu.memory_space<hbm>> -> memref<128x128xf32, #tpu.memory_space<hbm>>
      %dma_wait3A_157 = arith.constant 0 : i32
      %dma_wait3A_158 = arith.constant 0 : i32
      %dma_wait3A_159 = tpu.memref_slice %arg2[%dma_wait3A_157, %dma_wait3A_158] : memref<10240x128xf32, #tpu.memory_space<hbm>> -> memref<128x128xf32, #tpu.memory_space<hbm>>
      tpu.wait_dma2 semaphore(%arg13 : memref<!tpu.dma_semaphore, #tpu.memory_space<semaphore_mem>>) src(%dma_wait3A_159 : memref<128x128xf32, #tpu.memory_space<hbm>>) dst(%arg10 : memref<128x128xf32, #tpu.memory_space<vmem>>)
      %dma_start3A_160 = arith.constant 0 : i32
      %dma_start3A_161 = tpu.memref_slice %arg9[%mul3A_153, %dma_start3A_160] : memref<80x128xi32, #tpu.memory_space<vmem>> -> memref<1x128xi32, #tpu.memory_space<vmem>>
      %dma_start3A_162 = tpu.memref_squeeze %dma_start3A_161 : memref<1x128xi32, #tpu.memory_space<vmem>> -> memref<128xi32, #tpu.memory_space<vmem>>
      %dma_start3A_163 = arith.constant 0 : i32
      %dma_start3A_164 = arith.constant 0 : i32
      %dma_start3A_165 = tpu.memref_slice %arg12[%dma_start3A_163, %dma_start3A_164] : memref<10240x128xf32, #tpu.memory_space<vmem_shared>> -> memref<10240x128xf32, #tpu.memory_space<vmem_shared>>
      tpu.enqueue_indirect_dma source(%arg10 : memref<128x128xf32, #tpu.memory_space<vmem>>) target(%dma_start3A_165 : memref<10240x128xf32, #tpu.memory_space<vmem_shared>>) offsets(%dma_start3A_162 : memref<128xi32, #tpu.memory_space<vmem>>) semaphore(%arg15 : memref<!tpu.dma_semaphore, #tpu.memory_space<semaphore_mem>>) {add = true}
      %dma_wait3A_166 = arith.constant 0 : i32
      %dma_wait3A_167 = arith.constant 0 : i32
      %dma_wait3A_168 = tpu.memref_slice %arg2[%dma_wait3A_166, %dma_wait3A_167] : memref<10240x128xf32, #tpu.memory_space<hbm>> -> memref<128x128xf32, #tpu.memory_space<hbm>>
      %dma_wait3A_169 = arith.constant 0 : i32
      %dma_wait3A_170 = arith.constant 0 : i32
      %dma_wait3A_171 = tpu.memref_slice %arg2[%dma_wait3A_169, %dma_wait3A_170] : memref<10240x128xf32, #tpu.memory_space<hbm>> -> memref<128x128xf32, #tpu.memory_space<hbm>>
      tpu.wait_dma2 semaphore(%arg14 : memref<!tpu.dma_semaphore, #tpu.memory_space<semaphore_mem>>) src(%dma_wait3A_171 : memref<128x128xf32, #tpu.memory_space<hbm>>) dst(%arg11 : memref<128x128xf32, #tpu.memory_space<vmem>>)
      %add3A_172 = arith.constant 1 : i32
      %add3A_173 = arith.addi %mul3A_153, %add3A_172 : i32
      %dma_start3A_174 = arith.constant 0 : i32
      %dma_start3A_175 = tpu.memref_slice %arg9[%add3A_173, %dma_start3A_174] : memref<80x128xi32, #tpu.memory_space<vmem>> -> memref<1x128xi32, #tpu.memory_space<vmem>>
      %dma_start3A_176 = tpu.memref_squeeze %dma_start3A_175 : memref<1x128xi32, #tpu.memory_space<vmem>> -> memref<128xi32, #tpu.memory_space<vmem>>
      %dma_start3A_177 = arith.constant 0 : i32
      %dma_start3A_178 = arith.constant 0 : i32
      %dma_start3A_179 = tpu.memref_slice %arg12[%dma_start3A_177, %dma_start3A_178] : memref<10240x128xf32, #tpu.memory_space<vmem_shared>> -> memref<10240x128xf32, #tpu.memory_space<vmem_shared>>
      tpu.enqueue_indirect_dma source(%arg11 : memref<128x128xf32, #tpu.memory_space<vmem>>) target(%dma_start3A_179 : memref<10240x128xf32, #tpu.memory_space<vmem_shared>>) offsets(%dma_start3A_176 : memref<128xi32, #tpu.memory_space<vmem>>) semaphore(%arg16 : memref<!tpu.dma_semaphore, #tpu.memory_space<semaphore_mem>>) {add = true}
      %dma_wait3A_180 = arith.constant 0 : i32
      %dma_wait3A_181 = arith.constant 0 : i32
      %dma_wait3A_182 = tpu.memref_slice %arg12[%dma_wait3A_180, %dma_wait3A_181] : memref<10240x128xf32, #tpu.memory_space<vmem_shared>> -> memref<128x128xf32, #tpu.memory_space<vmem_shared>>
      %dma_wait3A_183 = arith.constant 0 : i32
      %dma_wait3A_184 = arith.constant 0 : i32
      %dma_wait3A_185 = tpu.memref_slice %arg12[%dma_wait3A_183, %dma_wait3A_184] : memref<10240x128xf32, #tpu.memory_space<vmem_shared>> -> memref<128x128xf32, #tpu.memory_space<vmem_shared>>
      tpu.wait_dma2 semaphore(%arg15 : memref<!tpu.dma_semaphore, #tpu.memory_space<semaphore_mem>>) src(%arg10 : memref<128x128xf32, #tpu.memory_space<vmem>>) dst(%dma_wait3A_185 : memref<128x128xf32, #tpu.memory_space<vmem_shared>>)
      %add3A_186 = arith.constant 2 : i32
      %add3A_187 = arith.addi %mul3A_153, %add3A_186 : i32
      %mul3A_188 = arith.constant 128 : i32
      %mul3A_189 = arith.muli %add3A_187, %mul3A_188 : i32
      %add3A_190 = arith.addi %mul3A_28, %mul3A_189 : i32
      "tpu.region"() ({
        %run_scoped3A = tpu.sem_alloc : memref<!tpu.dma_semaphore, #tpu.memory_space<semaphore_mem>>
        %dma_start3A_209 = tpu.memref_slice %arg3[%add3A_190] : memref<327680xi32, #tpu.memory_space<hbm>> -> memref<128xi32, #tpu.memory_space<hbm>>
        %dma_start3A_210 = tpu.memref_slice %arg3[%add3A_190] : memref<327680xi32, #tpu.memory_space<hbm>> -> memref<128xi32, #tpu.memory_space<hbm>>
        tpu.enqueue_dma source(%dma_start3A_210 : memref<128xi32, #tpu.memory_space<hbm>>) target(%arg7 : memref<128xi32, #tpu.memory_space<vmem>>) target_semaphore(%run_scoped3A : memref<!tpu.dma_semaphore, #tpu.memory_space<semaphore_mem>>)
        %dma_wait3A_211 = tpu.memref_slice %arg3[%add3A_190] : memref<327680xi32, #tpu.memory_space<hbm>> -> memref<128xi32, #tpu.memory_space<hbm>>
        %dma_wait3A_212 = tpu.memref_slice %arg3[%add3A_190] : memref<327680xi32, #tpu.memory_space<hbm>> -> memref<128xi32, #tpu.memory_space<hbm>>
        tpu.wait_dma2 semaphore(%run_scoped3A : memref<!tpu.dma_semaphore, #tpu.memory_space<semaphore_mem>>) src(%dma_wait3A_212 : memref<128xi32, #tpu.memory_space<hbm>>) dst(%arg7 : memref<128xi32, #tpu.memory_space<vmem>>)
        tpu.yield
      }) : () -> ()
      %dma_start3A_191 = arith.constant 0 : i32
      %dma_start3A_192 = arith.constant 0 : i32
      %dma_start3A_193 = tpu.memref_slice %arg2[%dma_start3A_191, %dma_start3A_192] : memref<10240x128xf32, #tpu.memory_space<hbm>> -> memref<10240x128xf32, #tpu.memory_space<hbm>>
      tpu.enqueue_indirect_dma source(%dma_start3A_193 : memref<10240x128xf32, #tpu.memory_space<hbm>>) target(%arg10 : memref<128x128xf32, #tpu.memory_space<vmem>>) offsets(%arg7 : memref<128xi32, #tpu.memory_space<vmem>>) semaphore(%arg13 : memref<!tpu.dma_semaphore, #tpu.memory_space<semaphore_mem>>)
      %dma_wait3A_194 = arith.constant 0 : i32
      %dma_wait3A_195 = arith.constant 0 : i32
      %dma_wait3A_196 = tpu.memref_slice %arg12[%dma_wait3A_194, %dma_wait3A_195] : memref<10240x128xf32, #tpu.memory_space<vmem_shared>> -> memref<128x128xf32, #tpu.memory_space<vmem_shared>>
      %dma_wait3A_197 = arith.constant 0 : i32
      %dma_wait3A_198 = arith.constant 0 : i32
      %dma_wait3A_199 = tpu.memref_slice %arg12[%dma_wait3A_197, %dma_wait3A_198] : memref<10240x128xf32, #tpu.memory_space<vmem_shared>> -> memref<128x128xf32, #tpu.memory_space<vmem_shared>>
      tpu.wait_dma2 semaphore(%arg16 : memref<!tpu.dma_semaphore, #tpu.memory_space<semaphore_mem>>) src(%arg11 : memref<128x128xf32, #tpu.memory_space<vmem>>) dst(%dma_wait3A_199 : memref<128x128xf32, #tpu.memory_space<vmem_shared>>)
      %add3A_200 = arith.constant 3 : i32
      %add3A_201 = arith.addi %mul3A_153, %add3A_200 : i32
      %mul3A_202 = arith.constant 128 : i32
      %mul3A_203 = arith.muli %add3A_201, %mul3A_202 : i32
      %add3A_204 = arith.addi %mul3A_28, %mul3A_203 : i32
      "tpu.region"() ({
        %run_scoped3A = tpu.sem_alloc : memref<!tpu.dma_semaphore, #tpu.memory_space<semaphore_mem>>
        %dma_start3A_209 = tpu.memref_slice %arg3[%add3A_204] : memref<327680xi32, #tpu.memory_space<hbm>> -> memref<128xi32, #tpu.memory_space<hbm>>
        %dma_start3A_210 = tpu.memref_slice %arg3[%add3A_204] : memref<327680xi32, #tpu.memory_space<hbm>> -> memref<128xi32, #tpu.memory_space<hbm>>
        tpu.enqueue_dma source(%dma_start3A_210 : memref<128xi32, #tpu.memory_space<hbm>>) target(%arg8 : memref<128xi32, #tpu.memory_space<vmem>>) target_semaphore(%run_scoped3A : memref<!tpu.dma_semaphore, #tpu.memory_space<semaphore_mem>>)
        %dma_wait3A_211 = tpu.memref_slice %arg3[%add3A_204] : memref<327680xi32, #tpu.memory_space<hbm>> -> memref<128xi32, #tpu.memory_space<hbm>>
        %dma_wait3A_212 = tpu.memref_slice %arg3[%add3A_204] : memref<327680xi32, #tpu.memory_space<hbm>> -> memref<128xi32, #tpu.memory_space<hbm>>
        tpu.wait_dma2 semaphore(%run_scoped3A : memref<!tpu.dma_semaphore, #tpu.memory_space<semaphore_mem>>) src(%dma_wait3A_212 : memref<128xi32, #tpu.memory_space<hbm>>) dst(%arg8 : memref<128xi32, #tpu.memory_space<vmem>>)
        tpu.yield
      }) : () -> ()
      %dma_start3A_205 = arith.constant 0 : i32
      %dma_start3A_206 = arith.constant 0 : i32
      %dma_start3A_207 = tpu.memref_slice %arg2[%dma_start3A_205, %dma_start3A_206] : memref<10240x128xf32, #tpu.memory_space<hbm>> -> memref<10240x128xf32, #tpu.memory_space<hbm>>
      tpu.enqueue_indirect_dma source(%dma_start3A_207 : memref<10240x128xf32, #tpu.memory_space<hbm>>) target(%arg11 : memref<128x128xf32, #tpu.memory_space<vmem>>) offsets(%arg8 : memref<128xi32, #tpu.memory_space<vmem>>) semaphore(%arg14 : memref<!tpu.dma_semaphore, #tpu.memory_space<semaphore_mem>>)
      %scan3A_208 = arith.constant 0 : i32
      scf.yield %scan3A_208 : i32
    }
    %scan3A_44 = arith.constant 39 : i32
    %dma_wait3A = arith.constant 0 : i32
    %dma_wait3A_45 = arith.constant 0 : i32
    %dma_wait3A_46 = tpu.memref_slice %arg2[%dma_wait3A, %dma_wait3A_45] : memref<10240x128xf32, #tpu.memory_space<hbm>> -> memref<128x128xf32, #tpu.memory_space<hbm>>
    %dma_wait3A_47 = arith.constant 0 : i32
    %dma_wait3A_48 = arith.constant 0 : i32
    %dma_wait3A_49 = tpu.memref_slice %arg2[%dma_wait3A_47, %dma_wait3A_48] : memref<10240x128xf32, #tpu.memory_space<hbm>> -> memref<128x128xf32, #tpu.memory_space<hbm>>
    tpu.wait_dma2 semaphore(%arg13 : memref<!tpu.dma_semaphore, #tpu.memory_space<semaphore_mem>>) src(%dma_wait3A_49 : memref<128x128xf32, #tpu.memory_space<hbm>>) dst(%arg10 : memref<128x128xf32, #tpu.memory_space<vmem>>)
    %dma_start3A_50 = arith.constant 78 : i32
    %dma_start3A_51 = arith.constant 0 : i32
    %dma_start3A_52 = tpu.memref_slice %arg9[%dma_start3A_50, %dma_start3A_51] : memref<80x128xi32, #tpu.memory_space<vmem>> -> memref<1x128xi32, #tpu.memory_space<vmem>>
    %dma_start3A_53 = tpu.memref_squeeze %dma_start3A_52 : memref<1x128xi32, #tpu.memory_space<vmem>> -> memref<128xi32, #tpu.memory_space<vmem>>
    %dma_start3A_54 = arith.constant 0 : i32
    %dma_start3A_55 = arith.constant 0 : i32
    %dma_start3A_56 = tpu.memref_slice %arg12[%dma_start3A_54, %dma_start3A_55] : memref<10240x128xf32, #tpu.memory_space<vmem_shared>> -> memref<10240x128xf32, #tpu.memory_space<vmem_shared>>
    tpu.enqueue_indirect_dma source(%arg10 : memref<128x128xf32, #tpu.memory_space<vmem>>) target(%dma_start3A_56 : memref<10240x128xf32, #tpu.memory_space<vmem_shared>>) offsets(%dma_start3A_53 : memref<128xi32, #tpu.memory_space<vmem>>) semaphore(%arg15 : memref<!tpu.dma_semaphore, #tpu.memory_space<semaphore_mem>>) {add = true}
    %dma_wait3A_57 = arith.constant 0 : i32
    %dma_wait3A_58 = arith.constant 0 : i32
    %dma_wait3A_59 = tpu.memref_slice %arg2[%dma_wait3A_57, %dma_wait3A_58] : memref<10240x128xf32, #tpu.memory_space<hbm>> -> memref<128x128xf32, #tpu.memory_space<hbm>>
    %dma_wait3A_60 = arith.constant 0 : i32
    %dma_wait3A_61 = arith.constant 0 : i32
    %dma_wait3A_62 = tpu.memref_slice %arg2[%dma_wait3A_60, %dma_wait3A_61] : memref<10240x128xf32, #tpu.memory_space<hbm>> -> memref<128x128xf32, #tpu.memory_space<hbm>>
    tpu.wait_dma2 semaphore(%arg14 : memref<!tpu.dma_semaphore, #tpu.memory_space<semaphore_mem>>) src(%dma_wait3A_62 : memref<128x128xf32, #tpu.memory_space<hbm>>) dst(%arg11 : memref<128x128xf32, #tpu.memory_space<vmem>>)
    %dma_start3A_63 = arith.constant 79 : i32
    %dma_start3A_64 = arith.constant 0 : i32
    %dma_start3A_65 = tpu.memref_slice %arg9[%dma_start3A_63, %dma_start3A_64] : memref<80x128xi32, #tpu.memory_space<vmem>> -> memref<1x128xi32, #tpu.memory_space<vmem>>
    %dma_start3A_66 = tpu.memref_squeeze %dma_start3A_65 : memref<1x128xi32, #tpu.memory_space<vmem>> -> memref<128xi32, #tpu.memory_space<vmem>>
    %dma_start3A_67 = arith.constant 0 : i32
    %dma_start3A_68 = arith.constant 0 : i32
    %dma_start3A_69 = tpu.memref_slice %arg12[%dma_start3A_67, %dma_start3A_68] : memref<10240x128xf32, #tpu.memory_space<vmem_shared>> -> memref<10240x128xf32, #tpu.memory_space<vmem_shared>>
    tpu.enqueue_indirect_dma source(%arg11 : memref<128x128xf32, #tpu.memory_space<vmem>>) target(%dma_start3A_69 : memref<10240x128xf32, #tpu.memory_space<vmem_shared>>) offsets(%dma_start3A_66 : memref<128xi32, #tpu.memory_space<vmem>>) semaphore(%arg16 : memref<!tpu.dma_semaphore, #tpu.memory_space<semaphore_mem>>) {add = true}
    %dma_wait3A_70 = arith.constant 0 : i32
    %dma_wait3A_71 = arith.constant 0 : i32
    %dma_wait3A_72 = tpu.memref_slice %arg12[%dma_wait3A_70, %dma_wait3A_71] : memref<10240x128xf32, #tpu.memory_space<vmem_shared>> -> memref<128x128xf32, #tpu.memory_space<vmem_shared>>
    %dma_wait3A_73 = arith.constant 0 : i32
    %dma_wait3A_74 = arith.constant 0 : i32
    %dma_wait3A_75 = tpu.memref_slice %arg12[%dma_wait3A_73, %dma_wait3A_74] : memref<10240x128xf32, #tpu.memory_space<vmem_shared>> -> memref<128x128xf32, #tpu.memory_space<vmem_shared>>
    tpu.wait_dma2 semaphore(%arg15 : memref<!tpu.dma_semaphore, #tpu.memory_space<semaphore_mem>>) src(%arg10 : memref<128x128xf32, #tpu.memory_space<vmem>>) dst(%dma_wait3A_75 : memref<128x128xf32, #tpu.memory_space<vmem_shared>>)
    %dma_wait3A_76 = arith.constant 0 : i32
    %dma_wait3A_77 = arith.constant 0 : i32
    %dma_wait3A_78 = tpu.memref_slice %arg12[%dma_wait3A_76, %dma_wait3A_77] : memref<10240x128xf32, #tpu.memory_space<vmem_shared>> -> memref<128x128xf32, #tpu.memory_space<vmem_shared>>
    %dma_wait3A_79 = arith.constant 0 : i32
    %dma_wait3A_80 = arith.constant 0 : i32
    %dma_wait3A_81 = tpu.memref_slice %arg12[%dma_wait3A_79, %dma_wait3A_80] : memref<10240x128xf32, #tpu.memory_space<vmem_shared>> -> memref<128x128xf32, #tpu.memory_space<vmem_shared>>
    tpu.wait_dma2 semaphore(%arg16 : memref<!tpu.dma_semaphore, #tpu.memory_space<semaphore_mem>>) src(%arg11 : memref<128x128xf32, #tpu.memory_space<vmem>>) dst(%dma_wait3A_81 : memref<128x128xf32, #tpu.memory_space<vmem_shared>>)
    %barrier3A_82 = arith.constant 0 : index
    tpu.barrier barrier_id(%barrier3A_82)
    %mul3A_83 = arith.constant 640 : i32
    %mul3A_84 = arith.muli %arg1, %mul3A_83 : i32
    %add3A_85 = arith.constant 0 : i32
    %add3A_86 = arith.addi %mul3A_84, %add3A_85 : i32
    "tpu.region"() ({
      %run_scoped3A = tpu.sem_alloc : memref<!tpu.dma_semaphore, #tpu.memory_space<semaphore_mem>>
      %dma_start3A_150 = arith.constant 0 : i32
      %dma_start3A_151 = tpu.memref_slice %arg12[%add3A_86, %dma_start3A_150] : memref<10240x128xf32, #tpu.memory_space<vmem_shared>> -> memref<128x128xf32, #tpu.memory_space<vmem_shared>>
      %dma_start3A_152 = arith.constant 0 : i32
      %dma_start3A_153 = tpu.memref_slice %arg12[%add3A_86, %dma_start3A_152] : memref<10240x128xf32, #tpu.memory_space<vmem_shared>> -> memref<128x128xf32, #tpu.memory_space<vmem_shared>>
      tpu.enqueue_dma source(%dma_start3A_153 : memref<128x128xf32, #tpu.memory_space<vmem_shared>>) target(%arg10 : memref<128x128xf32, #tpu.memory_space<vmem>>) target_semaphore(%run_scoped3A : memref<!tpu.dma_semaphore, #tpu.memory_space<semaphore_mem>>)
      %dma_wait3A_154 = arith.constant 0 : i32
      %dma_wait3A_155 = tpu.memref_slice %arg12[%add3A_86, %dma_wait3A_154] : memref<10240x128xf32, #tpu.memory_space<vmem_shared>> -> memref<128x128xf32, #tpu.memory_space<vmem_shared>>
      %dma_wait3A_156 = arith.constant 0 : i32
      %dma_wait3A_157 = tpu.memref_slice %arg12[%add3A_86, %dma_wait3A_156] : memref<10240x128xf32, #tpu.memory_space<vmem_shared>> -> memref<128x128xf32, #tpu.memory_space<vmem_shared>>
      tpu.wait_dma2 semaphore(%run_scoped3A : memref<!tpu.dma_semaphore, #tpu.memory_space<semaphore_mem>>) src(%dma_wait3A_157 : memref<128x128xf32, #tpu.memory_space<vmem_shared>>) dst(%arg10 : memref<128x128xf32, #tpu.memory_space<vmem>>)
      tpu.yield
    }) : () -> ()
    %eq3A = arith.constant 0 : i32
    %eq3A_87 = arith.cmpi eq, %arg0, %eq3A : i32
    %convert_element_type3A = arith.extui %eq3A_87 : i1 to i32
    %cond3A = arith.constant 0 : i32
    %cond3A_88 = arith.cmpi ne, %convert_element_type3A, %cond3A : i32
    scf.if %cond3A_88 {
      "tpu.region"() ({
        %run_scoped3A = tpu.sem_alloc : memref<!tpu.dma_semaphore, #tpu.memory_space<semaphore_mem>>
        %dma_start3A_150 = arith.constant 0 : i32
        %dma_start3A_151 = tpu.memref_slice %arg5[%add3A_86, %dma_start3A_150] : memref<10240x128xf32, #tpu.memory_space<hbm>> -> memref<128x128xf32, #tpu.memory_space<hbm>>
        %dma_start3A_152 = arith.constant 0 : i32
        %dma_start3A_153 = tpu.memref_slice %arg5[%add3A_86, %dma_start3A_152] : memref<10240x128xf32, #tpu.memory_space<hbm>> -> memref<128x128xf32, #tpu.memory_space<hbm>>
        tpu.enqueue_dma source(%arg10 : memref<128x128xf32, #tpu.memory_space<vmem>>) target(%dma_start3A_153 : memref<128x128xf32, #tpu.memory_space<hbm>>) target_semaphore(%run_scoped3A : memref<!tpu.dma_semaphore, #tpu.memory_space<semaphore_mem>>)
        %dma_wait3A_154 = arith.constant 0 : i32
        %dma_wait3A_155 = tpu.memref_slice %arg5[%add3A_86, %dma_wait3A_154] : memref<10240x128xf32, #tpu.memory_space<hbm>> -> memref<128x128xf32, #tpu.memory_space<hbm>>
        %dma_wait3A_156 = arith.constant 0 : i32
        %dma_wait3A_157 = tpu.memref_slice %arg5[%add3A_86, %dma_wait3A_156] : memref<10240x128xf32, #tpu.memory_space<hbm>> -> memref<128x128xf32, #tpu.memory_space<hbm>>
        tpu.wait_dma2 semaphore(%run_scoped3A : memref<!tpu.dma_semaphore, #tpu.memory_space<semaphore_mem>>) src(%arg10 : memref<128x128xf32, #tpu.memory_space<vmem>>) dst(%dma_wait3A_157 : memref<128x128xf32, #tpu.memory_space<hbm>>)
        tpu.yield
      }) : () -> ()
    } else {
    }
    %eq3A_89 = arith.constant 1 : i32
    %eq3A_90 = arith.cmpi eq, %arg0, %eq3A_89 : i32
    %convert_element_type3A_91 = arith.extui %eq3A_90 : i1 to i32
    %cond3A_92 = arith.constant 0 : i32
    %cond3A_93 = arith.cmpi ne, %convert_element_type3A_91, %cond3A_92 : i32
    scf.if %cond3A_93 {
      "tpu.region"() ({
        %run_scoped3A = tpu.sem_alloc : memref<!tpu.dma_semaphore, #tpu.memory_space<semaphore_mem>>
        %dma_start3A_150 = arith.constant 0 : i32
        %dma_start3A_151 = tpu.memref_slice %arg6[%add3A_86, %dma_start3A_150] : memref<10240x128xf32, #tpu.memory_space<hbm>> -> memref<128x128xf32, #tpu.memory_space<hbm>>
        %dma_start3A_152 = arith.constant 0 : i32
        %dma_start3A_153 = tpu.memref_slice %arg6[%add3A_86, %dma_start3A_152] : memref<10240x128xf32, #tpu.memory_space<hbm>> -> memref<128x128xf32, #tpu.memory_space<hbm>>
        tpu.enqueue_dma source(%arg10 : memref<128x128xf32, #tpu.memory_space<vmem>>) target(%dma_start3A_153 : memref<128x128xf32, #tpu.memory_space<hbm>>) target_semaphore(%run_scoped3A : memref<!tpu.dma_semaphore, #tpu.memory_space<semaphore_mem>>)
        %dma_wait3A_154 = arith.constant 0 : i32
        %dma_wait3A_155 = tpu.memref_slice %arg6[%add3A_86, %dma_wait3A_154] : memref<10240x128xf32, #tpu.memory_space<hbm>> -> memref<128x128xf32, #tpu.memory_space<hbm>>
        %dma_wait3A_156 = arith.constant 0 : i32
        %dma_wait3A_157 = tpu.memref_slice %arg6[%add3A_86, %dma_wait3A_156] : memref<10240x128xf32, #tpu.memory_space<hbm>> -> memref<128x128xf32, #tpu.memory_space<hbm>>
        tpu.wait_dma2 semaphore(%run_scoped3A : memref<!tpu.dma_semaphore, #tpu.memory_space<semaphore_mem>>) src(%arg10 : memref<128x128xf32, #tpu.memory_space<vmem>>) dst(%dma_wait3A_157 : memref<128x128xf32, #tpu.memory_space<hbm>>)
        tpu.yield
      }) : () -> ()
    } else {
    }
    %mul3A_94 = arith.constant 640 : i32
    %mul3A_95 = arith.muli %arg1, %mul3A_94 : i32
    %add3A_96 = arith.constant 128 : i32
    %add3A_97 = arith.addi %mul3A_95, %add3A_96 : i32
    "tpu.region"() ({
      %run_scoped3A = tpu.sem_alloc : memref<!tpu.dma_semaphore, #tpu.memory_space<semaphore_mem>>
      %dma_start3A_150 = arith.constant 0 : i32
      %dma_start3A_151 = tpu.memref_slice %arg12[%add3A_97, %dma_start3A_150] : memref<10240x128xf32, #tpu.memory_space<vmem_shared>> -> memref<128x128xf32, #tpu.memory_space<vmem_shared>>
      %dma_start3A_152 = arith.constant 0 : i32
      %dma_start3A_153 = tpu.memref_slice %arg12[%add3A_97, %dma_start3A_152] : memref<10240x128xf32, #tpu.memory_space<vmem_shared>> -> memref<128x128xf32, #tpu.memory_space<vmem_shared>>
      tpu.enqueue_dma source(%dma_start3A_153 : memref<128x128xf32, #tpu.memory_space<vmem_shared>>) target(%arg10 : memref<128x128xf32, #tpu.memory_space<vmem>>) target_semaphore(%run_scoped3A : memref<!tpu.dma_semaphore, #tpu.memory_space<semaphore_mem>>)
      %dma_wait3A_154 = arith.constant 0 : i32
      %dma_wait3A_155 = tpu.memref_slice %arg12[%add3A_97, %dma_wait3A_154] : memref<10240x128xf32, #tpu.memory_space<vmem_shared>> -> memref<128x128xf32, #tpu.memory_space<vmem_shared>>
      %dma_wait3A_156 = arith.constant 0 : i32
      %dma_wait3A_157 = tpu.memref_slice %arg12[%add3A_97, %dma_wait3A_156] : memref<10240x128xf32, #tpu.memory_space<vmem_shared>> -> memref<128x128xf32, #tpu.memory_space<vmem_shared>>
      tpu.wait_dma2 semaphore(%run_scoped3A : memref<!tpu.dma_semaphore, #tpu.memory_space<semaphore_mem>>) src(%dma_wait3A_157 : memref<128x128xf32, #tpu.memory_space<vmem_shared>>) dst(%arg10 : memref<128x128xf32, #tpu.memory_space<vmem>>)
      tpu.yield
    }) : () -> ()
    %eq3A_98 = arith.constant 0 : i32
    %eq3A_99 = arith.cmpi eq, %arg0, %eq3A_98 : i32
    %convert_element_type3A_100 = arith.extui %eq3A_99 : i1 to i32
    %cond3A_101 = arith.constant 0 : i32
    %cond3A_102 = arith.cmpi ne, %convert_element_type3A_100, %cond3A_101 : i32
    scf.if %cond3A_102 {
      "tpu.region"() ({
        %run_scoped3A = tpu.sem_alloc : memref<!tpu.dma_semaphore, #tpu.memory_space<semaphore_mem>>
        %dma_start3A_150 = arith.constant 0 : i32
        %dma_start3A_151 = tpu.memref_slice %arg5[%add3A_97, %dma_start3A_150] : memref<10240x128xf32, #tpu.memory_space<hbm>> -> memref<128x128xf32, #tpu.memory_space<hbm>>
        %dma_start3A_152 = arith.constant 0 : i32
        %dma_start3A_153 = tpu.memref_slice %arg5[%add3A_97, %dma_start3A_152] : memref<10240x128xf32, #tpu.memory_space<hbm>> -> memref<128x128xf32, #tpu.memory_space<hbm>>
        tpu.enqueue_dma source(%arg10 : memref<128x128xf32, #tpu.memory_space<vmem>>) target(%dma_start3A_153 : memref<128x128xf32, #tpu.memory_space<hbm>>) target_semaphore(%run_scoped3A : memref<!tpu.dma_semaphore, #tpu.memory_space<semaphore_mem>>)
        %dma_wait3A_154 = arith.constant 0 : i32
        %dma_wait3A_155 = tpu.memref_slice %arg5[%add3A_97, %dma_wait3A_154] : memref<10240x128xf32, #tpu.memory_space<hbm>> -> memref<128x128xf32, #tpu.memory_space<hbm>>
        %dma_wait3A_156 = arith.constant 0 : i32
        %dma_wait3A_157 = tpu.memref_slice %arg5[%add3A_97, %dma_wait3A_156] : memref<10240x128xf32, #tpu.memory_space<hbm>> -> memref<128x128xf32, #tpu.memory_space<hbm>>
        tpu.wait_dma2 semaphore(%run_scoped3A : memref<!tpu.dma_semaphore, #tpu.memory_space<semaphore_mem>>) src(%arg10 : memref<128x128xf32, #tpu.memory_space<vmem>>) dst(%dma_wait3A_157 : memref<128x128xf32, #tpu.memory_space<hbm>>)
        tpu.yield
      }) : () -> ()
    } else {
    }
    %eq3A_103 = arith.constant 1 : i32
    %eq3A_104 = arith.cmpi eq, %arg0, %eq3A_103 : i32
    %convert_element_type3A_105 = arith.extui %eq3A_104 : i1 to i32
    %cond3A_106 = arith.constant 0 : i32
    %cond3A_107 = arith.cmpi ne, %convert_element_type3A_105, %cond3A_106 : i32
    scf.if %cond3A_107 {
      "tpu.region"() ({
        %run_scoped3A = tpu.sem_alloc : memref<!tpu.dma_semaphore, #tpu.memory_space<semaphore_mem>>
        %dma_start3A_150 = arith.constant 0 : i32
        %dma_start3A_151 = tpu.memref_slice %arg6[%add3A_97, %dma_start3A_150] : memref<10240x128xf32, #tpu.memory_space<hbm>> -> memref<128x128xf32, #tpu.memory_space<hbm>>
        %dma_start3A_152 = arith.constant 0 : i32
        %dma_start3A_153 = tpu.memref_slice %arg6[%add3A_97, %dma_start3A_152] : memref<10240x128xf32, #tpu.memory_space<hbm>> -> memref<128x128xf32, #tpu.memory_space<hbm>>
        tpu.enqueue_dma source(%arg10 : memref<128x128xf32, #tpu.memory_space<vmem>>) target(%dma_start3A_153 : memref<128x128xf32, #tpu.memory_space<hbm>>) target_semaphore(%run_scoped3A : memref<!tpu.dma_semaphore, #tpu.memory_space<semaphore_mem>>)
        %dma_wait3A_154 = arith.constant 0 : i32
        %dma_wait3A_155 = tpu.memref_slice %arg6[%add3A_97, %dma_wait3A_154] : memref<10240x128xf32, #tpu.memory_space<hbm>> -> memref<128x128xf32, #tpu.memory_space<hbm>>
        %dma_wait3A_156 = arith.constant 0 : i32
        %dma_wait3A_157 = tpu.memref_slice %arg6[%add3A_97, %dma_wait3A_156] : memref<10240x128xf32, #tpu.memory_space<hbm>> -> memref<128x128xf32, #tpu.memory_space<hbm>>
        tpu.wait_dma2 semaphore(%run_scoped3A : memref<!tpu.dma_semaphore, #tpu.memory_space<semaphore_mem>>) src(%arg10 : memref<128x128xf32, #tpu.memory_space<vmem>>) dst(%dma_wait3A_157 : memref<128x128xf32, #tpu.memory_space<hbm>>)
        tpu.yield
      }) : () -> ()
    } else {
    }
    %mul3A_108 = arith.constant 640 : i32
    %mul3A_109 = arith.muli %arg1, %mul3A_108 : i32
    %add3A_110 = arith.constant 256 : i32
    %add3A_111 = arith.addi %mul3A_109, %add3A_110 : i32
    "tpu.region"() ({
      %run_scoped3A = tpu.sem_alloc : memref<!tpu.dma_semaphore, #tpu.memory_space<semaphore_mem>>
      %dma_start3A_150 = arith.constant 0 : i32
      %dma_start3A_151 = tpu.memref_slice %arg12[%add3A_111, %dma_start3A_150] : memref<10240x128xf32, #tpu.memory_space<vmem_shared>> -> memref<128x128xf32, #tpu.memory_space<vmem_shared>>
      %dma_start3A_152 = arith.constant 0 : i32
      %dma_start3A_153 = tpu.memref_slice %arg12[%add3A_111, %dma_start3A_152] : memref<10240x128xf32, #tpu.memory_space<vmem_shared>> -> memref<128x128xf32, #tpu.memory_space<vmem_shared>>
      tpu.enqueue_dma source(%dma_start3A_153 : memref<128x128xf32, #tpu.memory_space<vmem_shared>>) target(%arg10 : memref<128x128xf32, #tpu.memory_space<vmem>>) target_semaphore(%run_scoped3A : memref<!tpu.dma_semaphore, #tpu.memory_space<semaphore_mem>>)
      %dma_wait3A_154 = arith.constant 0 : i32
      %dma_wait3A_155 = tpu.memref_slice %arg12[%add3A_111, %dma_wait3A_154] : memref<10240x128xf32, #tpu.memory_space<vmem_shared>> -> memref<128x128xf32, #tpu.memory_space<vmem_shared>>
      %dma_wait3A_156 = arith.constant 0 : i32
      %dma_wait3A_157 = tpu.memref_slice %arg12[%add3A_111, %dma_wait3A_156] : memref<10240x128xf32, #tpu.memory_space<vmem_shared>> -> memref<128x128xf32, #tpu.memory_space<vmem_shared>>
      tpu.wait_dma2 semaphore(%run_scoped3A : memref<!tpu.dma_semaphore, #tpu.memory_space<semaphore_mem>>) src(%dma_wait3A_157 : memref<128x128xf32, #tpu.memory_space<vmem_shared>>) dst(%arg10 : memref<128x128xf32, #tpu.memory_space<vmem>>)
      tpu.yield
    }) : () -> ()
    %eq3A_112 = arith.constant 0 : i32
    %eq3A_113 = arith.cmpi eq, %arg0, %eq3A_112 : i32
    %convert_element_type3A_114 = arith.extui %eq3A_113 : i1 to i32
    %cond3A_115 = arith.constant 0 : i32
    %cond3A_116 = arith.cmpi ne, %convert_element_type3A_114, %cond3A_115 : i32
    scf.if %cond3A_116 {
      "tpu.region"() ({
        %run_scoped3A = tpu.sem_alloc : memref<!tpu.dma_semaphore, #tpu.memory_space<semaphore_mem>>
        %dma_start3A_150 = arith.constant 0 : i32
        %dma_start3A_151 = tpu.memref_slice %arg5[%add3A_111, %dma_start3A_150] : memref<10240x128xf32, #tpu.memory_space<hbm>> -> memref<128x128xf32, #tpu.memory_space<hbm>>
        %dma_start3A_152 = arith.constant 0 : i32
        %dma_start3A_153 = tpu.memref_slice %arg5[%add3A_111, %dma_start3A_152] : memref<10240x128xf32, #tpu.memory_space<hbm>> -> memref<128x128xf32, #tpu.memory_space<hbm>>
        tpu.enqueue_dma source(%arg10 : memref<128x128xf32, #tpu.memory_space<vmem>>) target(%dma_start3A_153 : memref<128x128xf32, #tpu.memory_space<hbm>>) target_semaphore(%run_scoped3A : memref<!tpu.dma_semaphore, #tpu.memory_space<semaphore_mem>>)
        %dma_wait3A_154 = arith.constant 0 : i32
        %dma_wait3A_155 = tpu.memref_slice %arg5[%add3A_111, %dma_wait3A_154] : memref<10240x128xf32, #tpu.memory_space<hbm>> -> memref<128x128xf32, #tpu.memory_space<hbm>>
        %dma_wait3A_156 = arith.constant 0 : i32
        %dma_wait3A_157 = tpu.memref_slice %arg5[%add3A_111, %dma_wait3A_156] : memref<10240x128xf32, #tpu.memory_space<hbm>> -> memref<128x128xf32, #tpu.memory_space<hbm>>
        tpu.wait_dma2 semaphore(%run_scoped3A : memref<!tpu.dma_semaphore, #tpu.memory_space<semaphore_mem>>) src(%arg10 : memref<128x128xf32, #tpu.memory_space<vmem>>) dst(%dma_wait3A_157 : memref<128x128xf32, #tpu.memory_space<hbm>>)
        tpu.yield
      }) : () -> ()
    } else {
    }
    %eq3A_117 = arith.constant 1 : i32
    %eq3A_118 = arith.cmpi eq, %arg0, %eq3A_117 : i32
    %convert_element_type3A_119 = arith.extui %eq3A_118 : i1 to i32
    %cond3A_120 = arith.constant 0 : i32
    %cond3A_121 = arith.cmpi ne, %convert_element_type3A_119, %cond3A_120 : i32
    scf.if %cond3A_121 {
      "tpu.region"() ({
        %run_scoped3A = tpu.sem_alloc : memref<!tpu.dma_semaphore, #tpu.memory_space<semaphore_mem>>
        %dma_start3A_150 = arith.constant 0 : i32
        %dma_start3A_151 = tpu.memref_slice %arg6[%add3A_111, %dma_start3A_150] : memref<10240x128xf32, #tpu.memory_space<hbm>> -> memref<128x128xf32, #tpu.memory_space<hbm>>
        %dma_start3A_152 = arith.constant 0 : i32
        %dma_start3A_153 = tpu.memref_slice %arg6[%add3A_111, %dma_start3A_152] : memref<10240x128xf32, #tpu.memory_space<hbm>> -> memref<128x128xf32, #tpu.memory_space<hbm>>
        tpu.enqueue_dma source(%arg10 : memref<128x128xf32, #tpu.memory_space<vmem>>) target(%dma_start3A_153 : memref<128x128xf32, #tpu.memory_space<hbm>>) target_semaphore(%run_scoped3A : memref<!tpu.dma_semaphore, #tpu.memory_space<semaphore_mem>>)
        %dma_wait3A_154 = arith.constant 0 : i32
        %dma_wait3A_155 = tpu.memref_slice %arg6[%add3A_111, %dma_wait3A_154] : memref<10240x128xf32, #tpu.memory_space<hbm>> -> memref<128x128xf32, #tpu.memory_space<hbm>>
        %dma_wait3A_156 = arith.constant 0 : i32
        %dma_wait3A_157 = tpu.memref_slice %arg6[%add3A_111, %dma_wait3A_156] : memref<10240x128xf32, #tpu.memory_space<hbm>> -> memref<128x128xf32, #tpu.memory_space<hbm>>
        tpu.wait_dma2 semaphore(%run_scoped3A : memref<!tpu.dma_semaphore, #tpu.memory_space<semaphore_mem>>) src(%arg10 : memref<128x128xf32, #tpu.memory_space<vmem>>) dst(%dma_wait3A_157 : memref<128x128xf32, #tpu.memory_space<hbm>>)
        tpu.yield
      }) : () -> ()
    } else {
    }
    %mul3A_122 = arith.constant 640 : i32
    %mul3A_123 = arith.muli %arg1, %mul3A_122 : i32
    %add3A_124 = arith.constant 384 : i32
    %add3A_125 = arith.addi %mul3A_123, %add3A_124 : i32
    "tpu.region"() ({
      %run_scoped3A = tpu.sem_alloc : memref<!tpu.dma_semaphore, #tpu.memory_space<semaphore_mem>>
      %dma_start3A_150 = arith.constant 0 : i32
      %dma_start3A_151 = tpu.memref_slice %arg12[%add3A_125, %dma_start3A_150] : memref<10240x128xf32, #tpu.memory_space<vmem_shared>> -> memref<128x128xf32, #tpu.memory_space<vmem_shared>>
      %dma_start3A_152 = arith.constant 0 : i32
      %dma_start3A_153 = tpu.memref_slice %arg12[%add3A_125, %dma_start3A_152] : memref<10240x128xf32, #tpu.memory_space<vmem_shared>> -> memref<128x128xf32, #tpu.memory_space<vmem_shared>>
      tpu.enqueue_dma source(%dma_start3A_153 : memref<128x128xf32, #tpu.memory_space<vmem_shared>>) target(%arg10 : memref<128x128xf32, #tpu.memory_space<vmem>>) target_semaphore(%run_scoped3A : memref<!tpu.dma_semaphore, #tpu.memory_space<semaphore_mem>>)
      %dma_wait3A_154 = arith.constant 0 : i32
      %dma_wait3A_155 = tpu.memref_slice %arg12[%add3A_125, %dma_wait3A_154] : memref<10240x128xf32, #tpu.memory_space<vmem_shared>> -> memref<128x128xf32, #tpu.memory_space<vmem_shared>>
      %dma_wait3A_156 = arith.constant 0 : i32
      %dma_wait3A_157 = tpu.memref_slice %arg12[%add3A_125, %dma_wait3A_156] : memref<10240x128xf32, #tpu.memory_space<vmem_shared>> -> memref<128x128xf32, #tpu.memory_space<vmem_shared>>
      tpu.wait_dma2 semaphore(%run_scoped3A : memref<!tpu.dma_semaphore, #tpu.memory_space<semaphore_mem>>) src(%dma_wait3A_157 : memref<128x128xf32, #tpu.memory_space<vmem_shared>>) dst(%arg10 : memref<128x128xf32, #tpu.memory_space<vmem>>)
      tpu.yield
    }) : () -> ()
    %eq3A_126 = arith.constant 0 : i32
    %eq3A_127 = arith.cmpi eq, %arg0, %eq3A_126 : i32
    %convert_element_type3A_128 = arith.extui %eq3A_127 : i1 to i32
    %cond3A_129 = arith.constant 0 : i32
    %cond3A_130 = arith.cmpi ne, %convert_element_type3A_128, %cond3A_129 : i32
    scf.if %cond3A_130 {
      "tpu.region"() ({
        %run_scoped3A = tpu.sem_alloc : memref<!tpu.dma_semaphore, #tpu.memory_space<semaphore_mem>>
        %dma_start3A_150 = arith.constant 0 : i32
        %dma_start3A_151 = tpu.memref_slice %arg5[%add3A_125, %dma_start3A_150] : memref<10240x128xf32, #tpu.memory_space<hbm>> -> memref<128x128xf32, #tpu.memory_space<hbm>>
        %dma_start3A_152 = arith.constant 0 : i32
        %dma_start3A_153 = tpu.memref_slice %arg5[%add3A_125, %dma_start3A_152] : memref<10240x128xf32, #tpu.memory_space<hbm>> -> memref<128x128xf32, #tpu.memory_space<hbm>>
        tpu.enqueue_dma source(%arg10 : memref<128x128xf32, #tpu.memory_space<vmem>>) target(%dma_start3A_153 : memref<128x128xf32, #tpu.memory_space<hbm>>) target_semaphore(%run_scoped3A : memref<!tpu.dma_semaphore, #tpu.memory_space<semaphore_mem>>)
        %dma_wait3A_154 = arith.constant 0 : i32
        %dma_wait3A_155 = tpu.memref_slice %arg5[%add3A_125, %dma_wait3A_154] : memref<10240x128xf32, #tpu.memory_space<hbm>> -> memref<128x128xf32, #tpu.memory_space<hbm>>
        %dma_wait3A_156 = arith.constant 0 : i32
        %dma_wait3A_157 = tpu.memref_slice %arg5[%add3A_125, %dma_wait3A_156] : memref<10240x128xf32, #tpu.memory_space<hbm>> -> memref<128x128xf32, #tpu.memory_space<hbm>>
        tpu.wait_dma2 semaphore(%run_scoped3A : memref<!tpu.dma_semaphore, #tpu.memory_space<semaphore_mem>>) src(%arg10 : memref<128x128xf32, #tpu.memory_space<vmem>>) dst(%dma_wait3A_157 : memref<128x128xf32, #tpu.memory_space<hbm>>)
        tpu.yield
      }) : () -> ()
    } else {
    }
    %eq3A_131 = arith.constant 1 : i32
    %eq3A_132 = arith.cmpi eq, %arg0, %eq3A_131 : i32
    %convert_element_type3A_133 = arith.extui %eq3A_132 : i1 to i32
    %cond3A_134 = arith.constant 0 : i32
    %cond3A_135 = arith.cmpi ne, %convert_element_type3A_133, %cond3A_134 : i32
    scf.if %cond3A_135 {
      "tpu.region"() ({
        %run_scoped3A = tpu.sem_alloc : memref<!tpu.dma_semaphore, #tpu.memory_space<semaphore_mem>>
        %dma_start3A_150 = arith.constant 0 : i32
        %dma_start3A_151 = tpu.memref_slice %arg6[%add3A_125, %dma_start3A_150] : memref<10240x128xf32, #tpu.memory_space<hbm>> -> memref<128x128xf32, #tpu.memory_space<hbm>>
        %dma_start3A_152 = arith.constant 0 : i32
        %dma_start3A_153 = tpu.memref_slice %arg6[%add3A_125, %dma_start3A_152] : memref<10240x128xf32, #tpu.memory_space<hbm>> -> memref<128x128xf32, #tpu.memory_space<hbm>>
        tpu.enqueue_dma source(%arg10 : memref<128x128xf32, #tpu.memory_space<vmem>>) target(%dma_start3A_153 : memref<128x128xf32, #tpu.memory_space<hbm>>) target_semaphore(%run_scoped3A : memref<!tpu.dma_semaphore, #tpu.memory_space<semaphore_mem>>)
        %dma_wait3A_154 = arith.constant 0 : i32
        %dma_wait3A_155 = tpu.memref_slice %arg6[%add3A_125, %dma_wait3A_154] : memref<10240x128xf32, #tpu.memory_space<hbm>> -> memref<128x128xf32, #tpu.memory_space<hbm>>
        %dma_wait3A_156 = arith.constant 0 : i32
        %dma_wait3A_157 = tpu.memref_slice %arg6[%add3A_125, %dma_wait3A_156] : memref<10240x128xf32, #tpu.memory_space<hbm>> -> memref<128x128xf32, #tpu.memory_space<hbm>>
        tpu.wait_dma2 semaphore(%run_scoped3A : memref<!tpu.dma_semaphore, #tpu.memory_space<semaphore_mem>>) src(%arg10 : memref<128x128xf32, #tpu.memory_space<vmem>>) dst(%dma_wait3A_157 : memref<128x128xf32, #tpu.memory_space<hbm>>)
        tpu.yield
      }) : () -> ()
    } else {
    }
    %mul3A_136 = arith.constant 640 : i32
    %mul3A_137 = arith.muli %arg1, %mul3A_136 : i32
    %add3A_138 = arith.constant 512 : i32
    %add3A_139 = arith.addi %mul3A_137, %add3A_138 : i32
    "tpu.region"() ({
      %run_scoped3A = tpu.sem_alloc : memref<!tpu.dma_semaphore, #tpu.memory_space<semaphore_mem>>
      %dma_start3A_150 = arith.constant 0 : i32
      %dma_start3A_151 = tpu.memref_slice %arg12[%add3A_139, %dma_start3A_150] : memref<10240x128xf32, #tpu.memory_space<vmem_shared>> -> memref<128x128xf32, #tpu.memory_space<vmem_shared>>
      %dma_start3A_152 = arith.constant 0 : i32
      %dma_start3A_153 = tpu.memref_slice %arg12[%add3A_139, %dma_start3A_152] : memref<10240x128xf32, #tpu.memory_space<vmem_shared>> -> memref<128x128xf32, #tpu.memory_space<vmem_shared>>
      tpu.enqueue_dma source(%dma_start3A_153 : memref<128x128xf32, #tpu.memory_space<vmem_shared>>) target(%arg10 : memref<128x128xf32, #tpu.memory_space<vmem>>) target_semaphore(%run_scoped3A : memref<!tpu.dma_semaphore, #tpu.memory_space<semaphore_mem>>)
      %dma_wait3A_154 = arith.constant 0 : i32
      %dma_wait3A_155 = tpu.memref_slice %arg12[%add3A_139, %dma_wait3A_154] : memref<10240x128xf32, #tpu.memory_space<vmem_shared>> -> memref<128x128xf32, #tpu.memory_space<vmem_shared>>
      %dma_wait3A_156 = arith.constant 0 : i32
      %dma_wait3A_157 = tpu.memref_slice %arg12[%add3A_139, %dma_wait3A_156] : memref<10240x128xf32, #tpu.memory_space<vmem_shared>> -> memref<128x128xf32, #tpu.memory_space<vmem_shared>>
      tpu.wait_dma2 semaphore(%run_scoped3A : memref<!tpu.dma_semaphore, #tpu.memory_space<semaphore_mem>>) src(%dma_wait3A_157 : memref<128x128xf32, #tpu.memory_space<vmem_shared>>) dst(%arg10 : memref<128x128xf32, #tpu.memory_space<vmem>>)
      tpu.yield
    }) : () -> ()
    %eq3A_140 = arith.constant 0 : i32
    %eq3A_141 = arith.cmpi eq, %arg0, %eq3A_140 : i32
    %convert_element_type3A_142 = arith.extui %eq3A_141 : i1 to i32
    %cond3A_143 = arith.constant 0 : i32
    %cond3A_144 = arith.cmpi ne, %convert_element_type3A_142, %cond3A_143 : i32
    scf.if %cond3A_144 {
      "tpu.region"() ({
        %run_scoped3A = tpu.sem_alloc : memref<!tpu.dma_semaphore, #tpu.memory_space<semaphore_mem>>
        %dma_start3A_150 = arith.constant 0 : i32
        %dma_start3A_151 = tpu.memref_slice %arg5[%add3A_139, %dma_start3A_150] : memref<10240x128xf32, #tpu.memory_space<hbm>> -> memref<128x128xf32, #tpu.memory_space<hbm>>
        %dma_start3A_152 = arith.constant 0 : i32
        %dma_start3A_153 = tpu.memref_slice %arg5[%add3A_139, %dma_start3A_152] : memref<10240x128xf32, #tpu.memory_space<hbm>> -> memref<128x128xf32, #tpu.memory_space<hbm>>
        tpu.enqueue_dma source(%arg10 : memref<128x128xf32, #tpu.memory_space<vmem>>) target(%dma_start3A_153 : memref<128x128xf32, #tpu.memory_space<hbm>>) target_semaphore(%run_scoped3A : memref<!tpu.dma_semaphore, #tpu.memory_space<semaphore_mem>>)
        %dma_wait3A_154 = arith.constant 0 : i32
        %dma_wait3A_155 = tpu.memref_slice %arg5[%add3A_139, %dma_wait3A_154] : memref<10240x128xf32, #tpu.memory_space<hbm>> -> memref<128x128xf32, #tpu.memory_space<hbm>>
        %dma_wait3A_156 = arith.constant 0 : i32
        %dma_wait3A_157 = tpu.memref_slice %arg5[%add3A_139, %dma_wait3A_156] : memref<10240x128xf32, #tpu.memory_space<hbm>> -> memref<128x128xf32, #tpu.memory_space<hbm>>
        tpu.wait_dma2 semaphore(%run_scoped3A : memref<!tpu.dma_semaphore, #tpu.memory_space<semaphore_mem>>) src(%arg10 : memref<128x128xf32, #tpu.memory_space<vmem>>) dst(%dma_wait3A_157 : memref<128x128xf32, #tpu.memory_space<hbm>>)
        tpu.yield
      }) : () -> ()
    } else {
    }
    %eq3A_145 = arith.constant 1 : i32
    %eq3A_146 = arith.cmpi eq, %arg0, %eq3A_145 : i32
    %convert_element_type3A_147 = arith.extui %eq3A_146 : i1 to i32
    %cond3A_148 = arith.constant 0 : i32
    %cond3A_149 = arith.cmpi ne, %convert_element_type3A_147, %cond3A_148 : i32
    scf.if %cond3A_149 {
      "tpu.region"() ({
        %run_scoped3A = tpu.sem_alloc : memref<!tpu.dma_semaphore, #tpu.memory_space<semaphore_mem>>
        %dma_start3A_150 = arith.constant 0 : i32
        %dma_start3A_151 = tpu.memref_slice %arg6[%add3A_139, %dma_start3A_150] : memref<10240x128xf32, #tpu.memory_space<hbm>> -> memref<128x128xf32, #tpu.memory_space<hbm>>
        %dma_start3A_152 = arith.constant 0 : i32
        %dma_start3A_153 = tpu.memref_slice %arg6[%add3A_139, %dma_start3A_152] : memref<10240x128xf32, #tpu.memory_space<hbm>> -> memref<128x128xf32, #tpu.memory_space<hbm>>
        tpu.enqueue_dma source(%arg10 : memref<128x128xf32, #tpu.memory_space<vmem>>) target(%dma_start3A_153 : memref<128x128xf32, #tpu.memory_space<hbm>>) target_semaphore(%run_scoped3A : memref<!tpu.dma_semaphore, #tpu.memory_space<semaphore_mem>>)
        %dma_wait3A_154 = arith.constant 0 : i32
        %dma_wait3A_155 = tpu.memref_slice %arg6[%add3A_139, %dma_wait3A_154] : memref<10240x128xf32, #tpu.memory_space<hbm>> -> memref<128x128xf32, #tpu.memory_space<hbm>>
        %dma_wait3A_156 = arith.constant 0 : i32
        %dma_wait3A_157 = tpu.memref_slice %arg6[%add3A_139, %dma_wait3A_156] : memref<10240x128xf32, #tpu.memory_space<hbm>> -> memref<128x128xf32, #tpu.memory_space<hbm>>
        tpu.wait_dma2 semaphore(%run_scoped3A : memref<!tpu.dma_semaphore, #tpu.memory_space<semaphore_mem>>) src(%arg10 : memref<128x128xf32, #tpu.memory_space<vmem>>) dst(%dma_wait3A_157 : memref<128x128xf32, #tpu.memory_space<hbm>>)
        tpu.yield
      }) : () -> ()
    } else {
    }
    return
  }
}

#map = affine_map<(d0, d1) -> (0, 0, 0)>
#map1 = affine_map<(d0, d1) -> (0)>
module attributes {stable_mosaic.version = 14 : i64} {
  func.func @_sc_deg_body(%arg0: i32, %arg1: i32, %arg2: memref<32x80x128xi32, #tpu.memory_space<hbm>>, %arg3: memref<10240xf32, #tpu.memory_space<hbm>>, %arg4: memref<10240xf32, #tpu.memory_space<hbm>>, %arg5: memref<80x128xi32, #tpu.memory_space<vmem>>, %arg6: memref<128xf32, #tpu.memory_space<vmem>>, %arg7: memref<640xf32, #tpu.memory_space<vmem>>, %arg8: memref<10240xf32, #tpu.memory_space<vmem_shared>>) attributes {dimension_semantics = [#tpu.dimension_semantics<core_parallel>, #tpu.dimension_semantics<subcore_parallel>], iteration_bounds = array<i64: 2, 16>, scalar_prefetch = 0 : i64, scratch_operands = 4 : i64, tpu.core_type = #tpu.core_type<sc_vector_subcore>, window_params = [{transform_indices = #map}, {transform_indices = #map1}, {transform_indices = #map1}]} {
    %mul3A = arith.constant 2 : i32
    %mul3A_0 = arith.muli %arg1, %mul3A : i32
    %add3A = arith.addi %mul3A_0, %arg0 : i32
    %scan3A = arith.constant 0 : i32
    %scan3A_1 = arith.constant 0 : i32
    %scan3A_2 = arith.constant 8 : i32
    %scan3A_3 = arith.addi %scan3A_1, %scan3A_2 : i32
    %scan3A_4 = arith.constant 1 : i32
    %scan3A_5 = scf.for %scan3A_33 = %scan3A_1 to %scan3A_3 step %scan3A_4 iter_args(%scan3A_34 = %scan3A) -> (i32)  : i32 {
      %broadcast_in_dim3A = arith.constant 1.000000e+00 : f32
      %broadcast_in_dim3A_35 = vector.broadcast %broadcast_in_dim3A : f32 to vector<16xf32>
      %mul3A_36 = arith.constant 16 : i32
      %mul3A_37 = arith.muli %scan3A_33, %mul3A_36 : i32
      %swap3A = arith.index_cast %mul3A_37 : i32 to index
      %swap3A_38 = tpu.vector_load %arg6[%swap3A] {strides = array<i32>} : memref<128xf32, #tpu.memory_space<vmem>>, vector<16xf32>,
      %swap3A_39 = vector.shape_cast %swap3A_38 : vector<16xf32> to vector<16xf32>
      %swap3A_40 = vector.shape_cast %broadcast_in_dim3A_35 : vector<16xf32> to vector<16xf32>
      tpu.vector_store %arg6[%swap3A], %swap3A_40 {strides = array<i32>} : memref<128xf32, #tpu.memory_space<vmem>>, vector<16xf32>,
      %scan3A_41 = arith.constant 0 : i32
      scf.yield %scan3A_41 : i32
    }
    %scan3A_6 = arith.constant 8 : i32
    %scan3A_7 = arith.constant 0 : i32
    %scan3A_8 = arith.constant 0 : i32
    %scan3A_9 = arith.constant 40 : i32
    %scan3A_10 = arith.addi %scan3A_8, %scan3A_9 : i32
    %scan3A_11 = arith.constant 1 : i32
    %scan3A_12 = scf.for %scan3A_33 = %scan3A_8 to %scan3A_10 step %scan3A_11 iter_args(%scan3A_34 = %scan3A_7) -> (i32)  : i32 {
      %broadcast_in_dim3A = arith.constant 0.000000e+00 : f32
      %broadcast_in_dim3A_35 = vector.broadcast %broadcast_in_dim3A : f32 to vector<16xf32>
      %mul3A_36 = arith.constant 16 : i32
      %mul3A_37 = arith.muli %scan3A_33, %mul3A_36 : i32
      %swap3A = arith.index_cast %mul3A_37 : i32 to index
      %swap3A_38 = tpu.vector_load %arg7[%swap3A] {strides = array<i32>} : memref<640xf32, #tpu.memory_space<vmem>>, vector<16xf32>,
      %swap3A_39 = vector.shape_cast %swap3A_38 : vector<16xf32> to vector<16xf32>
      %swap3A_40 = vector.shape_cast %broadcast_in_dim3A_35 : vector<16xf32> to vector<16xf32>
      tpu.vector_store %arg7[%swap3A], %swap3A_40 {strides = array<i32>} : memref<640xf32, #tpu.memory_space<vmem>>, vector<16xf32>,
      %scan3A_41 = arith.constant 0 : i32
      scf.yield %scan3A_41 : i32
    }
    %scan3A_13 = arith.constant 40 : i32
    %mul3A_14 = arith.constant 640 : i32
    %mul3A_15 = arith.muli %arg1, %mul3A_14 : i32
    "tpu.region"() ({
      %run_scoped3A = tpu.sem_alloc : memref<!tpu.dma_semaphore, #tpu.memory_space<semaphore_mem>>
      %dma_start3A = tpu.memref_slice %arg8[%mul3A_15] : memref<10240xf32, #tpu.memory_space<vmem_shared>> -> memref<640xf32, #tpu.memory_space<vmem_shared>>
      %dma_start3A_33 = tpu.memref_slice %arg8[%mul3A_15] : memref<10240xf32, #tpu.memory_space<vmem_shared>> -> memref<640xf32, #tpu.memory_space<vmem_shared>>
      tpu.enqueue_dma source(%arg7 : memref<640xf32, #tpu.memory_space<vmem>>) target(%dma_start3A_33 : memref<640xf32, #tpu.memory_space<vmem_shared>>) target_semaphore(%run_scoped3A : memref<!tpu.dma_semaphore, #tpu.memory_space<semaphore_mem>>)
      %dma_wait3A = tpu.memref_slice %arg8[%mul3A_15] : memref<10240xf32, #tpu.memory_space<vmem_shared>> -> memref<640xf32, #tpu.memory_space<vmem_shared>>
      %dma_wait3A_34 = tpu.memref_slice %arg8[%mul3A_15] : memref<10240xf32, #tpu.memory_space<vmem_shared>> -> memref<640xf32, #tpu.memory_space<vmem_shared>>
      tpu.wait_dma2 semaphore(%run_scoped3A : memref<!tpu.dma_semaphore, #tpu.memory_space<semaphore_mem>>) src(%arg7 : memref<640xf32, #tpu.memory_space<vmem>>) dst(%dma_wait3A_34 : memref<640xf32, #tpu.memory_space<vmem_shared>>)
      tpu.yield
    }) : () -> ()
    "tpu.region"() ({
      %run_scoped3A = tpu.sem_alloc : memref<!tpu.dma_semaphore, #tpu.memory_space<semaphore_mem>>
      %dma_start3A = arith.constant 0 : i32
      %dma_start3A_33 = arith.constant 0 : i32
      %dma_start3A_34 = tpu.memref_slice %arg2[%add3A, %dma_start3A, %dma_start3A_33] : memref<32x80x128xi32, #tpu.memory_space<hbm>> -> memref<1x80x128xi32, #tpu.memory_space<hbm>>
      %dma_start3A_35 = tpu.memref_squeeze %dma_start3A_34 : memref<1x80x128xi32, #tpu.memory_space<hbm>> -> memref<80x128xi32, #tpu.memory_space<hbm>>
      %dma_start3A_36 = arith.constant 0 : i32
      %dma_start3A_37 = arith.constant 0 : i32
      %dma_start3A_38 = tpu.memref_slice %arg2[%add3A, %dma_start3A_36, %dma_start3A_37] : memref<32x80x128xi32, #tpu.memory_space<hbm>> -> memref<1x80x128xi32, #tpu.memory_space<hbm>>
      %dma_start3A_39 = tpu.memref_squeeze %dma_start3A_38 : memref<1x80x128xi32, #tpu.memory_space<hbm>> -> memref<80x128xi32, #tpu.memory_space<hbm>>
      tpu.enqueue_dma source(%dma_start3A_39 : memref<80x128xi32, #tpu.memory_space<hbm>>) target(%arg5 : memref<80x128xi32, #tpu.memory_space<vmem>>) target_semaphore(%run_scoped3A : memref<!tpu.dma_semaphore, #tpu.memory_space<semaphore_mem>>)
      %dma_wait3A = arith.constant 0 : i32
      %dma_wait3A_40 = arith.constant 0 : i32
      %dma_wait3A_41 = tpu.memref_slice %arg2[%add3A, %dma_wait3A, %dma_wait3A_40] : memref<32x80x128xi32, #tpu.memory_space<hbm>> -> memref<1x80x128xi32, #tpu.memory_space<hbm>>
      %dma_wait3A_42 = tpu.memref_squeeze %dma_wait3A_41 : memref<1x80x128xi32, #tpu.memory_space<hbm>> -> memref<80x128xi32, #tpu.memory_space<hbm>>
      %dma_wait3A_43 = arith.constant 0 : i32
      %dma_wait3A_44 = arith.constant 0 : i32
      %dma_wait3A_45 = tpu.memref_slice %arg2[%add3A, %dma_wait3A_43, %dma_wait3A_44] : memref<32x80x128xi32, #tpu.memory_space<hbm>> -> memref<1x80x128xi32, #tpu.memory_space<hbm>>
      %dma_wait3A_46 = tpu.memref_squeeze %dma_wait3A_45 : memref<1x80x128xi32, #tpu.memory_space<hbm>> -> memref<80x128xi32, #tpu.memory_space<hbm>>
      tpu.wait_dma2 semaphore(%run_scoped3A : memref<!tpu.dma_semaphore, #tpu.memory_space<semaphore_mem>>) src(%dma_wait3A_46 : memref<80x128xi32, #tpu.memory_space<hbm>>) dst(%arg5 : memref<80x128xi32, #tpu.memory_space<vmem>>)
      tpu.yield
    }) : () -> ()
    %barrier3A = arith.constant 0 : index
    tpu.barrier barrier_id(%barrier3A)
    %scan3A_16 = arith.constant 0 : i32
    %scan3A_17 = arith.constant 0 : i32
    %scan3A_18 = arith.constant 80 : i32
    %scan3A_19 = arith.addi %scan3A_17, %scan3A_18 : i32
    %scan3A_20 = arith.constant 1 : i32
    %scan3A_21 = scf.for %scan3A_33 = %scan3A_17 to %scan3A_19 step %scan3A_20 iter_args(%scan3A_34 = %scan3A_16) -> (i32)  : i32 {
      "tpu.region"() ({
        %run_scoped3A = tpu.sem_alloc : memref<!tpu.dma_semaphore, #tpu.memory_space<semaphore_mem>>
        %dma_start3A = arith.constant 0 : i32
        %dma_start3A_36 = tpu.memref_slice %arg5[%scan3A_33, %dma_start3A] : memref<80x128xi32, #tpu.memory_space<vmem>> -> memref<1x128xi32, #tpu.memory_space<vmem>>
        %dma_start3A_37 = tpu.memref_squeeze %dma_start3A_36 : memref<1x128xi32, #tpu.memory_space<vmem>> -> memref<128xi32, #tpu.memory_space<vmem>>
        %dma_start3A_38 = arith.constant 0 : i32
        %dma_start3A_39 = tpu.memref_slice %arg8[%dma_start3A_38] : memref<10240xf32, #tpu.memory_space<vmem_shared>> -> memref<10240xf32, #tpu.memory_space<vmem_shared>>
        tpu.enqueue_indirect_dma source(%arg6 : memref<128xf32, #tpu.memory_space<vmem>>) target(%dma_start3A_39 : memref<10240xf32, #tpu.memory_space<vmem_shared>>) offsets(%dma_start3A_37 : memref<128xi32, #tpu.memory_space<vmem>>) semaphore(%run_scoped3A : memref<!tpu.dma_semaphore, #tpu.memory_space<semaphore_mem>>) {add = true}
        %dma_wait3A = arith.constant 0 : i32
        %dma_wait3A_40 = tpu.memref_slice %arg5[%scan3A_33, %dma_wait3A] : memref<80x128xi32, #tpu.memory_space<vmem>> -> memref<1x128xi32, #tpu.memory_space<vmem>>
        %dma_wait3A_41 = tpu.memref_squeeze %dma_wait3A_40 : memref<1x128xi32, #tpu.memory_space<vmem>> -> memref<128xi32, #tpu.memory_space<vmem>>
        %dma_wait3A_42 = arith.constant 0 : i32
        %dma_wait3A_43 = tpu.memref_slice %arg8[%dma_wait3A_42] : memref<10240xf32, #tpu.memory_space<vmem_shared>> -> memref<10240xf32, #tpu.memory_space<vmem_shared>>
        tpu.wait_indirect_dma semaphore(%run_scoped3A : memref<!tpu.dma_semaphore, #tpu.memory_space<semaphore_mem>>) src(%arg6 : memref<128xf32, #tpu.memory_space<vmem>>) dst(%dma_wait3A_43 : memref<10240xf32, #tpu.memory_space<vmem_shared>>)
        tpu.yield
      }) : () -> ()
      %scan3A_35 = arith.constant 0 : i32
      scf.yield %scan3A_35 : i32
    }
    %scan3A_22 = arith.constant 80 : i32
    %barrier3A_23 = arith.constant 0 : index
    tpu.barrier barrier_id(%barrier3A_23)
    %mul3A_24 = arith.constant 640 : i32
    %mul3A_25 = arith.muli %arg1, %mul3A_24 : i32
    "tpu.region"() ({
      %run_scoped3A = tpu.sem_alloc : memref<!tpu.dma_semaphore, #tpu.memory_space<semaphore_mem>>
      %dma_start3A = tpu.memref_slice %arg8[%mul3A_25] : memref<10240xf32, #tpu.memory_space<vmem_shared>> -> memref<640xf32, #tpu.memory_space<vmem_shared>>
      %dma_start3A_33 = tpu.memref_slice %arg8[%mul3A_25] : memref<10240xf32, #tpu.memory_space<vmem_shared>> -> memref<640xf32, #tpu.memory_space<vmem_shared>>
      tpu.enqueue_dma source(%dma_start3A_33 : memref<640xf32, #tpu.memory_space<vmem_shared>>) target(%arg7 : memref<640xf32, #tpu.memory_space<vmem>>) target_semaphore(%run_scoped3A : memref<!tpu.dma_semaphore, #tpu.memory_space<semaphore_mem>>)
      %dma_wait3A = tpu.memref_slice %arg8[%mul3A_25] : memref<10240xf32, #tpu.memory_space<vmem_shared>> -> memref<640xf32, #tpu.memory_space<vmem_shared>>
      %dma_wait3A_34 = tpu.memref_slice %arg8[%mul3A_25] : memref<10240xf32, #tpu.memory_space<vmem_shared>> -> memref<640xf32, #tpu.memory_space<vmem_shared>>
      tpu.wait_dma2 semaphore(%run_scoped3A : memref<!tpu.dma_semaphore, #tpu.memory_space<semaphore_mem>>) src(%dma_wait3A_34 : memref<640xf32, #tpu.memory_space<vmem_shared>>) dst(%arg7 : memref<640xf32, #tpu.memory_space<vmem>>)
      tpu.yield
    }) : () -> ()
    %eq3A = arith.constant 0 : i32
    %eq3A_26 = arith.cmpi eq, %arg0, %eq3A : i32
    %convert_element_type3A = arith.extui %eq3A_26 : i1 to i32
    %cond3A = arith.constant 0 : i32
    %cond3A_27 = arith.cmpi ne, %convert_element_type3A, %cond3A : i32
    scf.if %cond3A_27 {
      "tpu.region"() ({
        %run_scoped3A = tpu.sem_alloc : memref<!tpu.dma_semaphore, #tpu.memory_space<semaphore_mem>>
        %dma_start3A = tpu.memref_slice %arg3[%mul3A_25] : memref<10240xf32, #tpu.memory_space<hbm>> -> memref<640xf32, #tpu.memory_space<hbm>>
        %dma_start3A_33 = tpu.memref_slice %arg3[%mul3A_25] : memref<10240xf32, #tpu.memory_space<hbm>> -> memref<640xf32, #tpu.memory_space<hbm>>
        tpu.enqueue_dma source(%arg7 : memref<640xf32, #tpu.memory_space<vmem>>) target(%dma_start3A_33 : memref<640xf32, #tpu.memory_space<hbm>>) target_semaphore(%run_scoped3A : memref<!tpu.dma_semaphore, #tpu.memory_space<semaphore_mem>>)
        %dma_wait3A = tpu.memref_slice %arg3[%mul3A_25] : memref<10240xf32, #tpu.memory_space<hbm>> -> memref<640xf32, #tpu.memory_space<hbm>>
        %dma_wait3A_34 = tpu.memref_slice %arg3[%mul3A_25] : memref<10240xf32, #tpu.memory_space<hbm>> -> memref<640xf32, #tpu.memory_space<hbm>>
        tpu.wait_dma2 semaphore(%run_scoped3A : memref<!tpu.dma_semaphore, #tpu.memory_space<semaphore_mem>>) src(%arg7 : memref<640xf32, #tpu.memory_space<vmem>>) dst(%dma_wait3A_34 : memref<640xf32, #tpu.memory_space<hbm>>)
        tpu.yield
      }) : () -> ()
    } else {
    }
    %eq3A_28 = arith.constant 1 : i32
    %eq3A_29 = arith.cmpi eq, %arg0, %eq3A_28 : i32
    %convert_element_type3A_30 = arith.extui %eq3A_29 : i1 to i32
    %cond3A_31 = arith.constant 0 : i32
    %cond3A_32 = arith.cmpi ne, %convert_element_type3A_30, %cond3A_31 : i32
    scf.if %cond3A_32 {
      "tpu.region"() ({
        %run_scoped3A = tpu.sem_alloc : memref<!tpu.dma_semaphore, #tpu.memory_space<semaphore_mem>>
        %dma_start3A = tpu.memref_slice %arg4[%mul3A_25] : memref<10240xf32, #tpu.memory_space<hbm>> -> memref<640xf32, #tpu.memory_space<hbm>>
        %dma_start3A_33 = tpu.memref_slice %arg4[%mul3A_25] : memref<10240xf32, #tpu.memory_space<hbm>> -> memref<640xf32, #tpu.memory_space<hbm>>
        tpu.enqueue_dma source(%arg7 : memref<640xf32, #tpu.memory_space<vmem>>) target(%dma_start3A_33 : memref<640xf32, #tpu.memory_space<hbm>>) target_semaphore(%run_scoped3A : memref<!tpu.dma_semaphore, #tpu.memory_space<semaphore_mem>>)
        %dma_wait3A = tpu.memref_slice %arg4[%mul3A_25] : memref<10240xf32, #tpu.memory_space<hbm>> -> memref<640xf32, #tpu.memory_space<hbm>>
        %dma_wait3A_34 = tpu.memref_slice %arg4[%mul3A_25] : memref<10240xf32, #tpu.memory_space<hbm>> -> memref<640xf32, #tpu.memory_space<hbm>>
        tpu.wait_dma2 semaphore(%run_scoped3A : memref<!tpu.dma_semaphore, #tpu.memory_space<semaphore_mem>>) src(%arg7 : memref<640xf32, #tpu.memory_space<vmem>>) dst(%dma_wait3A_34 : memref<640xf32, #tpu.memory_space<hbm>>)
        tpu.yield
      }) : () -> ()
    } else {
    }
    return
  }
}

#map = affine_map<(d0, d1) -> (0, 0)>
#map1 = affine_map<(d0, d1) -> (0)>
#map2 = affine_map<(d0, d1) -> (0, 0, 0)>
module attributes {stable_mosaic.version = 14 : i64} {
  func.func @_sc_agg_body(%arg0: i32, %arg1: i32, %arg2: memref<10240x128xf32, #tpu.memory_space<hbm>>, %arg3: memref<327680xi32, #tpu.memory_space<hbm>>, %arg4: memref<32x80x128xi32, #tpu.memory_space<hbm>>, %arg5: memref<10240x128xf32, #tpu.memory_space<hbm>>, %arg6: memref<10240x128xf32, #tpu.memory_space<hbm>>, %arg7: memref<128xi32, #tpu.memory_space<vmem>>, %arg8: memref<128xi32, #tpu.memory_space<vmem>>, %arg9: memref<80x128xi32, #tpu.memory_space<vmem>>, %arg10: memref<128x128xf32, #tpu.memory_space<vmem>>, %arg11: memref<128x128xf32, #tpu.memory_space<vmem>>, %arg12: memref<10240x128xf32, #tpu.memory_space<vmem_shared>>, %arg13: memref<!tpu.dma_semaphore, #tpu.memory_space<semaphore_mem>>, %arg14: memref<!tpu.dma_semaphore, #tpu.memory_space<semaphore_mem>>, %arg15: memref<!tpu.dma_semaphore, #tpu.memory_space<semaphore_mem>>, %arg16: memref<!tpu.dma_semaphore, #tpu.memory_space<semaphore_mem>>) attributes {dimension_semantics = [#tpu.dimension_semantics<core_parallel>, #tpu.dimension_semantics<subcore_parallel>], iteration_bounds = array<i64: 2, 16>, scalar_prefetch = 0 : i64, scratch_operands = 10 : i64, tpu.core_type = #tpu.core_type<sc_vector_subcore>, window_params = [{transform_indices = #map}, {transform_indices = #map1}, {transform_indices = #map2}, {transform_indices = #map}, {transform_indices = #map}]} {
    %mul3A = arith.constant 2 : i32
    %mul3A_0 = arith.muli %arg1, %mul3A : i32
    %add3A = arith.addi %mul3A_0, %arg0 : i32
    %scan3A = arith.constant 0 : i32
    %scan3A_1 = arith.constant 0 : i32
    %scan3A_2 = arith.constant 128 : i32
    %scan3A_3 = arith.addi %scan3A_1, %scan3A_2 : i32
    %scan3A_4 = arith.constant 1 : i32
    %scan3A_5 = scf.for %scan3A_150 = %scan3A_1 to %scan3A_3 step %scan3A_4 iter_args(%scan3A_151 = %scan3A) -> (i32)  : i32 {
      %broadcast_in_dim3A = arith.constant 0.000000e+00 : f32
      %broadcast_in_dim3A_152 = vector.broadcast %broadcast_in_dim3A : f32 to vector<16xf32>
      %swap3A = arith.index_cast %scan3A_150 : i32 to index
      %swap3A_153 = arith.constant 0 : index
      %swap3A_154 = tpu.vector_load %arg10[%swap3A, %swap3A_153] {strides = array<i32>} : memref<128x128xf32, #tpu.memory_space<vmem>>, vector<1x16xf32>,
      %swap3A_155 = vector.shape_cast %swap3A_154 : vector<1x16xf32> to vector<16xf32>
      %swap3A_156 = vector.shape_cast %broadcast_in_dim3A_152 : vector<16xf32> to vector<1x16xf32>
      tpu.vector_store %arg10[%swap3A, %swap3A_153], %swap3A_156 {strides = array<i32>} : memref<128x128xf32, #tpu.memory_space<vmem>>, vector<1x16xf32>,
      %broadcast_in_dim3A_157 = arith.constant 0.000000e+00 : f32
      %broadcast_in_dim3A_158 = vector.broadcast %broadcast_in_dim3A_157 : f32 to vector<16xf32>
      %swap3A_159 = arith.index_cast %scan3A_150 : i32 to index
      %swap3A_160 = arith.constant 16 : index
      %swap3A_161 = tpu.vector_load %arg10[%swap3A_159, %swap3A_160] {strides = array<i32>} : memref<128x128xf32, #tpu.memory_space<vmem>>, vector<1x16xf32>,
      %swap3A_162 = vector.shape_cast %swap3A_161 : vector<1x16xf32> to vector<16xf32>
      %swap3A_163 = vector.shape_cast %broadcast_in_dim3A_158 : vector<16xf32> to vector<1x16xf32>
      tpu.vector_store %arg10[%swap3A_159, %swap3A_160], %swap3A_163 {strides = array<i32>} : memref<128x128xf32, #tpu.memory_space<vmem>>, vector<1x16xf32>,
      %broadcast_in_dim3A_164 = arith.constant 0.000000e+00 : f32
      %broadcast_in_dim3A_165 = vector.broadcast %broadcast_in_dim3A_164 : f32 to vector<16xf32>
      %swap3A_166 = arith.index_cast %scan3A_150 : i32 to index
      %swap3A_167 = arith.constant 32 : index
      %swap3A_168 = tpu.vector_load %arg10[%swap3A_166, %swap3A_167] {strides = array<i32>} : memref<128x128xf32, #tpu.memory_space<vmem>>, vector<1x16xf32>,
      %swap3A_169 = vector.shape_cast %swap3A_168 : vector<1x16xf32> to vector<16xf32>
      %swap3A_170 = vector.shape_cast %broadcast_in_dim3A_165 : vector<16xf32> to vector<1x16xf32>
      tpu.vector_store %arg10[%swap3A_166, %swap3A_167], %swap3A_170 {strides = array<i32>} : memref<128x128xf32, #tpu.memory_space<vmem>>, vector<1x16xf32>,
      %broadcast_in_dim3A_171 = arith.constant 0.000000e+00 : f32
      %broadcast_in_dim3A_172 = vector.broadcast %broadcast_in_dim3A_171 : f32 to vector<16xf32>
      %swap3A_173 = arith.index_cast %scan3A_150 : i32 to index
      %swap3A_174 = arith.constant 48 : index
      %swap3A_175 = tpu.vector_load %arg10[%swap3A_173, %swap3A_174] {strides = array<i32>} : memref<128x128xf32, #tpu.memory_space<vmem>>, vector<1x16xf32>,
      %swap3A_176 = vector.shape_cast %swap3A_175 : vector<1x16xf32> to vector<16xf32>
      %swap3A_177 = vector.shape_cast %broadcast_in_dim3A_172 : vector<16xf32> to vector<1x16xf32>
      tpu.vector_store %arg10[%swap3A_173, %swap3A_174], %swap3A_177 {strides = array<i32>} : memref<128x128xf32, #tpu.memory_space<vmem>>, vector<1x16xf32>,
      %broadcast_in_dim3A_178 = arith.constant 0.000000e+00 : f32
      %broadcast_in_dim3A_179 = vector.broadcast %broadcast_in_dim3A_178 : f32 to vector<16xf32>
      %swap3A_180 = arith.index_cast %scan3A_150 : i32 to index
      %swap3A_181 = arith.constant 64 : index
      %swap3A_182 = tpu.vector_load %arg10[%swap3A_180, %swap3A_181] {strides = array<i32>} : memref<128x128xf32, #tpu.memory_space<vmem>>, vector<1x16xf32>,
      %swap3A_183 = vector.shape_cast %swap3A_182 : vector<1x16xf32> to vector<16xf32>
      %swap3A_184 = vector.shape_cast %broadcast_in_dim3A_179 : vector<16xf32> to vector<1x16xf32>
      tpu.vector_store %arg10[%swap3A_180, %swap3A_181], %swap3A_184 {strides = array<i32>} : memref<128x128xf32, #tpu.memory_space<vmem>>, vector<1x16xf32>,
      %broadcast_in_dim3A_185 = arith.constant 0.000000e+00 : f32
      %broadcast_in_dim3A_186 = vector.broadcast %broadcast_in_dim3A_185 : f32 to vector<16xf32>
      %swap3A_187 = arith.index_cast %scan3A_150 : i32 to index
      %swap3A_188 = arith.constant 80 : index
      %swap3A_189 = tpu.vector_load %arg10[%swap3A_187, %swap3A_188] {strides = array<i32>} : memref<128x128xf32, #tpu.memory_space<vmem>>, vector<1x16xf32>,
      %swap3A_190 = vector.shape_cast %swap3A_189 : vector<1x16xf32> to vector<16xf32>
      %swap3A_191 = vector.shape_cast %broadcast_in_dim3A_186 : vector<16xf32> to vector<1x16xf32>
      tpu.vector_store %arg10[%swap3A_187, %swap3A_188], %swap3A_191 {strides = array<i32>} : memref<128x128xf32, #tpu.memory_space<vmem>>, vector<1x16xf32>,
      %broadcast_in_dim3A_192 = arith.constant 0.000000e+00 : f32
      %broadcast_in_dim3A_193 = vector.broadcast %broadcast_in_dim3A_192 : f32 to vector<16xf32>
      %swap3A_194 = arith.index_cast %scan3A_150 : i32 to index
      %swap3A_195 = arith.constant 96 : index
      %swap3A_196 = tpu.vector_load %arg10[%swap3A_194, %swap3A_195] {strides = array<i32>} : memref<128x128xf32, #tpu.memory_space<vmem>>, vector<1x16xf32>,
      %swap3A_197 = vector.shape_cast %swap3A_196 : vector<1x16xf32> to vector<16xf32>
      %swap3A_198 = vector.shape_cast %broadcast_in_dim3A_193 : vector<16xf32> to vector<1x16xf32>
      tpu.vector_store %arg10[%swap3A_194, %swap3A_195], %swap3A_198 {strides = array<i32>} : memref<128x128xf32, #tpu.memory_space<vmem>>, vector<1x16xf32>,
      %broadcast_in_dim3A_199 = arith.constant 0.000000e+00 : f32
      %broadcast_in_dim3A_200 = vector.broadcast %broadcast_in_dim3A_199 : f32 to vector<16xf32>
      %swap3A_201 = arith.index_cast %scan3A_150 : i32 to index
      %swap3A_202 = arith.constant 112 : index
      %swap3A_203 = tpu.vector_load %arg10[%swap3A_201, %swap3A_202] {strides = array<i32>} : memref<128x128xf32, #tpu.memory_space<vmem>>, vector<1x16xf32>,
      %swap3A_204 = vector.shape_cast %swap3A_203 : vector<1x16xf32> to vector<16xf32>
      %swap3A_205 = vector.shape_cast %broadcast_in_dim3A_200 : vector<16xf32> to vector<1x16xf32>
      tpu.vector_store %arg10[%swap3A_201, %swap3A_202], %swap3A_205 {strides = array<i32>} : memref<128x128xf32, #tpu.memory_space<vmem>>, vector<1x16xf32>,
      %scan3A_206 = arith.constant 0 : i32
      scf.yield %scan3A_206 : i32
    }
    %scan3A_6 = arith.constant 128 : i32
    %mul3A_7 = arith.constant 640 : i32
    %mul3A_8 = arith.muli %arg1, %mul3A_7 : i32
    %add3A_9 = arith.constant 0 : i32
    %add3A_10 = arith.addi %mul3A_8, %add3A_9 : i32
    "tpu.region"() ({
      %run_scoped3A = tpu.sem_alloc : memref<!tpu.dma_semaphore, #tpu.memory_space<semaphore_mem>>
      %dma_start3A_150 = arith.constant 0 : i32
      %dma_start3A_151 = tpu.memref_slice %arg12[%add3A_10, %dma_start3A_150] : memref<10240x128xf32, #tpu.memory_space<vmem_shared>> -> memref<128x128xf32, #tpu.memory_space<vmem_shared>>
      %dma_start3A_152 = arith.constant 0 : i32
      %dma_start3A_153 = tpu.memref_slice %arg12[%add3A_10, %dma_start3A_152] : memref<10240x128xf32, #tpu.memory_space<vmem_shared>> -> memref<128x128xf32, #tpu.memory_space<vmem_shared>>
      tpu.enqueue_dma source(%arg10 : memref<128x128xf32, #tpu.memory_space<vmem>>) target(%dma_start3A_153 : memref<128x128xf32, #tpu.memory_space<vmem_shared>>) target_semaphore(%run_scoped3A : memref<!tpu.dma_semaphore, #tpu.memory_space<semaphore_mem>>)
      %dma_wait3A_154 = arith.constant 0 : i32
      %dma_wait3A_155 = tpu.memref_slice %arg12[%add3A_10, %dma_wait3A_154] : memref<10240x128xf32, #tpu.memory_space<vmem_shared>> -> memref<128x128xf32, #tpu.memory_space<vmem_shared>>
      %dma_wait3A_156 = arith.constant 0 : i32
      %dma_wait3A_157 = tpu.memref_slice %arg12[%add3A_10, %dma_wait3A_156] : memref<10240x128xf32, #tpu.memory_space<vmem_shared>> -> memref<128x128xf32, #tpu.memory_space<vmem_shared>>
      tpu.wait_dma2 semaphore(%run_scoped3A : memref<!tpu.dma_semaphore, #tpu.memory_space<semaphore_mem>>) src(%arg10 : memref<128x128xf32, #tpu.memory_space<vmem>>) dst(%dma_wait3A_157 : memref<128x128xf32, #tpu.memory_space<vmem_shared>>)
      tpu.yield
    }) : () -> ()
    %mul3A_11 = arith.constant 640 : i32
    %mul3A_12 = arith.muli %arg1, %mul3A_11 : i32
    %add3A_13 = arith.constant 128 : i32
    %add3A_14 = arith.addi %mul3A_12, %add3A_13 : i32
    "tpu.region"() ({
      %run_scoped3A = tpu.sem_alloc : memref<!tpu.dma_semaphore, #tpu.memory_space<semaphore_mem>>
      %dma_start3A_150 = arith.constant 0 : i32
      %dma_start3A_151 = tpu.memref_slice %arg12[%add3A_14, %dma_start3A_150] : memref<10240x128xf32, #tpu.memory_space<vmem_shared>> -> memref<128x128xf32, #tpu.memory_space<vmem_shared>>
      %dma_start3A_152 = arith.constant 0 : i32
      %dma_start3A_153 = tpu.memref_slice %arg12[%add3A_14, %dma_start3A_152] : memref<10240x128xf32, #tpu.memory_space<vmem_shared>> -> memref<128x128xf32, #tpu.memory_space<vmem_shared>>
      tpu.enqueue_dma source(%arg10 : memref<128x128xf32, #tpu.memory_space<vmem>>) target(%dma_start3A_153 : memref<128x128xf32, #tpu.memory_space<vmem_shared>>) target_semaphore(%run_scoped3A : memref<!tpu.dma_semaphore, #tpu.memory_space<semaphore_mem>>)
      %dma_wait3A_154 = arith.constant 0 : i32
      %dma_wait3A_155 = tpu.memref_slice %arg12[%add3A_14, %dma_wait3A_154] : memref<10240x128xf32, #tpu.memory_space<vmem_shared>> -> memref<128x128xf32, #tpu.memory_space<vmem_shared>>
      %dma_wait3A_156 = arith.constant 0 : i32
      %dma_wait3A_157 = tpu.memref_slice %arg12[%add3A_14, %dma_wait3A_156] : memref<10240x128xf32, #tpu.memory_space<vmem_shared>> -> memref<128x128xf32, #tpu.memory_space<vmem_shared>>
      tpu.wait_dma2 semaphore(%run_scoped3A : memref<!tpu.dma_semaphore, #tpu.memory_space<semaphore_mem>>) src(%arg10 : memref<128x128xf32, #tpu.memory_space<vmem>>) dst(%dma_wait3A_157 : memref<128x128xf32, #tpu.memory_space<vmem_shared>>)
      tpu.yield
    }) : () -> ()
    %mul3A_15 = arith.constant 640 : i32
    %mul3A_16 = arith.muli %arg1, %mul3A_15 : i32
    %add3A_17 = arith.constant 256 : i32
    %add3A_18 = arith.addi %mul3A_16, %add3A_17 : i32
    "tpu.region"() ({
      %run_scoped3A = tpu.sem_alloc : memref<!tpu.dma_semaphore, #tpu.memory_space<semaphore_mem>>
      %dma_start3A_150 = arith.constant 0 : i32
      %dma_start3A_151 = tpu.memref_slice %arg12[%add3A_18, %dma_start3A_150] : memref<10240x128xf32, #tpu.memory_space<vmem_shared>> -> memref<128x128xf32, #tpu.memory_space<vmem_shared>>
      %dma_start3A_152 = arith.constant 0 : i32
      %dma_start3A_153 = tpu.memref_slice %arg12[%add3A_18, %dma_start3A_152] : memref<10240x128xf32, #tpu.memory_space<vmem_shared>> -> memref<128x128xf32, #tpu.memory_space<vmem_shared>>
      tpu.enqueue_dma source(%arg10 : memref<128x128xf32, #tpu.memory_space<vmem>>) target(%dma_start3A_153 : memref<128x128xf32, #tpu.memory_space<vmem_shared>>) target_semaphore(%run_scoped3A : memref<!tpu.dma_semaphore, #tpu.memory_space<semaphore_mem>>)
      %dma_wait3A_154 = arith.constant 0 : i32
      %dma_wait3A_155 = tpu.memref_slice %arg12[%add3A_18, %dma_wait3A_154] : memref<10240x128xf32, #tpu.memory_space<vmem_shared>> -> memref<128x128xf32, #tpu.memory_space<vmem_shared>>
      %dma_wait3A_156 = arith.constant 0 : i32
      %dma_wait3A_157 = tpu.memref_slice %arg12[%add3A_18, %dma_wait3A_156] : memref<10240x128xf32, #tpu.memory_space<vmem_shared>> -> memref<128x128xf32, #tpu.memory_space<vmem_shared>>
      tpu.wait_dma2 semaphore(%run_scoped3A : memref<!tpu.dma_semaphore, #tpu.memory_space<semaphore_mem>>) src(%arg10 : memref<128x128xf32, #tpu.memory_space<vmem>>) dst(%dma_wait3A_157 : memref<128x128xf32, #tpu.memory_space<vmem_shared>>)
      tpu.yield
    }) : () -> ()
    %mul3A_19 = arith.constant 640 : i32
    %mul3A_20 = arith.muli %arg1, %mul3A_19 : i32
    %add3A_21 = arith.constant 384 : i32
    %add3A_22 = arith.addi %mul3A_20, %add3A_21 : i32
    "tpu.region"() ({
      %run_scoped3A = tpu.sem_alloc : memref<!tpu.dma_semaphore, #tpu.memory_space<semaphore_mem>>
      %dma_start3A_150 = arith.constant 0 : i32
      %dma_start3A_151 = tpu.memref_slice %arg12[%add3A_22, %dma_start3A_150] : memref<10240x128xf32, #tpu.memory_space<vmem_shared>> -> memref<128x128xf32, #tpu.memory_space<vmem_shared>>
      %dma_start3A_152 = arith.constant 0 : i32
      %dma_start3A_153 = tpu.memref_slice %arg12[%add3A_22, %dma_start3A_152] : memref<10240x128xf32, #tpu.memory_space<vmem_shared>> -> memref<128x128xf32, #tpu.memory_space<vmem_shared>>
      tpu.enqueue_dma source(%arg10 : memref<128x128xf32, #tpu.memory_space<vmem>>) target(%dma_start3A_153 : memref<128x128xf32, #tpu.memory_space<vmem_shared>>) target_semaphore(%run_scoped3A : memref<!tpu.dma_semaphore, #tpu.memory_space<semaphore_mem>>)
      %dma_wait3A_154 = arith.constant 0 : i32
      %dma_wait3A_155 = tpu.memref_slice %arg12[%add3A_22, %dma_wait3A_154] : memref<10240x128xf32, #tpu.memory_space<vmem_shared>> -> memref<128x128xf32, #tpu.memory_space<vmem_shared>>
      %dma_wait3A_156 = arith.constant 0 : i32
      %dma_wait3A_157 = tpu.memref_slice %arg12[%add3A_22, %dma_wait3A_156] : memref<10240x128xf32, #tpu.memory_space<vmem_shared>> -> memref<128x128xf32, #tpu.memory_space<vmem_shared>>
      tpu.wait_dma2 semaphore(%run_scoped3A : memref<!tpu.dma_semaphore, #tpu.memory_space<semaphore_mem>>) src(%arg10 : memref<128x128xf32, #tpu.memory_space<vmem>>) dst(%dma_wait3A_157 : memref<128x128xf32, #tpu.memory_space<vmem_shared>>)
      tpu.yield
    }) : () -> ()
    %mul3A_23 = arith.constant 640 : i32
    %mul3A_24 = arith.muli %arg1, %mul3A_23 : i32
    %add3A_25 = arith.constant 512 : i32
    %add3A_26 = arith.addi %mul3A_24, %add3A_25 : i32
    "tpu.region"() ({
      %run_scoped3A = tpu.sem_alloc : memref<!tpu.dma_semaphore, #tpu.memory_space<semaphore_mem>>
      %dma_start3A_150 = arith.constant 0 : i32
      %dma_start3A_151 = tpu.memref_slice %arg12[%add3A_26, %dma_start3A_150] : memref<10240x128xf32, #tpu.memory_space<vmem_shared>> -> memref<128x128xf32, #tpu.memory_space<vmem_shared>>
      %dma_start3A_152 = arith.constant 0 : i32
      %dma_start3A_153 = tpu.memref_slice %arg12[%add3A_26, %dma_start3A_152] : memref<10240x128xf32, #tpu.memory_space<vmem_shared>> -> memref<128x128xf32, #tpu.memory_space<vmem_shared>>
      tpu.enqueue_dma source(%arg10 : memref<128x128xf32, #tpu.memory_space<vmem>>) target(%dma_start3A_153 : memref<128x128xf32, #tpu.memory_space<vmem_shared>>) target_semaphore(%run_scoped3A : memref<!tpu.dma_semaphore, #tpu.memory_space<semaphore_mem>>)
      %dma_wait3A_154 = arith.constant 0 : i32
      %dma_wait3A_155 = tpu.memref_slice %arg12[%add3A_26, %dma_wait3A_154] : memref<10240x128xf32, #tpu.memory_space<vmem_shared>> -> memref<128x128xf32, #tpu.memory_space<vmem_shared>>
      %dma_wait3A_156 = arith.constant 0 : i32
      %dma_wait3A_157 = tpu.memref_slice %arg12[%add3A_26, %dma_wait3A_156] : memref<10240x128xf32, #tpu.memory_space<vmem_shared>> -> memref<128x128xf32, #tpu.memory_space<vmem_shared>>
      tpu.wait_dma2 semaphore(%run_scoped3A : memref<!tpu.dma_semaphore, #tpu.memory_space<semaphore_mem>>) src(%arg10 : memref<128x128xf32, #tpu.memory_space<vmem>>) dst(%dma_wait3A_157 : memref<128x128xf32, #tpu.memory_space<vmem_shared>>)
      tpu.yield
    }) : () -> ()
    "tpu.region"() ({
      %run_scoped3A = tpu.sem_alloc : memref<!tpu.dma_semaphore, #tpu.memory_space<semaphore_mem>>
      %dma_start3A_150 = arith.constant 0 : i32
      %dma_start3A_151 = arith.constant 0 : i32
      %dma_start3A_152 = tpu.memref_slice %arg4[%add3A, %dma_start3A_150, %dma_start3A_151] : memref<32x80x128xi32, #tpu.memory_space<hbm>> -> memref<1x80x128xi32, #tpu.memory_space<hbm>>
      %dma_start3A_153 = tpu.memref_squeeze %dma_start3A_152 : memref<1x80x128xi32, #tpu.memory_space<hbm>> -> memref<80x128xi32, #tpu.memory_space<hbm>>
      %dma_start3A_154 = arith.constant 0 : i32
      %dma_start3A_155 = arith.constant 0 : i32
      %dma_start3A_156 = tpu.memref_slice %arg4[%add3A, %dma_start3A_154, %dma_start3A_155] : memref<32x80x128xi32, #tpu.memory_space<hbm>> -> memref<1x80x128xi32, #tpu.memory_space<hbm>>
      %dma_start3A_157 = tpu.memref_squeeze %dma_start3A_156 : memref<1x80x128xi32, #tpu.memory_space<hbm>> -> memref<80x128xi32, #tpu.memory_space<hbm>>
      tpu.enqueue_dma source(%dma_start3A_157 : memref<80x128xi32, #tpu.memory_space<hbm>>) target(%arg9 : memref<80x128xi32, #tpu.memory_space<vmem>>) target_semaphore(%run_scoped3A : memref<!tpu.dma_semaphore, #tpu.memory_space<semaphore_mem>>)
      %dma_wait3A_158 = arith.constant 0 : i32
      %dma_wait3A_159 = arith.constant 0 : i32
      %dma_wait3A_160 = tpu.memref_slice %arg4[%add3A, %dma_wait3A_158, %dma_wait3A_159] : memref<32x80x128xi32, #tpu.memory_space<hbm>> -> memref<1x80x128xi32, #tpu.memory_space<hbm>>
      %dma_wait3A_161 = tpu.memref_squeeze %dma_wait3A_160 : memref<1x80x128xi32, #tpu.memory_space<hbm>> -> memref<80x128xi32, #tpu.memory_space<hbm>>
      %dma_wait3A_162 = arith.constant 0 : i32
      %dma_wait3A_163 = arith.constant 0 : i32
      %dma_wait3A_164 = tpu.memref_slice %arg4[%add3A, %dma_wait3A_162, %dma_wait3A_163] : memref<32x80x128xi32, #tpu.memory_space<hbm>> -> memref<1x80x128xi32, #tpu.memory_space<hbm>>
      %dma_wait3A_165 = tpu.memref_squeeze %dma_wait3A_164 : memref<1x80x128xi32, #tpu.memory_space<hbm>> -> memref<80x128xi32, #tpu.memory_space<hbm>>
      tpu.wait_dma2 semaphore(%run_scoped3A : memref<!tpu.dma_semaphore, #tpu.memory_space<semaphore_mem>>) src(%dma_wait3A_165 : memref<80x128xi32, #tpu.memory_space<hbm>>) dst(%arg9 : memref<80x128xi32, #tpu.memory_space<vmem>>)
      tpu.yield
    }) : () -> ()
    %barrier3A = arith.constant 0 : index
    tpu.barrier barrier_id(%barrier3A)
    %mul3A_27 = arith.constant 10240 : i32
    %mul3A_28 = arith.muli %add3A, %mul3A_27 : i32
    %add3A_29 = arith.constant 0 : i32
    %add3A_30 = arith.addi %mul3A_28, %add3A_29 : i32
    "tpu.region"() ({
      %run_scoped3A = tpu.sem_alloc : memref<!tpu.dma_semaphore, #tpu.memory_space<semaphore_mem>>
      %dma_start3A_150 = tpu.memref_slice %arg3[%add3A_30] : memref<327680xi32, #tpu.memory_space<hbm>> -> memref<128xi32, #tpu.memory_space<hbm>>
      %dma_start3A_151 = tpu.memref_slice %arg3[%add3A_30] : memref<327680xi32, #tpu.memory_space<hbm>> -> memref<128xi32, #tpu.memory_space<hbm>>
      tpu.enqueue_dma source(%dma_start3A_151 : memref<128xi32, #tpu.memory_space<hbm>>) target(%arg7 : memref<128xi32, #tpu.memory_space<vmem>>) target_semaphore(%run_scoped3A : memref<!tpu.dma_semaphore, #tpu.memory_space<semaphore_mem>>)
      %dma_wait3A_152 = tpu.memref_slice %arg3[%add3A_30] : memref<327680xi32, #tpu.memory_space<hbm>> -> memref<128xi32, #tpu.memory_space<hbm>>
      %dma_wait3A_153 = tpu.memref_slice %arg3[%add3A_30] : memref<327680xi32, #tpu.memory_space<hbm>> -> memref<128xi32, #tpu.memory_space<hbm>>
      tpu.wait_dma2 semaphore(%run_scoped3A : memref<!tpu.dma_semaphore, #tpu.memory_space<semaphore_mem>>) src(%dma_wait3A_153 : memref<128xi32, #tpu.memory_space<hbm>>) dst(%arg7 : memref<128xi32, #tpu.memory_space<vmem>>)
      tpu.yield
    }) : () -> ()
    %dma_start3A = arith.constant 0 : i32
    %dma_start3A_31 = arith.constant 0 : i32
    %dma_start3A_32 = tpu.memref_slice %arg2[%dma_start3A, %dma_start3A_31] : memref<10240x128xf32, #tpu.memory_space<hbm>> -> memref<10240x128xf32, #tpu.memory_space<hbm>>
    tpu.enqueue_indirect_dma source(%dma_start3A_32 : memref<10240x128xf32, #tpu.memory_space<hbm>>) target(%arg10 : memref<128x128xf32, #tpu.memory_space<vmem>>) offsets(%arg7 : memref<128xi32, #tpu.memory_space<vmem>>) semaphore(%arg13 : memref<!tpu.dma_semaphore, #tpu.memory_space<semaphore_mem>>)
    %add3A_33 = arith.constant 128 : i32
    %add3A_34 = arith.addi %mul3A_28, %add3A_33 : i32
    "tpu.region"() ({
      %run_scoped3A = tpu.sem_alloc : memref<!tpu.dma_semaphore, #tpu.memory_space<semaphore_mem>>
      %dma_start3A_150 = tpu.memref_slice %arg3[%add3A_34] : memref<327680xi32, #tpu.memory_space<hbm>> -> memref<128xi32, #tpu.memory_space<hbm>>
      %dma_start3A_151 = tpu.memref_slice %arg3[%add3A_34] : memref<327680xi32, #tpu.memory_space<hbm>> -> memref<128xi32, #tpu.memory_space<hbm>>
      tpu.enqueue_dma source(%dma_start3A_151 : memref<128xi32, #tpu.memory_space<hbm>>) target(%arg8 : memref<128xi32, #tpu.memory_space<vmem>>) target_semaphore(%run_scoped3A : memref<!tpu.dma_semaphore, #tpu.memory_space<semaphore_mem>>)
      %dma_wait3A_152 = tpu.memref_slice %arg3[%add3A_34] : memref<327680xi32, #tpu.memory_space<hbm>> -> memref<128xi32, #tpu.memory_space<hbm>>
      %dma_wait3A_153 = tpu.memref_slice %arg3[%add3A_34] : memref<327680xi32, #tpu.memory_space<hbm>> -> memref<128xi32, #tpu.memory_space<hbm>>
      tpu.wait_dma2 semaphore(%run_scoped3A : memref<!tpu.dma_semaphore, #tpu.memory_space<semaphore_mem>>) src(%dma_wait3A_153 : memref<128xi32, #tpu.memory_space<hbm>>) dst(%arg8 : memref<128xi32, #tpu.memory_space<vmem>>)
      tpu.yield
    }) : () -> ()
    %dma_start3A_35 = arith.constant 0 : i32
    %dma_start3A_36 = arith.constant 0 : i32
    %dma_start3A_37 = tpu.memref_slice %arg2[%dma_start3A_35, %dma_start3A_36] : memref<10240x128xf32, #tpu.memory_space<hbm>> -> memref<10240x128xf32, #tpu.memory_space<hbm>>
    tpu.enqueue_indirect_dma source(%dma_start3A_37 : memref<10240x128xf32, #tpu.memory_space<hbm>>) target(%arg11 : memref<128x128xf32, #tpu.memory_space<vmem>>) offsets(%arg8 : memref<128xi32, #tpu.memory_space<vmem>>) semaphore(%arg14 : memref<!tpu.dma_semaphore, #tpu.memory_space<semaphore_mem>>)
    %scan3A_38 = arith.constant 0 : i32
    %scan3A_39 = arith.constant 0 : i32
    %scan3A_40 = arith.constant 39 : i32
    %scan3A_41 = arith.addi %scan3A_39, %scan3A_40 : i32
    %scan3A_42 = arith.constant 1 : i32
    %scan3A_43 = scf.for %scan3A_150 = %scan3A_39 to %scan3A_41 step %scan3A_42 iter_args(%scan3A_151 = %scan3A_38) -> (i32)  : i32 {
      %mul3A_152 = arith.constant 2 : i32
      %mul3A_153 = arith.muli %mul3A_152, %scan3A_150 : i32
      %dma_wait3A_154 = arith.constant 0 : i32
      %dma_wait3A_155 = arith.constant 0 : i32
      %dma_wait3A_156 = tpu.memref_slice %arg2[%dma_wait3A_154, %dma_wait3A_155] : memref<10240x128xf32, #tpu.memory_space<hbm>> -> memref<128x128xf32, #tpu.memory_space<hbm>>
      %dma_wait3A_157 = arith.constant 0 : i32
      %dma_wait3A_158 = arith.constant 0 : i32
      %dma_wait3A_159 = tpu.memref_slice %arg2[%dma_wait3A_157, %dma_wait3A_158] : memref<10240x128xf32, #tpu.memory_space<hbm>> -> memref<128x128xf32, #tpu.memory_space<hbm>>
      tpu.wait_dma2 semaphore(%arg13 : memref<!tpu.dma_semaphore, #tpu.memory_space<semaphore_mem>>) src(%dma_wait3A_159 : memref<128x128xf32, #tpu.memory_space<hbm>>) dst(%arg10 : memref<128x128xf32, #tpu.memory_space<vmem>>)
      %dma_start3A_160 = arith.constant 0 : i32
      %dma_start3A_161 = tpu.memref_slice %arg9[%mul3A_153, %dma_start3A_160] : memref<80x128xi32, #tpu.memory_space<vmem>> -> memref<1x128xi32, #tpu.memory_space<vmem>>
      %dma_start3A_162 = tpu.memref_squeeze %dma_start3A_161 : memref<1x128xi32, #tpu.memory_space<vmem>> -> memref<128xi32, #tpu.memory_space<vmem>>
      %dma_start3A_163 = arith.constant 0 : i32
      %dma_start3A_164 = arith.constant 0 : i32
      %dma_start3A_165 = tpu.memref_slice %arg12[%dma_start3A_163, %dma_start3A_164] : memref<10240x128xf32, #tpu.memory_space<vmem_shared>> -> memref<10240x128xf32, #tpu.memory_space<vmem_shared>>
      tpu.enqueue_indirect_dma source(%arg10 : memref<128x128xf32, #tpu.memory_space<vmem>>) target(%dma_start3A_165 : memref<10240x128xf32, #tpu.memory_space<vmem_shared>>) offsets(%dma_start3A_162 : memref<128xi32, #tpu.memory_space<vmem>>) semaphore(%arg15 : memref<!tpu.dma_semaphore, #tpu.memory_space<semaphore_mem>>) {add = true}
      %dma_wait3A_166 = arith.constant 0 : i32
      %dma_wait3A_167 = arith.constant 0 : i32
      %dma_wait3A_168 = tpu.memref_slice %arg2[%dma_wait3A_166, %dma_wait3A_167] : memref<10240x128xf32, #tpu.memory_space<hbm>> -> memref<128x128xf32, #tpu.memory_space<hbm>>
      %dma_wait3A_169 = arith.constant 0 : i32
      %dma_wait3A_170 = arith.constant 0 : i32
      %dma_wait3A_171 = tpu.memref_slice %arg2[%dma_wait3A_169, %dma_wait3A_170] : memref<10240x128xf32, #tpu.memory_space<hbm>> -> memref<128x128xf32, #tpu.memory_space<hbm>>
      tpu.wait_dma2 semaphore(%arg14 : memref<!tpu.dma_semaphore, #tpu.memory_space<semaphore_mem>>) src(%dma_wait3A_171 : memref<128x128xf32, #tpu.memory_space<hbm>>) dst(%arg11 : memref<128x128xf32, #tpu.memory_space<vmem>>)
      %add3A_172 = arith.constant 1 : i32
      %add3A_173 = arith.addi %mul3A_153, %add3A_172 : i32
      %dma_start3A_174 = arith.constant 0 : i32
      %dma_start3A_175 = tpu.memref_slice %arg9[%add3A_173, %dma_start3A_174] : memref<80x128xi32, #tpu.memory_space<vmem>> -> memref<1x128xi32, #tpu.memory_space<vmem>>
      %dma_start3A_176 = tpu.memref_squeeze %dma_start3A_175 : memref<1x128xi32, #tpu.memory_space<vmem>> -> memref<128xi32, #tpu.memory_space<vmem>>
      %dma_start3A_177 = arith.constant 0 : i32
      %dma_start3A_178 = arith.constant 0 : i32
      %dma_start3A_179 = tpu.memref_slice %arg12[%dma_start3A_177, %dma_start3A_178] : memref<10240x128xf32, #tpu.memory_space<vmem_shared>> -> memref<10240x128xf32, #tpu.memory_space<vmem_shared>>
      tpu.enqueue_indirect_dma source(%arg11 : memref<128x128xf32, #tpu.memory_space<vmem>>) target(%dma_start3A_179 : memref<10240x128xf32, #tpu.memory_space<vmem_shared>>) offsets(%dma_start3A_176 : memref<128xi32, #tpu.memory_space<vmem>>) semaphore(%arg16 : memref<!tpu.dma_semaphore, #tpu.memory_space<semaphore_mem>>) {add = true}
      %dma_wait3A_180 = arith.constant 0 : i32
      %dma_wait3A_181 = arith.constant 0 : i32
      %dma_wait3A_182 = tpu.memref_slice %arg12[%dma_wait3A_180, %dma_wait3A_181] : memref<10240x128xf32, #tpu.memory_space<vmem_shared>> -> memref<128x128xf32, #tpu.memory_space<vmem_shared>>
      %dma_wait3A_183 = arith.constant 0 : i32
      %dma_wait3A_184 = arith.constant 0 : i32
      %dma_wait3A_185 = tpu.memref_slice %arg12[%dma_wait3A_183, %dma_wait3A_184] : memref<10240x128xf32, #tpu.memory_space<vmem_shared>> -> memref<128x128xf32, #tpu.memory_space<vmem_shared>>
      tpu.wait_dma2 semaphore(%arg15 : memref<!tpu.dma_semaphore, #tpu.memory_space<semaphore_mem>>) src(%arg10 : memref<128x128xf32, #tpu.memory_space<vmem>>) dst(%dma_wait3A_185 : memref<128x128xf32, #tpu.memory_space<vmem_shared>>)
      %add3A_186 = arith.constant 2 : i32
      %add3A_187 = arith.addi %mul3A_153, %add3A_186 : i32
      %mul3A_188 = arith.constant 128 : i32
      %mul3A_189 = arith.muli %add3A_187, %mul3A_188 : i32
      %add3A_190 = arith.addi %mul3A_28, %mul3A_189 : i32
      "tpu.region"() ({
        %run_scoped3A = tpu.sem_alloc : memref<!tpu.dma_semaphore, #tpu.memory_space<semaphore_mem>>
        %dma_start3A_209 = tpu.memref_slice %arg3[%add3A_190] : memref<327680xi32, #tpu.memory_space<hbm>> -> memref<128xi32, #tpu.memory_space<hbm>>
        %dma_start3A_210 = tpu.memref_slice %arg3[%add3A_190] : memref<327680xi32, #tpu.memory_space<hbm>> -> memref<128xi32, #tpu.memory_space<hbm>>
        tpu.enqueue_dma source(%dma_start3A_210 : memref<128xi32, #tpu.memory_space<hbm>>) target(%arg7 : memref<128xi32, #tpu.memory_space<vmem>>) target_semaphore(%run_scoped3A : memref<!tpu.dma_semaphore, #tpu.memory_space<semaphore_mem>>)
        %dma_wait3A_211 = tpu.memref_slice %arg3[%add3A_190] : memref<327680xi32, #tpu.memory_space<hbm>> -> memref<128xi32, #tpu.memory_space<hbm>>
        %dma_wait3A_212 = tpu.memref_slice %arg3[%add3A_190] : memref<327680xi32, #tpu.memory_space<hbm>> -> memref<128xi32, #tpu.memory_space<hbm>>
        tpu.wait_dma2 semaphore(%run_scoped3A : memref<!tpu.dma_semaphore, #tpu.memory_space<semaphore_mem>>) src(%dma_wait3A_212 : memref<128xi32, #tpu.memory_space<hbm>>) dst(%arg7 : memref<128xi32, #tpu.memory_space<vmem>>)
        tpu.yield
      }) : () -> ()
      %dma_start3A_191 = arith.constant 0 : i32
      %dma_start3A_192 = arith.constant 0 : i32
      %dma_start3A_193 = tpu.memref_slice %arg2[%dma_start3A_191, %dma_start3A_192] : memref<10240x128xf32, #tpu.memory_space<hbm>> -> memref<10240x128xf32, #tpu.memory_space<hbm>>
      tpu.enqueue_indirect_dma source(%dma_start3A_193 : memref<10240x128xf32, #tpu.memory_space<hbm>>) target(%arg10 : memref<128x128xf32, #tpu.memory_space<vmem>>) offsets(%arg7 : memref<128xi32, #tpu.memory_space<vmem>>) semaphore(%arg13 : memref<!tpu.dma_semaphore, #tpu.memory_space<semaphore_mem>>)
      %dma_wait3A_194 = arith.constant 0 : i32
      %dma_wait3A_195 = arith.constant 0 : i32
      %dma_wait3A_196 = tpu.memref_slice %arg12[%dma_wait3A_194, %dma_wait3A_195] : memref<10240x128xf32, #tpu.memory_space<vmem_shared>> -> memref<128x128xf32, #tpu.memory_space<vmem_shared>>
      %dma_wait3A_197 = arith.constant 0 : i32
      %dma_wait3A_198 = arith.constant 0 : i32
      %dma_wait3A_199 = tpu.memref_slice %arg12[%dma_wait3A_197, %dma_wait3A_198] : memref<10240x128xf32, #tpu.memory_space<vmem_shared>> -> memref<128x128xf32, #tpu.memory_space<vmem_shared>>
      tpu.wait_dma2 semaphore(%arg16 : memref<!tpu.dma_semaphore, #tpu.memory_space<semaphore_mem>>) src(%arg11 : memref<128x128xf32, #tpu.memory_space<vmem>>) dst(%dma_wait3A_199 : memref<128x128xf32, #tpu.memory_space<vmem_shared>>)
      %add3A_200 = arith.constant 3 : i32
      %add3A_201 = arith.addi %mul3A_153, %add3A_200 : i32
      %mul3A_202 = arith.constant 128 : i32
      %mul3A_203 = arith.muli %add3A_201, %mul3A_202 : i32
      %add3A_204 = arith.addi %mul3A_28, %mul3A_203 : i32
      "tpu.region"() ({
        %run_scoped3A = tpu.sem_alloc : memref<!tpu.dma_semaphore, #tpu.memory_space<semaphore_mem>>
        %dma_start3A_209 = tpu.memref_slice %arg3[%add3A_204] : memref<327680xi32, #tpu.memory_space<hbm>> -> memref<128xi32, #tpu.memory_space<hbm>>
        %dma_start3A_210 = tpu.memref_slice %arg3[%add3A_204] : memref<327680xi32, #tpu.memory_space<hbm>> -> memref<128xi32, #tpu.memory_space<hbm>>
        tpu.enqueue_dma source(%dma_start3A_210 : memref<128xi32, #tpu.memory_space<hbm>>) target(%arg8 : memref<128xi32, #tpu.memory_space<vmem>>) target_semaphore(%run_scoped3A : memref<!tpu.dma_semaphore, #tpu.memory_space<semaphore_mem>>)
        %dma_wait3A_211 = tpu.memref_slice %arg3[%add3A_204] : memref<327680xi32, #tpu.memory_space<hbm>> -> memref<128xi32, #tpu.memory_space<hbm>>
        %dma_wait3A_212 = tpu.memref_slice %arg3[%add3A_204] : memref<327680xi32, #tpu.memory_space<hbm>> -> memref<128xi32, #tpu.memory_space<hbm>>
        tpu.wait_dma2 semaphore(%run_scoped3A : memref<!tpu.dma_semaphore, #tpu.memory_space<semaphore_mem>>) src(%dma_wait3A_212 : memref<128xi32, #tpu.memory_space<hbm>>) dst(%arg8 : memref<128xi32, #tpu.memory_space<vmem>>)
        tpu.yield
      }) : () -> ()
      %dma_start3A_205 = arith.constant 0 : i32
      %dma_start3A_206 = arith.constant 0 : i32
      %dma_start3A_207 = tpu.memref_slice %arg2[%dma_start3A_205, %dma_start3A_206] : memref<10240x128xf32, #tpu.memory_space<hbm>> -> memref<10240x128xf32, #tpu.memory_space<hbm>>
      tpu.enqueue_indirect_dma source(%dma_start3A_207 : memref<10240x128xf32, #tpu.memory_space<hbm>>) target(%arg11 : memref<128x128xf32, #tpu.memory_space<vmem>>) offsets(%arg8 : memref<128xi32, #tpu.memory_space<vmem>>) semaphore(%arg14 : memref<!tpu.dma_semaphore, #tpu.memory_space<semaphore_mem>>)
      %scan3A_208 = arith.constant 0 : i32
      scf.yield %scan3A_208 : i32
    }
    %scan3A_44 = arith.constant 39 : i32
    %dma_wait3A = arith.constant 0 : i32
    %dma_wait3A_45 = arith.constant 0 : i32
    %dma_wait3A_46 = tpu.memref_slice %arg2[%dma_wait3A, %dma_wait3A_45] : memref<10240x128xf32, #tpu.memory_space<hbm>> -> memref<128x128xf32, #tpu.memory_space<hbm>>
    %dma_wait3A_47 = arith.constant 0 : i32
    %dma_wait3A_48 = arith.constant 0 : i32
    %dma_wait3A_49 = tpu.memref_slice %arg2[%dma_wait3A_47, %dma_wait3A_48] : memref<10240x128xf32, #tpu.memory_space<hbm>> -> memref<128x128xf32, #tpu.memory_space<hbm>>
    tpu.wait_dma2 semaphore(%arg13 : memref<!tpu.dma_semaphore, #tpu.memory_space<semaphore_mem>>) src(%dma_wait3A_49 : memref<128x128xf32, #tpu.memory_space<hbm>>) dst(%arg10 : memref<128x128xf32, #tpu.memory_space<vmem>>)
    %dma_start3A_50 = arith.constant 78 : i32
    %dma_start3A_51 = arith.constant 0 : i32
    %dma_start3A_52 = tpu.memref_slice %arg9[%dma_start3A_50, %dma_start3A_51] : memref<80x128xi32, #tpu.memory_space<vmem>> -> memref<1x128xi32, #tpu.memory_space<vmem>>
    %dma_start3A_53 = tpu.memref_squeeze %dma_start3A_52 : memref<1x128xi32, #tpu.memory_space<vmem>> -> memref<128xi32, #tpu.memory_space<vmem>>
    %dma_start3A_54 = arith.constant 0 : i32
    %dma_start3A_55 = arith.constant 0 : i32
    %dma_start3A_56 = tpu.memref_slice %arg12[%dma_start3A_54, %dma_start3A_55] : memref<10240x128xf32, #tpu.memory_space<vmem_shared>> -> memref<10240x128xf32, #tpu.memory_space<vmem_shared>>
    tpu.enqueue_indirect_dma source(%arg10 : memref<128x128xf32, #tpu.memory_space<vmem>>) target(%dma_start3A_56 : memref<10240x128xf32, #tpu.memory_space<vmem_shared>>) offsets(%dma_start3A_53 : memref<128xi32, #tpu.memory_space<vmem>>) semaphore(%arg15 : memref<!tpu.dma_semaphore, #tpu.memory_space<semaphore_mem>>) {add = true}
    %dma_wait3A_57 = arith.constant 0 : i32
    %dma_wait3A_58 = arith.constant 0 : i32
    %dma_wait3A_59 = tpu.memref_slice %arg2[%dma_wait3A_57, %dma_wait3A_58] : memref<10240x128xf32, #tpu.memory_space<hbm>> -> memref<128x128xf32, #tpu.memory_space<hbm>>
    %dma_wait3A_60 = arith.constant 0 : i32
    %dma_wait3A_61 = arith.constant 0 : i32
    %dma_wait3A_62 = tpu.memref_slice %arg2[%dma_wait3A_60, %dma_wait3A_61] : memref<10240x128xf32, #tpu.memory_space<hbm>> -> memref<128x128xf32, #tpu.memory_space<hbm>>
    tpu.wait_dma2 semaphore(%arg14 : memref<!tpu.dma_semaphore, #tpu.memory_space<semaphore_mem>>) src(%dma_wait3A_62 : memref<128x128xf32, #tpu.memory_space<hbm>>) dst(%arg11 : memref<128x128xf32, #tpu.memory_space<vmem>>)
    %dma_start3A_63 = arith.constant 79 : i32
    %dma_start3A_64 = arith.constant 0 : i32
    %dma_start3A_65 = tpu.memref_slice %arg9[%dma_start3A_63, %dma_start3A_64] : memref<80x128xi32, #tpu.memory_space<vmem>> -> memref<1x128xi32, #tpu.memory_space<vmem>>
    %dma_start3A_66 = tpu.memref_squeeze %dma_start3A_65 : memref<1x128xi32, #tpu.memory_space<vmem>> -> memref<128xi32, #tpu.memory_space<vmem>>
    %dma_start3A_67 = arith.constant 0 : i32
    %dma_start3A_68 = arith.constant 0 : i32
    %dma_start3A_69 = tpu.memref_slice %arg12[%dma_start3A_67, %dma_start3A_68] : memref<10240x128xf32, #tpu.memory_space<vmem_shared>> -> memref<10240x128xf32, #tpu.memory_space<vmem_shared>>
    tpu.enqueue_indirect_dma source(%arg11 : memref<128x128xf32, #tpu.memory_space<vmem>>) target(%dma_start3A_69 : memref<10240x128xf32, #tpu.memory_space<vmem_shared>>) offsets(%dma_start3A_66 : memref<128xi32, #tpu.memory_space<vmem>>) semaphore(%arg16 : memref<!tpu.dma_semaphore, #tpu.memory_space<semaphore_mem>>) {add = true}
    %dma_wait3A_70 = arith.constant 0 : i32
    %dma_wait3A_71 = arith.constant 0 : i32
    %dma_wait3A_72 = tpu.memref_slice %arg12[%dma_wait3A_70, %dma_wait3A_71] : memref<10240x128xf32, #tpu.memory_space<vmem_shared>> -> memref<128x128xf32, #tpu.memory_space<vmem_shared>>
    %dma_wait3A_73 = arith.constant 0 : i32
    %dma_wait3A_74 = arith.constant 0 : i32
    %dma_wait3A_75 = tpu.memref_slice %arg12[%dma_wait3A_73, %dma_wait3A_74] : memref<10240x128xf32, #tpu.memory_space<vmem_shared>> -> memref<128x128xf32, #tpu.memory_space<vmem_shared>>
    tpu.wait_dma2 semaphore(%arg15 : memref<!tpu.dma_semaphore, #tpu.memory_space<semaphore_mem>>) src(%arg10 : memref<128x128xf32, #tpu.memory_space<vmem>>) dst(%dma_wait3A_75 : memref<128x128xf32, #tpu.memory_space<vmem_shared>>)
    %dma_wait3A_76 = arith.constant 0 : i32
    %dma_wait3A_77 = arith.constant 0 : i32
    %dma_wait3A_78 = tpu.memref_slice %arg12[%dma_wait3A_76, %dma_wait3A_77] : memref<10240x128xf32, #tpu.memory_space<vmem_shared>> -> memref<128x128xf32, #tpu.memory_space<vmem_shared>>
    %dma_wait3A_79 = arith.constant 0 : i32
    %dma_wait3A_80 = arith.constant 0 : i32
    %dma_wait3A_81 = tpu.memref_slice %arg12[%dma_wait3A_79, %dma_wait3A_80] : memref<10240x128xf32, #tpu.memory_space<vmem_shared>> -> memref<128x128xf32, #tpu.memory_space<vmem_shared>>
    tpu.wait_dma2 semaphore(%arg16 : memref<!tpu.dma_semaphore, #tpu.memory_space<semaphore_mem>>) src(%arg11 : memref<128x128xf32, #tpu.memory_space<vmem>>) dst(%dma_wait3A_81 : memref<128x128xf32, #tpu.memory_space<vmem_shared>>)
    %barrier3A_82 = arith.constant 0 : index
    tpu.barrier barrier_id(%barrier3A_82)
    %mul3A_83 = arith.constant 640 : i32
    %mul3A_84 = arith.muli %arg1, %mul3A_83 : i32
    %add3A_85 = arith.constant 0 : i32
    %add3A_86 = arith.addi %mul3A_84, %add3A_85 : i32
    "tpu.region"() ({
      %run_scoped3A = tpu.sem_alloc : memref<!tpu.dma_semaphore, #tpu.memory_space<semaphore_mem>>
      %dma_start3A_150 = arith.constant 0 : i32
      %dma_start3A_151 = tpu.memref_slice %arg12[%add3A_86, %dma_start3A_150] : memref<10240x128xf32, #tpu.memory_space<vmem_shared>> -> memref<128x128xf32, #tpu.memory_space<vmem_shared>>
      %dma_start3A_152 = arith.constant 0 : i32
      %dma_start3A_153 = tpu.memref_slice %arg12[%add3A_86, %dma_start3A_152] : memref<10240x128xf32, #tpu.memory_space<vmem_shared>> -> memref<128x128xf32, #tpu.memory_space<vmem_shared>>
      tpu.enqueue_dma source(%dma_start3A_153 : memref<128x128xf32, #tpu.memory_space<vmem_shared>>) target(%arg10 : memref<128x128xf32, #tpu.memory_space<vmem>>) target_semaphore(%run_scoped3A : memref<!tpu.dma_semaphore, #tpu.memory_space<semaphore_mem>>)
      %dma_wait3A_154 = arith.constant 0 : i32
      %dma_wait3A_155 = tpu.memref_slice %arg12[%add3A_86, %dma_wait3A_154] : memref<10240x128xf32, #tpu.memory_space<vmem_shared>> -> memref<128x128xf32, #tpu.memory_space<vmem_shared>>
      %dma_wait3A_156 = arith.constant 0 : i32
      %dma_wait3A_157 = tpu.memref_slice %arg12[%add3A_86, %dma_wait3A_156] : memref<10240x128xf32, #tpu.memory_space<vmem_shared>> -> memref<128x128xf32, #tpu.memory_space<vmem_shared>>
      tpu.wait_dma2 semaphore(%run_scoped3A : memref<!tpu.dma_semaphore, #tpu.memory_space<semaphore_mem>>) src(%dma_wait3A_157 : memref<128x128xf32, #tpu.memory_space<vmem_shared>>) dst(%arg10 : memref<128x128xf32, #tpu.memory_space<vmem>>)
      tpu.yield
    }) : () -> ()
    %eq3A = arith.constant 0 : i32
    %eq3A_87 = arith.cmpi eq, %arg0, %eq3A : i32
    %convert_element_type3A = arith.extui %eq3A_87 : i1 to i32
    %cond3A = arith.constant 0 : i32
    %cond3A_88 = arith.cmpi ne, %convert_element_type3A, %cond3A : i32
    scf.if %cond3A_88 {
      "tpu.region"() ({
        %run_scoped3A = tpu.sem_alloc : memref<!tpu.dma_semaphore, #tpu.memory_space<semaphore_mem>>
        %dma_start3A_150 = arith.constant 0 : i32
        %dma_start3A_151 = tpu.memref_slice %arg5[%add3A_86, %dma_start3A_150] : memref<10240x128xf32, #tpu.memory_space<hbm>> -> memref<128x128xf32, #tpu.memory_space<hbm>>
        %dma_start3A_152 = arith.constant 0 : i32
        %dma_start3A_153 = tpu.memref_slice %arg5[%add3A_86, %dma_start3A_152] : memref<10240x128xf32, #tpu.memory_space<hbm>> -> memref<128x128xf32, #tpu.memory_space<hbm>>
        tpu.enqueue_dma source(%arg10 : memref<128x128xf32, #tpu.memory_space<vmem>>) target(%dma_start3A_153 : memref<128x128xf32, #tpu.memory_space<hbm>>) target_semaphore(%run_scoped3A : memref<!tpu.dma_semaphore, #tpu.memory_space<semaphore_mem>>)
        %dma_wait3A_154 = arith.constant 0 : i32
        %dma_wait3A_155 = tpu.memref_slice %arg5[%add3A_86, %dma_wait3A_154] : memref<10240x128xf32, #tpu.memory_space<hbm>> -> memref<128x128xf32, #tpu.memory_space<hbm>>
        %dma_wait3A_156 = arith.constant 0 : i32
        %dma_wait3A_157 = tpu.memref_slice %arg5[%add3A_86, %dma_wait3A_156] : memref<10240x128xf32, #tpu.memory_space<hbm>> -> memref<128x128xf32, #tpu.memory_space<hbm>>
        tpu.wait_dma2 semaphore(%run_scoped3A : memref<!tpu.dma_semaphore, #tpu.memory_space<semaphore_mem>>) src(%arg10 : memref<128x128xf32, #tpu.memory_space<vmem>>) dst(%dma_wait3A_157 : memref<128x128xf32, #tpu.memory_space<hbm>>)
        tpu.yield
      }) : () -> ()
    } else {
    }
    %eq3A_89 = arith.constant 1 : i32
    %eq3A_90 = arith.cmpi eq, %arg0, %eq3A_89 : i32
    %convert_element_type3A_91 = arith.extui %eq3A_90 : i1 to i32
    %cond3A_92 = arith.constant 0 : i32
    %cond3A_93 = arith.cmpi ne, %convert_element_type3A_91, %cond3A_92 : i32
    scf.if %cond3A_93 {
      "tpu.region"() ({
        %run_scoped3A = tpu.sem_alloc : memref<!tpu.dma_semaphore, #tpu.memory_space<semaphore_mem>>
        %dma_start3A_150 = arith.constant 0 : i32
        %dma_start3A_151 = tpu.memref_slice %arg6[%add3A_86, %dma_start3A_150] : memref<10240x128xf32, #tpu.memory_space<hbm>> -> memref<128x128xf32, #tpu.memory_space<hbm>>
        %dma_start3A_152 = arith.constant 0 : i32
        %dma_start3A_153 = tpu.memref_slice %arg6[%add3A_86, %dma_start3A_152] : memref<10240x128xf32, #tpu.memory_space<hbm>> -> memref<128x128xf32, #tpu.memory_space<hbm>>
        tpu.enqueue_dma source(%arg10 : memref<128x128xf32, #tpu.memory_space<vmem>>) target(%dma_start3A_153 : memref<128x128xf32, #tpu.memory_space<hbm>>) target_semaphore(%run_scoped3A : memref<!tpu.dma_semaphore, #tpu.memory_space<semaphore_mem>>)
        %dma_wait3A_154 = arith.constant 0 : i32
        %dma_wait3A_155 = tpu.memref_slice %arg6[%add3A_86, %dma_wait3A_154] : memref<10240x128xf32, #tpu.memory_space<hbm>> -> memref<128x128xf32, #tpu.memory_space<hbm>>
        %dma_wait3A_156 = arith.constant 0 : i32
        %dma_wait3A_157 = tpu.memref_slice %arg6[%add3A_86, %dma_wait3A_156] : memref<10240x128xf32, #tpu.memory_space<hbm>> -> memref<128x128xf32, #tpu.memory_space<hbm>>
        tpu.wait_dma2 semaphore(%run_scoped3A : memref<!tpu.dma_semaphore, #tpu.memory_space<semaphore_mem>>) src(%arg10 : memref<128x128xf32, #tpu.memory_space<vmem>>) dst(%dma_wait3A_157 : memref<128x128xf32, #tpu.memory_space<hbm>>)
        tpu.yield
      }) : () -> ()
    } else {
    }
    %mul3A_94 = arith.constant 640 : i32
    %mul3A_95 = arith.muli %arg1, %mul3A_94 : i32
    %add3A_96 = arith.constant 128 : i32
    %add3A_97 = arith.addi %mul3A_95, %add3A_96 : i32
    "tpu.region"() ({
      %run_scoped3A = tpu.sem_alloc : memref<!tpu.dma_semaphore, #tpu.memory_space<semaphore_mem>>
      %dma_start3A_150 = arith.constant 0 : i32
      %dma_start3A_151 = tpu.memref_slice %arg12[%add3A_97, %dma_start3A_150] : memref<10240x128xf32, #tpu.memory_space<vmem_shared>> -> memref<128x128xf32, #tpu.memory_space<vmem_shared>>
      %dma_start3A_152 = arith.constant 0 : i32
      %dma_start3A_153 = tpu.memref_slice %arg12[%add3A_97, %dma_start3A_152] : memref<10240x128xf32, #tpu.memory_space<vmem_shared>> -> memref<128x128xf32, #tpu.memory_space<vmem_shared>>
      tpu.enqueue_dma source(%dma_start3A_153 : memref<128x128xf32, #tpu.memory_space<vmem_shared>>) target(%arg10 : memref<128x128xf32, #tpu.memory_space<vmem>>) target_semaphore(%run_scoped3A : memref<!tpu.dma_semaphore, #tpu.memory_space<semaphore_mem>>)
      %dma_wait3A_154 = arith.constant 0 : i32
      %dma_wait3A_155 = tpu.memref_slice %arg12[%add3A_97, %dma_wait3A_154] : memref<10240x128xf32, #tpu.memory_space<vmem_shared>> -> memref<128x128xf32, #tpu.memory_space<vmem_shared>>
      %dma_wait3A_156 = arith.constant 0 : i32
      %dma_wait3A_157 = tpu.memref_slice %arg12[%add3A_97, %dma_wait3A_156] : memref<10240x128xf32, #tpu.memory_space<vmem_shared>> -> memref<128x128xf32, #tpu.memory_space<vmem_shared>>
      tpu.wait_dma2 semaphore(%run_scoped3A : memref<!tpu.dma_semaphore, #tpu.memory_space<semaphore_mem>>) src(%dma_wait3A_157 : memref<128x128xf32, #tpu.memory_space<vmem_shared>>) dst(%arg10 : memref<128x128xf32, #tpu.memory_space<vmem>>)
      tpu.yield
    }) : () -> ()
    %eq3A_98 = arith.constant 0 : i32
    %eq3A_99 = arith.cmpi eq, %arg0, %eq3A_98 : i32
    %convert_element_type3A_100 = arith.extui %eq3A_99 : i1 to i32
    %cond3A_101 = arith.constant 0 : i32
    %cond3A_102 = arith.cmpi ne, %convert_element_type3A_100, %cond3A_101 : i32
    scf.if %cond3A_102 {
      "tpu.region"() ({
        %run_scoped3A = tpu.sem_alloc : memref<!tpu.dma_semaphore, #tpu.memory_space<semaphore_mem>>
        %dma_start3A_150 = arith.constant 0 : i32
        %dma_start3A_151 = tpu.memref_slice %arg5[%add3A_97, %dma_start3A_150] : memref<10240x128xf32, #tpu.memory_space<hbm>> -> memref<128x128xf32, #tpu.memory_space<hbm>>
        %dma_start3A_152 = arith.constant 0 : i32
        %dma_start3A_153 = tpu.memref_slice %arg5[%add3A_97, %dma_start3A_152] : memref<10240x128xf32, #tpu.memory_space<hbm>> -> memref<128x128xf32, #tpu.memory_space<hbm>>
        tpu.enqueue_dma source(%arg10 : memref<128x128xf32, #tpu.memory_space<vmem>>) target(%dma_start3A_153 : memref<128x128xf32, #tpu.memory_space<hbm>>) target_semaphore(%run_scoped3A : memref<!tpu.dma_semaphore, #tpu.memory_space<semaphore_mem>>)
        %dma_wait3A_154 = arith.constant 0 : i32
        %dma_wait3A_155 = tpu.memref_slice %arg5[%add3A_97, %dma_wait3A_154] : memref<10240x128xf32, #tpu.memory_space<hbm>> -> memref<128x128xf32, #tpu.memory_space<hbm>>
        %dma_wait3A_156 = arith.constant 0 : i32
        %dma_wait3A_157 = tpu.memref_slice %arg5[%add3A_97, %dma_wait3A_156] : memref<10240x128xf32, #tpu.memory_space<hbm>> -> memref<128x128xf32, #tpu.memory_space<hbm>>
        tpu.wait_dma2 semaphore(%run_scoped3A : memref<!tpu.dma_semaphore, #tpu.memory_space<semaphore_mem>>) src(%arg10 : memref<128x128xf32, #tpu.memory_space<vmem>>) dst(%dma_wait3A_157 : memref<128x128xf32, #tpu.memory_space<hbm>>)
        tpu.yield
      }) : () -> ()
    } else {
    }
    %eq3A_103 = arith.constant 1 : i32
    %eq3A_104 = arith.cmpi eq, %arg0, %eq3A_103 : i32
    %convert_element_type3A_105 = arith.extui %eq3A_104 : i1 to i32
    %cond3A_106 = arith.constant 0 : i32
    %cond3A_107 = arith.cmpi ne, %convert_element_type3A_105, %cond3A_106 : i32
    scf.if %cond3A_107 {
      "tpu.region"() ({
        %run_scoped3A = tpu.sem_alloc : memref<!tpu.dma_semaphore, #tpu.memory_space<semaphore_mem>>
        %dma_start3A_150 = arith.constant 0 : i32
        %dma_start3A_151 = tpu.memref_slice %arg6[%add3A_97, %dma_start3A_150] : memref<10240x128xf32, #tpu.memory_space<hbm>> -> memref<128x128xf32, #tpu.memory_space<hbm>>
        %dma_start3A_152 = arith.constant 0 : i32
        %dma_start3A_153 = tpu.memref_slice %arg6[%add3A_97, %dma_start3A_152] : memref<10240x128xf32, #tpu.memory_space<hbm>> -> memref<128x128xf32, #tpu.memory_space<hbm>>
        tpu.enqueue_dma source(%arg10 : memref<128x128xf32, #tpu.memory_space<vmem>>) target(%dma_start3A_153 : memref<128x128xf32, #tpu.memory_space<hbm>>) target_semaphore(%run_scoped3A : memref<!tpu.dma_semaphore, #tpu.memory_space<semaphore_mem>>)
        %dma_wait3A_154 = arith.constant 0 : i32
        %dma_wait3A_155 = tpu.memref_slice %arg6[%add3A_97, %dma_wait3A_154] : memref<10240x128xf32, #tpu.memory_space<hbm>> -> memref<128x128xf32, #tpu.memory_space<hbm>>
        %dma_wait3A_156 = arith.constant 0 : i32
        %dma_wait3A_157 = tpu.memref_slice %arg6[%add3A_97, %dma_wait3A_156] : memref<10240x128xf32, #tpu.memory_space<hbm>> -> memref<128x128xf32, #tpu.memory_space<hbm>>
        tpu.wait_dma2 semaphore(%run_scoped3A : memref<!tpu.dma_semaphore, #tpu.memory_space<semaphore_mem>>) src(%arg10 : memref<128x128xf32, #tpu.memory_space<vmem>>) dst(%dma_wait3A_157 : memref<128x128xf32, #tpu.memory_space<hbm>>)
        tpu.yield
      }) : () -> ()
    } else {
    }
    %mul3A_108 = arith.constant 640 : i32
    %mul3A_109 = arith.muli %arg1, %mul3A_108 : i32
    %add3A_110 = arith.constant 256 : i32
    %add3A_111 = arith.addi %mul3A_109, %add3A_110 : i32
    "tpu.region"() ({
      %run_scoped3A = tpu.sem_alloc : memref<!tpu.dma_semaphore, #tpu.memory_space<semaphore_mem>>
      %dma_start3A_150 = arith.constant 0 : i32
      %dma_start3A_151 = tpu.memref_slice %arg12[%add3A_111, %dma_start3A_150] : memref<10240x128xf32, #tpu.memory_space<vmem_shared>> -> memref<128x128xf32, #tpu.memory_space<vmem_shared>>
      %dma_start3A_152 = arith.constant 0 : i32
      %dma_start3A_153 = tpu.memref_slice %arg12[%add3A_111, %dma_start3A_152] : memref<10240x128xf32, #tpu.memory_space<vmem_shared>> -> memref<128x128xf32, #tpu.memory_space<vmem_shared>>
      tpu.enqueue_dma source(%dma_start3A_153 : memref<128x128xf32, #tpu.memory_space<vmem_shared>>) target(%arg10 : memref<128x128xf32, #tpu.memory_space<vmem>>) target_semaphore(%run_scoped3A : memref<!tpu.dma_semaphore, #tpu.memory_space<semaphore_mem>>)
      %dma_wait3A_154 = arith.constant 0 : i32
      %dma_wait3A_155 = tpu.memref_slice %arg12[%add3A_111, %dma_wait3A_154] : memref<10240x128xf32, #tpu.memory_space<vmem_shared>> -> memref<128x128xf32, #tpu.memory_space<vmem_shared>>
      %dma_wait3A_156 = arith.constant 0 : i32
      %dma_wait3A_157 = tpu.memref_slice %arg12[%add3A_111, %dma_wait3A_156] : memref<10240x128xf32, #tpu.memory_space<vmem_shared>> -> memref<128x128xf32, #tpu.memory_space<vmem_shared>>
      tpu.wait_dma2 semaphore(%run_scoped3A : memref<!tpu.dma_semaphore, #tpu.memory_space<semaphore_mem>>) src(%dma_wait3A_157 : memref<128x128xf32, #tpu.memory_space<vmem_shared>>) dst(%arg10 : memref<128x128xf32, #tpu.memory_space<vmem>>)
      tpu.yield
    }) : () -> ()
    %eq3A_112 = arith.constant 0 : i32
    %eq3A_113 = arith.cmpi eq, %arg0, %eq3A_112 : i32
    %convert_element_type3A_114 = arith.extui %eq3A_113 : i1 to i32
    %cond3A_115 = arith.constant 0 : i32
    %cond3A_116 = arith.cmpi ne, %convert_element_type3A_114, %cond3A_115 : i32
    scf.if %cond3A_116 {
      "tpu.region"() ({
        %run_scoped3A = tpu.sem_alloc : memref<!tpu.dma_semaphore, #tpu.memory_space<semaphore_mem>>
        %dma_start3A_150 = arith.constant 0 : i32
        %dma_start3A_151 = tpu.memref_slice %arg5[%add3A_111, %dma_start3A_150] : memref<10240x128xf32, #tpu.memory_space<hbm>> -> memref<128x128xf32, #tpu.memory_space<hbm>>
        %dma_start3A_152 = arith.constant 0 : i32
        %dma_start3A_153 = tpu.memref_slice %arg5[%add3A_111, %dma_start3A_152] : memref<10240x128xf32, #tpu.memory_space<hbm>> -> memref<128x128xf32, #tpu.memory_space<hbm>>
        tpu.enqueue_dma source(%arg10 : memref<128x128xf32, #tpu.memory_space<vmem>>) target(%dma_start3A_153 : memref<128x128xf32, #tpu.memory_space<hbm>>) target_semaphore(%run_scoped3A : memref<!tpu.dma_semaphore, #tpu.memory_space<semaphore_mem>>)
        %dma_wait3A_154 = arith.constant 0 : i32
        %dma_wait3A_155 = tpu.memref_slice %arg5[%add3A_111, %dma_wait3A_154] : memref<10240x128xf32, #tpu.memory_space<hbm>> -> memref<128x128xf32, #tpu.memory_space<hbm>>
        %dma_wait3A_156 = arith.constant 0 : i32
        %dma_wait3A_157 = tpu.memref_slice %arg5[%add3A_111, %dma_wait3A_156] : memref<10240x128xf32, #tpu.memory_space<hbm>> -> memref<128x128xf32, #tpu.memory_space<hbm>>
        tpu.wait_dma2 semaphore(%run_scoped3A : memref<!tpu.dma_semaphore, #tpu.memory_space<semaphore_mem>>) src(%arg10 : memref<128x128xf32, #tpu.memory_space<vmem>>) dst(%dma_wait3A_157 : memref<128x128xf32, #tpu.memory_space<hbm>>)
        tpu.yield
      }) : () -> ()
    } else {
    }
    %eq3A_117 = arith.constant 1 : i32
    %eq3A_118 = arith.cmpi eq, %arg0, %eq3A_117 : i32
    %convert_element_type3A_119 = arith.extui %eq3A_118 : i1 to i32
    %cond3A_120 = arith.constant 0 : i32
    %cond3A_121 = arith.cmpi ne, %convert_element_type3A_119, %cond3A_120 : i32
    scf.if %cond3A_121 {
      "tpu.region"() ({
        %run_scoped3A = tpu.sem_alloc : memref<!tpu.dma_semaphore, #tpu.memory_space<semaphore_mem>>
        %dma_start3A_150 = arith.constant 0 : i32
        %dma_start3A_151 = tpu.memref_slice %arg6[%add3A_111, %dma_start3A_150] : memref<10240x128xf32, #tpu.memory_space<hbm>> -> memref<128x128xf32, #tpu.memory_space<hbm>>
        %dma_start3A_152 = arith.constant 0 : i32
        %dma_start3A_153 = tpu.memref_slice %arg6[%add3A_111, %dma_start3A_152] : memref<10240x128xf32, #tpu.memory_space<hbm>> -> memref<128x128xf32, #tpu.memory_space<hbm>>
        tpu.enqueue_dma source(%arg10 : memref<128x128xf32, #tpu.memory_space<vmem>>) target(%dma_start3A_153 : memref<128x128xf32, #tpu.memory_space<hbm>>) target_semaphore(%run_scoped3A : memref<!tpu.dma_semaphore, #tpu.memory_space<semaphore_mem>>)
        %dma_wait3A_154 = arith.constant 0 : i32
        %dma_wait3A_155 = tpu.memref_slice %arg6[%add3A_111, %dma_wait3A_154] : memref<10240x128xf32, #tpu.memory_space<hbm>> -> memref<128x128xf32, #tpu.memory_space<hbm>>
        %dma_wait3A_156 = arith.constant 0 : i32
        %dma_wait3A_157 = tpu.memref_slice %arg6[%add3A_111, %dma_wait3A_156] : memref<10240x128xf32, #tpu.memory_space<hbm>> -> memref<128x128xf32, #tpu.memory_space<hbm>>
        tpu.wait_dma2 semaphore(%run_scoped3A : memref<!tpu.dma_semaphore, #tpu.memory_space<semaphore_mem>>) src(%arg10 : memref<128x128xf32, #tpu.memory_space<vmem>>) dst(%dma_wait3A_157 : memref<128x128xf32, #tpu.memory_space<hbm>>)
        tpu.yield
      }) : () -> ()
    } else {
    }
    %mul3A_122 = arith.constant 640 : i32
    %mul3A_123 = arith.muli %arg1, %mul3A_122 : i32
    %add3A_124 = arith.constant 384 : i32
    %add3A_125 = arith.addi %mul3A_123, %add3A_124 : i32
    "tpu.region"() ({
      %run_scoped3A = tpu.sem_alloc : memref<!tpu.dma_semaphore, #tpu.memory_space<semaphore_mem>>
      %dma_start3A_150 = arith.constant 0 : i32
      %dma_start3A_151 = tpu.memref_slice %arg12[%add3A_125, %dma_start3A_150] : memref<10240x128xf32, #tpu.memory_space<vmem_shared>> -> memref<128x128xf32, #tpu.memory_space<vmem_shared>>
      %dma_start3A_152 = arith.constant 0 : i32
      %dma_start3A_153 = tpu.memref_slice %arg12[%add3A_125, %dma_start3A_152] : memref<10240x128xf32, #tpu.memory_space<vmem_shared>> -> memref<128x128xf32, #tpu.memory_space<vmem_shared>>
      tpu.enqueue_dma source(%dma_start3A_153 : memref<128x128xf32, #tpu.memory_space<vmem_shared>>) target(%arg10 : memref<128x128xf32, #tpu.memory_space<vmem>>) target_semaphore(%run_scoped3A : memref<!tpu.dma_semaphore, #tpu.memory_space<semaphore_mem>>)
      %dma_wait3A_154 = arith.constant 0 : i32
      %dma_wait3A_155 = tpu.memref_slice %arg12[%add3A_125, %dma_wait3A_154] : memref<10240x128xf32, #tpu.memory_space<vmem_shared>> -> memref<128x128xf32, #tpu.memory_space<vmem_shared>>
      %dma_wait3A_156 = arith.constant 0 : i32
      %dma_wait3A_157 = tpu.memref_slice %arg12[%add3A_125, %dma_wait3A_156] : memref<10240x128xf32, #tpu.memory_space<vmem_shared>> -> memref<128x128xf32, #tpu.memory_space<vmem_shared>>
      tpu.wait_dma2 semaphore(%run_scoped3A : memref<!tpu.dma_semaphore, #tpu.memory_space<semaphore_mem>>) src(%dma_wait3A_157 : memref<128x128xf32, #tpu.memory_space<vmem_shared>>) dst(%arg10 : memref<128x128xf32, #tpu.memory_space<vmem>>)
      tpu.yield
    }) : () -> ()
    %eq3A_126 = arith.constant 0 : i32
    %eq3A_127 = arith.cmpi eq, %arg0, %eq3A_126 : i32
    %convert_element_type3A_128 = arith.extui %eq3A_127 : i1 to i32
    %cond3A_129 = arith.constant 0 : i32
    %cond3A_130 = arith.cmpi ne, %convert_element_type3A_128, %cond3A_129 : i32
    scf.if %cond3A_130 {
      "tpu.region"() ({
        %run_scoped3A = tpu.sem_alloc : memref<!tpu.dma_semaphore, #tpu.memory_space<semaphore_mem>>
        %dma_start3A_150 = arith.constant 0 : i32
        %dma_start3A_151 = tpu.memref_slice %arg5[%add3A_125, %dma_start3A_150] : memref<10240x128xf32, #tpu.memory_space<hbm>> -> memref<128x128xf32, #tpu.memory_space<hbm>>
        %dma_start3A_152 = arith.constant 0 : i32
        %dma_start3A_153 = tpu.memref_slice %arg5[%add3A_125, %dma_start3A_152] : memref<10240x128xf32, #tpu.memory_space<hbm>> -> memref<128x128xf32, #tpu.memory_space<hbm>>
        tpu.enqueue_dma source(%arg10 : memref<128x128xf32, #tpu.memory_space<vmem>>) target(%dma_start3A_153 : memref<128x128xf32, #tpu.memory_space<hbm>>) target_semaphore(%run_scoped3A : memref<!tpu.dma_semaphore, #tpu.memory_space<semaphore_mem>>)
        %dma_wait3A_154 = arith.constant 0 : i32
        %dma_wait3A_155 = tpu.memref_slice %arg5[%add3A_125, %dma_wait3A_154] : memref<10240x128xf32, #tpu.memory_space<hbm>> -> memref<128x128xf32, #tpu.memory_space<hbm>>
        %dma_wait3A_156 = arith.constant 0 : i32
        %dma_wait3A_157 = tpu.memref_slice %arg5[%add3A_125, %dma_wait3A_156] : memref<10240x128xf32, #tpu.memory_space<hbm>> -> memref<128x128xf32, #tpu.memory_space<hbm>>
        tpu.wait_dma2 semaphore(%run_scoped3A : memref<!tpu.dma_semaphore, #tpu.memory_space<semaphore_mem>>) src(%arg10 : memref<128x128xf32, #tpu.memory_space<vmem>>) dst(%dma_wait3A_157 : memref<128x128xf32, #tpu.memory_space<hbm>>)
        tpu.yield
      }) : () -> ()
    } else {
    }
    %eq3A_131 = arith.constant 1 : i32
    %eq3A_132 = arith.cmpi eq, %arg0, %eq3A_131 : i32
    %convert_element_type3A_133 = arith.extui %eq3A_132 : i1 to i32
    %cond3A_134 = arith.constant 0 : i32
    %cond3A_135 = arith.cmpi ne, %convert_element_type3A_133, %cond3A_134 : i32
    scf.if %cond3A_135 {
      "tpu.region"() ({
        %run_scoped3A = tpu.sem_alloc : memref<!tpu.dma_semaphore, #tpu.memory_space<semaphore_mem>>
        %dma_start3A_150 = arith.constant 0 : i32
        %dma_start3A_151 = tpu.memref_slice %arg6[%add3A_125, %dma_start3A_150] : memref<10240x128xf32, #tpu.memory_space<hbm>> -> memref<128x128xf32, #tpu.memory_space<hbm>>
        %dma_start3A_152 = arith.constant 0 : i32
        %dma_start3A_153 = tpu.memref_slice %arg6[%add3A_125, %dma_start3A_152] : memref<10240x128xf32, #tpu.memory_space<hbm>> -> memref<128x128xf32, #tpu.memory_space<hbm>>
        tpu.enqueue_dma source(%arg10 : memref<128x128xf32, #tpu.memory_space<vmem>>) target(%dma_start3A_153 : memref<128x128xf32, #tpu.memory_space<hbm>>) target_semaphore(%run_scoped3A : memref<!tpu.dma_semaphore, #tpu.memory_space<semaphore_mem>>)
        %dma_wait3A_154 = arith.constant 0 : i32
        %dma_wait3A_155 = tpu.memref_slice %arg6[%add3A_125, %dma_wait3A_154] : memref<10240x128xf32, #tpu.memory_space<hbm>> -> memref<128x128xf32, #tpu.memory_space<hbm>>
        %dma_wait3A_156 = arith.constant 0 : i32
        %dma_wait3A_157 = tpu.memref_slice %arg6[%add3A_125, %dma_wait3A_156] : memref<10240x128xf32, #tpu.memory_space<hbm>> -> memref<128x128xf32, #tpu.memory_space<hbm>>
        tpu.wait_dma2 semaphore(%run_scoped3A : memref<!tpu.dma_semaphore, #tpu.memory_space<semaphore_mem>>) src(%arg10 : memref<128x128xf32, #tpu.memory_space<vmem>>) dst(%dma_wait3A_157 : memref<128x128xf32, #tpu.memory_space<hbm>>)
        tpu.yield
      }) : () -> ()
    } else {
    }
    %mul3A_136 = arith.constant 640 : i32
    %mul3A_137 = arith.muli %arg1, %mul3A_136 : i32
    %add3A_138 = arith.constant 512 : i32
    %add3A_139 = arith.addi %mul3A_137, %add3A_138 : i32
    "tpu.region"() ({
      %run_scoped3A = tpu.sem_alloc : memref<!tpu.dma_semaphore, #tpu.memory_space<semaphore_mem>>
      %dma_start3A_150 = arith.constant 0 : i32
      %dma_start3A_151 = tpu.memref_slice %arg12[%add3A_139, %dma_start3A_150] : memref<10240x128xf32, #tpu.memory_space<vmem_shared>> -> memref<128x128xf32, #tpu.memory_space<vmem_shared>>
      %dma_start3A_152 = arith.constant 0 : i32
      %dma_start3A_153 = tpu.memref_slice %arg12[%add3A_139, %dma_start3A_152] : memref<10240x128xf32, #tpu.memory_space<vmem_shared>> -> memref<128x128xf32, #tpu.memory_space<vmem_shared>>
      tpu.enqueue_dma source(%dma_start3A_153 : memref<128x128xf32, #tpu.memory_space<vmem_shared>>) target(%arg10 : memref<128x128xf32, #tpu.memory_space<vmem>>) target_semaphore(%run_scoped3A : memref<!tpu.dma_semaphore, #tpu.memory_space<semaphore_mem>>)
      %dma_wait3A_154 = arith.constant 0 : i32
      %dma_wait3A_155 = tpu.memref_slice %arg12[%add3A_139, %dma_wait3A_154] : memref<10240x128xf32, #tpu.memory_space<vmem_shared>> -> memref<128x128xf32, #tpu.memory_space<vmem_shared>>
      %dma_wait3A_156 = arith.constant 0 : i32
      %dma_wait3A_157 = tpu.memref_slice %arg12[%add3A_139, %dma_wait3A_156] : memref<10240x128xf32, #tpu.memory_space<vmem_shared>> -> memref<128x128xf32, #tpu.memory_space<vmem_shared>>
      tpu.wait_dma2 semaphore(%run_scoped3A : memref<!tpu.dma_semaphore, #tpu.memory_space<semaphore_mem>>) src(%dma_wait3A_157 : memref<128x128xf32, #tpu.memory_space<vmem_shared>>) dst(%arg10 : memref<128x128xf32, #tpu.memory_space<vmem>>)
      tpu.yield
    }) : () -> ()
    %eq3A_140 = arith.constant 0 : i32
    %eq3A_141 = arith.cmpi eq, %arg0, %eq3A_140 : i32
    %convert_element_type3A_142 = arith.extui %eq3A_141 : i1 to i32
    %cond3A_143 = arith.constant 0 : i32
    %cond3A_144 = arith.cmpi ne, %convert_element_type3A_142, %cond3A_143 : i32
    scf.if %cond3A_144 {
      "tpu.region"() ({
        %run_scoped3A = tpu.sem_alloc : memref<!tpu.dma_semaphore, #tpu.memory_space<semaphore_mem>>
        %dma_start3A_150 = arith.constant 0 : i32
        %dma_start3A_151 = tpu.memref_slice %arg5[%add3A_139, %dma_start3A_150] : memref<10240x128xf32, #tpu.memory_space<hbm>> -> memref<128x128xf32, #tpu.memory_space<hbm>>
        %dma_start3A_152 = arith.constant 0 : i32
        %dma_start3A_153 = tpu.memref_slice %arg5[%add3A_139, %dma_start3A_152] : memref<10240x128xf32, #tpu.memory_space<hbm>> -> memref<128x128xf32, #tpu.memory_space<hbm>>
        tpu.enqueue_dma source(%arg10 : memref<128x128xf32, #tpu.memory_space<vmem>>) target(%dma_start3A_153 : memref<128x128xf32, #tpu.memory_space<hbm>>) target_semaphore(%run_scoped3A : memref<!tpu.dma_semaphore, #tpu.memory_space<semaphore_mem>>)
        %dma_wait3A_154 = arith.constant 0 : i32
        %dma_wait3A_155 = tpu.memref_slice %arg5[%add3A_139, %dma_wait3A_154] : memref<10240x128xf32, #tpu.memory_space<hbm>> -> memref<128x128xf32, #tpu.memory_space<hbm>>
        %dma_wait3A_156 = arith.constant 0 : i32
        %dma_wait3A_157 = tpu.memref_slice %arg5[%add3A_139, %dma_wait3A_156] : memref<10240x128xf32, #tpu.memory_space<hbm>> -> memref<128x128xf32, #tpu.memory_space<hbm>>
        tpu.wait_dma2 semaphore(%run_scoped3A : memref<!tpu.dma_semaphore, #tpu.memory_space<semaphore_mem>>) src(%arg10 : memref<128x128xf32, #tpu.memory_space<vmem>>) dst(%dma_wait3A_157 : memref<128x128xf32, #tpu.memory_space<hbm>>)
        tpu.yield
      }) : () -> ()
    } else {
    }
    %eq3A_145 = arith.constant 1 : i32
    %eq3A_146 = arith.cmpi eq, %arg0, %eq3A_145 : i32
    %convert_element_type3A_147 = arith.extui %eq3A_146 : i1 to i32
    %cond3A_148 = arith.constant 0 : i32
    %cond3A_149 = arith.cmpi ne, %convert_element_type3A_147, %cond3A_148 : i32
    scf.if %cond3A_149 {
      "tpu.region"() ({
        %run_scoped3A = tpu.sem_alloc : memref<!tpu.dma_semaphore, #tpu.memory_space<semaphore_mem>>
        %dma_start3A_150 = arith.constant 0 : i32
        %dma_start3A_151 = tpu.memref_slice %arg6[%add3A_139, %dma_start3A_150] : memref<10240x128xf32, #tpu.memory_space<hbm>> -> memref<128x128xf32, #tpu.memory_space<hbm>>
        %dma_start3A_152 = arith.constant 0 : i32
        %dma_start3A_153 = tpu.memref_slice %arg6[%add3A_139, %dma_start3A_152] : memref<10240x128xf32, #tpu.memory_space<hbm>> -> memref<128x128xf32, #tpu.memory_space<hbm>>
        tpu.enqueue_dma source(%arg10 : memref<128x128xf32, #tpu.memory_space<vmem>>) target(%dma_start3A_153 : memref<128x128xf32, #tpu.memory_space<hbm>>) target_semaphore(%run_scoped3A : memref<!tpu.dma_semaphore, #tpu.memory_space<semaphore_mem>>)
        %dma_wait3A_154 = arith.constant 0 : i32
        %dma_wait3A_155 = tpu.memref_slice %arg6[%add3A_139, %dma_wait3A_154] : memref<10240x128xf32, #tpu.memory_space<hbm>> -> memref<128x128xf32, #tpu.memory_space<hbm>>
        %dma_wait3A_156 = arith.constant 0 : i32
        %dma_wait3A_157 = tpu.memref_slice %arg6[%add3A_139, %dma_wait3A_156] : memref<10240x128xf32, #tpu.memory_space<hbm>> -> memref<128x128xf32, #tpu.memory_space<hbm>>
        tpu.wait_dma2 semaphore(%run_scoped3A : memref<!tpu.dma_semaphore, #tpu.memory_space<semaphore_mem>>) src(%arg10 : memref<128x128xf32, #tpu.memory_space<vmem>>) dst(%dma_wait3A_157 : memref<128x128xf32, #tpu.memory_space<hbm>>)
        tpu.yield
      }) : () -> ()
    } else {
    }
    return
  }
}

module attributes {stable_mosaic.version = 14 : i64} {
  func.func @_mm_body(%arg0: i32, %arg1: memref<1024x128xf32, #tpu.memory_space<vmem>>, %arg2: memref<128x128xf32, #tpu.memory_space<vmem>>, %arg3: memref<1024x128xf32, #tpu.memory_space<vmem>>) attributes {dimension_semantics = [#tpu.dimension_semantics<arbitrary>], iteration_bounds = array<i64: 10>, scalar_prefetch = 0 : i64, scratch_operands = 0 : i64, tpu.core_type = #tpu.core_type<tc>, window_params = [{transform_indices = @transform_0, window_bounds = array<i64: 1024, 128>}, {pipeline_mode = #tpu.pipeline_mode<synchronous>, transform_indices = @transform_1, window_bounds = array<i64: 128, 128>}, {transform_indices = @transform_2, window_bounds = array<i64: 1024, 128>}]} {
    %get3A = arith.constant 0 : index
    %get3A_0 = arith.constant 0 : index
    %get3A_1 = vector.load %arg1[%get3A, %get3A_0] : memref<1024x128xf32, #tpu.memory_space<vmem>>, vector<1024x128xf32>
    %get3A_2 = arith.constant 0 : index
    %get3A_3 = arith.constant 0 : index
    %get3A_4 = vector.load %arg2[%get3A_2, %get3A_3] : memref<128x128xf32, #tpu.memory_space<vmem>>, vector<128x128xf32>
    %dot_general3A = arith.constant dense<0.000000e+00> : vector<1024x128xf32>
    %dot_general3A_5 = tpu.matmul %get3A_1, %get3A_4, %dot_general3A {dimension_numbers = #tpu.dot_dimension_numbers<[1], [0], [0], [1], [0, 0, 1, 1], [], []>, transpose_lhs_hint = false} : vector<1024x128xf32>, vector<128x128xf32>, vector<1024x128xf32> -> vector<1024x128xf32>
    %swap3A = arith.constant 0 : index
    %swap3A_6 = arith.constant 0 : index
    %swap3A_7 = vector.load %arg3[%swap3A, %swap3A_6] : memref<1024x128xf32, #tpu.memory_space<vmem>>, vector<1024x128xf32>
    tpu.vector_store %arg3[%swap3A, %swap3A_6], %dot_general3A_5 {strides = array<i32>} : memref<1024x128xf32, #tpu.memory_space<vmem>>, vector<1024x128xf32>,
    return
  }
  func.func @transform_0(%arg0: i32) -> (i32, i32) {
    %c0_i32 = arith.constant 0 : i32
    %c0_i32_0 = arith.constant 0 : i32
    return %arg0, %c0_i32 : i32, i32
  }
  func.func @transform_1(%arg0: i32) -> (i32, i32) {
    %c0_i32 = arith.constant 0 : i32
    %c0_i32_0 = arith.constant 0 : i32
    %c0_i32_1 = arith.constant 0 : i32
    return %c0_i32, %c0_i32_0 : i32, i32
  }
  func.func @transform_2(%arg0: i32) -> (i32, i32) {
    %c0_i32 = arith.constant 0 : i32
    %c0_i32_0 = arith.constant 0 : i32
    return %arg0, %c0_i32 : i32, i32
  }
}

module attributes {stable_mosaic.version = 14 : i64} {
  func.func @_t0_body(%arg0: i32, %arg1: memref<1024x1xf32, #tpu.memory_space<vmem>>, %arg2: memref<1024x1xf32, #tpu.memory_space<vmem>>, %arg3: memref<1024x128xf32, #tpu.memory_space<vmem>>, %arg4: memref<1024x1xf32, #tpu.memory_space<vmem>>, %arg5: memref<1024x128xf32, #tpu.memory_space<vmem>>) attributes {dimension_semantics = [#tpu.dimension_semantics<arbitrary>], iteration_bounds = array<i64: 10>, scalar_prefetch = 0 : i64, scratch_operands = 0 : i64, tpu.core_type = #tpu.core_type<tc>, window_params = [{transform_indices = @transform_0, window_bounds = array<i64: 1024, 1>}, {transform_indices = @transform_1, window_bounds = array<i64: 1024, 1>}, {transform_indices = @transform_2, window_bounds = array<i64: 1024, 128>}, {transform_indices = @transform_3, window_bounds = array<i64: 1024, 1>}, {transform_indices = @transform_4, window_bounds = array<i64: 1024, 128>}]} {
    %get3A = arith.constant 0 : index
    %get3A_0 = arith.constant 0 : index
    %get3A_1 = vector.load %arg1[%get3A, %get3A_0] : memref<1024x1xf32, #tpu.memory_space<vmem>>, vector<1024x1xf32>
    %get3A_2 = arith.constant 0 : index
    %get3A_3 = arith.constant 0 : index
    %get3A_4 = vector.load %arg2[%get3A_2, %get3A_3] : memref<1024x1xf32, #tpu.memory_space<vmem>>, vector<1024x1xf32>
    %add3A = arith.addf %get3A_1, %get3A_4 : vector<1024x1xf32>
    %add3A_5 = arith.constant 1.000000e+00 : f32
    %add3A_6 = vector.broadcast %add3A_5 : f32 to vector<1024x1xf32>
    %add3A_7 = arith.addf %add3A, %add3A_6 : vector<1024x1xf32>
    %rsqrt3A = math.rsqrt %add3A_7 : vector<1024x1xf32>
    %swap3A = arith.constant 0 : index
    %swap3A_8 = arith.constant 0 : index
    %swap3A_9 = vector.load %arg4[%swap3A, %swap3A_8] : memref<1024x1xf32, #tpu.memory_space<vmem>>, vector<1024x1xf32>
    tpu.vector_store %arg4[%swap3A, %swap3A_8], %rsqrt3A {strides = array<i32>} : memref<1024x1xf32, #tpu.memory_space<vmem>>, vector<1024x1xf32>,
    %get3A_10 = arith.constant 0 : index
    %get3A_11 = arith.constant 0 : index
    %get3A_12 = vector.load %arg3[%get3A_10, %get3A_11] : memref<1024x128xf32, #tpu.memory_space<vmem>>, vector<1024x128xf32>
    %mul3A = vector.broadcast %rsqrt3A : vector<1024x1xf32> to vector<1024x128xf32>
    %mul3A_13 = arith.mulf %mul3A, %get3A_12 : vector<1024x128xf32>
    %swap3A_14 = arith.constant 0 : index
    %swap3A_15 = arith.constant 0 : index
    %swap3A_16 = vector.load %arg5[%swap3A_14, %swap3A_15] : memref<1024x128xf32, #tpu.memory_space<vmem>>, vector<1024x128xf32>
    tpu.vector_store %arg5[%swap3A_14, %swap3A_15], %mul3A_13 {strides = array<i32>} : memref<1024x128xf32, #tpu.memory_space<vmem>>, vector<1024x128xf32>,
    return
  }
  func.func @transform_0(%arg0: i32) -> (i32, i32) {
    %c0_i32 = arith.constant 0 : i32
    %c0_i32_0 = arith.constant 0 : i32
    return %arg0, %c0_i32 : i32, i32
  }
  func.func @transform_1(%arg0: i32) -> (i32, i32) {
    %c0_i32 = arith.constant 0 : i32
    %c0_i32_0 = arith.constant 0 : i32
    return %arg0, %c0_i32 : i32, i32
  }
  func.func @transform_2(%arg0: i32) -> (i32, i32) {
    %c0_i32 = arith.constant 0 : i32
    %c0_i32_0 = arith.constant 0 : i32
    return %arg0, %c0_i32 : i32, i32
  }
  func.func @transform_3(%arg0: i32) -> (i32, i32) {
    %c0_i32 = arith.constant 0 : i32
    %c0_i32_0 = arith.constant 0 : i32
    return %arg0, %c0_i32 : i32, i32
  }
  func.func @transform_4(%arg0: i32) -> (i32, i32) {
    %c0_i32 = arith.constant 0 : i32
    %c0_i32_0 = arith.constant 0 : i32
    return %arg0, %c0_i32 : i32, i32
  }
}

module attributes {stable_mosaic.version = 14 : i64} {
  func.func @_tl_body(%arg0: i32, %arg1: memref<1024x128xf32, #tpu.memory_space<vmem>>, %arg2: memref<1024x128xf32, #tpu.memory_space<vmem>>, %arg3: memref<1024x128xf32, #tpu.memory_space<vmem>>, %arg4: memref<1024x1xf32, #tpu.memory_space<vmem>>, %arg5: memref<1024x128xf32, #tpu.memory_space<vmem>>, %arg6: memref<1x128xf32, #tpu.memory_space<vmem>>, %arg7: memref<128x128xf32, #tpu.memory_space<vmem>>, %arg8: memref<1024x128xf32, #tpu.memory_space<vmem>>, %arg9: memref<1024x128xf32, #tpu.memory_space<vmem>>) attributes {dimension_semantics = [#tpu.dimension_semantics<arbitrary>], iteration_bounds = array<i64: 10>, scalar_prefetch = 0 : i64, scratch_operands = 0 : i64, tpu.core_type = #tpu.core_type<tc>, window_params = [{transform_indices = @transform_0, window_bounds = array<i64: 1024, 128>}, {transform_indices = @transform_1, window_bounds = array<i64: 1024, 128>}, {transform_indices = @transform_2, window_bounds = array<i64: 1024, 128>}, {transform_indices = @transform_3, window_bounds = array<i64: 1024, 1>}, {transform_indices = @transform_4, window_bounds = array<i64: 1024, 128>}, {pipeline_mode = #tpu.pipeline_mode<synchronous>, transform_indices = @transform_5, window_bounds = array<i64: 1, 128>}, {pipeline_mode = #tpu.pipeline_mode<synchronous>, transform_indices = @transform_6, window_bounds = array<i64: 128, 128>}, {transform_indices = @transform_7, window_bounds = array<i64: 1024, 128>}, {transform_indices = @transform_8, window_bounds = array<i64: 1024, 128>}]} {
    %get3A = arith.constant 0 : index
    %get3A_0 = arith.constant 0 : index
    %get3A_1 = vector.load %arg4[%get3A, %get3A_0] : memref<1024x1xf32, #tpu.memory_space<vmem>>, vector<1024x1xf32>
    %get3A_2 = arith.constant 0 : index
    %get3A_3 = arith.constant 0 : index
    %get3A_4 = vector.load %arg1[%get3A_2, %get3A_3] : memref<1024x128xf32, #tpu.memory_space<vmem>>, vector<1024x128xf32>
    %get3A_5 = arith.constant 0 : index
    %get3A_6 = arith.constant 0 : index
    %get3A_7 = vector.load %arg2[%get3A_5, %get3A_6] : memref<1024x128xf32, #tpu.memory_space<vmem>>, vector<1024x128xf32>
    %add3A = arith.addf %get3A_4, %get3A_7 : vector<1024x128xf32>
    %get3A_8 = arith.constant 0 : index
    %get3A_9 = arith.constant 0 : index
    %get3A_10 = vector.load %arg3[%get3A_8, %get3A_9] : memref<1024x128xf32, #tpu.memory_space<vmem>>, vector<1024x128xf32>
    %add3A_11 = arith.addf %add3A, %get3A_10 : vector<1024x128xf32>
    %mul3A = vector.broadcast %get3A_1 : vector<1024x1xf32> to vector<1024x128xf32>
    %mul3A_12 = arith.mulf %mul3A, %add3A_11 : vector<1024x128xf32>
    %get3A_13 = arith.constant 0 : index
    %get3A_14 = arith.constant 0 : index
    %get3A_15 = vector.load %arg6[%get3A_13, %get3A_14] : memref<1x128xf32, #tpu.memory_space<vmem>>, vector<1x128xf32>
    %add3A_16 = vector.broadcast %get3A_15 : vector<1x128xf32> to vector<1024x128xf32>
    %add3A_17 = arith.addf %mul3A_12, %add3A_16 : vector<1024x128xf32>
    %swap3A = arith.constant 0 : index
    %swap3A_18 = arith.constant 0 : index
    %swap3A_19 = vector.load %arg8[%swap3A, %swap3A_18] : memref<1024x128xf32, #tpu.memory_space<vmem>>, vector<1024x128xf32>
    tpu.vector_store %arg8[%swap3A, %swap3A_18], %add3A_17 {strides = array<i32>} : memref<1024x128xf32, #tpu.memory_space<vmem>>, vector<1024x128xf32>,
    %get3A_20 = arith.constant 0 : index
    %get3A_21 = arith.constant 0 : index
    %get3A_22 = vector.load %arg5[%get3A_20, %get3A_21] : memref<1024x128xf32, #tpu.memory_space<vmem>>, vector<1024x128xf32>
    %add3A_23 = arith.addf %add3A_17, %get3A_22 : vector<1024x128xf32>
    %max3A = arith.constant 0.000000e+00 : f32
    %max3A_24 = vector.broadcast %max3A : f32 to vector<1024x128xf32>
    %max3A_25 = arith.maximumf %add3A_23, %max3A_24 : vector<1024x128xf32>
    %get3A_26 = arith.constant 0 : index
    %get3A_27 = arith.constant 0 : index
    %get3A_28 = vector.load %arg7[%get3A_26, %get3A_27] : memref<128x128xf32, #tpu.memory_space<vmem>>, vector<128x128xf32>
    %dot_general3A = arith.constant dense<0.000000e+00> : vector<1024x128xf32>
    %dot_general3A_29 = tpu.matmul %max3A_25, %get3A_28, %dot_general3A {dimension_numbers = #tpu.dot_dimension_numbers<[1], [0], [0], [1], [0, 0, 1, 1], [], []>, transpose_lhs_hint = false} : vector<1024x128xf32>, vector<128x128xf32>, vector<1024x128xf32> -> vector<1024x128xf32>
    %mul3A_30 = vector.broadcast %get3A_1 : vector<1024x1xf32> to vector<1024x128xf32>
    %mul3A_31 = arith.mulf %mul3A_30, %dot_general3A_29 : vector<1024x128xf32>
    %swap3A_32 = arith.constant 0 : index
    %swap3A_33 = arith.constant 0 : index
    %swap3A_34 = vector.load %arg9[%swap3A_32, %swap3A_33] : memref<1024x128xf32, #tpu.memory_space<vmem>>, vector<1024x128xf32>
    tpu.vector_store %arg9[%swap3A_32, %swap3A_33], %mul3A_31 {strides = array<i32>} : memref<1024x128xf32, #tpu.memory_space<vmem>>, vector<1024x128xf32>,
    return
  }
  func.func @transform_0(%arg0: i32) -> (i32, i32) {
    %c0_i32 = arith.constant 0 : i32
    %c0_i32_0 = arith.constant 0 : i32
    return %arg0, %c0_i32 : i32, i32
  }
  func.func @transform_1(%arg0: i32) -> (i32, i32) {
    %c0_i32 = arith.constant 0 : i32
    %c0_i32_0 = arith.constant 0 : i32
    return %arg0, %c0_i32 : i32, i32
  }
  func.func @transform_2(%arg0: i32) -> (i32, i32) {
    %c0_i32 = arith.constant 0 : i32
    %c0_i32_0 = arith.constant 0 : i32
    return %arg0, %c0_i32 : i32, i32
  }
  func.func @transform_3(%arg0: i32) -> (i32, i32) {
    %c0_i32 = arith.constant 0 : i32
    %c0_i32_0 = arith.constant 0 : i32
    return %arg0, %c0_i32 : i32, i32
  }
  func.func @transform_4(%arg0: i32) -> (i32, i32) {
    %c0_i32 = arith.constant 0 : i32
    %c0_i32_0 = arith.constant 0 : i32
    return %arg0, %c0_i32 : i32, i32
  }
  func.func @transform_5(%arg0: i32) -> (i32, i32) {
    %c0_i32 = arith.constant 0 : i32
    %c0_i32_0 = arith.constant 0 : i32
    %c0_i32_1 = arith.constant 0 : i32
    return %c0_i32, %c0_i32_0 : i32, i32
  }
  func.func @transform_6(%arg0: i32) -> (i32, i32) {
    %c0_i32 = arith.constant 0 : i32
    %c0_i32_0 = arith.constant 0 : i32
    %c0_i32_1 = arith.constant 0 : i32
    return %c0_i32, %c0_i32_0 : i32, i32
  }
  func.func @transform_7(%arg0: i32) -> (i32, i32) {
    %c0_i32 = arith.constant 0 : i32
    %c0_i32_0 = arith.constant 0 : i32
    return %arg0, %c0_i32 : i32, i32
  }
  func.func @transform_8(%arg0: i32) -> (i32, i32) {
    %c0_i32 = arith.constant 0 : i32
    %c0_i32_0 = arith.constant 0 : i32
    return %arg0, %c0_i32 : i32, i32
  }
}

module attributes {stable_mosaic.version = 14 : i64} {
  func.func @_t3_body(%arg0: i32, %arg1: memref<1024x128xf32, #tpu.memory_space<vmem>>, %arg2: memref<1024x128xf32, #tpu.memory_space<vmem>>, %arg3: memref<1024x128xf32, #tpu.memory_space<vmem>>, %arg4: memref<1024x1xf32, #tpu.memory_space<vmem>>, %arg5: memref<1024x128xf32, #tpu.memory_space<vmem>>, %arg6: memref<1x128xf32, #tpu.memory_space<vmem>>, %arg7: memref<1024x1xi32, #tpu.memory_space<vmem>>, %arg8: memref<64x128xf32, #tpu.memory_space<vmem>>, %arg9: memref<64x128xf32, #tpu.memory_space<vmem>>, %arg10: memref<64x1xf32, #tpu.memory_space<vmem>>) attributes {dimension_semantics = [#tpu.dimension_semantics<arbitrary>], iteration_bounds = array<i64: 10>, scalar_prefetch = 0 : i64, scratch_operands = 2 : i64, tpu.core_type = #tpu.core_type<tc>, window_params = [{transform_indices = @transform_0, window_bounds = array<i64: 1024, 128>}, {transform_indices = @transform_1, window_bounds = array<i64: 1024, 128>}, {transform_indices = @transform_2, window_bounds = array<i64: 1024, 128>}, {transform_indices = @transform_3, window_bounds = array<i64: 1024, 1>}, {transform_indices = @transform_4, window_bounds = array<i64: 1024, 128>}, {pipeline_mode = #tpu.pipeline_mode<synchronous>, transform_indices = @transform_5, window_bounds = array<i64: 1, 128>}, {transform_indices = @transform_6, window_bounds = array<i64: 1024, 1>}, {pipeline_mode = #tpu.pipeline_mode<synchronous>, transform_indices = @transform_7, window_bounds = array<i64: 64, 128>}]} {
    %eq3A = arith.constant 0 : i32
    %eq3A_0 = arith.cmpi eq, %arg0, %eq3A : i32
    %convert_element_type3A = arith.extui %eq3A_0 : i1 to i32
    %cond3A = arith.constant 0 : i32
    %cond3A_1 = arith.cmpi ne, %convert_element_type3A, %cond3A : i32
    scf.if %cond3A_1 {
      %broadcast_in_dim3A_51 = arith.constant 0.000000e+00 : f32
      %broadcast_in_dim3A_52 = vector.broadcast %broadcast_in_dim3A_51 : f32 to vector<64x128xf32>
      %swap3A_53 = arith.constant 0 : index
      %swap3A_54 = arith.constant 0 : index
      %swap3A_55 = vector.load %arg9[%swap3A_53, %swap3A_54] : memref<64x128xf32, #tpu.memory_space<vmem>>, vector<64x128xf32>
      tpu.vector_store %arg9[%swap3A_53, %swap3A_54], %broadcast_in_dim3A_52 {strides = array<i32>} : memref<64x128xf32, #tpu.memory_space<vmem>>, vector<64x128xf32>,
      %broadcast_in_dim3A_56 = arith.constant 0.000000e+00 : f32
      %broadcast_in_dim3A_57 = vector.broadcast %broadcast_in_dim3A_56 : f32 to vector<64x1xf32>
      %swap3A_58 = arith.constant 0 : index
      %swap3A_59 = arith.constant 0 : index
      %swap3A_60 = vector.load %arg10[%swap3A_58, %swap3A_59] : memref<64x1xf32, #tpu.memory_space<vmem>>, vector<64x1xf32>
      tpu.vector_store %arg10[%swap3A_58, %swap3A_59], %broadcast_in_dim3A_57 {strides = array<i32>} : memref<64x1xf32, #tpu.memory_space<vmem>>, vector<64x1xf32>,
    } else {
    }
    %get3A = arith.constant 0 : index
    %get3A_2 = arith.constant 0 : index
    %get3A_3 = vector.load %arg4[%get3A, %get3A_2] : memref<1024x1xf32, #tpu.memory_space<vmem>>, vector<1024x1xf32>
    %get3A_4 = arith.constant 0 : index
    %get3A_5 = arith.constant 0 : index
    %get3A_6 = vector.load %arg1[%get3A_4, %get3A_5] : memref<1024x128xf32, #tpu.memory_space<vmem>>, vector<1024x128xf32>
    %get3A_7 = arith.constant 0 : index
    %get3A_8 = arith.constant 0 : index
    %get3A_9 = vector.load %arg2[%get3A_7, %get3A_8] : memref<1024x128xf32, #tpu.memory_space<vmem>>, vector<1024x128xf32>
    %add3A = arith.addf %get3A_6, %get3A_9 : vector<1024x128xf32>
    %get3A_10 = arith.constant 0 : index
    %get3A_11 = arith.constant 0 : index
    %get3A_12 = vector.load %arg3[%get3A_10, %get3A_11] : memref<1024x128xf32, #tpu.memory_space<vmem>>, vector<1024x128xf32>
    %add3A_13 = arith.addf %add3A, %get3A_12 : vector<1024x128xf32>
    %mul3A = vector.broadcast %get3A_3 : vector<1024x1xf32> to vector<1024x128xf32>
    %mul3A_14 = arith.mulf %mul3A, %add3A_13 : vector<1024x128xf32>
    %get3A_15 = arith.constant 0 : index
    %get3A_16 = arith.constant 0 : index
    %get3A_17 = vector.load %arg6[%get3A_15, %get3A_16] : memref<1x128xf32, #tpu.memory_space<vmem>>, vector<1x128xf32>
    %add3A_18 = vector.broadcast %get3A_17 : vector<1x128xf32> to vector<1024x128xf32>
    %add3A_19 = arith.addf %mul3A_14, %add3A_18 : vector<1024x128xf32>
    %get3A_20 = arith.constant 0 : index
    %get3A_21 = arith.constant 0 : index
    %get3A_22 = vector.load %arg5[%get3A_20, %get3A_21] : memref<1024x128xf32, #tpu.memory_space<vmem>>, vector<1024x128xf32>
    %add3A_23 = arith.addf %add3A_19, %get3A_22 : vector<1024x128xf32>
    %get3A_24 = arith.constant 0 : index
    %get3A_25 = arith.constant 0 : index
    %get3A_26 = vector.load %arg7[%get3A_24, %get3A_25] : memref<1024x1xi32, #tpu.memory_space<vmem>>, vector<1024x1xi32>
    %reshape3A = vector.shape_cast %get3A_26 : vector<1024x1xi32> to vector<1x1024xi32>
    %iota3A = tpu.iota {dimensions = array<i32: 0>} : vector<64x1024xi32>
    %eq3A_27 = vector.broadcast %reshape3A : vector<1x1024xi32> to vector<64x1024xi32>
    %eq3A_28 = arith.cmpi eq, %iota3A, %eq3A_27 : vector<64x1024xi32>
    %convert_element_type3A_29 = arith.extui %eq3A_28 : vector<64x1024xi1> to vector<64x1024xi32>
    %convert_element_type3A_30 = arith.sitofp %convert_element_type3A_29 : vector<64x1024xi32> to vector<64x1024xf32>
    %get3A_31 = arith.constant 0 : index
    %get3A_32 = arith.constant 0 : index
    %get3A_33 = vector.load %arg9[%get3A_31, %get3A_32] : memref<64x128xf32, #tpu.memory_space<vmem>>, vector<64x128xf32>
    %dot_general3A = arith.constant dense<0.000000e+00> : vector<64x128xf32>
    %dot_general3A_34 = tpu.matmul %convert_element_type3A_30, %add3A_23, %dot_general3A {dimension_numbers = #tpu.dot_dimension_numbers<[1], [0], [0], [1], [0, 0, 1, 1], [], []>, transpose_lhs_hint = false} : vector<64x1024xf32>, vector<1024x128xf32>, vector<64x128xf32> -> vector<64x128xf32>
    %add3A_35 = arith.addf %get3A_33, %dot_general3A_34 : vector<64x128xf32>
    %swap3A = arith.constant 0 : index
    %swap3A_36 = arith.constant 0 : index
    %swap3A_37 = vector.load %arg9[%swap3A, %swap3A_36] : memref<64x128xf32, #tpu.memory_space<vmem>>, vector<64x128xf32>
    tpu.vector_store %arg9[%swap3A, %swap3A_36], %add3A_35 {strides = array<i32>} : memref<64x128xf32, #tpu.memory_space<vmem>>, vector<64x128xf32>,
    %get3A_38 = arith.constant 0 : index
    %get3A_39 = arith.constant 0 : index
    %get3A_40 = vector.load %arg10[%get3A_38, %get3A_39] : memref<64x1xf32, #tpu.memory_space<vmem>>, vector<64x1xf32>
    %reduce_sum3A = arith.constant dense<0.000000e+00> : vector<64xf32>
    %reduce_sum3A_41 = vector.multi_reduction <add>, %convert_element_type3A_30, %reduce_sum3A [1] : vector<64x1024xf32> to vector<64xf32>
    %broadcast_in_dim3A = vector.shape_cast %reduce_sum3A_41 : vector<64xf32> to vector<64x1xf32>
    %add3A_42 = arith.addf %get3A_40, %broadcast_in_dim3A : vector<64x1xf32>
    %swap3A_43 = arith.constant 0 : index
    %swap3A_44 = arith.constant 0 : index
    %swap3A_45 = vector.load %arg10[%swap3A_43, %swap3A_44] : memref<64x1xf32, #tpu.memory_space<vmem>>, vector<64x1xf32>
    tpu.vector_store %arg10[%swap3A_43, %swap3A_44], %add3A_42 {strides = array<i32>} : memref<64x1xf32, #tpu.memory_space<vmem>>, vector<64x1xf32>,
    %eq3A_46 = arith.constant 9 : i32
    %eq3A_47 = arith.cmpi eq, %arg0, %eq3A_46 : i32
    %convert_element_type3A_48 = arith.extui %eq3A_47 : i1 to i32
    %cond3A_49 = arith.constant 0 : i32
    %cond3A_50 = arith.cmpi ne, %convert_element_type3A_48, %cond3A_49 : i32
    scf.if %cond3A_50 {
      %get3A_51 = arith.constant 0 : index
      %get3A_52 = arith.constant 0 : index
      %get3A_53 = vector.load %arg9[%get3A_51, %get3A_52] : memref<64x128xf32, #tpu.memory_space<vmem>>, vector<64x128xf32>
      %get3A_54 = arith.constant 0 : index
      %get3A_55 = arith.constant 0 : index
      %get3A_56 = vector.load %arg10[%get3A_54, %get3A_55] : memref<64x1xf32, #tpu.memory_space<vmem>>, vector<64x1xf32>
      %max3A = arith.constant 1.000000e+00 : f32
      %max3A_57 = vector.broadcast %max3A : f32 to vector<64x1xf32>
      %max3A_58 = arith.maximumf %get3A_56, %max3A_57 : vector<64x1xf32>
      %div3A = vector.broadcast %max3A_58 : vector<64x1xf32> to vector<64x128xf32>
      %div3A_59 = arith.divf %get3A_53, %div3A : vector<64x128xf32>
      %swap3A_60 = arith.constant 0 : index
      %swap3A_61 = arith.constant 0 : index
      %swap3A_62 = vector.load %arg8[%swap3A_60, %swap3A_61] : memref<64x128xf32, #tpu.memory_space<vmem>>, vector<64x128xf32>
      tpu.vector_store %arg8[%swap3A_60, %swap3A_61], %div3A_59 {strides = array<i32>} : memref<64x128xf32, #tpu.memory_space<vmem>>, vector<64x128xf32>,
    } else {
    }
    return
  }
  func.func @transform_0(%arg0: i32) -> (i32, i32) {
    %c0_i32 = arith.constant 0 : i32
    %c0_i32_0 = arith.constant 0 : i32
    return %arg0, %c0_i32 : i32, i32
  }
  func.func @transform_1(%arg0: i32) -> (i32, i32) {
    %c0_i32 = arith.constant 0 : i32
    %c0_i32_0 = arith.constant 0 : i32
    return %arg0, %c0_i32 : i32, i32
  }
  func.func @transform_2(%arg0: i32) -> (i32, i32) {
    %c0_i32 = arith.constant 0 : i32
    %c0_i32_0 = arith.constant 0 : i32
    return %arg0, %c0_i32 : i32, i32
  }
  func.func @transform_3(%arg0: i32) -> (i32, i32) {
    %c0_i32 = arith.constant 0 : i32
    %c0_i32_0 = arith.constant 0 : i32
    return %arg0, %c0_i32 : i32, i32
  }
  func.func @transform_4(%arg0: i32) -> (i32, i32) {
    %c0_i32 = arith.constant 0 : i32
    %c0_i32_0 = arith.constant 0 : i32
    return %arg0, %c0_i32 : i32, i32
  }
  func.func @transform_5(%arg0: i32) -> (i32, i32) {
    %c0_i32 = arith.constant 0 : i32
    %c0_i32_0 = arith.constant 0 : i32
    %c0_i32_1 = arith.constant 0 : i32
    return %c0_i32, %c0_i32_0 : i32, i32
  }
  func.func @transform_6(%arg0: i32) -> (i32, i32) {
    %c0_i32 = arith.constant 0 : i32
    %c0_i32_0 = arith.constant 0 : i32
    return %arg0, %c0_i32 : i32, i32
  }
  func.func @transform_7(%arg0: i32) -> (i32, i32) {
    %c0_i32 = arith.constant 0 : i32
    %c0_i32_0 = arith.constant 0 : i32
    %c0_i32_1 = arith.constant 0 : i32
    return %c0_i32, %c0_i32_0 : i32, i32
  }
}

</mosaic_0001>

<sc_bundles>
// kernel: kernel.11.cloned.1.call-start
scs
__scs_entry_jumppad:
0x0: {  	(pc) =	sbr.rel $0x88, $3  }
0x1: {  	(tag) =	ssettag $0x0;
	lr =	simm.s32 $0x1  }
0x2: {  	[smem:$0x3F98] =	sst lr;
	_ =	strace $0xD0000000  }
0x3: {  	_ = 	snop  }
0x4: {  	_ = 	snop  }
0x5: {  	_ = 	snop  }
0x6: {  	_ = 	snop  }
0x7: {  	_ = 	snop  }
__scs_overlays_trampoline_lowered:
0x8: {  	[smem:$0x3FA7] =	sst s0  }
0x9: {  	[smem:$0x3FA8] =	sst s1  }
0xa: {  	[smem:$0x3FA9] =	sst s2  }
0xb: {  	[smem:$0x3FAA] =	sst s3  }
0xc: {  	[smem:$0x3FAB] =	sst s4  }
0xd: {  	[smem:$0x3FAC] =	sst s5  }
0xe: {  	[smem:$0x3FAD] =	sst s6  }
0xf: {  	[smem:$0x3FAE] =	sst s7  }
0x10: {  	[smem:$0x3FAF] =	sst s8  }
0x11: {  	[smem:$0x3FB0] =	sst s9;
	s0 =	simm.s32 @!p0 $0x0  }
0x12: {  	s1 =	sld [smem:$0x3F96];
	s0 =	simm.s32 @p0 $0x1  }
0x13: {  	[smem:$0x3FB1] =	sst s0;
	s0 =	simm.s32 @!p1 $0x0  }
0x14: {  	s2 =	sld [smem:$0x3F95];
	s0 =	simm.s32 @p1 $0x1  }
0x15: {  	[smem:$0x3FB2] =	sst s0;
	s0 =	simm.s32 @!p2 $0x0  }
0x16: {  	s3 =	sld [smem:$0x3FDB];
	s0 =	simm.s32 @p2 $0x1  }
0x17: {  	s4 =	simm.s32 $0x1BF5;
	[smem:$0x3FB4] =	sst s0  }
0x18: {  	s0 =	sld [smem:$0x3F97];
	_ =	swait.ge [sflag:s4], $0x0  }
0x19: {  	s7 =	sld [smem:$0x3F98]  }
0x1a: {  	s8 =	sadd.s32 $0xFFFFE003, lr  }
0x1b: {  	s9 =	sadd.s32 $0xFFFFFEF7, lr;
	s5 =	simm.s32 $0xFFFFFFFF;
	p2 =	slt.u32 s8, $0xFFFFF086  }
0x1c: {  	p1 =	slt.u32 s9, $0xF7A;
	s5 =	simm.s32 @!p2 $0x0  }
0x1d: {  	s5 =	simm.s32 @p1 $0x1;
	p0 =	seq.s32 s7, s2  }
0x1e: {  	s7 =	smul.u32 @!p0 $0xF7A, s2;
	p2 =	seq.s32 @!p0 s5, $0x0  }
0x1f: {  	s9 =	smul.u32 $0xF7A, s1;
	s8 =	simm.s32 @!p0 $0x1BF5;
	p2 =	por !p2, p0  }
0x20: {  	[sflag:s8] =	ssyncset.s32 @!p0 $0xFFFFF086;
	s6 =	sadd.s32 @!p0 s3, s7;
	s7 =	simm.s32 @!p0 $0x108  }
0x21: {  	s3 =	sadd.s32 s3, s9;
	s6 =	sadd.s32 @!p0 $0x88, s6;
	s7 =	simm.s32 @p2 $0x1082  }
0x22: {  	[simem:s7], [sflag:s8] =	dma.local @!p0 [hbm:s6], $0xF7A  }
0x23: {  	s9 =	sor.u32 $0xD0000000, s2;
	s6 =	simm.s32 $0x108;
	_ =	swait.ge @!p0 [sflag:s8], $0x0  }
0x24: {  	s3 =	sadd.s32 $0x88, s3;
	s6 =	simm.s32 @!p1 $0x1082;
	[sflag:s4] =	ssyncset.s32 $0xFFFFF086  }
0x25: {  	[simem:s6], [sflag:s4] =	dma.local [hbm:s3], $0xF7A  }
0x26: {  	[smem:$0x3F98] =	sst s1;
	(tag) =	ssettag s2;
	_ =	strace s9  }
0x27: {  	s1 =	sld [smem:$0x3FA8]  }
0x28: {  	s2 =	sld [smem:$0x3FA9]  }
0x29: {  	s4 =	sld [smem:$0x3FAB]  }
0x2a: {  	p0 =	seq.s32 s5, $0x0;
	s5 =	sld [smem:$0x3FAC]  }
0x2b: {  	s6 =	sld [smem:$0x3FAD]  }
0x2c: {  	s7 =	sld [smem:$0x3FAE]  }
0x2d: {  	s3 =	simm.s32 $0x108;
	s8 =	sld [smem:$0x3FAF]  }
0x2e: {  	s3 =	simm.s32 @!p0 $0x1082;
	s9 =	sld [smem:$0x3FB0]  }
0x2f: {  	lr =	sadd.s32 s0, s3;
	s0 =	sld [smem:$0x3FA7]  }
0x30: {  	s3 =	sld [smem:$0x3FAA]  }
0x31: {  	[smem:$0x3FB3] =	sst s10  }
0x32: {  	s10 =	sld [smem:$0x3FB1];
	_ =	sdelay $0x3  }
0x33: {  	p0 =	seq.s32 s10, $0x1;
	s10 =	sld [smem:$0x3FB3];
	_ =	sdelay $0x3  }
0x34: {  	[smem:$0x3FB3] =	sst s10  }
0x35: {  	s10 =	sld [smem:$0x3FB2];
	_ =	sdelay $0x3  }
0x36: {  	p1 =	seq.s32 s10, $0x1;
	s10 =	sld [smem:$0x3FB3];
	_ =	sdelay $0x3  }
0x37: {  	[smem:$0x3FB3] =	sst s10  }
0x38: {  	s10 =	sld [smem:$0x3FB4]  }
0x39: {  	_ = 	snop;
	(pc) =	sbr.ind lr, $3  }
0x3a: {  	_ = 	snop  }
0x3b: {  	_ = 	snop  }
0x3c: {  	p2 =	seq.s32 s10, $0x1;
	s10 =	sld [smem:$0x3FB3]  }
0x3d: {  	_ =	shalt  }
0x3e: {  	_ =	shalt  }
0x3f: {  	_ =	shalt  }
0x40: {  	_ =	shalt  }
0x41: {  	_ =	shalt  }
0x42: {  	_ =	shalt  }
0x43: {  	_ =	shalt  }
0x44: {  	_ =	shalt  }
0x45: {  	_ =	shalt  }
0x46: {  	_ =	shalt  }
0x47: {  	_ =	shalt  }
0x48: {  	_ =	shalt  }
0x49: {  	_ =	shalt  }
0x4a: {  	_ =	shalt  }
0x4b: {  	_ =	shalt  }
0x4c: {  	_ =	shalt  }
0x4d: {  	_ =	shalt  }
0x4e: {  	_ =	shalt  }
0x4f: {  	_ =	shalt  }
0x50: {  	_ =	shalt  }
0x51: {  	_ =	shalt  }
0x52: {  	_ =	shalt  }
0x53: {  	_ =	shalt  }
0x54: {  	_ =	shalt  }
0x55: {  	_ =	shalt  }
0x56: {  	_ =	shalt  }
0x57: {  	_ =	shalt  }
0x58: {  	_ =	shalt  }
0x59: {  	_ =	shalt  }
0x5a: {  	_ =	shalt  }
0x5b: {  	_ =	shalt  }
0x5c: {  	_ =	shalt  }
0x5d: {  	_ =	shalt  }
0x5e: {  	_ =	shalt  }
0x5f: {  	_ =	shalt  }
0x60: {  	_ =	shalt  }
0x61: {  	_ =	shalt  }
0x62: {  	_ =	shalt  }
0x63: {  	_ =	shalt  }
0x64: {  	_ =	shalt  }
0x65: {  	_ =	shalt  }
0x66: {  	_ =	shalt  }
0x67: {  	_ =	shalt  }
0x68: {  	_ =	shalt  }
0x69: {  	_ =	shalt  }
0x6a: {  	_ =	shalt  }
0x6b: {  	_ =	shalt  }
0x6c: {  	_ =	shalt  }
0x6d: {  	_ =	shalt  }
0x6e: {  	_ =	shalt  }
0x6f: {  	_ =	shalt  }
0x70: {  	_ =	shalt  }
0x71: {  	_ =	shalt  }
0x72: {  	_ =	shalt  }
0x73: {  	_ =	shalt  }
0x74: {  	_ =	shalt  }
0x75: {  	_ =	shalt  }
0x76: {  	_ =	shalt  }
0x77: {  	_ =	shalt  }
0x78: {  	_ =	shalt  }
0x79: {  	_ =	shalt  }
0x7a: {  	_ =	shalt  }
0x7b: {  	_ =	shalt  }
0x7c: {  	_ =	shalt  }
0x7d: {  	_ =	shalt  }
0x7e: {  	_ =	shalt  }
0x7f: {  	_ =	shalt  }
0x80: {  	_ =	shalt  }
0x81: {  	_ =	shalt  }
0x82: {  	_ =	shalt  }
0x83: {  	_ =	shalt  }
0x84: {  	_ =	shalt  }
0x85: {  	_ =	shalt  }
0x86: {  	_ =	shalt  }
0x87: {  	_ =	shalt  }
.Lfunc_end0:
.L_simem_size_0:
called_computation_lowered:
.L_overlay_start_0:
0x88: {  	s2 =	sld [smem:$0x3FD9]  }
0x89: {  	s3 =	sld [smem:$0x3FFE];
	_ =	sdelay $0x1  }
0x8a: {  	s1 =	srdreg.scid  }
0x8b: {  	s0 =	sand.u32 $0x1, s1  }
0x8c: {  	s16 =	sshll.u32 s0, $0xA;
	s2 =	sadd.s32 s3, s2  }
0x8d: {  	s2 =	sadd.s32 s2, s16  }
0x8e: {  	[smem:$0x3FBF] =	sst s2  }
0x8f: {  	_ = 	snop  }
0x90: {  	(tm) =	ssettm $0x1  }
0x91: {  	s17 =	sld [smem:$0x3FFB];
	_ =	sdelay $0x3  }
0x92: {  	_ =	strace s17  }
0x93: {  	s2 =	sld [smem:$0x3FFC];
	_ =	sdelay $0x3  }
0x94: {  	_ =	strace s2  }
0x95: {  	s2 =	sld [smem:$0x3FFD];
	_ =	sdelay $0x3  }
0x96: {  	_ =	strace s2  }
0x97: {  	_ =	strace $0x8FFFFFFF  }
0x98: {  	s18 =	sld [smem:$0x3FDB];
	_ =	sdelay $0x1  }
0x99: {  	s19 =	simm.s32 $_scs_section_size  }
0x9a: {  	s4 =	simm.s32 $_size__tile_overlayer_lowered;
	s5 =	simm.s32 $_tile_overlayer_lowered  }
0x9b: {  	s22 =	simm.s32 $0x1BFF;
	s21 =	sshll.u32 s5, $0x1;
	s2 =	sadd.s32 s19, s18  }
0x9c: {  	s6 =	simm.s32 $0x0;
	s20 =	sshll.u32 s4, $0x1;
	s4 =	sadd.s32 s21, s2  }
0x9d: {  	[timem:s6], [sflag:s22] =	dma.local [hbm:s4], s20  }
0x9e: {  	_ =	swait.ge [sflag:s22], s20  }
0x9f: {  	s3 =	ssub.s32 $0x0, s20;
	[sflag:s22] =	ssyncset.done $0x0  }
0xa0: {  	[sflag:s22] =	ssyncadd.s32 s3;
	_ =	sdelay $0x1  }
0xa1: {  	s23 =	simm.s32 $0x1B8B  }
0xa2: {  	_ =	swait.ge [sflag:s23], $0x1  }
0xa3: {  	[sflag:s23] =	ssyncset.done $0x0  }
0xa4: {  	s25 =	simm.s32 $0x1B8E;
	s24 =	sld [smem:$0x3FFE];
	[sflag:s23] =	ssyncadd.s32 $0xFFFFFFFF  }
0xa5: {  	s26 =	simm.s32 $execute0_lowered;
	[smem:$0x3FD2] =	sst s25  }
0xa6: {  	s4 =	sshll.u32 s26, $0x1;
	_ =	strace $0x80000046;
	[dreg:$0x1] =	wrdreg $0xFFFFFFFF  }
0xa7: {  	s28 =	simm.s32 $_size_execute0_lowered;
	s2 =	sadd.s32 s2, s4;
	[dreg:$0x0] =	wrdreg $0x0  }
0xa8: {  	s4 =	sshll.u32 s28, $0x1;
	[dreg:$0x2] =	wrdreg s2  }
0xa9: {  	[dreg:$0x3] =	wrdreg s4  }
0xaa: {  	[dreg:$0x4] =	wrdreg $0xC0  }
0xab: {  	_ =	task [dreg:s6], $0x5FFFF  }
0xac: {  	[dreg:$0x1] =	wrdreg $0xFFFFFFFF  }
0xad: {  	[dreg:$0x0] =	wrdreg $0x60  }
0xae: {  	[dreg:$0x2] =	wrdreg s24  }
0xaf: {  	[dreg:$0x3] =	wrdreg $0x2B000  }
0xb0: {  	[dreg:$0x4] =	wrdreg $0x9  }
0xb1: {  	_ =	task.clear_ibuf [dreg:s6], $0x5FFFF;
	_ =	strace $0x90000046  }
0xb2: {  	s29 =	simm.s32 $0x9;
	_ =	strace $0x80000048  }
0xb3: {  	_ =	swait.ge [sflag:s29], $0x1  }
0xb4: {  	[sflag:s29] =	ssyncadd.s32 $0xFFFFFFFF  }
0xb5: {  	_ =	strace $0x90000048  }
0xb6: {  	_ =	sfence  }
0xb7: {  	s30 =	sld [smem:$0x0];
	_ =	sdelay $0x2  }
0xb8: {  	s31 =	sshll.u32 s1, $0xD;
	s1 =	sshrl.u32 s1, $0x2  }
0xb9: {  	s3 =	sand.u32 $0x4000, s31;
	s1 =	sadd.s32 s1, s30  }
0xba: {  	s0 =	sor.u32 s3, s0;
	s1 =	sshll.u32 s1, $0x11  }
0xbb: {  	s0 =	sor.u32 s1, s0  }
0xbc: {  	s0 =	sadd.s32 $0x8F2B, s0  }
0xbd: {  	[sflag:s0] =	ssyncadd.remote.s32 $0x1  }
0xbe: {  	_ =	sfence.sel $0xFFFF  }
0xbf: {  	[dreg:$0x0] =	wrdreg $0xFFFFFFFF;
	(pc) =	sbr.abs _section_cstart, $3  }
0xc0: {  	[dreg:$0x1] =	wrdreg $0xFFFFFFFF  }
0xc1: {  	_ =	task.clear_ibuf [dreg:s6], $0x2FFFF;
	_ =	strace $0x9FFFFFFF  }
0xc2: {  	(tm) =	ssettm $0x7FFFFFFF  }
0xc3: {  	_ =	shalt  }
tec
execute0_lowered:
.L_overlay_start_1:
0x0: {  	(tag) =	ssettag $0x1  }
0x1: {  	s7 =	rddreg [dreg:$0x0];
	s1 =	srdreg.scid  }
0x2: {  	s0 =	stileid.u32;
	s2 =	rddreg [dreg:$0x1]  }
0x3: {  	s3 =	simm.s32 $0x0;
	s10 =	simm.s32 $0x80;
	s11 =	simm.s32 $0x2800  }
0x4: {  	s12 =	simm.s32 $0x0;
	s4 =	sand.u32 $0x1, s1;
	s1 =	rddreg [dreg:$0x2]  }
0x5: {  	s5 =	sshll.u32 s0, $0x1;
	[smem:$0x7FF] =	sst s3;
	s9 =	smul.u32 $0x280, s0  }
0x6: {  	s5 =	sor.u32 s4, s5;
	_ =	strace $0x80000047;
	s6 =	ssub.s32 $0x2, s4  }
0x7: {  	p0 =	seq.s32 s4, $0x1;
	s5 =	smul.u32 $0x500, s5;
	s8 =	sshrl.u32 s6, $0x1  }
0x8: {  	s4 =	sadd.s32 s9, s2;
	s6 =	ssub.s32 s6, s8;
	s8 =	simm.s32 $0x1AA00  }
0x9: {  	s9 =	sshrl.u32 s9, $0x3;
	s5 =	sadd.s32 s5, s7;
	s8 =	simm.s32 @!p0 $0x1A400  }
0xa: {  	s6 =	smax.u32 s6, $0x1;
	s5 =	sadd.s32 $0x6400, s5;
	s7 =	sadd.s32 s8, s7  }
0xb: {  	v0 =	vimm.f32 $1.000000000e+00;
	v1 =	vimm.f32 $0.0e+00;
	s8 =	simm.s32 $0x2880;
	s7 =	sadd.s32 s7, s9;
	s9 =	simm.s32 $0x1  }
.LBB2_1:
0xc: {  	[tilespmem:$0x2800] =	vst v0  }
0xd: {  	[tilespmem:$0x2810] =	vst v0  }
0xe: {  	[tilespmem:$0x2820] =	vst v0  }
0xf: {  	[tilespmem:$0x2830] =	vst v0  }
0x10: {  	[tilespmem:$0x2840] =	vst v0  }
0x11: {  	[tilespmem:$0x2850] =	vst v0  }
0x12: {  	[tilespmem:$0x2860] =	vst v0  }
0x13: {  	[tilespmem:$0x2870] =	vst v0  }
0x14: {  	[tilespmem:$0x2880] =	vst v1  }
0x15: {  	[tilespmem:$0x2890] =	vst v1  }
0x16: {  	[tilespmem:$0x28A0] =	vst v1  }
0x17: {  	[tilespmem:$0x28B0] =	vst v1  }
0x18: {  	[tilespmem:$0x28C0] =	vst v1  }
0x19: {  	[tilespmem:$0x28D0] =	vst v1  }
0x1a: {  	[tilespmem:$0x28E0] =	vst v1  }
0x1b: {  	[tilespmem:$0x28F0] =	vst v1  }
0x1c: {  	[tilespmem:$0x2900] =	vst v1  }
0x1d: {  	[tilespmem:$0x2910] =	vst v1  }
0x1e: {  	[tilespmem:$0x2920] =	vst v1  }
0x1f: {  	[tilespmem:$0x2930] =	vst v1  }
0x20: {  	[tilespmem:$0x2940] =	vst v1  }
0x21: {  	[tilespmem:$0x2950] =	vst v1  }
0x22: {  	[tilespmem:$0x2960] =	vst v1  }
0x23: {  	[tilespmem:$0x2970] =	vst v1  }
0x24: {  	[tilespmem:$0x2980] =	vst v1  }
0x25: {  	[tilespmem:$0x2990] =	vst v1  }
0x26: {  	[tilespmem:$0x29A0] =	vst v1  }
0x27: {  	[tilespmem:$0x29B0] =	vst v1  }
0x28: {  	[tilespmem:$0x29C0] =	vst v1  }
0x29: {  	[tilespmem:$0x29D0] =	vst v1  }
0x2a: {  	[tilespmem:$0x29E0] =	vst v1  }
0x2b: {  	[tilespmem:$0x29F0] =	vst v1  }
0x2c: {  	[tilespmem:$0x2A00] =	vst v1  }
0x2d: {  	[tilespmem:$0x2A10] =	vst v1  }
0x2e: {  	[tilespmem:$0x2A20] =	vst v1  }
0x2f: {  	[tilespmem:$0x2A30] =	vst v1  }
0x30: {  	[tilespmem:$0x2A40] =	vst v1  }
0x31: {  	[tilespmem:$0x2A50] =	vst v1  }
0x32: {  	[tilespmem:$0x2A60] =	vst v1  }
0x33: {  	[tilespmem:$0x2A70] =	vst v1  }
0x34: {  	[tilespmem:$0x2A80] =	vst v1  }
0x35: {  	[tilespmem:$0x2A90] =	vst v1  }
0x36: {  	[tilespmem:$0x2AA0] =	vst v1  }
0x37: {  	[tilespmem:$0x2AB0] =	vst v1  }
0x38: {  	[tilespmem:$0x2AC0] =	vst v1  }
0x39: {  	[tilespmem:$0x2AD0] =	vst v1  }
0x3a: {  	[tilespmem:$0x2AE0] =	vst v1  }
0x3b: {  	[tilespmem:$0x2AF0] =	vst v1  }
0x3c: {  	[spmem:s4] =	stream.linear.scatter [tilespmem:s8], [sflag:$0x1], $0x280, $0x38;
	[tilespmem:$0x2D80] =	vst v63  }
0x3d: {  	_ =	swait.ge [sflag:s9], $0x280  }
0x3e: {  	[sflag:s9] =	ssyncset.done $0x0  }
0x3f: {  	[sflag:s9] =	ssyncadd.s32 $0xFFFFFD80  }
0x40: {  	[tilespmem:s3], [sflag:$0x1] =	stream.linear.gather [hbm4b:s5+s3], $0x2800, $0x38;
	[tilespmem:$0x2D80] =	vst v63  }
0x41: {  	_ =	swait.ge [sflag:s9], $0x2800  }
0x42: {  	[sflag:s9] =	ssyncset.done $0x0  }
0x43: {  	[sflag:s9] =	ssyncadd.s32 $0xFFFFD800  }
0x44: {  	s13 =	simm.s32 $0x0;
	[bflag:$0x0] =	sbarrier.arrive $0xFFFF  }
0x45: {  	[spmem:s2] =	stream.indirect.scatter.add.f32 [tilespmem:s11], [sflag:$0x1], $0x1, s13, s10, $0xb8;
	[tilespmem:$0x2D80] =	vst v63  }
0x46: {  	_ =	swait.ge [sflag:s9], $0x80  }
0x47: {  	s13 =	simm.s32 $0x200;
	[sflag:s9] =	ssyncset.done $0x0  }
.LBB2_2:
0x48: {  	s14 =	sshra.s32 s13, $0x2;
	[sflag:s9] =	ssyncadd.s32 $0xFFFFFF80;
	p0 =	sne.s32 s13, $0x9E00  }
0x49: {  	[spmem:s2] =	stream.indirect.scatter.add.f32 [tilespmem:s11], [sflag:$0x1], $0x1, s14, s10, $0xb8;
	[tilespmem:$0x2D80] =	vst v63  }
.Ltmp0:
0x4a: {  	_ = 	snop;
	(pc) =	sbr.rel @p0 .LBB2_2-.Ltmp0, $4  }
0x4b: {  	_ = 	snop  }
0x4c: {  	s13 =	sadd.s32 $0x200, s13  }
0x4d: {  	_ =	swait.ge [sflag:s9], $0x80  }
0x4e: {  	[sflag:s9] =	ssyncset.done $0x0  }
0x4f: {  	[sflag:s9] =	ssyncadd.s32 $0xFFFFFF80  }
0x50: {  	[bflag:$0x0] =	sbarrier.arrive $0xFFFF  }
0x51: {  	[tilespmem:s8], [sflag:$0x1] =	stream.linear.gather [spmem:s4], $0x280, $0x38;
	[tilespmem:$0x2D80] =	vst v63  }
0x52: {  	s12 =	sadd.s32 $0x1, s12;
	_ =	swait.ge [sflag:s9], $0x280  }
0x53: {  	p0 =	sne.s32 s12, s6;
	[sflag:s9] =	ssyncset.done $0x0  }
.Ltmp1:
0x54: {  	[sflag:s9] =	ssyncadd.s32 $0xFFFFFD80;
	(pc) =	sbr.rel @p0 .LBB2_1-.Ltmp1, $4  }
0x55: {  	[hbm4b:s7+s3] =	stream.linear.scatter [tilespmem:s8], [sflag:$0x1], $0x280, $0x38;
	[tilespmem:$0x2D80] =	vst v63  }
0x56: {  	_ =	swait.ge [sflag:s9], $0x280  }
0x57: {  	[sflag:s9] =	ssyncset.done $0x0  }
0x58: {  	[sflag:s9] =	ssyncadd.s32 $0xFFFFFD80  }
0x59: {  	_ =	sfence.sel $0x180000  }
0x5a: {  	[bflag:$0x0] =	sbarrier.arrive $0xFFFF  }
0x5b: {  	p0 =	sne.s32 s0, $0x0;
	_ =	strace $0x90000047  }
0x5c: {  	s0 =	sadd.s32 @!p0 $0x100000, s1;
	[bflag:$0x2] =	sbarrier.arrive $0xFFFF  }
0x5d: {  	[sflag:s0] =	ssyncadd.tile.s32 @!p0 $0x1;
	_ =	shalt  }
.Lfunc_end2:
_tile_overlayer_lowered:
.L_overlay_start_2:
0x5e: {  	(tag) =	ssettag $0x2  }
0x5f: {  	s0 =	rddreg [dreg:$0x0];
	s2 =	stileid.u32  }
0x60: {  	s1 =	rddreg [dreg:$0x1];
	p0 =	sne.s32 s2, $0x0  }
0x61: {  	s3 =	rddreg [dreg:$0x2];
	[bflag:$0x3] =	sbarrier.arrive $0xFFFF;
	s2 =	simm.s32 @!p0 $0x1C01  }
0x62: {  	[timem:s3], [sflag:s2] =	dma.local @!p0 [hbm:s0], s1  }
0x63: {  	s0 =	simm.s32 @!p0 $0x1  }
0x64: {  	_ =	swait.ge @!p0 [sflag:s0], s1  }
0x65: {  	s1 =	ssub.s32 @!p0 $0x0, s1;
	[sflag:s0] =	ssyncset.done @!p0 $0x0  }
0x66: {  	[sflag:s0] =	ssyncadd.s32 @!p0 s1  }
0x67: {  	[bflag:$0x3] =	sbarrier.arrive $0xFFFF  }
0x68: {  	_ =	shalt  }

// kernel: kernel.14.cloned.1.call-start
scs
__scs_entry_jumppad:
0x0: {  	(pc) =	sbr.rel $0x88, $3  }
0x1: {  	(tag) =	ssettag $0x0;
	lr =	simm.s32 $0x1  }
0x2: {  	[smem:$0x3F98] =	sst lr;
	_ =	strace $0xD0000000  }
0x3: {  	_ = 	snop  }
0x4: {  	_ = 	snop  }
0x5: {  	_ = 	snop  }
0x6: {  	_ = 	snop  }
0x7: {  	_ = 	snop  }
__scs_overlays_trampoline_lowered:
0x8: {  	[smem:$0x3FA7] =	sst s0  }
0x9: {  	[smem:$0x3FA8] =	sst s1  }
0xa: {  	[smem:$0x3FA9] =	sst s2  }
0xb: {  	[smem:$0x3FAA] =	sst s3  }
0xc: {  	[smem:$0x3FAB] =	sst s4  }
0xd: {  	[smem:$0x3FAC] =	sst s5  }
0xe: {  	[smem:$0x3FAD] =	sst s6  }
0xf: {  	[smem:$0x3FAE] =	sst s7  }
0x10: {  	[smem:$0x3FAF] =	sst s8  }
0x11: {  	[smem:$0x3FB0] =	sst s9;
	s0 =	simm.s32 @!p0 $0x0  }
0x12: {  	s1 =	sld [smem:$0x3F96];
	s0 =	simm.s32 @p0 $0x1  }
0x13: {  	[smem:$0x3FB1] =	sst s0;
	s0 =	simm.s32 @!p1 $0x0  }
0x14: {  	s2 =	sld [smem:$0x3F95];
	s0 =	simm.s32 @p1 $0x1  }
0x15: {  	[smem:$0x3FB2] =	sst s0;
	s0 =	simm.s32 @!p2 $0x0  }
0x16: {  	s3 =	sld [smem:$0x3FDB];
	s0 =	simm.s32 @p2 $0x1  }
0x17: {  	s4 =	simm.s32 $0x1BF5;
	[smem:$0x3FB4] =	sst s0  }
0x18: {  	s0 =	sld [smem:$0x3F97];
	_ =	swait.ge [sflag:s4], $0x0  }
0x19: {  	s7 =	sld [smem:$0x3F98]  }
0x1a: {  	s8 =	sadd.s32 $0xFFFFE003, lr  }
0x1b: {  	s9 =	sadd.s32 $0xFFFFFEF7, lr;
	s5 =	simm.s32 $0xFFFFFFFF;
	p2 =	slt.u32 s8, $0xFFFFF086  }
0x1c: {  	p1 =	slt.u32 s9, $0xF7A;
	s5 =	simm.s32 @!p2 $0x0  }
0x1d: {  	s5 =	simm.s32 @p1 $0x1;
	p0 =	seq.s32 s7, s2  }
0x1e: {  	s7 =	smul.u32 @!p0 $0xF7A, s2;
	p2 =	seq.s32 @!p0 s5, $0x0  }
0x1f: {  	s9 =	smul.u32 $0xF7A, s1;
	s8 =	simm.s32 @!p0 $0x1BF5;
	p2 =	por !p2, p0  }
0x20: {  	[sflag:s8] =	ssyncset.s32 @!p0 $0xFFFFF086;
	s6 =	sadd.s32 @!p0 s3, s7;
	s7 =	simm.s32 @!p0 $0x108  }
0x21: {  	s3 =	sadd.s32 s3, s9;
	s6 =	sadd.s32 @!p0 $0x88, s6;
	s7 =	simm.s32 @p2 $0x1082  }
0x22: {  	[simem:s7], [sflag:s8] =	dma.local @!p0 [hbm:s6], $0xF7A  }
0x23: {  	s9 =	sor.u32 $0xD0000000, s2;
	s6 =	simm.s32 $0x108;
	_ =	swait.ge @!p0 [sflag:s8], $0x0  }
0x24: {  	s3 =	sadd.s32 $0x88, s3;
	s6 =	simm.s32 @!p1 $0x1082;
	[sflag:s4] =	ssyncset.s32 $0xFFFFF086  }
0x25: {  	[simem:s6], [sflag:s4] =	dma.local [hbm:s3], $0xF7A  }
0x26: {  	[smem:$0x3F98] =	sst s1;
	(tag) =	ssettag s2;
	_ =	strace s9  }
0x27: {  	s1 =	sld [smem:$0x3FA8]  }
0x28: {  	s2 =	sld [smem:$0x3FA9]  }
0x29: {  	s4 =	sld [smem:$0x3FAB]  }
0x2a: {  	p0 =	seq.s32 s5, $0x0;
	s5 =	sld [smem:$0x3FAC]  }
0x2b: {  	s6 =	sld [smem:$0x3FAD]  }
0x2c: {  	s7 =	sld [smem:$0x3FAE]  }
0x2d: {  	s3 =	simm.s32 $0x108;
	s8 =	sld [smem:$0x3FAF]  }
0x2e: {  	s3 =	simm.s32 @!p0 $0x1082;
	s9 =	sld [smem:$0x3FB0]  }
0x2f: {  	lr =	sadd.s32 s0, s3;
	s0 =	sld [smem:$0x3FA7]  }
0x30: {  	s3 =	sld [smem:$0x3FAA]  }
0x31: {  	[smem:$0x3FB3] =	sst s10  }
0x32: {  	s10 =	sld [smem:$0x3FB1];
	_ =	sdelay $0x3  }
0x33: {  	p0 =	seq.s32 s10, $0x1;
	s10 =	sld [smem:$0x3FB3];
	_ =	sdelay $0x3  }
0x34: {  	[smem:$0x3FB3] =	sst s10  }
0x35: {  	s10 =	sld [smem:$0x3FB2];
	_ =	sdelay $0x3  }
0x36: {  	p1 =	seq.s32 s10, $0x1;
	s10 =	sld [smem:$0x3FB3];
	_ =	sdelay $0x3  }
0x37: {  	[smem:$0x3FB3] =	sst s10  }
0x38: {  	s10 =	sld [smem:$0x3FB4]  }
0x39: {  	_ = 	snop;
	(pc) =	sbr.ind lr, $3  }
0x3a: {  	_ = 	snop  }
0x3b: {  	_ = 	snop  }
0x3c: {  	p2 =	seq.s32 s10, $0x1;
	s10 =	sld [smem:$0x3FB3]  }
0x3d: {  	_ =	shalt  }
0x3e: {  	_ =	shalt  }
0x3f: {  	_ =	shalt  }
0x40: {  	_ =	shalt  }
0x41: {  	_ =	shalt  }
0x42: {  	_ =	shalt  }
0x43: {  	_ =	shalt  }
0x44: {  	_ =	shalt  }
0x45: {  	_ =	shalt  }
0x46: {  	_ =	shalt  }
0x47: {  	_ =	shalt  }
0x48: {  	_ =	shalt  }
0x49: {  	_ =	shalt  }
0x4a: {  	_ =	shalt  }
0x4b: {  	_ =	shalt  }
0x4c: {  	_ =	shalt  }
0x4d: {  	_ =	shalt  }
0x4e: {  	_ =	shalt  }
0x4f: {  	_ =	shalt  }
0x50: {  	_ =	shalt  }
0x51: {  	_ =	shalt  }
0x52: {  	_ =	shalt  }
0x53: {  	_ =	shalt  }
0x54: {  	_ =	shalt  }
0x55: {  	_ =	shalt  }
0x56: {  	_ =	shalt  }
0x57: {  	_ =	shalt  }
0x58: {  	_ =	shalt  }
0x59: {  	_ =	shalt  }
0x5a: {  	_ =	shalt  }
0x5b: {  	_ =	shalt  }
0x5c: {  	_ =	shalt  }
0x5d: {  	_ =	shalt  }
0x5e: {  	_ =	shalt  }
0x5f: {  	_ =	shalt  }
0x60: {  	_ =	shalt  }
0x61: {  	_ =	shalt  }
0x62: {  	_ =	shalt  }
0x63: {  	_ =	shalt  }
0x64: {  	_ =	shalt  }
0x65: {  	_ =	shalt  }
0x66: {  	_ =	shalt  }
0x67: {  	_ =	shalt  }
0x68: {  	_ =	shalt  }
0x69: {  	_ =	shalt  }
0x6a: {  	_ =	shalt  }
0x6b: {  	_ =	shalt  }
0x6c: {  	_ =	shalt  }
0x6d: {  	_ =	shalt  }
0x6e: {  	_ =	shalt  }
0x6f: {  	_ =	shalt  }
0x70: {  	_ =	shalt  }
0x71: {  	_ =	shalt  }
0x72: {  	_ =	shalt  }
0x73: {  	_ =	shalt  }
0x74: {  	_ =	shalt  }
0x75: {  	_ =	shalt  }
0x76: {  	_ =	shalt  }
0x77: {  	_ =	shalt  }
0x78: {  	_ =	shalt  }
0x79: {  	_ =	shalt  }
0x7a: {  	_ =	shalt  }
0x7b: {  	_ =	shalt  }
0x7c: {  	_ =	shalt  }
0x7d: {  	_ =	shalt  }
0x7e: {  	_ =	shalt  }
0x7f: {  	_ =	shalt  }
0x80: {  	_ =	shalt  }
0x81: {  	_ =	shalt  }
0x82: {  	_ =	shalt  }
0x83: {  	_ =	shalt  }
0x84: {  	_ =	shalt  }
0x85: {  	_ =	shalt  }
0x86: {  	_ =	shalt  }
0x87: {  	_ =	shalt  }
.Lfunc_end0:
.L_simem_size_0:
called_computation.1_lowered:
.L_overlay_start_0:
0x88: {  	s2 =	sld [smem:$0x3FD9]  }
0x89: {  	s3 =	sld [smem:$0x3FFE];
	_ =	sdelay $0x1  }
0x8a: {  	s1 =	srdreg.scid  }
0x8b: {  	s0 =	sand.u32 $0x1, s1  }
0x8c: {  	s16 =	sshll.u32 s0, $0xA;
	s2 =	sadd.s32 s3, s2  }
0x8d: {  	s2 =	sadd.s32 s2, s16  }
0x8e: {  	[smem:$0x3FBF] =	sst s2  }
0x8f: {  	_ = 	snop  }
0x90: {  	(tm) =	ssettm $0x1  }
0x91: {  	s17 =	sld [smem:$0x3FFB];
	_ =	sdelay $0x3  }
0x92: {  	_ =	strace s17  }
0x93: {  	s2 =	sld [smem:$0x3FFC];
	_ =	sdelay $0x3  }
0x94: {  	_ =	strace s2  }
0x95: {  	s2 =	sld [smem:$0x3FFD];
	_ =	sdelay $0x3  }
0x96: {  	_ =	strace s2  }
0x97: {  	_ =	strace $0x8FFFFFFF  }
0x98: {  	s18 =	sld [smem:$0x3FDB];
	_ =	sdelay $0x1  }
0x99: {  	s19 =	simm.s32 $_scs_section_size  }
0x9a: {  	s4 =	simm.s32 $_size__tile_overlayer_lowered;
	s5 =	simm.s32 $_tile_overlayer_lowered  }
0x9b: {  	s22 =	simm.s32 $0x1BFF;
	s21 =	sshll.u32 s5, $0x1;
	s2 =	sadd.s32 s19, s18  }
0x9c: {  	s6 =	simm.s32 $0x0;
	s20 =	sshll.u32 s4, $0x1;
	s4 =	sadd.s32 s21, s2  }
0x9d: {  	[timem:s6], [sflag:s22] =	dma.local [hbm:s4], s20  }
0x9e: {  	_ =	swait.ge [sflag:s22], s20  }
0x9f: {  	s3 =	ssub.s32 $0x0, s20;
	[sflag:s22] =	ssyncset.done $0x0  }
0xa0: {  	[sflag:s22] =	ssyncadd.s32 s3;
	_ =	sdelay $0x1  }
0xa1: {  	s23 =	simm.s32 $0x1B8B  }
0xa2: {  	_ =	swait.ge [sflag:s23], $0x1  }
0xa3: {  	[sflag:s23] =	ssyncset.done $0x0  }
0xa4: {  	s25 =	simm.s32 $0x1B8E;
	s24 =	sld [smem:$0x3FFE];
	[sflag:s23] =	ssyncadd.s32 $0xFFFFFFFF  }
0xa5: {  	s26 =	simm.s32 $execute0_lowered;
	[smem:$0x3FD2] =	sst s25  }
0xa6: {  	s4 =	sshll.u32 s26, $0x1;
	_ =	strace $0x80000049;
	[dreg:$0x1] =	wrdreg $0xFFFFFFFF  }
0xa7: {  	s28 =	simm.s32 $_size_execute0_lowered;
	s2 =	sadd.s32 s2, s4;
	[dreg:$0x0] =	wrdreg $0x0  }
0xa8: {  	s4 =	sshll.u32 s28, $0x1;
	[dreg:$0x2] =	wrdreg s2  }
0xa9: {  	[dreg:$0x3] =	wrdreg s4  }
0xaa: {  	[dreg:$0x4] =	wrdreg $0xC0  }
0xab: {  	_ =	task [dreg:s6], $0x5FFFF  }
0xac: {  	[dreg:$0x1] =	wrdreg $0xFFFFFFFF  }
0xad: {  	[dreg:$0x0] =	wrdreg $0x60  }
0xae: {  	[dreg:$0x2] =	wrdreg s24  }
0xaf: {  	[dreg:$0x3] =	wrdreg $0xA9000  }
0xb0: {  	[dreg:$0x4] =	wrdreg $0x9  }
0xb1: {  	_ =	task.clear_ibuf [dreg:s6], $0x5FFFF;
	_ =	strace $0x90000049  }
0xb2: {  	s29 =	simm.s32 $0x9;
	_ =	strace $0x8000004B  }
0xb3: {  	_ =	swait.ge [sflag:s29], $0x1  }
0xb4: {  	[sflag:s29] =	ssyncadd.s32 $0xFFFFFFFF  }
0xb5: {  	_ =	strace $0x9000004B  }
0xb6: {  	_ =	sfence  }
0xb7: {  	s30 =	sld [smem:$0x0];
	_ =	sdelay $0x2  }
0xb8: {  	s31 =	sshll.u32 s1, $0xD;
	s1 =	sshrl.u32 s1, $0x2  }
0xb9: {  	s3 =	sand.u32 $0x4000, s31;
	s1 =	sadd.s32 s1, s30  }
0xba: {  	s0 =	sor.u32 s3, s0;
	s1 =	sshll.u32 s1, $0x11  }
0xbb: {  	s0 =	sor.u32 s1, s0  }
0xbc: {  	s0 =	sadd.s32 $0x8F2B, s0  }
0xbd: {  	[sflag:s0] =	ssyncadd.remote.s32 $0x1  }
0xbe: {  	_ =	sfence.sel $0xFFFF  }
0xbf: {  	[dreg:$0x0] =	wrdreg $0xFFFFFFFF;
	(pc) =	sbr.abs _section_cstart, $3  }
0xc0: {  	[dreg:$0x1] =	wrdreg $0xFFFFFFFF  }
0xc1: {  	_ =	task.clear_ibuf [dreg:s6], $0x2FFFF;
	_ =	strace $0x9FFFFFFF  }
0xc2: {  	(tm) =	ssettm $0x7FFFFFFF  }
0xc3: {  	_ =	shalt  }
tec
execute0_lowered:
.L_overlay_start_1:
0x0: {  	(tag) =	ssettag $0x1  }
0x1: {  	s0 =	rddreg [dreg:$0x0];
	s1 =	srdreg.scid  }
0x2: {  	s22 =	stileid.u32;
	s2 =	rddreg [dreg:$0x1];
	s3 =	simm.s32 $0x0  }
0x3: {  	s28 =	simm.s32 $0x2;
	s29 =	simm.s32 $0x3;
	s8 =	smul.u32 $0x280, s22  }
0x4: {  	s30 =	simm.s32 $0x4;
	s1 =	sand.u32 $0x1, s1;
	s6 =	smul.u32 $0x50000, s22  }
0x5: {  	s4 =	sshll.u32 s22, $0x1;
	[smem:$0x7FF] =	sst s3;
	s18 =	smul.u32 $0x2800, s22  }
0x6: {  	s20 =	sadd.s32 $0x10400, s0;
	s22 =	smul.u32 $0x5000, s22;
	s4 =	sor.u32 s1, s4  }
0x7: {  	s19 =	ssub.s32 $0x2, s1;
	p0 =	seq.s32 s1, $0x0;
	s1 =	smul.u32 $0x2800, s1  }
0x8: {  	_ =	strace $0x8000004A;
	s5 =	smul.u32 $0x2800, s4;
	s4 =	sadd.s32 $0x43000, s0  }
0x9: {  	s7 =	sshrl.u32 s19, $0x1;
	s21 =	sshrl.u32 s6, $0x2;
	s14 =	sadd.s32 $0x80, s8  }
0xa: {  	s15 =	sadd.s32 $0x100, s8;
	s16 =	sadd.s32 $0x180, s8;
	s17 =	sadd.s32 $0x200, s8  }
0xb: {  	s13 =	ssub.s32 s19, s7;
	s23 =	sshll.u32 s14, $0x7;
	s24 =	sshll.u32 s15, $0x7  }
0xc: {  	s10 =	sshll.u32 s16, $0x7;
	s25 =	sshll.u32 s17, $0x7;
	s19 =	sshll.u32 s14, $0x4  }
0xd: {  	s14 =	simm.s32 $0x93000;
	s1 =	sadd.s32 s1, s22;
	s22 =	simm.s32 $0x5  }
0xe: {  	s9 =	sshrl.u32 s5, $0x3;
	s5 =	sadd.s32 s21, s2;
	s6 =	sadd.s32 s23, s2  }
0xf: {  	s7 =	sadd.s32 s24, s2;
	s8 =	sadd.s32 s10, s2;
	s10 =	sadd.s32 s25, s2  }
0x10: {  	s21 =	sshll.u32 s15, $0x4;
	s23 =	sshll.u32 s16, $0x4;
	s14 =	simm.s32 @!p0 $0xBB000  }
0x11: {  	s24 =	sshll.u32 s17, $0x4;
	s13 =	smax.u32 s13, $0x1;
	s26 =	sor.u32 $0x180, s1  }
0x12: {  	s1 =	sor.u32 $0x100, s1;
	s25 =	simm.s32 $0x6900;
	s11 =	sadd.s32 s9, s0  }
0x13: {  	s9 =	sadd.s32 s20, s9;
	s0 =	sadd.s32 s14, s0;
	s31 =	sshrl.u32 s26, $0x3  }
0x14: {  	s1 =	sshrl.u32 s1, $0x3;
	s26 =	simm.s32 $0x1;
	s11 =	sadd.s32 $0x6400, s11  }
0x15: {  	s12 =	sadd.s32 $0x10, s9;
	s14 =	sadd.s32 s0, s18;
	s15 =	sadd.s32 s0, s19  }
0x16: {  	s16 =	sadd.s32 s0, s21;
	s17 =	sadd.s32 s0, s23;
	s18 =	sadd.s32 s0, s24  }
0x17: {  	s19 =	sadd.s32 s31, s20;
	s20 =	sadd.s32 s1, s20;
	s21 =	simm.s32 $0x2900  }
0x18: {  	v0 =	vimm.f32 $0.0e+00;
	s24 =	simm.s32 $0x80;
	s0 =	simm.s32 $0x0;
	[dreg:$0x3] =	wrdreg s11  }
.LBB2_1:
0x19: {  	s23 =	simm.s32 $0x0;
	s31 =	simm.s32 $0x200  }
.LBB2_2:
0x1a: {  	p0 =	sne.s32 s31, $0xFE00;
	[tilespmem:s23+$0x2970] =	vst v0  }
0x1b: {  	[tilespmem:s23+$0x2900] =	vst v0  }
0x1c: {  	[tilespmem:s23+$0x2910] =	vst v0  }
.Ltmp0:
0x1d: {  	[tilespmem:s23+$0x2920] =	vst v0;
	(pc) =	sbr.rel @p0 .LBB2_2-.Ltmp0, $4  }
0x1e: {  	[tilespmem:s23+$0x2930] =	vst v0  }
0x1f: {  	[tilespmem:s23+$0x2940] =	vst v0  }
0x20: {  	[tilespmem:s23+$0x2950] =	vst v0  }
0x21: {  	[tilespmem:s23+$0x2960] =	vst v0;
	s23 =	sshra.s32 s31, $0x2;
	s31 =	sadd.s32 $0x200, s31  }
0x22: {  	[tilespmem:s23+$0x2970] =	vst v0  }
0x23: {  	[tilespmem:s23+$0x2900] =	vst v0  }
0x24: {  	[tilespmem:s23+$0x2910] =	vst v0  }
0x25: {  	[tilespmem:s23+$0x2920] =	vst v0  }
0x26: {  	[tilespmem:s23+$0x2930] =	vst v0  }
0x27: {  	[tilespmem:s23+$0x2940] =	vst v0  }
0x28: {  	[tilespmem:s23+$0x2950] =	vst v0  }
0x29: {  	[tilespmem:s23+$0x2960] =	vst v0  }
0x2a: {  	[spmem:s5] =	stream.linear.scatter [tilespmem:s21], [sflag:$0x5], $0x4000, $0x38;
	[tilespmem:$0x1E900] =	vst v63  }
0x2b: {  	_ =	swait.ge [sflag:s22], $0x4000  }
0x2c: {  	[sflag:s22] =	ssyncset.done $0x0  }
0x2d: {  	[sflag:s22] =	ssyncadd.s32 $0xFFFFC000  }
0x2e: {  	[spmem:s6] =	stream.linear.scatter [tilespmem:s21], [sflag:$0x5], $0x4000, $0x38;
	[tilespmem:$0x1E900] =	vst v63  }
0x2f: {  	_ =	swait.ge [sflag:s22], $0x4000  }
0x30: {  	[sflag:s22] =	ssyncset.done $0x0  }
0x31: {  	[sflag:s22] =	ssyncadd.s32 $0xFFFFC000  }
0x32: {  	[spmem:s7] =	stream.linear.scatter [tilespmem:s21], [sflag:$0x5], $0x4000, $0x38;
	[tilespmem:$0x1E900] =	vst v63  }
0x33: {  	_ =	swait.ge [sflag:s22], $0x4000  }
0x34: {  	[sflag:s22] =	ssyncset.done $0x0  }
0x35: {  	[sflag:s22] =	ssyncadd.s32 $0xFFFFC000  }
0x36: {  	[spmem:s8] =	stream.linear.scatter [tilespmem:s21], [sflag:$0x5], $0x4000, $0x38;
	[tilespmem:$0x1E900] =	vst v63  }
0x37: {  	_ =	swait.ge [sflag:s22], $0x4000  }
0x38: {  	[sflag:s22] =	ssyncset.done $0x0  }
0x39: {  	[sflag:s22] =	ssyncadd.s32 $0xFFFFC000  }
0x3a: {  	[spmem:s10] =	stream.linear.scatter [tilespmem:s21], [sflag:$0x5], $0x4000, $0x38;
	[tilespmem:$0x1E900] =	vst v63  }
0x3b: {  	_ =	swait.ge [sflag:s22], $0x4000  }
0x3c: {  	s23 =	simm.s32 $0x0;
	[sflag:s22] =	ssyncset.done $0x0  }
0x3d: {  	s11 =	simm.s32 $0x100;
	s1 =	rddreg [dreg:$0x3];
	[sflag:s22] =	ssyncadd.s32 $0xFFFFC000  }
0x3e: {  	[tilespmem:s11], [sflag:$0x5] =	stream.linear.gather [hbm4b:s1+s23], $0x2800, $0x38;
	[tilespmem:$0x1E900] =	vst v63  }
0x3f: {  	_ =	swait.ge [sflag:s22], $0x2800  }
0x40: {  	[sflag:s22] =	ssyncset.done $0x0  }
0x41: {  	[sflag:s22] =	ssyncadd.s32 $0xFFFFD800  }
0x42: {  	[bflag:$0x0] =	sbarrier.arrive $0xFFFF  }
0x43: {  	[tilespmem:s23], [sflag:$0x5] =	stream.linear.gather [hbm4b:s9+s23], $0x80, $0x38;
	[tilespmem:$0x1E900] =	vst v63  }
0x44: {  	_ =	swait.ge [sflag:s22], $0x80  }
0x45: {  	[sflag:s22] =	ssyncset.done $0x0  }
0x46: {  	[sflag:s22] =	ssyncadd.s32 $0xFFFFFF80  }
0x47: {  	[tilespmem:s21], [sflag:$0x1] =	stream.indirect.gather [hbm4b:s4+s24], $0x80, s23, s24, $0xb8;
	[tilespmem:$0x1E900] =	vst v63  }
0x48: {  	_ = 	snop  }
0x49: {  	[tilespmem:s24], [sflag:$0x5] =	stream.linear.gather [hbm4b:s12+s23], $0x80, $0x38;
	[tilespmem:$0x1E900] =	vst v63  }
0x4a: {  	_ =	swait.ge [sflag:s22], $0x80  }
0x4b: {  	[sflag:s22] =	ssyncset.done $0x0  }
0x4c: {  	[sflag:s22] =	ssyncadd.s32 $0xFFFFFF80  }
0x4d: {  	[tilespmem:s25], [sflag:$0x2] =	stream.indirect.gather [hbm4b:s4+s24], $0x80, s24, s24, $0xb8;
	[tilespmem:$0x1E900] =	vst v63  }
0x4e: {  	_ =	swait.ge [sflag:s26], $0x4000  }
0x4f: {  	[sflag:s26] =	ssyncset.done $0x0  }
0x50: {  	s1 =	simm.s32 $0x100;
	[sflag:s26] =	ssyncadd.s32 $0xFFFFC000  }
0x51: {  	[spmem:s2] =	stream.indirect.scatter.add.f32 [tilespmem:s21], [sflag:$0x3], $0x80, s1, s24, $0xb8;
	[tilespmem:$0x1E900] =	vst v63  }
0x52: {  	_ =	swait.ge [sflag:s28], $0x4000  }
0x53: {  	[sflag:s28] =	ssyncset.done $0x0  }
0x54: {  	s11 =	simm.s32 $0x180;
	[sflag:s28] =	ssyncadd.s32 $0xFFFFC000  }
0x55: {  	[spmem:s2] =	stream.indirect.scatter.add.f32 [tilespmem:s25], [sflag:$0x4], $0x80, s11, s24, $0xb8;
	[tilespmem:$0x1E900] =	vst v63  }
0x56: {  	_ =	swait.ge [sflag:s29], $0x4000  }
0x57: {  	[sflag:s29] =	ssyncset.done $0x0  }
0x58: {  	s1 =	sadd.s32 $0x0, s20;
	[sflag:s29] =	ssyncadd.s32 $0xFFFFC000  }
0x59: {  	[tilespmem:s3], [sflag:$0x5] =	stream.linear.gather [hbm4b:s1+s3], $0x80, $0x38;
	[tilespmem:$0x1E900] =	vst v63  }
0x5a: {  	_ =	swait.ge [sflag:s22], $0x80  }
0x5b: {  	[sflag:s22] =	ssyncset.done $0x0  }
0x5c: {  	[sflag:s22] =	ssyncadd.s32 $0xFFFFFF80  }
0x5d: {  	[tilespmem:s21], [sflag:$0x1] =	stream.indirect.gather [hbm4b:s4+s24], $0x80, s3, s24, $0xb8;
	[tilespmem:$0x1E900] =	vst v63  }
0x5e: {  	_ =	swait.ge [sflag:s30], $0x4000  }
0x5f: {  	[sflag:s30] =	ssyncset.done $0x0  }
0x60: {  	s11 =	sadd.s32 $0x0, s19;
	[sflag:s30] =	ssyncadd.s32 $0xFFFFC000  }
0x61: {  	[tilespmem:s24], [sflag:$0x5] =	stream.linear.gather [hbm4b:s11+s3], $0x80, $0x38;
	[tilespmem:$0x1E900] =	vst v63  }
0x62: {  	_ =	swait.ge [sflag:s22], $0x80  }
0x63: {  	[sflag:s22] =	ssyncset.done $0x0  }
0x64: {  	s31 =	simm.s32 $0x280;
	s23 =	simm.s32 $0x20;
	[sflag:s22] =	ssyncadd.s32 $0xFFFFFF80  }
.LBB2_4:
0x65: {  	[tilespmem:s25], [sflag:$0x2] =	stream.indirect.gather [hbm4b:s4+s24], $0x80, s24, s24, $0xb8;
	[tilespmem:$0x1E900] =	vst v63  }
0x66: {  	s1 =	smov.u32 s23  }
0x67: {  	p0 =	sne.s32 s23, $0x4C0;
	s23 =	sadd.s32 $0x20, s23;
	_ =	swait.ge [sflag:s26], $0x4000  }
0x68: {  	[sflag:s26] =	ssyncset.done $0x0  }
0x69: {  	s11 =	sadd.s32 $0xFFFFFF80, s31;
	[sflag:s26] =	ssyncadd.s32 $0xFFFFC000  }
0x6a: {  	[spmem:s2] =	stream.indirect.scatter.add.f32 [tilespmem:s21], [sflag:$0x3], $0x80, s11, s24, $0xb8;
	[tilespmem:$0x1E900] =	vst v63  }
0x6b: {  	_ =	swait.ge [sflag:s28], $0x4000  }
0x6c: {  	[sflag:s28] =	ssyncset.done $0x0  }
0x6d: {  	[sflag:s28] =	ssyncadd.s32 $0xFFFFC000  }
0x6e: {  	[spmem:s2] =	stream.indirect.scatter.add.f32 [tilespmem:s25], [sflag:$0x4], $0x80, s31, s24, $0xb8;
	[tilespmem:$0x1E900] =	vst v63  }
0x6f: {  	_ =	swait.ge [sflag:s29], $0x4000  }
0x70: {  	[sflag:s29] =	ssyncset.done $0x0  }
0x71: {  	s11 =	sadd.s32 s1, s20;
	[sflag:s29] =	ssyncadd.s32 $0xFFFFC000  }
0x72: {  	[tilespmem:s3], [sflag:$0x5] =	stream.linear.gather [hbm4b:s11+s3], $0x80, $0x38;
	[tilespmem:$0x1E900] =	vst v63  }
0x73: {  	_ =	swait.ge [sflag:s22], $0x80  }
0x74: {  	[sflag:s22] =	ssyncset.done $0x0  }
0x75: {  	[sflag:s22] =	ssyncadd.s32 $0xFFFFFF80  }
0x76: {  	[tilespmem:s21], [sflag:$0x1] =	stream.indirect.gather [hbm4b:s4+s24], $0x80, s3, s24, $0xb8;
	[tilespmem:$0x1E900] =	vst v63  }
0x77: {  	_ =	swait.ge [sflag:s30], $0x4000  }
0x78: {  	[sflag:s30] =	ssyncset.done $0x0  }
.Ltmp1:
0x79: {  	s1 =	sadd.s32 s1, s19;
	[sflag:s30] =	ssyncadd.s32 $0xFFFFC000;
	(pc) =	sbr.rel @p0 .LBB2_4-.Ltmp1, $4  }
0x7a: {  	[tilespmem:s24], [sflag:$0x5] =	stream.linear.gather [hbm4b:s1+s3], $0x80, $0x38;
	[tilespmem:$0x1E900] =	vst v63  }
0x7b: {  	_ =	swait.ge [sflag:s22], $0x80  }
0x7c: {  	[sflag:s22] =	ssyncset.done $0x0  }
0x7d: {  	s31 =	sadd.s32 $0x100, s31;
	[sflag:s22] =	ssyncadd.s32 $0xFFFFFF80  }
0x7e: {  	[tilespmem:s25], [sflag:$0x2] =	stream.indirect.gather [hbm4b:s4+s24], $0x80, s24, s24, $0xb8;
	[tilespmem:$0x1E900] =	vst v63  }
0x7f: {  	_ =	swait.ge [sflag:s26], $0x4000  }
0x80: {  	[sflag:s26] =	ssyncset.done $0x0  }
0x81: {  	s1 =	simm.s32 $0x2800;
	[sflag:s26] =	ssyncadd.s32 $0xFFFFC000  }
0x82: {  	[spmem:s2] =	stream.indirect.scatter.add.f32 [tilespmem:s21], [sflag:$0x3], $0x80, s1, s24, $0xb8;
	[tilespmem:$0x1E900] =	vst v63  }
0x83: {  	_ =	swait.ge [sflag:s28], $0x4000  }
0x84: {  	[sflag:s28] =	ssyncset.done $0x0  }
0x85: {  	s31 =	simm.s32 $0x2880;
	[sflag:s28] =	ssyncadd.s32 $0xFFFFC000  }
0x86: {  	[spmem:s2] =	stream.indirect.scatter.add.f32 [tilespmem:s25], [sflag:$0x4], $0x80, s31, s24, $0xb8;
	[tilespmem:$0x1E900] =	vst v63  }
0x87: {  	_ =	swait.ge [sflag:s29], $0x4000  }
0x88: {  	[sflag:s29] =	ssyncset.done $0x0  }
0x89: {  	[sflag:s29] =	ssyncadd.s32 $0xFFFFC000  }
0x8a: {  	_ =	swait.ge [sflag:s30], $0x4000  }
0x8b: {  	[sflag:s30] =	ssyncset.done $0x0  }
0x8c: {  	[sflag:s30] =	ssyncadd.s32 $0xFFFFC000  }
0x8d: {  	[bflag:$0x0] =	sbarrier.arrive $0xFFFF  }
0x8e: {  	[tilespmem:s21], [sflag:$0x5] =	stream.linear.gather [spmem:s5], $0x4000, $0x38;
	[tilespmem:$0x1E900] =	vst v63  }
0x8f: {  	_ =	swait.ge [sflag:s22], $0x4000  }
0x90: {  	[sflag:s22] =	ssyncset.done $0x0  }
0x91: {  	[sflag:s22] =	ssyncadd.s32 $0xFFFFC000  }
0x92: {  	[hbm4b:s14+s3] =	stream.linear.scatter [tilespmem:s21], [sflag:$0x5], $0x4000, $0x38;
	[tilespmem:$0x1E900] =	vst v63  }
0x93: {  	_ =	swait.ge [sflag:s22], $0x4000  }
0x94: {  	[sflag:s22] =	ssyncset.done $0x0  }
0x95: {  	[sflag:s22] =	ssyncadd.s32 $0xFFFFC000  }
0x96: {  	[tilespmem:s21], [sflag:$0x5] =	stream.linear.gather [spmem:s6], $0x4000, $0x38;
	[tilespmem:$0x1E900] =	vst v63  }
0x97: {  	_ =	swait.ge [sflag:s22], $0x4000  }
0x98: {  	[sflag:s22] =	ssyncset.done $0x0  }
0x99: {  	[sflag:s22] =	ssyncadd.s32 $0xFFFFC000  }
0x9a: {  	[hbm4b:s15+s3] =	stream.linear.scatter [tilespmem:s21], [sflag:$0x5], $0x4000, $0x38;
	[tilespmem:$0x1E900] =	vst v63  }
0x9b: {  	_ =	swait.ge [sflag:s22], $0x4000  }
0x9c: {  	[sflag:s22] =	ssyncset.done $0x0  }
0x9d: {  	[sflag:s22] =	ssyncadd.s32 $0xFFFFC000  }
0x9e: {  	[tilespmem:s21], [sflag:$0x5] =	stream.linear.gather [spmem:s7], $0x4000, $0x38;
	[tilespmem:$0x1E900] =	vst v63  }
0x9f: {  	_ =	swait.ge [sflag:s22], $0x4000  }
0xa0: {  	[sflag:s22] =	ssyncset.done $0x0  }
0xa1: {  	[sflag:s22] =	ssyncadd.s32 $0xFFFFC000  }
0xa2: {  	[hbm4b:s16+s3] =	stream.linear.scatter [tilespmem:s21], [sflag:$0x5], $0x4000, $0x38;
	[tilespmem:$0x1E900] =	vst v63  }
0xa3: {  	_ =	swait.ge [sflag:s22], $0x4000  }
0xa4: {  	[sflag:s22] =	ssyncset.done $0x0  }
0xa5: {  	[sflag:s22] =	ssyncadd.s32 $0xFFFFC000  }
0xa6: {  	[tilespmem:s21], [sflag:$0x5] =	stream.linear.gather [spmem:s8], $0x4000, $0x38;
	[tilespmem:$0x1E900] =	vst v63  }
0xa7: {  	_ =	swait.ge [sflag:s22], $0x4000  }
0xa8: {  	[sflag:s22] =	ssyncset.done $0x0  }
0xa9: {  	[sflag:s22] =	ssyncadd.s32 $0xFFFFC000  }
0xaa: {  	[hbm4b:s17+s3] =	stream.linear.scatter [tilespmem:s21], [sflag:$0x5], $0x4000, $0x38;
	[tilespmem:$0x1E900] =	vst v63  }
0xab: {  	_ =	swait.ge [sflag:s22], $0x4000  }
0xac: {  	[sflag:s22] =	ssyncset.done $0x0  }
0xad: {  	[sflag:s22] =	ssyncadd.s32 $0xFFFFC000  }
0xae: {  	[tilespmem:s21], [sflag:$0x5] =	stream.linear.gather [spmem:s10], $0x4000, $0x38;
	[tilespmem:$0x1E900] =	vst v63  }
0xaf: {  	s0 =	sadd.s32 $0x1, s0;
	_ =	swait.ge [sflag:s22], $0x4000  }
0xb0: {  	p0 =	sne.s32 s0, s13;
	[sflag:s22] =	ssyncset.done $0x0  }
.Ltmp2:
0xb1: {  	[sflag:s22] =	ssyncadd.s32 $0xFFFFC000;
	(pc) =	sbr.rel @p0 .LBB2_1-.Ltmp2, $4  }
0xb2: {  	[hbm4b:s18+s3] =	stream.linear.scatter [tilespmem:s21], [sflag:$0x5], $0x4000, $0x38;
	[tilespmem:$0x1E900] =	vst v63  }
0xb3: {  	_ =	swait.ge [sflag:s22], $0x4000  }
0xb4: {  	[sflag:s22] =	ssyncset.done $0x0  }
0xb5: {  	[sflag:s22] =	ssyncadd.s32 $0xFFFFC000  }
0xb6: {  	_ =	sfence.sel $0x180000  }
0xb7: {  	[bflag:$0x0] =	sbarrier.arrive $0xFFFF  }
0xb8: {  	_ =	strace $0x9000004A  }
0xb9: {  	s0 =	stileid.u32;
	[bflag:$0x2] =	sbarrier.arrive $0xFFFF  }
0xba: {  	p0 =	sne.s32 s0, $0x0;
	s0 =	rddreg [dreg:$0x2]  }
0xbb: {  	s0 =	sadd.s32 @!p0 $0x100000, s0  }
0xbc: {  	[sflag:s0] =	ssyncadd.tile.s32 @!p0 $0x1;
	_ =	shalt  }
.Lfunc_end2:
_tile_overlayer_lowered:
.L_overlay_start_2:
0xbd: {  	(tag) =	ssettag $0x2  }
0xbe: {  	s0 =	rddreg [dreg:$0x0];
	s2 =	stileid.u32  }
0xbf: {  	s1 =	rddreg [dreg:$0x1];
	p0 =	sne.s32 s2, $0x0  }
0xc0: {  	s3 =	rddreg [dreg:$0x2];
	[bflag:$0x3] =	sbarrier.arrive $0xFFFF;
	s2 =	simm.s32 @!p0 $0x1C05  }
0xc1: {  	[timem:s3], [sflag:s2] =	dma.local @!p0 [hbm:s0], s1  }
0xc2: {  	s0 =	simm.s32 @!p0 $0x5  }
0xc3: {  	_ =	swait.ge @!p0 [sflag:s0], s1  }
0xc4: {  	s1 =	ssub.s32 @!p0 $0x0, s1;
	[sflag:s0] =	ssyncset.done @!p0 $0x0  }
0xc5: {  	[sflag:s0] =	ssyncadd.s32 @!p0 s1  }
0xc6: {  	[bflag:$0x3] =	sbarrier.arrive $0xFFFF  }
0xc7: {  	_ =	shalt  }

// kernel: kernel.17.cloned.1.call-start
scs
__scs_entry_jumppad:
0x0: {  	(pc) =	sbr.rel $0x88, $3  }
0x1: {  	(tag) =	ssettag $0x0;
	lr =	simm.s32 $0x1  }
0x2: {  	[smem:$0x3F98] =	sst lr;
	_ =	strace $0xD0000000  }
0x3: {  	_ = 	snop  }
0x4: {  	_ = 	snop  }
0x5: {  	_ = 	snop  }
0x6: {  	_ = 	snop  }
0x7: {  	_ = 	snop  }
__scs_overlays_trampoline_lowered:
0x8: {  	[smem:$0x3FA7] =	sst s0  }
0x9: {  	[smem:$0x3FA8] =	sst s1  }
0xa: {  	[smem:$0x3FA9] =	sst s2  }
0xb: {  	[smem:$0x3FAA] =	sst s3  }
0xc: {  	[smem:$0x3FAB] =	sst s4  }
0xd: {  	[smem:$0x3FAC] =	sst s5  }
0xe: {  	[smem:$0x3FAD] =	sst s6  }
0xf: {  	[smem:$0x3FAE] =	sst s7  }
0x10: {  	[smem:$0x3FAF] =	sst s8  }
0x11: {  	[smem:$0x3FB0] =	sst s9;
	s0 =	simm.s32 @!p0 $0x0  }
0x12: {  	s1 =	sld [smem:$0x3F96];
	s0 =	simm.s32 @p0 $0x1  }
0x13: {  	[smem:$0x3FB1] =	sst s0;
	s0 =	simm.s32 @!p1 $0x0  }
0x14: {  	s2 =	sld [smem:$0x3F95];
	s0 =	simm.s32 @p1 $0x1  }
0x15: {  	[smem:$0x3FB2] =	sst s0;
	s0 =	simm.s32 @!p2 $0x0  }
0x16: {  	s3 =	sld [smem:$0x3FDB];
	s0 =	simm.s32 @p2 $0x1  }
0x17: {  	s4 =	simm.s32 $0x1BF5;
	[smem:$0x3FB4] =	sst s0  }
0x18: {  	s0 =	sld [smem:$0x3F97];
	_ =	swait.ge [sflag:s4], $0x0  }
0x19: {  	s7 =	sld [smem:$0x3F98]  }
0x1a: {  	s8 =	sadd.s32 $0xFFFFE003, lr  }
0x1b: {  	s9 =	sadd.s32 $0xFFFFFEF7, lr;
	s5 =	simm.s32 $0xFFFFFFFF;
	p2 =	slt.u32 s8, $0xFFFFF086  }
0x1c: {  	p1 =	slt.u32 s9, $0xF7A;
	s5 =	simm.s32 @!p2 $0x0  }
0x1d: {  	s5 =	simm.s32 @p1 $0x1;
	p0 =	seq.s32 s7, s2  }
0x1e: {  	s7 =	smul.u32 @!p0 $0xF7A, s2;
	p2 =	seq.s32 @!p0 s5, $0x0  }
0x1f: {  	s9 =	smul.u32 $0xF7A, s1;
	s8 =	simm.s32 @!p0 $0x1BF5;
	p2 =	por !p2, p0  }
0x20: {  	[sflag:s8] =	ssyncset.s32 @!p0 $0xFFFFF086;
	s6 =	sadd.s32 @!p0 s3, s7;
	s7 =	simm.s32 @!p0 $0x108  }
0x21: {  	s3 =	sadd.s32 s3, s9;
	s6 =	sadd.s32 @!p0 $0x88, s6;
	s7 =	simm.s32 @p2 $0x1082  }
0x22: {  	[simem:s7], [sflag:s8] =	dma.local @!p0 [hbm:s6], $0xF7A  }
0x23: {  	s9 =	sor.u32 $0xD0000000, s2;
	s6 =	simm.s32 $0x108;
	_ =	swait.ge @!p0 [sflag:s8], $0x0  }
0x24: {  	s3 =	sadd.s32 $0x88, s3;
	s6 =	simm.s32 @!p1 $0x1082;
	[sflag:s4] =	ssyncset.s32 $0xFFFFF086  }
0x25: {  	[simem:s6], [sflag:s4] =	dma.local [hbm:s3], $0xF7A  }
0x26: {  	[smem:$0x3F98] =	sst s1;
	(tag) =	ssettag s2;
	_ =	strace s9  }
0x27: {  	s1 =	sld [smem:$0x3FA8]  }
0x28: {  	s2 =	sld [smem:$0x3FA9]  }
0x29: {  	s4 =	sld [smem:$0x3FAB]  }
0x2a: {  	p0 =	seq.s32 s5, $0x0;
	s5 =	sld [smem:$0x3FAC]  }
0x2b: {  	s6 =	sld [smem:$0x3FAD]  }
0x2c: {  	s7 =	sld [smem:$0x3FAE]  }
0x2d: {  	s3 =	simm.s32 $0x108;
	s8 =	sld [smem:$0x3FAF]  }
0x2e: {  	s3 =	simm.s32 @!p0 $0x1082;
	s9 =	sld [smem:$0x3FB0]  }
0x2f: {  	lr =	sadd.s32 s0, s3;
	s0 =	sld [smem:$0x3FA7]  }
0x30: {  	s3 =	sld [smem:$0x3FAA]  }
0x31: {  	[smem:$0x3FB3] =	sst s10  }
0x32: {  	s10 =	sld [smem:$0x3FB1];
	_ =	sdelay $0x3  }
0x33: {  	p0 =	seq.s32 s10, $0x1;
	s10 =	sld [smem:$0x3FB3];
	_ =	sdelay $0x3  }
0x34: {  	[smem:$0x3FB3] =	sst s10  }
0x35: {  	s10 =	sld [smem:$0x3FB2];
	_ =	sdelay $0x3  }
0x36: {  	p1 =	seq.s32 s10, $0x1;
	s10 =	sld [smem:$0x3FB3];
	_ =	sdelay $0x3  }
0x37: {  	[smem:$0x3FB3] =	sst s10  }
0x38: {  	s10 =	sld [smem:$0x3FB4]  }
0x39: {  	_ = 	snop;
	(pc) =	sbr.ind lr, $3  }
0x3a: {  	_ = 	snop  }
0x3b: {  	_ = 	snop  }
0x3c: {  	p2 =	seq.s32 s10, $0x1;
	s10 =	sld [smem:$0x3FB3]  }
0x3d: {  	_ =	shalt  }
0x3e: {  	_ =	shalt  }
0x3f: {  	_ =	shalt  }
0x40: {  	_ =	shalt  }
0x41: {  	_ =	shalt  }
0x42: {  	_ =	shalt  }
0x43: {  	_ =	shalt  }
0x44: {  	_ =	shalt  }
0x45: {  	_ =	shalt  }
0x46: {  	_ =	shalt  }
0x47: {  	_ =	shalt  }
0x48: {  	_ =	shalt  }
0x49: {  	_ =	shalt  }
0x4a: {  	_ =	shalt  }
0x4b: {  	_ =	shalt  }
0x4c: {  	_ =	shalt  }
0x4d: {  	_ =	shalt  }
0x4e: {  	_ =	shalt  }
0x4f: {  	_ =	shalt  }
0x50: {  	_ =	shalt  }
0x51: {  	_ =	shalt  }
0x52: {  	_ =	shalt  }
0x53: {  	_ =	shalt  }
0x54: {  	_ =	shalt  }
0x55: {  	_ =	shalt  }
0x56: {  	_ =	shalt  }
0x57: {  	_ =	shalt  }
0x58: {  	_ =	shalt  }
0x59: {  	_ =	shalt  }
0x5a: {  	_ =	shalt  }
0x5b: {  	_ =	shalt  }
0x5c: {  	_ =	shalt  }
0x5d: {  	_ =	shalt  }
0x5e: {  	_ =	shalt  }
0x5f: {  	_ =	shalt  }
0x60: {  	_ =	shalt  }
0x61: {  	_ =	shalt  }
0x62: {  	_ =	shalt  }
0x63: {  	_ =	shalt  }
0x64: {  	_ =	shalt  }
0x65: {  	_ =	shalt  }
0x66: {  	_ =	shalt  }
0x67: {  	_ =	shalt  }
0x68: {  	_ =	shalt  }
0x69: {  	_ =	shalt  }
0x6a: {  	_ =	shalt  }
0x6b: {  	_ =	shalt  }
0x6c: {  	_ =	shalt  }
0x6d: {  	_ =	shalt  }
0x6e: {  	_ =	shalt  }
0x6f: {  	_ =	shalt  }
0x70: {  	_ =	shalt  }
0x71: {  	_ =	shalt  }
0x72: {  	_ =	shalt  }
0x73: {  	_ =	shalt  }
0x74: {  	_ =	shalt  }
0x75: {  	_ =	shalt  }
0x76: {  	_ =	shalt  }
0x77: {  	_ =	shalt  }
0x78: {  	_ =	shalt  }
0x79: {  	_ =	shalt  }
0x7a: {  	_ =	shalt  }
0x7b: {  	_ =	shalt  }
0x7c: {  	_ =	shalt  }
0x7d: {  	_ =	shalt  }
0x7e: {  	_ =	shalt  }
0x7f: {  	_ =	shalt  }
0x80: {  	_ =	shalt  }
0x81: {  	_ =	shalt  }
0x82: {  	_ =	shalt  }
0x83: {  	_ =	shalt  }
0x84: {  	_ =	shalt  }
0x85: {  	_ =	shalt  }
0x86: {  	_ =	shalt  }
0x87: {  	_ =	shalt  }
.Lfunc_end0:
.L_simem_size_0:
called_computation.2_lowered:
.L_overlay_start_0:
0x88: {  	s2 =	sld [smem:$0x3FD9]  }
0x89: {  	s3 =	sld [smem:$0x3FFE];
	_ =	sdelay $0x1  }
0x8a: {  	s1 =	srdreg.scid  }
0x8b: {  	s0 =	sand.u32 $0x1, s1  }
0x8c: {  	s16 =	sshll.u32 s0, $0xA;
	s2 =	sadd.s32 s3, s2  }
0x8d: {  	s2 =	sadd.s32 s2, s16  }
0x8e: {  	[smem:$0x3FBF] =	sst s2  }
0x8f: {  	_ = 	snop  }
0x90: {  	(tm) =	ssettm $0x1  }
0x91: {  	s17 =	sld [smem:$0x3FFB];
	_ =	sdelay $0x3  }
0x92: {  	_ =	strace s17  }
0x93: {  	s2 =	sld [smem:$0x3FFC];
	_ =	sdelay $0x3  }
0x94: {  	_ =	strace s2  }
0x95: {  	s2 =	sld [smem:$0x3FFD];
	_ =	sdelay $0x3  }
0x96: {  	_ =	strace s2  }
0x97: {  	_ =	strace $0x8FFFFFFF  }
0x98: {  	s18 =	sld [smem:$0x3FDB];
	_ =	sdelay $0x1  }
0x99: {  	s19 =	simm.s32 $_scs_section_size  }
0x9a: {  	s4 =	simm.s32 $_size__tile_overlayer_lowered;
	s5 =	simm.s32 $_tile_overlayer_lowered  }
0x9b: {  	s22 =	simm.s32 $0x1BFF;
	s21 =	sshll.u32 s5, $0x1;
	s2 =	sadd.s32 s19, s18  }
0x9c: {  	s6 =	simm.s32 $0x0;
	s20 =	sshll.u32 s4, $0x1;
	s4 =	sadd.s32 s21, s2  }
0x9d: {  	[timem:s6], [sflag:s22] =	dma.local [hbm:s4], s20  }
0x9e: {  	_ =	swait.ge [sflag:s22], s20  }
0x9f: {  	s3 =	ssub.s32 $0x0, s20;
	[sflag:s22] =	ssyncset.done $0x0  }
0xa0: {  	[sflag:s22] =	ssyncadd.s32 s3;
	_ =	sdelay $0x1  }
0xa1: {  	s23 =	simm.s32 $0x1B8B  }
0xa2: {  	_ =	swait.ge [sflag:s23], $0x1  }
0xa3: {  	[sflag:s23] =	ssyncset.done $0x0  }
0xa4: {  	s25 =	simm.s32 $0x1B8E;
	s24 =	sld [smem:$0x3FFE];
	[sflag:s23] =	ssyncadd.s32 $0xFFFFFFFF  }
0xa5: {  	s26 =	simm.s32 $execute0_lowered;
	[smem:$0x3FD2] =	sst s25  }
0xa6: {  	s4 =	sshll.u32 s26, $0x1;
	_ =	strace $0x8000004C;
	[dreg:$0x1] =	wrdreg $0xFFFFFFFF  }
0xa7: {  	s28 =	simm.s32 $_size_execute0_lowered;
	s2 =	sadd.s32 s2, s4;
	[dreg:$0x0] =	wrdreg $0x0  }
0xa8: {  	s4 =	sshll.u32 s28, $0x1;
	[dreg:$0x2] =	wrdreg s2  }
0xa9: {  	[dreg:$0x3] =	wrdreg s4  }
0xaa: {  	[dreg:$0x4] =	wrdreg $0xC0  }
0xab: {  	_ =	task [dreg:s6], $0x5FFFF  }
0xac: {  	[dreg:$0x1] =	wrdreg $0xFFFFFFFF  }
0xad: {  	[dreg:$0x0] =	wrdreg $0x60  }
0xae: {  	[dreg:$0x2] =	wrdreg s24  }
0xaf: {  	[dreg:$0x3] =	wrdreg $0xA9000  }
0xb0: {  	[dreg:$0x4] =	wrdreg $0x9  }
0xb1: {  	_ =	task.clear_ibuf [dreg:s6], $0x5FFFF;
	_ =	strace $0x9000004C  }
0xb2: {  	s29 =	simm.s32 $0x9;
	_ =	strace $0x8000004E  }
0xb3: {  	_ =	swait.ge [sflag:s29], $0x1  }
0xb4: {  	[sflag:s29] =	ssyncadd.s32 $0xFFFFFFFF  }
0xb5: {  	_ =	strace $0x9000004E  }
0xb6: {  	_ =	sfence  }
0xb7: {  	s30 =	sld [smem:$0x0];
	_ =	sdelay $0x2  }
0xb8: {  	s31 =	sshll.u32 s1, $0xD;
	s1 =	sshrl.u32 s1, $0x2  }
0xb9: {  	s3 =	sand.u32 $0x4000, s31;
	s1 =	sadd.s32 s1, s30  }
0xba: {  	s0 =	sor.u32 s3, s0;
	s1 =	sshll.u32 s1, $0x11  }
0xbb: {  	s0 =	sor.u32 s1, s0  }
0xbc: {  	s0 =	sadd.s32 $0x8F2B, s0  }
0xbd: {  	[sflag:s0] =	ssyncadd.remote.s32 $0x1  }
0xbe: {  	_ =	sfence.sel $0xFFFF  }
0xbf: {  	[dreg:$0x0] =	wrdreg $0xFFFFFFFF;
	(pc) =	sbr.abs _section_cstart, $3  }
0xc0: {  	[dreg:$0x1] =	wrdreg $0xFFFFFFFF  }
0xc1: {  	_ =	task.clear_ibuf [dreg:s6], $0x2FFFF;
	_ =	strace $0x9FFFFFFF  }
0xc2: {  	(tm) =	ssettm $0x7FFFFFFF  }
0xc3: {  	_ =	shalt  }
tec
execute0_lowered:
.L_overlay_start_1:
0x0: {  	(tag) =	ssettag $0x1  }
0x1: {  	s0 =	rddreg [dreg:$0x0];
	s1 =	srdreg.scid  }
0x2: {  	s22 =	stileid.u32;
	s2 =	rddreg [dreg:$0x1];
	s3 =	simm.s32 $0x0  }
0x3: {  	s28 =	simm.s32 $0x2;
	s29 =	simm.s32 $0x3;
	s8 =	smul.u32 $0x280, s22  }
0x4: {  	s30 =	simm.s32 $0x4;
	s1 =	sand.u32 $0x1, s1;
	s6 =	smul.u32 $0x50000, s22  }
0x5: {  	s4 =	sshll.u32 s22, $0x1;
	[smem:$0x7FF] =	sst s3;
	s18 =	smul.u32 $0x2800, s22  }
0x6: {  	s20 =	sadd.s32 $0x10400, s0;
	s22 =	smul.u32 $0x5000, s22;
	s4 =	sor.u32 s1, s4  }
0x7: {  	s19 =	ssub.s32 $0x2, s1;
	p0 =	seq.s32 s1, $0x0;
	s1 =	smul.u32 $0x2800, s1  }
0x8: {  	_ =	strace $0x8000004D;
	s5 =	smul.u32 $0x2800, s4;
	s4 =	sadd.s32 $0x1A400, s0  }
0x9: {  	s7 =	sshrl.u32 s19, $0x1;
	s21 =	sshrl.u32 s6, $0x2;
	s14 =	sadd.s32 $0x80, s8  }
0xa: {  	s15 =	sadd.s32 $0x100, s8;
	s16 =	sadd.s32 $0x180, s8;
	s17 =	sadd.s32 $0x200, s8  }
0xb: {  	s13 =	ssub.s32 s19, s7;
	s23 =	sshll.u32 s14, $0x7;
	s24 =	sshll.u32 s15, $0x7  }
0xc: {  	s10 =	sshll.u32 s16, $0x7;
	s25 =	sshll.u32 s17, $0x7;
	s19 =	sshll.u32 s14, $0x4  }
0xd: {  	s14 =	simm.s32 $0x93000;
	s1 =	sadd.s32 s1, s22;
	s22 =	simm.s32 $0x5  }
0xe: {  	s9 =	sshrl.u32 s5, $0x3;
	s5 =	sadd.s32 s21, s2;
	s6 =	sadd.s32 s23, s2  }
0xf: {  	s7 =	sadd.s32 s24, s2;
	s8 =	sadd.s32 s10, s2;
	s10 =	sadd.s32 s25, s2  }
0x10: {  	s21 =	sshll.u32 s15, $0x4;
	s23 =	sshll.u32 s16, $0x4;
	s14 =	simm.s32 @!p0 $0xBB000  }
0x11: {  	s24 =	sshll.u32 s17, $0x4;
	s13 =	smax.u32 s13, $0x1;
	s26 =	sor.u32 $0x180, s1  }
0x12: {  	s1 =	sor.u32 $0x100, s1;
	s25 =	simm.s32 $0x6900;
	s11 =	sadd.s32 s9, s0  }
0x13: {  	s9 =	sadd.s32 s20, s9;
	s0 =	sadd.s32 s14, s0;
	s31 =	sshrl.u32 s26, $0x3  }
0x14: {  	s1 =	sshrl.u32 s1, $0x3;
	s26 =	simm.s32 $0x1;
	s11 =	sadd.s32 $0x6400, s11  }
0x15: {  	s12 =	sadd.s32 $0x10, s9;
	s14 =	sadd.s32 s0, s18;
	s15 =	sadd.s32 s0, s19  }
0x16: {  	s16 =	sadd.s32 s0, s21;
	s17 =	sadd.s32 s0, s23;
	s18 =	sadd.s32 s0, s24  }
0x17: {  	s19 =	sadd.s32 s31, s20;
	s20 =	sadd.s32 s1, s20;
	s21 =	simm.s32 $0x2900  }
0x18: {  	v0 =	vimm.f32 $0.0e+00;
	s24 =	simm.s32 $0x80;
	s0 =	simm.s32 $0x0;
	[dreg:$0x3] =	wrdreg s11  }
.LBB2_1:
0x19: {  	s23 =	simm.s32 $0x0;
	s31 =	simm.s32 $0x200  }
.LBB2_2:
0x1a: {  	p0 =	sne.s32 s31, $0xFE00;
	[tilespmem:s23+$0x2970] =	vst v0  }
0x1b: {  	[tilespmem:s23+$0x2900] =	vst v0  }
0x1c: {  	[tilespmem:s23+$0x2910] =	vst v0  }
.Ltmp0:
0x1d: {  	[tilespmem:s23+$0x2920] =	vst v0;
	(pc) =	sbr.rel @p0 .LBB2_2-.Ltmp0, $4  }
0x1e: {  	[tilespmem:s23+$0x2930] =	vst v0  }
0x1f: {  	[tilespmem:s23+$0x2940] =	vst v0  }
0x20: {  	[tilespmem:s23+$0x2950] =	vst v0  }
0x21: {  	[tilespmem:s23+$0x2960] =	vst v0;
	s23 =	sshra.s32 s31, $0x2;
	s31 =	sadd.s32 $0x200, s31  }
0x22: {  	[tilespmem:s23+$0x2970] =	vst v0  }
0x23: {  	[tilespmem:s23+$0x2900] =	vst v0  }
0x24: {  	[tilespmem:s23+$0x2910] =	vst v0  }
0x25: {  	[tilespmem:s23+$0x2920] =	vst v0  }
0x26: {  	[tilespmem:s23+$0x2930] =	vst v0  }
0x27: {  	[tilespmem:s23+$0x2940] =	vst v0  }
0x28: {  	[tilespmem:s23+$0x2950] =	vst v0  }
0x29: {  	[tilespmem:s23+$0x2960] =	vst v0  }
0x2a: {  	[spmem:s5] =	stream.linear.scatter [tilespmem:s21], [sflag:$0x5], $0x4000, $0x38;
	[tilespmem:$0x1E900] =	vst v63  }
0x2b: {  	_ =	swait.ge [sflag:s22], $0x4000  }
0x2c: {  	[sflag:s22] =	ssyncset.done $0x0  }
0x2d: {  	[sflag:s22] =	ssyncadd.s32 $0xFFFFC000  }
0x2e: {  	[spmem:s6] =	stream.linear.scatter [tilespmem:s21], [sflag:$0x5], $0x4000, $0x38;
	[tilespmem:$0x1E900] =	vst v63  }
0x2f: {  	_ =	swait.ge [sflag:s22], $0x4000  }
0x30: {  	[sflag:s22] =	ssyncset.done $0x0  }
0x31: {  	[sflag:s22] =	ssyncadd.s32 $0xFFFFC000  }
0x32: {  	[spmem:s7] =	stream.linear.scatter [tilespmem:s21], [sflag:$0x5], $0x4000, $0x38;
	[tilespmem:$0x1E900] =	vst v63  }
0x33: {  	_ =	swait.ge [sflag:s22], $0x4000  }
0x34: {  	[sflag:s22] =	ssyncset.done $0x0  }
0x35: {  	[sflag:s22] =	ssyncadd.s32 $0xFFFFC000  }
0x36: {  	[spmem:s8] =	stream.linear.scatter [tilespmem:s21], [sflag:$0x5], $0x4000, $0x38;
	[tilespmem:$0x1E900] =	vst v63  }
0x37: {  	_ =	swait.ge [sflag:s22], $0x4000  }
0x38: {  	[sflag:s22] =	ssyncset.done $0x0  }
0x39: {  	[sflag:s22] =	ssyncadd.s32 $0xFFFFC000  }
0x3a: {  	[spmem:s10] =	stream.linear.scatter [tilespmem:s21], [sflag:$0x5], $0x4000, $0x38;
	[tilespmem:$0x1E900] =	vst v63  }
0x3b: {  	_ =	swait.ge [sflag:s22], $0x4000  }
0x3c: {  	s23 =	simm.s32 $0x0;
	[sflag:s22] =	ssyncset.done $0x0  }
0x3d: {  	s11 =	simm.s32 $0x100;
	s1 =	rddreg [dreg:$0x3];
	[sflag:s22] =	ssyncadd.s32 $0xFFFFC000  }
0x3e: {  	[tilespmem:s11], [sflag:$0x5] =	stream.linear.gather [hbm4b:s1+s23], $0x2800, $0x38;
	[tilespmem:$0x1E900] =	vst v63  }
0x3f: {  	_ =	swait.ge [sflag:s22], $0x2800  }
0x40: {  	[sflag:s22] =	ssyncset.done $0x0  }
0x41: {  	[sflag:s22] =	ssyncadd.s32 $0xFFFFD800  }
0x42: {  	[bflag:$0x0] =	sbarrier.arrive $0xFFFF  }
0x43: {  	[tilespmem:s23], [sflag:$0x5] =	stream.linear.gather [hbm4b:s9+s23], $0x80, $0x38;
	[tilespmem:$0x1E900] =	vst v63  }
0x44: {  	_ =	swait.ge [sflag:s22], $0x80  }
0x45: {  	[sflag:s22] =	ssyncset.done $0x0  }
0x46: {  	[sflag:s22] =	ssyncadd.s32 $0xFFFFFF80  }
0x47: {  	[tilespmem:s21], [sflag:$0x1] =	stream.indirect.gather [hbm4b:s4+s24], $0x80, s23, s24, $0xb8;
	[tilespmem:$0x1E900] =	vst v63  }
0x48: {  	_ = 	snop  }
0x49: {  	[tilespmem:s24], [sflag:$0x5] =	stream.linear.gather [hbm4b:s12+s23], $0x80, $0x38;
	[tilespmem:$0x1E900] =	vst v63  }
0x4a: {  	_ =	swait.ge [sflag:s22], $0x80  }
0x4b: {  	[sflag:s22] =	ssyncset.done $0x0  }
0x4c: {  	[sflag:s22] =	ssyncadd.s32 $0xFFFFFF80  }
0x4d: {  	[tilespmem:s25], [sflag:$0x2] =	stream.indirect.gather [hbm4b:s4+s24], $0x80, s24, s24, $0xb8;
	[tilespmem:$0x1E900] =	vst v63  }
0x4e: {  	_ =	swait.ge [sflag:s26], $0x4000  }
0x4f: {  	[sflag:s26] =	ssyncset.done $0x0  }
0x50: {  	s1 =	simm.s32 $0x100;
	[sflag:s26] =	ssyncadd.s32 $0xFFFFC000  }
0x51: {  	[spmem:s2] =	stream.indirect.scatter.add.f32 [tilespmem:s21], [sflag:$0x3], $0x80, s1, s24, $0xb8;
	[tilespmem:$0x1E900] =	vst v63  }
0x52: {  	_ =	swait.ge [sflag:s28], $0x4000  }
0x53: {  	[sflag:s28] =	ssyncset.done $0x0  }
0x54: {  	s11 =	simm.s32 $0x180;
	[sflag:s28] =	ssyncadd.s32 $0xFFFFC000  }
0x55: {  	[spmem:s2] =	stream.indirect.scatter.add.f32 [tilespmem:s25], [sflag:$0x4], $0x80, s11, s24, $0xb8;
	[tilespmem:$0x1E900] =	vst v63  }
0x56: {  	_ =	swait.ge [sflag:s29], $0x4000  }
0x57: {  	[sflag:s29] =	ssyncset.done $0x0  }
0x58: {  	s1 =	sadd.s32 $0x0, s20;
	[sflag:s29] =	ssyncadd.s32 $0xFFFFC000  }
0x59: {  	[tilespmem:s3], [sflag:$0x5] =	stream.linear.gather [hbm4b:s1+s3], $0x80, $0x38;
	[tilespmem:$0x1E900] =	vst v63  }
0x5a: {  	_ =	swait.ge [sflag:s22], $0x80  }
0x5b: {  	[sflag:s22] =	ssyncset.done $0x0  }
0x5c: {  	[sflag:s22] =	ssyncadd.s32 $0xFFFFFF80  }
0x5d: {  	[tilespmem:s21], [sflag:$0x1] =	stream.indirect.gather [hbm4b:s4+s24], $0x80, s3, s24, $0xb8;
	[tilespmem:$0x1E900] =	vst v63  }
0x5e: {  	_ =	swait.ge [sflag:s30], $0x4000  }
0x5f: {  	[sflag:s30] =	ssyncset.done $0x0  }
0x60: {  	s11 =	sadd.s32 $0x0, s19;
	[sflag:s30] =	ssyncadd.s32 $0xFFFFC000  }
0x61: {  	[tilespmem:s24], [sflag:$0x5] =	stream.linear.gather [hbm4b:s11+s3], $0x80, $0x38;
	[tilespmem:$0x1E900] =	vst v63  }
0x62: {  	_ =	swait.ge [sflag:s22], $0x80  }
0x63: {  	[sflag:s22] =	ssyncset.done $0x0  }
0x64: {  	s31 =	simm.s32 $0x280;
	s23 =	simm.s32 $0x20;
	[sflag:s22] =	ssyncadd.s32 $0xFFFFFF80  }
.LBB2_4:
0x65: {  	[tilespmem:s25], [sflag:$0x2] =	stream.indirect.gather [hbm4b:s4+s24], $0x80, s24, s24, $0xb8;
	[tilespmem:$0x1E900] =	vst v63  }
0x66: {  	s1 =	smov.u32 s23  }
0x67: {  	p0 =	sne.s32 s23, $0x4C0;
	s23 =	sadd.s32 $0x20, s23;
	_ =	swait.ge [sflag:s26], $0x4000  }
0x68: {  	[sflag:s26] =	ssyncset.done $0x0  }
0x69: {  	s11 =	sadd.s32 $0xFFFFFF80, s31;
	[sflag:s26] =	ssyncadd.s32 $0xFFFFC000  }
0x6a: {  	[spmem:s2] =	stream.indirect.scatter.add.f32 [tilespmem:s21], [sflag:$0x3], $0x80, s11, s24, $0xb8;
	[tilespmem:$0x1E900] =	vst v63  }
0x6b: {  	_ =	swait.ge [sflag:s28], $0x4000  }
0x6c: {  	[sflag:s28] =	ssyncset.done $0x0  }
0x6d: {  	[sflag:s28] =	ssyncadd.s32 $0xFFFFC000  }
0x6e: {  	[spmem:s2] =	stream.indirect.scatter.add.f32 [tilespmem:s25], [sflag:$0x4], $0x80, s31, s24, $0xb8;
	[tilespmem:$0x1E900] =	vst v63  }
0x6f: {  	_ =	swait.ge [sflag:s29], $0x4000  }
0x70: {  	[sflag:s29] =	ssyncset.done $0x0  }
0x71: {  	s11 =	sadd.s32 s1, s20;
	[sflag:s29] =	ssyncadd.s32 $0xFFFFC000  }
0x72: {  	[tilespmem:s3], [sflag:$0x5] =	stream.linear.gather [hbm4b:s11+s3], $0x80, $0x38;
	[tilespmem:$0x1E900] =	vst v63  }
0x73: {  	_ =	swait.ge [sflag:s22], $0x80  }
0x74: {  	[sflag:s22] =	ssyncset.done $0x0  }
0x75: {  	[sflag:s22] =	ssyncadd.s32 $0xFFFFFF80  }
0x76: {  	[tilespmem:s21], [sflag:$0x1] =	stream.indirect.gather [hbm4b:s4+s24], $0x80, s3, s24, $0xb8;
	[tilespmem:$0x1E900] =	vst v63  }
0x77: {  	_ =	swait.ge [sflag:s30], $0x4000  }
0x78: {  	[sflag:s30] =	ssyncset.done $0x0  }
.Ltmp1:
0x79: {  	s1 =	sadd.s32 s1, s19;
	[sflag:s30] =	ssyncadd.s32 $0xFFFFC000;
	(pc) =	sbr.rel @p0 .LBB2_4-.Ltmp1, $4  }
0x7a: {  	[tilespmem:s24], [sflag:$0x5] =	stream.linear.gather [hbm4b:s1+s3], $0x80, $0x38;
	[tilespmem:$0x1E900] =	vst v63  }
0x7b: {  	_ =	swait.ge [sflag:s22], $0x80  }
0x7c: {  	[sflag:s22] =	ssyncset.done $0x0  }
0x7d: {  	s31 =	sadd.s32 $0x100, s31;
	[sflag:s22] =	ssyncadd.s32 $0xFFFFFF80  }
0x7e: {  	[tilespmem:s25], [sflag:$0x2] =	stream.indirect.gather [hbm4b:s4+s24], $0x80, s24, s24, $0xb8;
	[tilespmem:$0x1E900] =	vst v63  }
0x7f: {  	_ =	swait.ge [sflag:s26], $0x4000  }
0x80: {  	[sflag:s26] =	ssyncset.done $0x0  }
0x81: {  	s1 =	simm.s32 $0x2800;
	[sflag:s26] =	ssyncadd.s32 $0xFFFFC000  }
0x82: {  	[spmem:s2] =	stream.indirect.scatter.add.f32 [tilespmem:s21], [sflag:$0x3], $0x80, s1, s24, $0xb8;
	[tilespmem:$0x1E900] =	vst v63  }
0x83: {  	_ =	swait.ge [sflag:s28], $0x4000  }
0x84: {  	[sflag:s28] =	ssyncset.done $0x0  }
0x85: {  	s31 =	simm.s32 $0x2880;
	[sflag:s28] =	ssyncadd.s32 $0xFFFFC000  }
0x86: {  	[spmem:s2] =	stream.indirect.scatter.add.f32 [tilespmem:s25], [sflag:$0x4], $0x80, s31, s24, $0xb8;
	[tilespmem:$0x1E900] =	vst v63  }
0x87: {  	_ =	swait.ge [sflag:s29], $0x4000  }
0x88: {  	[sflag:s29] =	ssyncset.done $0x0  }
0x89: {  	[sflag:s29] =	ssyncadd.s32 $0xFFFFC000  }
0x8a: {  	_ =	swait.ge [sflag:s30], $0x4000  }
0x8b: {  	[sflag:s30] =	ssyncset.done $0x0  }
0x8c: {  	[sflag:s30] =	ssyncadd.s32 $0xFFFFC000  }
0x8d: {  	[bflag:$0x0] =	sbarrier.arrive $0xFFFF  }
0x8e: {  	[tilespmem:s21], [sflag:$0x5] =	stream.linear.gather [spmem:s5], $0x4000, $0x38;
	[tilespmem:$0x1E900] =	vst v63  }
0x8f: {  	_ =	swait.ge [sflag:s22], $0x4000  }
0x90: {  	[sflag:s22] =	ssyncset.done $0x0  }
0x91: {  	[sflag:s22] =	ssyncadd.s32 $0xFFFFC000  }
0x92: {  	[hbm4b:s14+s3] =	stream.linear.scatter [tilespmem:s21], [sflag:$0x5], $0x4000, $0x38;
	[tilespmem:$0x1E900] =	vst v63  }
0x93: {  	_ =	swait.ge [sflag:s22], $0x4000  }
0x94: {  	[sflag:s22] =	ssyncset.done $0x0  }
0x95: {  	[sflag:s22] =	ssyncadd.s32 $0xFFFFC000  }
0x96: {  	[tilespmem:s21], [sflag:$0x5] =	stream.linear.gather [spmem:s6], $0x4000, $0x38;
	[tilespmem:$0x1E900] =	vst v63  }
0x97: {  	_ =	swait.ge [sflag:s22], $0x4000  }
0x98: {  	[sflag:s22] =	ssyncset.done $0x0  }
0x99: {  	[sflag:s22] =	ssyncadd.s32 $0xFFFFC000  }
0x9a: {  	[hbm4b:s15+s3] =	stream.linear.scatter [tilespmem:s21], [sflag:$0x5], $0x4000, $0x38;
	[tilespmem:$0x1E900] =	vst v63  }
0x9b: {  	_ =	swait.ge [sflag:s22], $0x4000  }
0x9c: {  	[sflag:s22] =	ssyncset.done $0x0  }
0x9d: {  	[sflag:s22] =	ssyncadd.s32 $0xFFFFC000  }
0x9e: {  	[tilespmem:s21], [sflag:$0x5] =	stream.linear.gather [spmem:s7], $0x4000, $0x38;
	[tilespmem:$0x1E900] =	vst v63  }
0x9f: {  	_ =	swait.ge [sflag:s22], $0x4000  }
0xa0: {  	[sflag:s22] =	ssyncset.done $0x0  }
0xa1: {  	[sflag:s22] =	ssyncadd.s32 $0xFFFFC000  }
0xa2: {  	[hbm4b:s16+s3] =	stream.linear.scatter [tilespmem:s21], [sflag:$0x5], $0x4000, $0x38;
	[tilespmem:$0x1E900] =	vst v63  }
0xa3: {  	_ =	swait.ge [sflag:s22], $0x4000  }
0xa4: {  	[sflag:s22] =	ssyncset.done $0x0  }
0xa5: {  	[sflag:s22] =	ssyncadd.s32 $0xFFFFC000  }
0xa6: {  	[tilespmem:s21], [sflag:$0x5] =	stream.linear.gather [spmem:s8], $0x4000, $0x38;
	[tilespmem:$0x1E900] =	vst v63  }
0xa7: {  	_ =	swait.ge [sflag:s22], $0x4000  }
0xa8: {  	[sflag:s22] =	ssyncset.done $0x0  }
0xa9: {  	[sflag:s22] =	ssyncadd.s32 $0xFFFFC000  }
0xaa: {  	[hbm4b:s17+s3] =	stream.linear.scatter [tilespmem:s21], [sflag:$0x5], $0x4000, $0x38;
	[tilespmem:$0x1E900] =	vst v63  }
0xab: {  	_ =	swait.ge [sflag:s22], $0x4000  }
0xac: {  	[sflag:s22] =	ssyncset.done $0x0  }
0xad: {  	[sflag:s22] =	ssyncadd.s32 $0xFFFFC000  }
0xae: {  	[tilespmem:s21], [sflag:$0x5] =	stream.linear.gather [spmem:s10], $0x4000, $0x38;
	[tilespmem:$0x1E900] =	vst v63  }
0xaf: {  	s0 =	sadd.s32 $0x1, s0;
	_ =	swait.ge [sflag:s22], $0x4000  }
0xb0: {  	p0 =	sne.s32 s0, s13;
	[sflag:s22] =	ssyncset.done $0x0  }
.Ltmp2:
0xb1: {  	[sflag:s22] =	ssyncadd.s32 $0xFFFFC000;
	(pc) =	sbr.rel @p0 .LBB2_1-.Ltmp2, $4  }
0xb2: {  	[hbm4b:s18+s3] =	stream.linear.scatter [tilespmem:s21], [sflag:$0x5], $0x4000, $0x38;
	[tilespmem:$0x1E900] =	vst v63  }
0xb3: {  	_ =	swait.ge [sflag:s22], $0x4000  }
0xb4: {  	[sflag:s22] =	ssyncset.done $0x0  }
0xb5: {  	[sflag:s22] =	ssyncadd.s32 $0xFFFFC000  }
0xb6: {  	_ =	sfence.sel $0x180000  }
0xb7: {  	[bflag:$0x0] =	sbarrier.arrive $0xFFFF  }
0xb8: {  	_ =	strace $0x9000004D  }
0xb9: {  	s0 =	stileid.u32;
	[bflag:$0x2] =	sbarrier.arrive $0xFFFF  }
0xba: {  	p0 =	sne.s32 s0, $0x0;
	s0 =	rddreg [dreg:$0x2]  }
0xbb: {  	s0 =	sadd.s32 @!p0 $0x100000, s0  }
0xbc: {  	[sflag:s0] =	ssyncadd.tile.s32 @!p0 $0x1;
	_ =	shalt  }
.Lfunc_end2:
_tile_overlayer_lowered:
.L_overlay_start_2:
0xbd: {  	(tag) =	ssettag $0x2  }
0xbe: {  	s0 =	rddreg [dreg:$0x0];
	s2 =	stileid.u32  }
0xbf: {  	s1 =	rddreg [dreg:$0x1];
	p0 =	sne.s32 s2, $0x0  }
0xc0: {  	s3 =	rddreg [dreg:$0x2];
	[bflag:$0x3] =	sbarrier.arrive $0xFFFF;
	s2 =	simm.s32 @!p0 $0x1C05  }
0xc1: {  	[timem:s3], [sflag:s2] =	dma.local @!p0 [hbm:s0], s1  }
0xc2: {  	s0 =	simm.s32 @!p0 $0x5  }
0xc3: {  	_ =	swait.ge @!p0 [sflag:s0], s1  }
0xc4: {  	s1 =	ssub.s32 @!p0 $0x0, s1;
	[sflag:s0] =	ssyncset.done @!p0 $0x0  }
0xc5: {  	[sflag:s0] =	ssyncadd.s32 @!p0 s1  }
0xc6: {  	[bflag:$0x3] =	sbarrier.arrive $0xFFFF  }
0xc7: {  	_ =	shalt  }

// kernel: kernel.20.cloned.1.call-start
scs
__scs_entry_jumppad:
0x0: {  	(pc) =	sbr.rel $0x88, $3  }
0x1: {  	(tag) =	ssettag $0x0;
	lr =	simm.s32 $0x1  }
0x2: {  	[smem:$0x3F98] =	sst lr;
	_ =	strace $0xD0000000  }
0x3: {  	_ = 	snop  }
0x4: {  	_ = 	snop  }
0x5: {  	_ = 	snop  }
0x6: {  	_ = 	snop  }
0x7: {  	_ = 	snop  }
__scs_overlays_trampoline_lowered:
0x8: {  	[smem:$0x3FA7] =	sst s0  }
0x9: {  	[smem:$0x3FA8] =	sst s1  }
0xa: {  	[smem:$0x3FA9] =	sst s2  }
0xb: {  	[smem:$0x3FAA] =	sst s3  }
0xc: {  	[smem:$0x3FAB] =	sst s4  }
0xd: {  	[smem:$0x3FAC] =	sst s5  }
0xe: {  	[smem:$0x3FAD] =	sst s6  }
0xf: {  	[smem:$0x3FAE] =	sst s7  }
0x10: {  	[smem:$0x3FAF] =	sst s8  }
0x11: {  	[smem:$0x3FB0] =	sst s9;
	s0 =	simm.s32 @!p0 $0x0  }
0x12: {  	s1 =	sld [smem:$0x3F96];
	s0 =	simm.s32 @p0 $0x1  }
0x13: {  	[smem:$0x3FB1] =	sst s0;
	s0 =	simm.s32 @!p1 $0x0  }
0x14: {  	s2 =	sld [smem:$0x3F95];
	s0 =	simm.s32 @p1 $0x1  }
0x15: {  	[smem:$0x3FB2] =	sst s0;
	s0 =	simm.s32 @!p2 $0x0  }
0x16: {  	s3 =	sld [smem:$0x3FDB];
	s0 =	simm.s32 @p2 $0x1  }
0x17: {  	s4 =	simm.s32 $0x1BF5;
	[smem:$0x3FB4] =	sst s0  }
0x18: {  	s0 =	sld [smem:$0x3F97];
	_ =	swait.ge [sflag:s4], $0x0  }
0x19: {  	s7 =	sld [smem:$0x3F98]  }
0x1a: {  	s8 =	sadd.s32 $0xFFFFE003, lr  }
0x1b: {  	s9 =	sadd.s32 $0xFFFFFEF7, lr;
	s5 =	simm.s32 $0xFFFFFFFF;
	p2 =	slt.u32 s8, $0xFFFFF086  }
0x1c: {  	p1 =	slt.u32 s9, $0xF7A;
	s5 =	simm.s32 @!p2 $0x0  }
0x1d: {  	s5 =	simm.s32 @p1 $0x1;
	p0 =	seq.s32 s7, s2  }
0x1e: {  	s7 =	smul.u32 @!p0 $0xF7A, s2;
	p2 =	seq.s32 @!p0 s5, $0x0  }
0x1f: {  	s9 =	smul.u32 $0xF7A, s1;
	s8 =	simm.s32 @!p0 $0x1BF5;
	p2 =	por !p2, p0  }
0x20: {  	[sflag:s8] =	ssyncset.s32 @!p0 $0xFFFFF086;
	s6 =	sadd.s32 @!p0 s3, s7;
	s7 =	simm.s32 @!p0 $0x108  }
0x21: {  	s3 =	sadd.s32 s3, s9;
	s6 =	sadd.s32 @!p0 $0x88, s6;
	s7 =	simm.s32 @p2 $0x1082  }
0x22: {  	[simem:s7], [sflag:s8] =	dma.local @!p0 [hbm:s6], $0xF7A  }
0x23: {  	s9 =	sor.u32 $0xD0000000, s2;
	s6 =	simm.s32 $0x108;
	_ =	swait.ge @!p0 [sflag:s8], $0x0  }
0x24: {  	s3 =	sadd.s32 $0x88, s3;
	s6 =	simm.s32 @!p1 $0x1082;
	[sflag:s4] =	ssyncset.s32 $0xFFFFF086  }
0x25: {  	[simem:s6], [sflag:s4] =	dma.local [hbm:s3], $0xF7A  }
0x26: {  	[smem:$0x3F98] =	sst s1;
	(tag) =	ssettag s2;
	_ =	strace s9  }
0x27: {  	s1 =	sld [smem:$0x3FA8]  }
0x28: {  	s2 =	sld [smem:$0x3FA9]  }
0x29: {  	s4 =	sld [smem:$0x3FAB]  }
0x2a: {  	p0 =	seq.s32 s5, $0x0;
	s5 =	sld [smem:$0x3FAC]  }
0x2b: {  	s6 =	sld [smem:$0x3FAD]  }
0x2c: {  	s7 =	sld [smem:$0x3FAE]  }
0x2d: {  	s3 =	simm.s32 $0x108;
	s8 =	sld [smem:$0x3FAF]  }
0x2e: {  	s3 =	simm.s32 @!p0 $0x1082;
	s9 =	sld [smem:$0x3FB0]  }
0x2f: {  	lr =	sadd.s32 s0, s3;
	s0 =	sld [smem:$0x3FA7]  }
0x30: {  	s3 =	sld [smem:$0x3FAA]  }
0x31: {  	[smem:$0x3FB3] =	sst s10  }
0x32: {  	s10 =	sld [smem:$0x3FB1];
	_ =	sdelay $0x3  }
0x33: {  	p0 =	seq.s32 s10, $0x1;
	s10 =	sld [smem:$0x3FB3];
	_ =	sdelay $0x3  }
0x34: {  	[smem:$0x3FB3] =	sst s10  }
0x35: {  	s10 =	sld [smem:$0x3FB2];
	_ =	sdelay $0x3  }
0x36: {  	p1 =	seq.s32 s10, $0x1;
	s10 =	sld [smem:$0x3FB3];
	_ =	sdelay $0x3  }
0x37: {  	[smem:$0x3FB3] =	sst s10  }
0x38: {  	s10 =	sld [smem:$0x3FB4]  }
0x39: {  	_ = 	snop;
	(pc) =	sbr.ind lr, $3  }
0x3a: {  	_ = 	snop  }
0x3b: {  	_ = 	snop  }
0x3c: {  	p2 =	seq.s32 s10, $0x1;
	s10 =	sld [smem:$0x3FB3]  }
0x3d: {  	_ =	shalt  }
0x3e: {  	_ =	shalt  }
0x3f: {  	_ =	shalt  }
0x40: {  	_ =	shalt  }
0x41: {  	_ =	shalt  }
0x42: {  	_ =	shalt  }
0x43: {  	_ =	shalt  }
0x44: {  	_ =	shalt  }
0x45: {  	_ =	shalt  }
0x46: {  	_ =	shalt  }
0x47: {  	_ =	shalt  }
0x48: {  	_ =	shalt  }
0x49: {  	_ =	shalt  }
0x4a: {  	_ =	shalt  }
0x4b: {  	_ =	shalt  }
0x4c: {  	_ =	shalt  }
0x4d: {  	_ =	shalt  }
0x4e: {  	_ =	shalt  }
0x4f: {  	_ =	shalt  }
0x50: {  	_ =	shalt  }
0x51: {  	_ =	shalt  }
0x52: {  	_ =	shalt  }
0x53: {  	_ =	shalt  }
0x54: {  	_ =	shalt  }
0x55: {  	_ =	shalt  }
0x56: {  	_ =	shalt  }
0x57: {  	_ =	shalt  }
0x58: {  	_ =	shalt  }
0x59: {  	_ =	shalt  }
0x5a: {  	_ =	shalt  }
0x5b: {  	_ =	shalt  }
0x5c: {  	_ =	shalt  }
0x5d: {  	_ =	shalt  }
0x5e: {  	_ =	shalt  }
0x5f: {  	_ =	shalt  }
0x60: {  	_ =	shalt  }
0x61: {  	_ =	shalt  }
0x62: {  	_ =	shalt  }
0x63: {  	_ =	shalt  }
0x64: {  	_ =	shalt  }
0x65: {  	_ =	shalt  }
0x66: {  	_ =	shalt  }
0x67: {  	_ =	shalt  }
0x68: {  	_ =	shalt  }
0x69: {  	_ =	shalt  }
0x6a: {  	_ =	shalt  }
0x6b: {  	_ =	shalt  }
0x6c: {  	_ =	shalt  }
0x6d: {  	_ =	shalt  }
0x6e: {  	_ =	shalt  }
0x6f: {  	_ =	shalt  }
0x70: {  	_ =	shalt  }
0x71: {  	_ =	shalt  }
0x72: {  	_ =	shalt  }
0x73: {  	_ =	shalt  }
0x74: {  	_ =	shalt  }
0x75: {  	_ =	shalt  }
0x76: {  	_ =	shalt  }
0x77: {  	_ =	shalt  }
0x78: {  	_ =	shalt  }
0x79: {  	_ =	shalt  }
0x7a: {  	_ =	shalt  }
0x7b: {  	_ =	shalt  }
0x7c: {  	_ =	shalt  }
0x7d: {  	_ =	shalt  }
0x7e: {  	_ =	shalt  }
0x7f: {  	_ =	shalt  }
0x80: {  	_ =	shalt  }
0x81: {  	_ =	shalt  }
0x82: {  	_ =	shalt  }
0x83: {  	_ =	shalt  }
0x84: {  	_ =	shalt  }
0x85: {  	_ =	shalt  }
0x86: {  	_ =	shalt  }
0x87: {  	_ =	shalt  }
.Lfunc_end0:
.L_simem_size_0:
called_computation.3_lowered:
.L_overlay_start_0:
0x88: {  	s2 =	sld [smem:$0x3FD9]  }
0x89: {  	s3 =	sld [smem:$0x3FFE];
	_ =	sdelay $0x1  }
0x8a: {  	s1 =	srdreg.scid  }
0x8b: {  	s0 =	sand.u32 $0x1, s1  }
0x8c: {  	s16 =	sshll.u32 s0, $0xA;
	s2 =	sadd.s32 s3, s2  }
0x8d: {  	s2 =	sadd.s32 s2, s16  }
0x8e: {  	[smem:$0x3FBF] =	sst s2  }
0x8f: {  	_ = 	snop  }
0x90: {  	(tm) =	ssettm $0x1  }
0x91: {  	s17 =	sld [smem:$0x3FFB];
	_ =	sdelay $0x3  }
0x92: {  	_ =	strace s17  }
0x93: {  	s2 =	sld [smem:$0x3FFC];
	_ =	sdelay $0x3  }
0x94: {  	_ =	strace s2  }
0x95: {  	s2 =	sld [smem:$0x3FFD];
	_ =	sdelay $0x3  }
0x96: {  	_ =	strace s2  }
0x97: {  	_ =	strace $0x8FFFFFFF  }
0x98: {  	s18 =	sld [smem:$0x3FDB];
	_ =	sdelay $0x1  }
0x99: {  	s19 =	simm.s32 $_scs_section_size  }
0x9a: {  	s4 =	simm.s32 $_size__tile_overlayer_lowered;
	s5 =	simm.s32 $_tile_overlayer_lowered  }
0x9b: {  	s22 =	simm.s32 $0x1BFF;
	s21 =	sshll.u32 s5, $0x1;
	s2 =	sadd.s32 s19, s18  }
0x9c: {  	s6 =	simm.s32 $0x0;
	s20 =	sshll.u32 s4, $0x1;
	s4 =	sadd.s32 s21, s2  }
0x9d: {  	[timem:s6], [sflag:s22] =	dma.local [hbm:s4], s20  }
0x9e: {  	_ =	swait.ge [sflag:s22], s20  }
0x9f: {  	s3 =	ssub.s32 $0x0, s20;
	[sflag:s22] =	ssyncset.done $0x0  }
0xa0: {  	[sflag:s22] =	ssyncadd.s32 s3;
	_ =	sdelay $0x1  }
0xa1: {  	s23 =	simm.s32 $0x1B8B  }
0xa2: {  	_ =	swait.ge [sflag:s23], $0x1  }
0xa3: {  	[sflag:s23] =	ssyncset.done $0x0  }
0xa4: {  	s25 =	simm.s32 $0x1B8E;
	s24 =	sld [smem:$0x3FFE];
	[sflag:s23] =	ssyncadd.s32 $0xFFFFFFFF  }
0xa5: {  	s26 =	simm.s32 $execute0_lowered;
	[smem:$0x3FD2] =	sst s25  }
0xa6: {  	s4 =	sshll.u32 s26, $0x1;
	_ =	strace $0x8000004F;
	[dreg:$0x1] =	wrdreg $0xFFFFFFFF  }
0xa7: {  	s28 =	simm.s32 $_size_execute0_lowered;
	s2 =	sadd.s32 s2, s4;
	[dreg:$0x0] =	wrdreg $0x0  }
0xa8: {  	s4 =	sshll.u32 s28, $0x1;
	[dreg:$0x2] =	wrdreg s2  }
0xa9: {  	[dreg:$0x3] =	wrdreg s4  }
0xaa: {  	[dreg:$0x4] =	wrdreg $0xC0  }
0xab: {  	_ =	task [dreg:s6], $0x5FFFF  }
0xac: {  	[dreg:$0x1] =	wrdreg $0xFFFFFFFF  }
0xad: {  	[dreg:$0x0] =	wrdreg $0x60  }
0xae: {  	[dreg:$0x2] =	wrdreg s24  }
0xaf: {  	[dreg:$0x3] =	wrdreg $0xA9000  }
0xb0: {  	[dreg:$0x4] =	wrdreg $0x9  }
0xb1: {  	_ =	task.clear_ibuf [dreg:s6], $0x5FFFF;
	_ =	strace $0x9000004F  }
0xb2: {  	s29 =	simm.s32 $0x9;
	_ =	strace $0x80000051  }
0xb3: {  	_ =	swait.ge [sflag:s29], $0x1  }
0xb4: {  	[sflag:s29] =	ssyncadd.s32 $0xFFFFFFFF  }
0xb5: {  	_ =	strace $0x90000051  }
0xb6: {  	_ =	sfence  }
0xb7: {  	s30 =	sld [smem:$0x0];
	_ =	sdelay $0x2  }
0xb8: {  	s31 =	sshll.u32 s1, $0xD;
	s1 =	sshrl.u32 s1, $0x2  }
0xb9: {  	s3 =	sand.u32 $0x4000, s31;
	s1 =	sadd.s32 s1, s30  }
0xba: {  	s0 =	sor.u32 s3, s0;
	s1 =	sshll.u32 s1, $0x11  }
0xbb: {  	s0 =	sor.u32 s1, s0  }
0xbc: {  	s0 =	sadd.s32 $0x8F2B, s0  }
0xbd: {  	[sflag:s0] =	ssyncadd.remote.s32 $0x1  }
0xbe: {  	_ =	sfence.sel $0xFFFF  }
0xbf: {  	[dreg:$0x0] =	wrdreg $0xFFFFFFFF;
	(pc) =	sbr.abs _section_cstart, $3  }
0xc0: {  	[dreg:$0x1] =	wrdreg $0xFFFFFFFF  }
0xc1: {  	_ =	task.clear_ibuf [dreg:s6], $0x2FFFF;
	_ =	strace $0x9FFFFFFF  }
0xc2: {  	(tm) =	ssettm $0x7FFFFFFF  }
0xc3: {  	_ =	shalt  }
tec
execute0_lowered:
.L_overlay_start_1:
0x0: {  	(tag) =	ssettag $0x1  }
0x1: {  	s0 =	rddreg [dreg:$0x0];
	s1 =	srdreg.scid  }
0x2: {  	s22 =	stileid.u32;
	s2 =	rddreg [dreg:$0x1];
	s3 =	simm.s32 $0x0  }
0x3: {  	s28 =	simm.s32 $0x2;
	s29 =	simm.s32 $0x3;
	s8 =	smul.u32 $0x280, s22  }
0x4: {  	s30 =	simm.s32 $0x4;
	s1 =	sand.u32 $0x1, s1;
	s6 =	smul.u32 $0x50000, s22  }
0x5: {  	s4 =	sshll.u32 s22, $0x1;
	[smem:$0x7FF] =	sst s3;
	s18 =	smul.u32 $0x2800, s22  }
0x6: {  	s20 =	sadd.s32 $0x10400, s0;
	s22 =	smul.u32 $0x5000, s22;
	s4 =	sor.u32 s1, s4  }
0x7: {  	s19 =	ssub.s32 $0x2, s1;
	p0 =	seq.s32 s1, $0x0;
	s1 =	smul.u32 $0x2800, s1  }
0x8: {  	_ =	strace $0x80000050;
	s5 =	smul.u32 $0x2800, s4;
	s4 =	sadd.s32 $0x1A400, s0  }
0x9: {  	s7 =	sshrl.u32 s19, $0x1;
	s21 =	sshrl.u32 s6, $0x2;
	s14 =	sadd.s32 $0x80, s8  }
0xa: {  	s15 =	sadd.s32 $0x100, s8;
	s16 =	sadd.s32 $0x180, s8;
	s17 =	sadd.s32 $0x200, s8  }
0xb: {  	s13 =	ssub.s32 s19, s7;
	s23 =	sshll.u32 s14, $0x7;
	s24 =	sshll.u32 s15, $0x7  }
0xc: {  	s10 =	sshll.u32 s16, $0x7;
	s25 =	sshll.u32 s17, $0x7;
	s19 =	sshll.u32 s14, $0x4  }
0xd: {  	s14 =	simm.s32 $0x93000;
	s1 =	sadd.s32 s1, s22;
	s22 =	simm.s32 $0x5  }
0xe: {  	s9 =	sshrl.u32 s5, $0x3;
	s5 =	sadd.s32 s21, s2;
	s6 =	sadd.s32 s23, s2  }
0xf: {  	s7 =	sadd.s32 s24, s2;
	s8 =	sadd.s32 s10, s2;
	s10 =	sadd.s32 s25, s2  }
0x10: {  	s21 =	sshll.u32 s15, $0x4;
	s23 =	sshll.u32 s16, $0x4;
	s14 =	simm.s32 @!p0 $0xBB000  }
0x11: {  	s24 =	sshll.u32 s17, $0x4;
	s13 =	smax.u32 s13, $0x1;
	s26 =	sor.u32 $0x180, s1  }
0x12: {  	s1 =	sor.u32 $0x100, s1;
	s25 =	simm.s32 $0x6900;
	s11 =	sadd.s32 s9, s0  }
0x13: {  	s9 =	sadd.s32 s20, s9;
	s0 =	sadd.s32 s14, s0;
	s31 =	sshrl.u32 s26, $0x3  }
0x14: {  	s1 =	sshrl.u32 s1, $0x3;
	s26 =	simm.s32 $0x1;
	s11 =	sadd.s32 $0x6400, s11  }
0x15: {  	s12 =	sadd.s32 $0x10, s9;
	s14 =	sadd.s32 s0, s18;
	s15 =	sadd.s32 s0, s19  }
0x16: {  	s16 =	sadd.s32 s0, s21;
	s17 =	sadd.s32 s0, s23;
	s18 =	sadd.s32 s0, s24  }
0x17: {  	s19 =	sadd.s32 s31, s20;
	s20 =	sadd.s32 s1, s20;
	s21 =	simm.s32 $0x2900  }
0x18: {  	v0 =	vimm.f32 $0.0e+00;
	s24 =	simm.s32 $0x80;
	s0 =	simm.s32 $0x0;
	[dreg:$0x3] =	wrdreg s11  }
.LBB2_1:
0x19: {  	s23 =	simm.s32 $0x0;
	s31 =	simm.s32 $0x200  }
.LBB2_2:
0x1a: {  	p0 =	sne.s32 s31, $0xFE00;
	[tilespmem:s23+$0x2970] =	vst v0  }
0x1b: {  	[tilespmem:s23+$0x2900] =	vst v0  }
0x1c: {  	[tilespmem:s23+$0x2910] =	vst v0  }
.Ltmp0:
0x1d: {  	[tilespmem:s23+$0x2920] =	vst v0;
	(pc) =	sbr.rel @p0 .LBB2_2-.Ltmp0, $4  }
0x1e: {  	[tilespmem:s23+$0x2930] =	vst v0  }
0x1f: {  	[tilespmem:s23+$0x2940] =	vst v0  }
0x20: {  	[tilespmem:s23+$0x2950] =	vst v0  }
0x21: {  	[tilespmem:s23+$0x2960] =	vst v0;
	s23 =	sshra.s32 s31, $0x2;
	s31 =	sadd.s32 $0x200, s31  }
0x22: {  	[tilespmem:s23+$0x2970] =	vst v0  }
0x23: {  	[tilespmem:s23+$0x2900] =	vst v0  }
0x24: {  	[tilespmem:s23+$0x2910] =	vst v0  }
0x25: {  	[tilespmem:s23+$0x2920] =	vst v0  }
0x26: {  	[tilespmem:s23+$0x2930] =	vst v0  }
0x27: {  	[tilespmem:s23+$0x2940] =	vst v0  }
0x28: {  	[tilespmem:s23+$0x2950] =	vst v0  }
0x29: {  	[tilespmem:s23+$0x2960] =	vst v0  }
0x2a: {  	[spmem:s5] =	stream.linear.scatter [tilespmem:s21], [sflag:$0x5], $0x4000, $0x38;
	[tilespmem:$0x1E900] =	vst v63  }
0x2b: {  	_ =	swait.ge [sflag:s22], $0x4000  }
0x2c: {  	[sflag:s22] =	ssyncset.done $0x0  }
0x2d: {  	[sflag:s22] =	ssyncadd.s32 $0xFFFFC000  }
0x2e: {  	[spmem:s6] =	stream.linear.scatter [tilespmem:s21], [sflag:$0x5], $0x4000, $0x38;
	[tilespmem:$0x1E900] =	vst v63  }
0x2f: {  	_ =	swait.ge [sflag:s22], $0x4000  }
0x30: {  	[sflag:s22] =	ssyncset.done $0x0  }
0x31: {  	[sflag:s22] =	ssyncadd.s32 $0xFFFFC000  }
0x32: {  	[spmem:s7] =	stream.linear.scatter [tilespmem:s21], [sflag:$0x5], $0x4000, $0x38;
	[tilespmem:$0x1E900] =	vst v63  }
0x33: {  	_ =	swait.ge [sflag:s22], $0x4000  }
0x34: {  	[sflag:s22] =	ssyncset.done $0x0  }
0x35: {  	[sflag:s22] =	ssyncadd.s32 $0xFFFFC000  }
0x36: {  	[spmem:s8] =	stream.linear.scatter [tilespmem:s21], [sflag:$0x5], $0x4000, $0x38;
	[tilespmem:$0x1E900] =	vst v63  }
0x37: {  	_ =	swait.ge [sflag:s22], $0x4000  }
0x38: {  	[sflag:s22] =	ssyncset.done $0x0  }
0x39: {  	[sflag:s22] =	ssyncadd.s32 $0xFFFFC000  }
0x3a: {  	[spmem:s10] =	stream.linear.scatter [tilespmem:s21], [sflag:$0x5], $0x4000, $0x38;
	[tilespmem:$0x1E900] =	vst v63  }
0x3b: {  	_ =	swait.ge [sflag:s22], $0x4000  }
0x3c: {  	s23 =	simm.s32 $0x0;
	[sflag:s22] =	ssyncset.done $0x0  }
0x3d: {  	s11 =	simm.s32 $0x100;
	s1 =	rddreg [dreg:$0x3];
	[sflag:s22] =	ssyncadd.s32 $0xFFFFC000  }
0x3e: {  	[tilespmem:s11], [sflag:$0x5] =	stream.linear.gather [hbm4b:s1+s23], $0x2800, $0x38;
	[tilespmem:$0x1E900] =	vst v63  }
0x3f: {  	_ =	swait.ge [sflag:s22], $0x2800  }
0x40: {  	[sflag:s22] =	ssyncset.done $0x0  }
0x41: {  	[sflag:s22] =	ssyncadd.s32 $0xFFFFD800  }
0x42: {  	[bflag:$0x0] =	sbarrier.arrive $0xFFFF  }
0x43: {  	[tilespmem:s23], [sflag:$0x5] =	stream.linear.gather [hbm4b:s9+s23], $0x80, $0x38;
	[tilespmem:$0x1E900] =	vst v63  }
0x44: {  	_ =	swait.ge [sflag:s22], $0x80  }
0x45: {  	[sflag:s22] =	ssyncset.done $0x0  }
0x46: {  	[sflag:s22] =	ssyncadd.s32 $0xFFFFFF80  }
0x47: {  	[tilespmem:s21], [sflag:$0x1] =	stream.indirect.gather [hbm4b:s4+s24], $0x80, s23, s24, $0xb8;
	[tilespmem:$0x1E900] =	vst v63  }
0x48: {  	_ = 	snop  }
0x49: {  	[tilespmem:s24], [sflag:$0x5] =	stream.linear.gather [hbm4b:s12+s23], $0x80, $0x38;
	[tilespmem:$0x1E900] =	vst v63  }
0x4a: {  	_ =	swait.ge [sflag:s22], $0x80  }
0x4b: {  	[sflag:s22] =	ssyncset.done $0x0  }
0x4c: {  	[sflag:s22] =	ssyncadd.s32 $0xFFFFFF80  }
0x4d: {  	[tilespmem:s25], [sflag:$0x2] =	stream.indirect.gather [hbm4b:s4+s24], $0x80, s24, s24, $0xb8;
	[tilespmem:$0x1E900] =	vst v63  }
0x4e: {  	_ =	swait.ge [sflag:s26], $0x4000  }
0x4f: {  	[sflag:s26] =	ssyncset.done $0x0  }
0x50: {  	s1 =	simm.s32 $0x100;
	[sflag:s26] =	ssyncadd.s32 $0xFFFFC000  }
0x51: {  	[spmem:s2] =	stream.indirect.scatter.add.f32 [tilespmem:s21], [sflag:$0x3], $0x80, s1, s24, $0xb8;
	[tilespmem:$0x1E900] =	vst v63  }
0x52: {  	_ =	swait.ge [sflag:s28], $0x4000  }
0x53: {  	[sflag:s28] =	ssyncset.done $0x0  }
0x54: {  	s11 =	simm.s32 $0x180;
	[sflag:s28] =	ssyncadd.s32 $0xFFFFC000  }
0x55: {  	[spmem:s2] =	stream.indirect.scatter.add.f32 [tilespmem:s25], [sflag:$0x4], $0x80, s11, s24, $0xb8;
	[tilespmem:$0x1E900] =	vst v63  }
0x56: {  	_ =	swait.ge [sflag:s29], $0x4000  }
0x57: {  	[sflag:s29] =	ssyncset.done $0x0  }
0x58: {  	s1 =	sadd.s32 $0x0, s20;
	[sflag:s29] =	ssyncadd.s32 $0xFFFFC000  }
0x59: {  	[tilespmem:s3], [sflag:$0x5] =	stream.linear.gather [hbm4b:s1+s3], $0x80, $0x38;
	[tilespmem:$0x1E900] =	vst v63  }
0x5a: {  	_ =	swait.ge [sflag:s22], $0x80  }
0x5b: {  	[sflag:s22] =	ssyncset.done $0x0  }
0x5c: {  	[sflag:s22] =	ssyncadd.s32 $0xFFFFFF80  }
0x5d: {  	[tilespmem:s21], [sflag:$0x1] =	stream.indirect.gather [hbm4b:s4+s24], $0x80, s3, s24, $0xb8;
	[tilespmem:$0x1E900] =	vst v63  }
0x5e: {  	_ =	swait.ge [sflag:s30], $0x4000  }
0x5f: {  	[sflag:s30] =	ssyncset.done $0x0  }
0x60: {  	s11 =	sadd.s32 $0x0, s19;
	[sflag:s30] =	ssyncadd.s32 $0xFFFFC000  }
0x61: {  	[tilespmem:s24], [sflag:$0x5] =	stream.linear.gather [hbm4b:s11+s3], $0x80, $0x38;
	[tilespmem:$0x1E900] =	vst v63  }
0x62: {  	_ =	swait.ge [sflag:s22], $0x80  }
0x63: {  	[sflag:s22] =	ssyncset.done $0x0  }
0x64: {  	s31 =	simm.s32 $0x280;
	s23 =	simm.s32 $0x20;
	[sflag:s22] =	ssyncadd.s32 $0xFFFFFF80  }
.LBB2_4:
0x65: {  	[tilespmem:s25], [sflag:$0x2] =	stream.indirect.gather [hbm4b:s4+s24], $0x80, s24, s24, $0xb8;
	[tilespmem:$0x1E900] =	vst v63  }
0x66: {  	s1 =	smov.u32 s23  }
0x67: {  	p0 =	sne.s32 s23, $0x4C0;
	s23 =	sadd.s32 $0x20, s23;
	_ =	swait.ge [sflag:s26], $0x4000  }
0x68: {  	[sflag:s26] =	ssyncset.done $0x0  }
0x69: {  	s11 =	sadd.s32 $0xFFFFFF80, s31;
	[sflag:s26] =	ssyncadd.s32 $0xFFFFC000  }
0x6a: {  	[spmem:s2] =	stream.indirect.scatter.add.f32 [tilespmem:s21], [sflag:$0x3], $0x80, s11, s24, $0xb8;
	[tilespmem:$0x1E900] =	vst v63  }
0x6b: {  	_ =	swait.ge [sflag:s28], $0x4000  }
0x6c: {  	[sflag:s28] =	ssyncset.done $0x0  }
0x6d: {  	[sflag:s28] =	ssyncadd.s32 $0xFFFFC000  }
0x6e: {  	[spmem:s2] =	stream.indirect.scatter.add.f32 [tilespmem:s25], [sflag:$0x4], $0x80, s31, s24, $0xb8;
	[tilespmem:$0x1E900] =	vst v63  }
0x6f: {  	_ =	swait.ge [sflag:s29], $0x4000  }
0x70: {  	[sflag:s29] =	ssyncset.done $0x0  }
0x71: {  	s11 =	sadd.s32 s1, s20;
	[sflag:s29] =	ssyncadd.s32 $0xFFFFC000  }
0x72: {  	[tilespmem:s3], [sflag:$0x5] =	stream.linear.gather [hbm4b:s11+s3], $0x80, $0x38;
	[tilespmem:$0x1E900] =	vst v63  }
0x73: {  	_ =	swait.ge [sflag:s22], $0x80  }
0x74: {  	[sflag:s22] =	ssyncset.done $0x0  }
0x75: {  	[sflag:s22] =	ssyncadd.s32 $0xFFFFFF80  }
0x76: {  	[tilespmem:s21], [sflag:$0x1] =	stream.indirect.gather [hbm4b:s4+s24], $0x80, s3, s24, $0xb8;
	[tilespmem:$0x1E900] =	vst v63  }
0x77: {  	_ =	swait.ge [sflag:s30], $0x4000  }
0x78: {  	[sflag:s30] =	ssyncset.done $0x0  }
.Ltmp1:
0x79: {  	s1 =	sadd.s32 s1, s19;
	[sflag:s30] =	ssyncadd.s32 $0xFFFFC000;
	(pc) =	sbr.rel @p0 .LBB2_4-.Ltmp1, $4  }
0x7a: {  	[tilespmem:s24], [sflag:$0x5] =	stream.linear.gather [hbm4b:s1+s3], $0x80, $0x38;
	[tilespmem:$0x1E900] =	vst v63  }
0x7b: {  	_ =	swait.ge [sflag:s22], $0x80  }
0x7c: {  	[sflag:s22] =	ssyncset.done $0x0  }
0x7d: {  	s31 =	sadd.s32 $0x100, s31;
	[sflag:s22] =	ssyncadd.s32 $0xFFFFFF80  }
0x7e: {  	[tilespmem:s25], [sflag:$0x2] =	stream.indirect.gather [hbm4b:s4+s24], $0x80, s24, s24, $0xb8;
	[tilespmem:$0x1E900] =	vst v63  }
0x7f: {  	_ =	swait.ge [sflag:s26], $0x4000  }
0x80: {  	[sflag:s26] =	ssyncset.done $0x0  }
0x81: {  	s1 =	simm.s32 $0x2800;
	[sflag:s26] =	ssyncadd.s32 $0xFFFFC000  }
0x82: {  	[spmem:s2] =	stream.indirect.scatter.add.f32 [tilespmem:s21], [sflag:$0x3], $0x80, s1, s24, $0xb8;
	[tilespmem:$0x1E900] =	vst v63  }
0x83: {  	_ =	swait.ge [sflag:s28], $0x4000  }
0x84: {  	[sflag:s28] =	ssyncset.done $0x0  }
0x85: {  	s31 =	simm.s32 $0x2880;
	[sflag:s28] =	ssyncadd.s32 $0xFFFFC000  }
0x86: {  	[spmem:s2] =	stream.indirect.scatter.add.f32 [tilespmem:s25], [sflag:$0x4], $0x80, s31, s24, $0xb8;
	[tilespmem:$0x1E900] =	vst v63  }
0x87: {  	_ =	swait.ge [sflag:s29], $0x4000  }
0x88: {  	[sflag:s29] =	ssyncset.done $0x0  }
0x89: {  	[sflag:s29] =	ssyncadd.s32 $0xFFFFC000  }
0x8a: {  	_ =	swait.ge [sflag:s30], $0x4000  }
0x8b: {  	[sflag:s30] =	ssyncset.done $0x0  }
0x8c: {  	[sflag:s30] =	ssyncadd.s32 $0xFFFFC000  }
0x8d: {  	[bflag:$0x0] =	sbarrier.arrive $0xFFFF  }
0x8e: {  	[tilespmem:s21], [sflag:$0x5] =	stream.linear.gather [spmem:s5], $0x4000, $0x38;
	[tilespmem:$0x1E900] =	vst v63  }
0x8f: {  	_ =	swait.ge [sflag:s22], $0x4000  }
0x90: {  	[sflag:s22] =	ssyncset.done $0x0  }
0x91: {  	[sflag:s22] =	ssyncadd.s32 $0xFFFFC000  }
0x92: {  	[hbm4b:s14+s3] =	stream.linear.scatter [tilespmem:s21], [sflag:$0x5], $0x4000, $0x38;
	[tilespmem:$0x1E900] =	vst v63  }
0x93: {  	_ =	swait.ge [sflag:s22], $0x4000  }
0x94: {  	[sflag:s22] =	ssyncset.done $0x0  }
0x95: {  	[sflag:s22] =	ssyncadd.s32 $0xFFFFC000  }
0x96: {  	[tilespmem:s21], [sflag:$0x5] =	stream.linear.gather [spmem:s6], $0x4000, $0x38;
	[tilespmem:$0x1E900] =	vst v63  }
0x97: {  	_ =	swait.ge [sflag:s22], $0x4000  }
0x98: {  	[sflag:s22] =	ssyncset.done $0x0  }
0x99: {  	[sflag:s22] =	ssyncadd.s32 $0xFFFFC000  }
0x9a: {  	[hbm4b:s15+s3] =	stream.linear.scatter [tilespmem:s21], [sflag:$0x5], $0x4000, $0x38;
	[tilespmem:$0x1E900] =	vst v63  }
0x9b: {  	_ =	swait.ge [sflag:s22], $0x4000  }
0x9c: {  	[sflag:s22] =	ssyncset.done $0x0  }
0x9d: {  	[sflag:s22] =	ssyncadd.s32 $0xFFFFC000  }
0x9e: {  	[tilespmem:s21], [sflag:$0x5] =	stream.linear.gather [spmem:s7], $0x4000, $0x38;
	[tilespmem:$0x1E900] =	vst v63  }
0x9f: {  	_ =	swait.ge [sflag:s22], $0x4000  }
0xa0: {  	[sflag:s22] =	ssyncset.done $0x0  }
0xa1: {  	[sflag:s22] =	ssyncadd.s32 $0xFFFFC000  }
0xa2: {  	[hbm4b:s16+s3] =	stream.linear.scatter [tilespmem:s21], [sflag:$0x5], $0x4000, $0x38;
	[tilespmem:$0x1E900] =	vst v63  }
0xa3: {  	_ =	swait.ge [sflag:s22], $0x4000  }
0xa4: {  	[sflag:s22] =	ssyncset.done $0x0  }
0xa5: {  	[sflag:s22] =	ssyncadd.s32 $0xFFFFC000  }
0xa6: {  	[tilespmem:s21], [sflag:$0x5] =	stream.linear.gather [spmem:s8], $0x4000, $0x38;
	[tilespmem:$0x1E900] =	vst v63  }
0xa7: {  	_ =	swait.ge [sflag:s22], $0x4000  }
0xa8: {  	[sflag:s22] =	ssyncset.done $0x0  }
0xa9: {  	[sflag:s22] =	ssyncadd.s32 $0xFFFFC000  }
0xaa: {  	[hbm4b:s17+s3] =	stream.linear.scatter [tilespmem:s21], [sflag:$0x5], $0x4000, $0x38;
	[tilespmem:$0x1E900] =	vst v63  }
0xab: {  	_ =	swait.ge [sflag:s22], $0x4000  }
0xac: {  	[sflag:s22] =	ssyncset.done $0x0  }
0xad: {  	[sflag:s22] =	ssyncadd.s32 $0xFFFFC000  }
0xae: {  	[tilespmem:s21], [sflag:$0x5] =	stream.linear.gather [spmem:s10], $0x4000, $0x38;
	[tilespmem:$0x1E900] =	vst v63  }
0xaf: {  	s0 =	sadd.s32 $0x1, s0;
	_ =	swait.ge [sflag:s22], $0x4000  }
0xb0: {  	p0 =	sne.s32 s0, s13;
	[sflag:s22] =	ssyncset.done $0x0  }
.Ltmp2:
0xb1: {  	[sflag:s22] =	ssyncadd.s32 $0xFFFFC000;
	(pc) =	sbr.rel @p0 .LBB2_1-.Ltmp2, $4  }
0xb2: {  	[hbm4b:s18+s3] =	stream.linear.scatter [tilespmem:s21], [sflag:$0x5], $0x4000, $0x38;
	[tilespmem:$0x1E900] =	vst v63  }
0xb3: {  	_ =	swait.ge [sflag:s22], $0x4000  }
0xb4: {  	[sflag:s22] =	ssyncset.done $0x0  }
0xb5: {  	[sflag:s22] =	ssyncadd.s32 $0xFFFFC000  }
0xb6: {  	_ =	sfence.sel $0x180000  }
0xb7: {  	[bflag:$0x0] =	sbarrier.arrive $0xFFFF  }
0xb8: {  	_ =	strace $0x90000050  }
0xb9: {  	s0 =	stileid.u32;
	[bflag:$0x2] =	sbarrier.arrive $0xFFFF  }
0xba: {  	p0 =	sne.s32 s0, $0x0;
	s0 =	rddreg [dreg:$0x2]  }
0xbb: {  	s0 =	sadd.s32 @!p0 $0x100000, s0  }
0xbc: {  	[sflag:s0] =	ssyncadd.tile.s32 @!p0 $0x1;
	_ =	shalt  }
.Lfunc_end2:
_tile_overlayer_lowered:
.L_overlay_start_2:
0xbd: {  	(tag) =	ssettag $0x2  }
0xbe: {  	s0 =	rddreg [dreg:$0x0];
	s2 =	stileid.u32  }
0xbf: {  	s1 =	rddreg [dreg:$0x1];
	p0 =	sne.s32 s2, $0x0  }
0xc0: {  	s3 =	rddreg [dreg:$0x2];
	[bflag:$0x3] =	sbarrier.arrive $0xFFFF;
	s2 =	simm.s32 @!p0 $0x1C05  }
0xc1: {  	[timem:s3], [sflag:s2] =	dma.local @!p0 [hbm:s0], s1  }
0xc2: {  	s0 =	simm.s32 @!p0 $0x5  }
0xc3: {  	_ =	swait.ge @!p0 [sflag:s0], s1  }
0xc4: {  	s1 =	ssub.s32 @!p0 $0x0, s1;
	[sflag:s0] =	ssyncset.done @!p0 $0x0  }
0xc5: {  	[sflag:s0] =	ssyncadd.s32 @!p0 s1  }
0xc6: {  	[bflag:$0x3] =	sbarrier.arrive $0xFFFF  }
0xc7: {  	_ =	shalt  }

</sc_bundles>
